<compile_context>
chip_gen: v7x
topology: tpu7x:2x2x1
jax: 0.10.2.dev20260603
libtpu: 0.0.44.dev20260713+nightly
codegen_flags: <defaults>
</compile_context>

<pallas_src>
import functools

import jax
import jax.numpy as jnp
from jax import lax
from jax.experimental import pallas as pl
from jax.experimental.pallas import tpu as pltpu
from jax.experimental.pallas import tpu_sc as plsc

N = 10000
D = 128
DH = D // 2
N_PAD = 10240
CH = 128
N_SC = 2
N_SUB = 16
N_TILES = N_SC * N_SUB
ZERO_ROWS = N_PAD // N_SUB
ROW_BLK = 2000



def _make_spmv(n_chunks: int, NBUF: int):
  mesh = plsc.VectorSubcoreMesh(core_axis_name="c", subcore_axis_name="s")
  n_groups = n_chunks // NBUF

  @functools.partial(
      pl.kernel,
      out_type=jax.ShapeDtypeStruct((2 * N_PAD, DH), jnp.bfloat16),
      mesh=mesh,
      scratch_types=(
          [pltpu.VMEM((n_chunks, CH), jnp.int32),
           pltpu.VMEM((n_chunks, CH), jnp.int32),
           pltpu.VMEM_SHARED((N_PAD, DH), jnp.bfloat16)]
          + [pltpu.VMEM((CH, DH), jnp.bfloat16)] * NBUF
          + [pltpu.SemaphoreType.DMA] * (2 * NBUF)
      ),
      compiler_params=pltpu.CompilerParams(use_tc_tiling_on_sc=False,
                                           needs_layout_passes=False),
  )
  def spmv(y_hbm, src_hbm, dst_hbm, out_hbm, src_v, dst_v, acc, *rest):
    bufs = rest[:NBUF]
    gsem = rest[NBUF:2 * NBUF]
    ssem = rest[2 * NBUF:3 * NBUF]
    cid = lax.axis_index("c")
    sid = lax.axis_index("s")
    tid = cid * N_SUB + sid

    pltpu.sync_copy(src_hbm.at[tid], src_v)
    pltpu.sync_copy(dst_hbm.at[tid], dst_v)
    for b in range(1, NBUF):
      pltpu.async_copy(y_hbm.at[src_v.at[b]], bufs[b], gsem[b])

    def zrow(r, _):
      for l in range(DH // 32):
        bufs[0][r, pl.ds(l * 32, 32)] = jnp.zeros((32,), jnp.bfloat16)
      return 0
    lax.fori_loop(0, CH, zrow, 0)
    zbase = sid * ZERO_ROWS
    for b in range(ZERO_ROWS // CH):
      pltpu.sync_copy(bufs[0], acc.at[pl.ds(zbase + b * CH, CH)])
    pltpu.async_copy(y_hbm.at[src_v.at[0]], bufs[0], gsem[0])
    plsc.subcore_barrier()

    def group(g, _):
      j0 = g * NBUF
      for b in range(NBUF):
        pltpu.make_async_copy(y_hbm.at[src_v.at[j0 + b]], bufs[b],
                              gsem[b]).wait()
        pltpu.async_copy(bufs[b], acc.at[dst_v.at[j0 + b]], ssem[b], add=True)

      @pl.when(g + 1 < n_groups)
      def _prefetch():
        for b in range(NBUF):
          pltpu.make_async_copy(bufs[b], acc.at[dst_v.at[j0 + b]],
                                ssem[b]).wait()
          pltpu.async_copy(y_hbm.at[src_v.at[j0 + NBUF + b]], bufs[b], gsem[b])
      return 0
    lax.fori_loop(0, n_groups, group, 0)

    jl = (n_groups - 1) * NBUF
    for b in range(NBUF):
      pltpu.make_async_copy(bufs[b], acc.at[dst_v.at[jl + b]], ssem[b]).wait()

    plsc.subcore_barrier()
    obase = sid * ZERO_ROWS
    pltpu.sync_copy(acc.at[pl.ds(obase, ZERO_ROWS)],
                    out_hbm.at[pl.ds(cid * N_PAD + obase, ZERO_ROWS)])

  return spmv


def _pad_edges(src, dst, n_chunks):
  e_pad = N_SUB * n_chunks * CH
  pad = e_pad - src.shape[0]
  src_p = jnp.concatenate([src, jnp.zeros((pad,), jnp.int32)])
  dst_p = jnp.concatenate([dst, jnp.full((pad,), N, jnp.int32)])
  src_p = src_p.reshape(N_SUB, n_chunks, CH)
  dst_p = dst_p.reshape(N_SUB, n_chunks, CH)
  src_both = jnp.concatenate([src_p, src_p + N], axis=0)
  dst_both = jnp.concatenate([dst_p, dst_p], axis=0)
  return src_both, dst_both



def _split(y_ref, res):
  y_ref[0] = res[:, :DH].astype(jnp.bfloat16)
  y_ref[1] = res[:, DH:].astype(jnp.bfloat16)


def _agg(p_ref):
  return jnp.concatenate([p_ref[0], p_ref[1]], axis=-1).astype(jnp.float32)


_Y_SHAPE = jax.ShapeDtypeStruct((2, N, DH), jnp.bfloat16)
_Y_SPEC = pl.BlockSpec((2, ROW_BLK, DH), lambda i: (0, i, 0))
_P_SPEC = pl.BlockSpec((2, ROW_BLK, DH), lambda i: (0, i, 0))
_H_SPEC = pl.BlockSpec((ROW_BLK, D), lambda i: (i, 0))
_H_SHAPE = jax.ShapeDtypeStruct((N, D), jnp.float32)
_W_SPEC = pl.BlockSpec((D, D), lambda i: (0, 0))


def _mm_body(x_ref, w_ref, y_ref):
  _split(y_ref, jnp.dot(x_ref[...], w_ref[...],
                        preferred_element_type=jnp.float32))


def _matmul(x, w):
  return pl.pallas_call(
      _mm_body,
      grid=(N // ROW_BLK,),
      in_specs=[_H_SPEC, _W_SPEC],
      out_specs=_Y_SPEC,
      out_shape=_Y_SHAPE,
  )(x, w)


def _relu_mm_body(p_ref, w_ref, h_ref, y_ref):
  h = jnp.maximum(_agg(p_ref), 0.0)
  h_ref[...] = h
  _split(y_ref, jnp.dot(h, w_ref[...], preferred_element_type=jnp.float32))


def _relu_mm(p, w):
  return pl.pallas_call(
      _relu_mm_body,
      grid=(N // ROW_BLK,),
      in_specs=[_P_SPEC, _W_SPEC],
      out_specs=[_H_SPEC, _Y_SPEC],
      out_shape=[_H_SHAPE, _Y_SHAPE],
  )(p, w)


def _blend_mm_body(p_ref, hprev_ref, a_ref, w_ref, h_ref, y_ref):
  a = a_ref[0, 0]
  t = jnp.maximum(_agg(p_ref), 0.0)
  h = a * t + (1.0 - a) * hprev_ref[...]
  h_ref[...] = h
  _split(y_ref, jnp.dot(h, w_ref[...], preferred_element_type=jnp.float32))


def _blend_mm(p, hprev, a, w):
  return pl.pallas_call(
      _blend_mm_body,
      grid=(N // ROW_BLK,),
      in_specs=[_P_SPEC, _H_SPEC,
                pl.BlockSpec(memory_space=pltpu.SMEM), _W_SPEC],
      out_specs=[_H_SPEC, _Y_SPEC],
      out_shape=[_H_SHAPE, _Y_SHAPE],
  )(p, hprev, a, w)


def _final_body(p_ref, hprev_ref, x0_ref, a_ref, out_ref):
  a = a_ref[0, 0]
  t = jnp.maximum(_agg(p_ref), 0.0)
  out_ref[...] = a * t + (1.0 - a) * hprev_ref[...] + x0_ref[...]


def _final(p, hprev, x0, a):
  return pl.pallas_call(
      _final_body,
      grid=(N // ROW_BLK,),
      in_specs=[_P_SPEC, _H_SPEC, _H_SPEC,
                pl.BlockSpec(memory_space=pltpu.SMEM)],
      out_specs=_H_SPEC,
      out_shape=_H_SHAPE,
  )(p, hprev, x0, a)



def kernel(x, edge_index, W1, W2, Wd1, Wd2, alphas):
  src = edge_index[0]
  dst = edge_index[1]
  a = jax.nn.sigmoid(alphas)
  a1 = a[0].reshape(1, 1)
  a2 = a[1].reshape(1, 1)

  sp1, dp1 = _pad_edges(src, dst, 160)
  sp3, dp3 = _pad_edges(src[::2], dst[::2], 80)
  sp4, dp4 = _pad_edges(src[::4], dst[::4], 40)

  spmv160 = _make_spmv(160, 8)
  spmv80 = _make_spmv(80, 8)
  spmv40 = _make_spmv(40, 8)

  y1 = _matmul(x, W1).reshape(2 * N, DH)
  p1 = spmv160(y1, sp1, dp1).reshape(2, N_PAD, DH)
  h1, y2 = _relu_mm(p1, W2)
  del h1
  p2 = spmv160(y2.reshape(2 * N, DH), sp1, dp1).reshape(2, N_PAD, DH)
  h2, y3 = _relu_mm(p2, Wd1)
  p3 = spmv80(y3.reshape(2 * N, DH), sp3, dp3).reshape(2, N_PAD, DH)
  h3, y4 = _blend_mm(p3, h2, a1, Wd2)
  p4 = spmv40(y4.reshape(2 * N, DH), sp4, dp4).reshape(2, N_PAD, DH)
  return _final(p4, h3, h2, a2)

# --- scband reference (transcript-rebuilt; emitter-appended) ---
"""Pipeline reference for scband-gnndilated-positional-stage-57999238365800 (READ-ONLY COPY).

The authoritative reference and input builder live on the scoring server;
editing this copy changes nothing except your own understanding.
"""

import jax, jax.numpy as jnp
import numpy as np

N_NODES = 10000
N_EDGES = 320000
D = 128
K1 = 2
K2 = 2


def setup_inputs(seed: int = 0) -> dict:
    key = jax.random.key(seed)
    ks = jax.random.split(key, 8)
    x = jax.random.normal(ks[0], (N_NODES, D), dtype=jnp.float32)
    edge_index = jax.random.randint(ks[1], (2, N_EDGES), 0, N_NODES, dtype=jnp.int32)
    scale = 1.0 / np.sqrt(D)
    W1 = jax.random.normal(ks[2], (D, D), dtype=jnp.float32) * scale
    W2 = jax.random.normal(ks[3], (D, D), dtype=jnp.float32) * scale
    Wd1 = jax.random.normal(ks[4], (D, D), dtype=jnp.float32) * scale
    Wd2 = jax.random.normal(ks[5], (D, D), dtype=jnp.float32) * scale
    alphas = jnp.zeros((K2,), dtype=jnp.float32)
    return {"x": x, "edge_index": edge_index, "W1": W1, "W2": W2, "Wd1": Wd1, "Wd2": Wd2, "alphas": alphas}


def _gcn_layer(h, W, src, dst, n_nodes, has_act=True):
    # message passing: gather from src, scatter-add to dst, then linear (no bias)
    msgs = jnp.take(h, src, axis=0)
    agg = jax.ops.segment_sum(msgs, dst, num_segments=n_nodes)
    out = agg @ W
    if has_act:
        out = jax.nn.relu(out)
    return out


def reference(x, edge_index, W1, W2, Wd1, Wd2, alphas):
    src = edge_index[0]
    dst = edge_index[1]
    n = x.shape[0]
    # k1 classic message-passing layers (act on last layer too)
    h = _gcn_layer(x, W1, src, dst, n, has_act=True)
    h = _gcn_layer(h, W2, src, dst, n, has_act=True)
    x0 = h  # saved pre-dilated features for the path join
    # k2 dilated positional layers with learned-alpha residual connections
    dilated_W = [Wd1, Wd2]
    for step in range(K2):
        stride = 2 ** (step + 1)
        d_src = src[::stride]
        d_dst = dst[::stride]
        new_h = _gcn_layer(h, dilated_W[step], d_src, d_dst, n, has_act=True)
        a = jax.nn.sigmoid(alphas[step])
        h = a * new_h + (1.0 - a) * h
    # dilated_path_join == 'add'
    out = h + x0
    return out

if __name__ == "__main__":
    import jax
    _d = setup_inputs()
    print(jax.jit(kernel)(*tuple(_d.values())))

</pallas_src>

<mosaic_0001>
#map = affine_map<(d0, d1) -> (0, 0)>
#map1 = affine_map<(d0, d1) -> (0, 0, 0)>
module attributes {stable_mosaic.version = 14 : i64} {
  func.func @spmv(%arg0: i32, %arg1: i32, %arg2: memref<20000x64xbf16, #tpu.memory_space<hbm>>, %arg3: memref<32x80x128xi32, #tpu.memory_space<hbm>>, %arg4: memref<32x80x128xi32, #tpu.memory_space<hbm>>, %arg5: memref<20480x64xbf16, #tpu.memory_space<hbm>>, %arg6: memref<80x128xi32, #tpu.memory_space<vmem>>, %arg7: memref<80x128xi32, #tpu.memory_space<vmem>>, %arg8: memref<10240x64xbf16, #tpu.memory_space<vmem_shared>>, %arg9: memref<128x64xbf16, #tpu.memory_space<vmem>>, %arg10: memref<128x64xbf16, #tpu.memory_space<vmem>>, %arg11: memref<128x64xbf16, #tpu.memory_space<vmem>>, %arg12: memref<128x64xbf16, #tpu.memory_space<vmem>>, %arg13: memref<128x64xbf16, #tpu.memory_space<vmem>>, %arg14: memref<128x64xbf16, #tpu.memory_space<vmem>>, %arg15: memref<128x64xbf16, #tpu.memory_space<vmem>>, %arg16: memref<128x64xbf16, #tpu.memory_space<vmem>>, %arg17: memref<!tpu.dma_semaphore, #tpu.memory_space<semaphore_mem>>, %arg18: memref<!tpu.dma_semaphore, #tpu.memory_space<semaphore_mem>>, %arg19: memref<!tpu.dma_semaphore, #tpu.memory_space<semaphore_mem>>, %arg20: memref<!tpu.dma_semaphore, #tpu.memory_space<semaphore_mem>>, %arg21: memref<!tpu.dma_semaphore, #tpu.memory_space<semaphore_mem>>, %arg22: memref<!tpu.dma_semaphore, #tpu.memory_space<semaphore_mem>>, %arg23: memref<!tpu.dma_semaphore, #tpu.memory_space<semaphore_mem>>, %arg24: memref<!tpu.dma_semaphore, #tpu.memory_space<semaphore_mem>>, %arg25: memref<!tpu.dma_semaphore, #tpu.memory_space<semaphore_mem>>, %arg26: memref<!tpu.dma_semaphore, #tpu.memory_space<semaphore_mem>>, %arg27: memref<!tpu.dma_semaphore, #tpu.memory_space<semaphore_mem>>, %arg28: memref<!tpu.dma_semaphore, #tpu.memory_space<semaphore_mem>>, %arg29: memref<!tpu.dma_semaphore, #tpu.memory_space<semaphore_mem>>, %arg30: memref<!tpu.dma_semaphore, #tpu.memory_space<semaphore_mem>>, %arg31: memref<!tpu.dma_semaphore, #tpu.memory_space<semaphore_mem>>, %arg32: memref<!tpu.dma_semaphore, #tpu.memory_space<semaphore_mem>>) attributes {dimension_semantics = [#tpu.dimension_semantics<core_parallel>, #tpu.dimension_semantics<subcore_parallel>], iteration_bounds = array<i64: 2, 16>, scalar_prefetch = 0 : i64, scratch_operands = 27 : i64, tpu.core_type = #tpu.core_type<sc_vector_subcore>, window_params = [{transform_indices = #map}, {transform_indices = #map1}, {transform_indices = #map1}, {transform_indices = #map}]} {
    %mul3A = arith.constant 16 : i32
    %mul3A_0 = arith.muli %arg0, %mul3A : i32
    %add3A = arith.addi %mul3A_0, %arg1 : i32
    "tpu.region"() ({
      %run_scoped3A = tpu.sem_alloc : memref<!tpu.dma_semaphore, #tpu.memory_space<semaphore_mem>>
      %dma_start3A_142 = arith.constant 0 : i32
      %dma_start3A_143 = arith.constant 0 : i32
      %dma_start3A_144 = tpu.memref_slice %arg3[%add3A, %dma_start3A_142, %dma_start3A_143] : memref<32x80x128xi32, #tpu.memory_space<hbm>> -> memref<1x80x128xi32, #tpu.memory_space<hbm>>
      %dma_start3A_145 = tpu.memref_squeeze %dma_start3A_144 : memref<1x80x128xi32, #tpu.memory_space<hbm>> -> memref<80x128xi32, #tpu.memory_space<hbm>>
      %dma_start3A_146 = arith.constant 0 : i32
      %dma_start3A_147 = arith.constant 0 : i32
      %dma_start3A_148 = tpu.memref_slice %arg3[%add3A, %dma_start3A_146, %dma_start3A_147] : memref<32x80x128xi32, #tpu.memory_space<hbm>> -> memref<1x80x128xi32, #tpu.memory_space<hbm>>
      %dma_start3A_149 = tpu.memref_squeeze %dma_start3A_148 : memref<1x80x128xi32, #tpu.memory_space<hbm>> -> memref<80x128xi32, #tpu.memory_space<hbm>>
      tpu.enqueue_dma source(%dma_start3A_149 : memref<80x128xi32, #tpu.memory_space<hbm>>) target(%arg6 : memref<80x128xi32, #tpu.memory_space<vmem>>) target_semaphore(%run_scoped3A : memref<!tpu.dma_semaphore, #tpu.memory_space<semaphore_mem>>)
      %dma_wait3A_150 = arith.constant 0 : i32
      %dma_wait3A_151 = arith.constant 0 : i32
      %dma_wait3A_152 = tpu.memref_slice %arg3[%add3A, %dma_wait3A_150, %dma_wait3A_151] : memref<32x80x128xi32, #tpu.memory_space<hbm>> -> memref<1x80x128xi32, #tpu.memory_space<hbm>>
      %dma_wait3A_153 = tpu.memref_squeeze %dma_wait3A_152 : memref<1x80x128xi32, #tpu.memory_space<hbm>> -> memref<80x128xi32, #tpu.memory_space<hbm>>
      %dma_wait3A_154 = arith.constant 0 : i32
      %dma_wait3A_155 = arith.constant 0 : i32
      %dma_wait3A_156 = tpu.memref_slice %arg3[%add3A, %dma_wait3A_154, %dma_wait3A_155] : memref<32x80x128xi32, #tpu.memory_space<hbm>> -> memref<1x80x128xi32, #tpu.memory_space<hbm>>
      %dma_wait3A_157 = tpu.memref_squeeze %dma_wait3A_156 : memref<1x80x128xi32, #tpu.memory_space<hbm>> -> memref<80x128xi32, #tpu.memory_space<hbm>>
      tpu.wait_dma2 semaphore(%run_scoped3A : memref<!tpu.dma_semaphore, #tpu.memory_space<semaphore_mem>>) src(%dma_wait3A_157 : memref<80x128xi32, #tpu.memory_space<hbm>>) dst(%arg6 : memref<80x128xi32, #tpu.memory_space<vmem>>)
      tpu.yield
    }) : () -> ()
    "tpu.region"() ({
      %run_scoped3A = tpu.sem_alloc : memref<!tpu.dma_semaphore, #tpu.memory_space<semaphore_mem>>
      %dma_start3A_142 = arith.constant 0 : i32
      %dma_start3A_143 = arith.constant 0 : i32
      %dma_start3A_144 = tpu.memref_slice %arg4[%add3A, %dma_start3A_142, %dma_start3A_143] : memref<32x80x128xi32, #tpu.memory_space<hbm>> -> memref<1x80x128xi32, #tpu.memory_space<hbm>>
      %dma_start3A_145 = tpu.memref_squeeze %dma_start3A_144 : memref<1x80x128xi32, #tpu.memory_space<hbm>> -> memref<80x128xi32, #tpu.memory_space<hbm>>
      %dma_start3A_146 = arith.constant 0 : i32
      %dma_start3A_147 = arith.constant 0 : i32
      %dma_start3A_148 = tpu.memref_slice %arg4[%add3A, %dma_start3A_146, %dma_start3A_147] : memref<32x80x128xi32, #tpu.memory_space<hbm>> -> memref<1x80x128xi32, #tpu.memory_space<hbm>>
      %dma_start3A_149 = tpu.memref_squeeze %dma_start3A_148 : memref<1x80x128xi32, #tpu.memory_space<hbm>> -> memref<80x128xi32, #tpu.memory_space<hbm>>
      tpu.enqueue_dma source(%dma_start3A_149 : memref<80x128xi32, #tpu.memory_space<hbm>>) target(%arg7 : memref<80x128xi32, #tpu.memory_space<vmem>>) target_semaphore(%run_scoped3A : memref<!tpu.dma_semaphore, #tpu.memory_space<semaphore_mem>>)
      %dma_wait3A_150 = arith.constant 0 : i32
      %dma_wait3A_151 = arith.constant 0 : i32
      %dma_wait3A_152 = tpu.memref_slice %arg4[%add3A, %dma_wait3A_150, %dma_wait3A_151] : memref<32x80x128xi32, #tpu.memory_space<hbm>> -> memref<1x80x128xi32, #tpu.memory_space<hbm>>
      %dma_wait3A_153 = tpu.memref_squeeze %dma_wait3A_152 : memref<1x80x128xi32, #tpu.memory_space<hbm>> -> memref<80x128xi32, #tpu.memory_space<hbm>>
      %dma_wait3A_154 = arith.constant 0 : i32
      %dma_wait3A_155 = arith.constant 0 : i32
      %dma_wait3A_156 = tpu.memref_slice %arg4[%add3A, %dma_wait3A_154, %dma_wait3A_155] : memref<32x80x128xi32, #tpu.memory_space<hbm>> -> memref<1x80x128xi32, #tpu.memory_space<hbm>>
      %dma_wait3A_157 = tpu.memref_squeeze %dma_wait3A_156 : memref<1x80x128xi32, #tpu.memory_space<hbm>> -> memref<80x128xi32, #tpu.memory_space<hbm>>
      tpu.wait_dma2 semaphore(%run_scoped3A : memref<!tpu.dma_semaphore, #tpu.memory_space<semaphore_mem>>) src(%dma_wait3A_157 : memref<80x128xi32, #tpu.memory_space<hbm>>) dst(%arg7 : memref<80x128xi32, #tpu.memory_space<vmem>>)
      tpu.yield
    }) : () -> ()
    %dma_start3A = arith.constant 1 : i32
    %dma_start3A_1 = arith.constant 0 : i32
    %dma_start3A_2 = tpu.memref_slice %arg6[%dma_start3A, %dma_start3A_1] : memref<80x128xi32, #tpu.memory_space<vmem>> -> memref<1x128xi32, #tpu.memory_space<vmem>>
    %dma_start3A_3 = tpu.memref_squeeze %dma_start3A_2 : memref<1x128xi32, #tpu.memory_space<vmem>> -> memref<128xi32, #tpu.memory_space<vmem>>
    %dma_start3A_4 = arith.constant 0 : i32
    %dma_start3A_5 = arith.constant 0 : i32
    %dma_start3A_6 = tpu.memref_slice %arg2[%dma_start3A_4, %dma_start3A_5] : memref<20000x64xbf16, #tpu.memory_space<hbm>> -> memref<20000x64xbf16, #tpu.memory_space<hbm>>
    tpu.enqueue_indirect_dma source(%dma_start3A_6 : memref<20000x64xbf16, #tpu.memory_space<hbm>>) target(%arg10 : memref<128x64xbf16, #tpu.memory_space<vmem>>) offsets(%dma_start3A_3 : memref<128xi32, #tpu.memory_space<vmem>>) semaphore(%arg18 : memref<!tpu.dma_semaphore, #tpu.memory_space<semaphore_mem>>)
    %dma_start3A_7 = arith.constant 2 : i32
    %dma_start3A_8 = arith.constant 0 : i32
    %dma_start3A_9 = tpu.memref_slice %arg6[%dma_start3A_7, %dma_start3A_8] : memref<80x128xi32, #tpu.memory_space<vmem>> -> memref<1x128xi32, #tpu.memory_space<vmem>>
    %dma_start3A_10 = tpu.memref_squeeze %dma_start3A_9 : memref<1x128xi32, #tpu.memory_space<vmem>> -> memref<128xi32, #tpu.memory_space<vmem>>
    %dma_start3A_11 = arith.constant 0 : i32
    %dma_start3A_12 = arith.constant 0 : i32
    %dma_start3A_13 = tpu.memref_slice %arg2[%dma_start3A_11, %dma_start3A_12] : memref<20000x64xbf16, #tpu.memory_space<hbm>> -> memref<20000x64xbf16, #tpu.memory_space<hbm>>
    tpu.enqueue_indirect_dma source(%dma_start3A_13 : memref<20000x64xbf16, #tpu.memory_space<hbm>>) target(%arg11 : memref<128x64xbf16, #tpu.memory_space<vmem>>) offsets(%dma_start3A_10 : memref<128xi32, #tpu.memory_space<vmem>>) semaphore(%arg19 : memref<!tpu.dma_semaphore, #tpu.memory_space<semaphore_mem>>)
    %dma_start3A_14 = arith.constant 3 : i32
    %dma_start3A_15 = arith.constant 0 : i32
    %dma_start3A_16 = tpu.memref_slice %arg6[%dma_start3A_14, %dma_start3A_15] : memref<80x128xi32, #tpu.memory_space<vmem>> -> memref<1x128xi32, #tpu.memory_space<vmem>>
    %dma_start3A_17 = tpu.memref_squeeze %dma_start3A_16 : memref<1x128xi32, #tpu.memory_space<vmem>> -> memref<128xi32, #tpu.memory_space<vmem>>
    %dma_start3A_18 = arith.constant 0 : i32
    %dma_start3A_19 = arith.constant 0 : i32
    %dma_start3A_20 = tpu.memref_slice %arg2[%dma_start3A_18, %dma_start3A_19] : memref<20000x64xbf16, #tpu.memory_space<hbm>> -> memref<20000x64xbf16, #tpu.memory_space<hbm>>
    tpu.enqueue_indirect_dma source(%dma_start3A_20 : memref<20000x64xbf16, #tpu.memory_space<hbm>>) target(%arg12 : memref<128x64xbf16, #tpu.memory_space<vmem>>) offsets(%dma_start3A_17 : memref<128xi32, #tpu.memory_space<vmem>>) semaphore(%arg20 : memref<!tpu.dma_semaphore, #tpu.memory_space<semaphore_mem>>)
    %dma_start3A_21 = arith.constant 4 : i32
    %dma_start3A_22 = arith.constant 0 : i32
    %dma_start3A_23 = tpu.memref_slice %arg6[%dma_start3A_21, %dma_start3A_22] : memref<80x128xi32, #tpu.memory_space<vmem>> -> memref<1x128xi32, #tpu.memory_space<vmem>>
    %dma_start3A_24 = tpu.memref_squeeze %dma_start3A_23 : memref<1x128xi32, #tpu.memory_space<vmem>> -> memref<128xi32, #tpu.memory_space<vmem>>
    %dma_start3A_25 = arith.constant 0 : i32
    %dma_start3A_26 = arith.constant 0 : i32
    %dma_start3A_27 = tpu.memref_slice %arg2[%dma_start3A_25, %dma_start3A_26] : memref<20000x64xbf16, #tpu.memory_space<hbm>> -> memref<20000x64xbf16, #tpu.memory_space<hbm>>
    tpu.enqueue_indirect_dma source(%dma_start3A_27 : memref<20000x64xbf16, #tpu.memory_space<hbm>>) target(%arg13 : memref<128x64xbf16, #tpu.memory_space<vmem>>) offsets(%dma_start3A_24 : memref<128xi32, #tpu.memory_space<vmem>>) semaphore(%arg21 : memref<!tpu.dma_semaphore, #tpu.memory_space<semaphore_mem>>)
    %dma_start3A_28 = arith.constant 5 : i32
    %dma_start3A_29 = arith.constant 0 : i32
    %dma_start3A_30 = tpu.memref_slice %arg6[%dma_start3A_28, %dma_start3A_29] : memref<80x128xi32, #tpu.memory_space<vmem>> -> memref<1x128xi32, #tpu.memory_space<vmem>>
    %dma_start3A_31 = tpu.memref_squeeze %dma_start3A_30 : memref<1x128xi32, #tpu.memory_space<vmem>> -> memref<128xi32, #tpu.memory_space<vmem>>
    %dma_start3A_32 = arith.constant 0 : i32
    %dma_start3A_33 = arith.constant 0 : i32
    %dma_start3A_34 = tpu.memref_slice %arg2[%dma_start3A_32, %dma_start3A_33] : memref<20000x64xbf16, #tpu.memory_space<hbm>> -> memref<20000x64xbf16, #tpu.memory_space<hbm>>
    tpu.enqueue_indirect_dma source(%dma_start3A_34 : memref<20000x64xbf16, #tpu.memory_space<hbm>>) target(%arg14 : memref<128x64xbf16, #tpu.memory_space<vmem>>) offsets(%dma_start3A_31 : memref<128xi32, #tpu.memory_space<vmem>>) semaphore(%arg22 : memref<!tpu.dma_semaphore, #tpu.memory_space<semaphore_mem>>)
    %dma_start3A_35 = arith.constant 6 : i32
    %dma_start3A_36 = arith.constant 0 : i32
    %dma_start3A_37 = tpu.memref_slice %arg6[%dma_start3A_35, %dma_start3A_36] : memref<80x128xi32, #tpu.memory_space<vmem>> -> memref<1x128xi32, #tpu.memory_space<vmem>>
    %dma_start3A_38 = tpu.memref_squeeze %dma_start3A_37 : memref<1x128xi32, #tpu.memory_space<vmem>> -> memref<128xi32, #tpu.memory_space<vmem>>
    %dma_start3A_39 = arith.constant 0 : i32
    %dma_start3A_40 = arith.constant 0 : i32
    %dma_start3A_41 = tpu.memref_slice %arg2[%dma_start3A_39, %dma_start3A_40] : memref<20000x64xbf16, #tpu.memory_space<hbm>> -> memref<20000x64xbf16, #tpu.memory_space<hbm>>
    tpu.enqueue_indirect_dma source(%dma_start3A_41 : memref<20000x64xbf16, #tpu.memory_space<hbm>>) target(%arg15 : memref<128x64xbf16, #tpu.memory_space<vmem>>) offsets(%dma_start3A_38 : memref<128xi32, #tpu.memory_space<vmem>>) semaphore(%arg23 : memref<!tpu.dma_semaphore, #tpu.memory_space<semaphore_mem>>)
    %dma_start3A_42 = arith.constant 7 : i32
    %dma_start3A_43 = arith.constant 0 : i32
    %dma_start3A_44 = tpu.memref_slice %arg6[%dma_start3A_42, %dma_start3A_43] : memref<80x128xi32, #tpu.memory_space<vmem>> -> memref<1x128xi32, #tpu.memory_space<vmem>>
    %dma_start3A_45 = tpu.memref_squeeze %dma_start3A_44 : memref<1x128xi32, #tpu.memory_space<vmem>> -> memref<128xi32, #tpu.memory_space<vmem>>
    %dma_start3A_46 = arith.constant 0 : i32
    %dma_start3A_47 = arith.constant 0 : i32
    %dma_start3A_48 = tpu.memref_slice %arg2[%dma_start3A_46, %dma_start3A_47] : memref<20000x64xbf16, #tpu.memory_space<hbm>> -> memref<20000x64xbf16, #tpu.memory_space<hbm>>
    tpu.enqueue_indirect_dma source(%dma_start3A_48 : memref<20000x64xbf16, #tpu.memory_space<hbm>>) target(%arg16 : memref<128x64xbf16, #tpu.memory_space<vmem>>) offsets(%dma_start3A_45 : memref<128xi32, #tpu.memory_space<vmem>>) semaphore(%arg24 : memref<!tpu.dma_semaphore, #tpu.memory_space<semaphore_mem>>)
    %scan3A = arith.constant 0 : i32
    %scan3A_49 = arith.constant 0 : i32
    %scan3A_50 = arith.constant 128 : i32
    %scan3A_51 = arith.addi %scan3A_49, %scan3A_50 : i32
    %scan3A_52 = arith.constant 1 : i32
    %scan3A_53 = scf.for %scan3A_142 = %scan3A_49 to %scan3A_51 step %scan3A_52 iter_args(%scan3A_143 = %scan3A) -> (i32)  : i32 {
      %broadcast_in_dim3A = arith.constant 0.000000e+00 : bf16
      %broadcast_in_dim3A_144 = vector.broadcast %broadcast_in_dim3A : bf16 to vector<32xbf16>
      %swap3A = arith.index_cast %scan3A_142 : i32 to index
      %swap3A_145 = arith.constant 0 : index
      %swap3A_146 = tpu.vector_load %arg9[%swap3A, %swap3A_145] {strides = array<i32>} : memref<128x64xbf16, #tpu.memory_space<vmem>>, vector<32xbf16>,
      tpu.vector_store %arg9[%swap3A, %swap3A_145], %broadcast_in_dim3A_144 {strides = array<i32>} : memref<128x64xbf16, #tpu.memory_space<vmem>>, vector<32xbf16>,
      %broadcast_in_dim3A_147 = arith.constant 0.000000e+00 : bf16
      %broadcast_in_dim3A_148 = vector.broadcast %broadcast_in_dim3A_147 : bf16 to vector<32xbf16>
      %swap3A_149 = arith.index_cast %scan3A_142 : i32 to index
      %swap3A_150 = arith.constant 32 : index
      %swap3A_151 = tpu.vector_load %arg9[%swap3A_149, %swap3A_150] {strides = array<i32>} : memref<128x64xbf16, #tpu.memory_space<vmem>>, vector<32xbf16>,
      tpu.vector_store %arg9[%swap3A_149, %swap3A_150], %broadcast_in_dim3A_148 {strides = array<i32>} : memref<128x64xbf16, #tpu.memory_space<vmem>>, vector<32xbf16>,
      %scan3A_152 = arith.constant 0 : i32
      scf.yield %scan3A_152 : i32
    }
    %scan3A_54 = arith.constant 128 : i32
    %mul3A_55 = arith.constant 640 : i32
    %mul3A_56 = arith.muli %arg1, %mul3A_55 : i32
    %add3A_57 = arith.constant 0 : i32
    %add3A_58 = arith.addi %mul3A_56, %add3A_57 : i32
    "tpu.region"() ({
      %run_scoped3A = tpu.sem_alloc : memref<!tpu.dma_semaphore, #tpu.memory_space<semaphore_mem>>
      %dma_start3A_142 = arith.constant 0 : i32
      %dma_start3A_143 = tpu.memref_slice %arg8[%add3A_58, %dma_start3A_142] : memref<10240x64xbf16, #tpu.memory_space<vmem_shared>> -> memref<128x64xbf16, #tpu.memory_space<vmem_shared>>
      %dma_start3A_144 = arith.constant 0 : i32
      %dma_start3A_145 = tpu.memref_slice %arg8[%add3A_58, %dma_start3A_144] : memref<10240x64xbf16, #tpu.memory_space<vmem_shared>> -> memref<128x64xbf16, #tpu.memory_space<vmem_shared>>
      tpu.enqueue_dma source(%arg9 : memref<128x64xbf16, #tpu.memory_space<vmem>>) target(%dma_start3A_145 : memref<128x64xbf16, #tpu.memory_space<vmem_shared>>) target_semaphore(%run_scoped3A : memref<!tpu.dma_semaphore, #tpu.memory_space<semaphore_mem>>)
      %dma_wait3A_146 = arith.constant 0 : i32
      %dma_wait3A_147 = tpu.memref_slice %arg8[%add3A_58, %dma_wait3A_146] : memref<10240x64xbf16, #tpu.memory_space<vmem_shared>> -> memref<128x64xbf16, #tpu.memory_space<vmem_shared>>
      %dma_wait3A_148 = arith.constant 0 : i32
      %dma_wait3A_149 = tpu.memref_slice %arg8[%add3A_58, %dma_wait3A_148] : memref<10240x64xbf16, #tpu.memory_space<vmem_shared>> -> memref<128x64xbf16, #tpu.memory_space<vmem_shared>>
      tpu.wait_dma2 semaphore(%run_scoped3A : memref<!tpu.dma_semaphore, #tpu.memory_space<semaphore_mem>>) src(%arg9 : memref<128x64xbf16, #tpu.memory_space<vmem>>) dst(%dma_wait3A_149 : memref<128x64xbf16, #tpu.memory_space<vmem_shared>>)
      tpu.yield
    }) : () -> ()
    %add3A_59 = arith.constant 128 : i32
    %add3A_60 = arith.addi %mul3A_56, %add3A_59 : i32
    "tpu.region"() ({
      %run_scoped3A = tpu.sem_alloc : memref<!tpu.dma_semaphore, #tpu.memory_space<semaphore_mem>>
      %dma_start3A_142 = arith.constant 0 : i32
      %dma_start3A_143 = tpu.memref_slice %arg8[%add3A_60, %dma_start3A_142] : memref<10240x64xbf16, #tpu.memory_space<vmem_shared>> -> memref<128x64xbf16, #tpu.memory_space<vmem_shared>>
      %dma_start3A_144 = arith.constant 0 : i32
      %dma_start3A_145 = tpu.memref_slice %arg8[%add3A_60, %dma_start3A_144] : memref<10240x64xbf16, #tpu.memory_space<vmem_shared>> -> memref<128x64xbf16, #tpu.memory_space<vmem_shared>>
      tpu.enqueue_dma source(%arg9 : memref<128x64xbf16, #tpu.memory_space<vmem>>) target(%dma_start3A_145 : memref<128x64xbf16, #tpu.memory_space<vmem_shared>>) target_semaphore(%run_scoped3A : memref<!tpu.dma_semaphore, #tpu.memory_space<semaphore_mem>>)
      %dma_wait3A_146 = arith.constant 0 : i32
      %dma_wait3A_147 = tpu.memref_slice %arg8[%add3A_60, %dma_wait3A_146] : memref<10240x64xbf16, #tpu.memory_space<vmem_shared>> -> memref<128x64xbf16, #tpu.memory_space<vmem_shared>>
      %dma_wait3A_148 = arith.constant 0 : i32
      %dma_wait3A_149 = tpu.memref_slice %arg8[%add3A_60, %dma_wait3A_148] : memref<10240x64xbf16, #tpu.memory_space<vmem_shared>> -> memref<128x64xbf16, #tpu.memory_space<vmem_shared>>
      tpu.wait_dma2 semaphore(%run_scoped3A : memref<!tpu.dma_semaphore, #tpu.memory_space<semaphore_mem>>) src(%arg9 : memref<128x64xbf16, #tpu.memory_space<vmem>>) dst(%dma_wait3A_149 : memref<128x64xbf16, #tpu.memory_space<vmem_shared>>)
      tpu.yield
    }) : () -> ()
    %add3A_61 = arith.constant 256 : i32
    %add3A_62 = arith.addi %mul3A_56, %add3A_61 : i32
    "tpu.region"() ({
      %run_scoped3A = tpu.sem_alloc : memref<!tpu.dma_semaphore, #tpu.memory_space<semaphore_mem>>
      %dma_start3A_142 = arith.constant 0 : i32
      %dma_start3A_143 = tpu.memref_slice %arg8[%add3A_62, %dma_start3A_142] : memref<10240x64xbf16, #tpu.memory_space<vmem_shared>> -> memref<128x64xbf16, #tpu.memory_space<vmem_shared>>
      %dma_start3A_144 = arith.constant 0 : i32
      %dma_start3A_145 = tpu.memref_slice %arg8[%add3A_62, %dma_start3A_144] : memref<10240x64xbf16, #tpu.memory_space<vmem_shared>> -> memref<128x64xbf16, #tpu.memory_space<vmem_shared>>
      tpu.enqueue_dma source(%arg9 : memref<128x64xbf16, #tpu.memory_space<vmem>>) target(%dma_start3A_145 : memref<128x64xbf16, #tpu.memory_space<vmem_shared>>) target_semaphore(%run_scoped3A : memref<!tpu.dma_semaphore, #tpu.memory_space<semaphore_mem>>)
      %dma_wait3A_146 = arith.constant 0 : i32
      %dma_wait3A_147 = tpu.memref_slice %arg8[%add3A_62, %dma_wait3A_146] : memref<10240x64xbf16, #tpu.memory_space<vmem_shared>> -> memref<128x64xbf16, #tpu.memory_space<vmem_shared>>
      %dma_wait3A_148 = arith.constant 0 : i32
      %dma_wait3A_149 = tpu.memref_slice %arg8[%add3A_62, %dma_wait3A_148] : memref<10240x64xbf16, #tpu.memory_space<vmem_shared>> -> memref<128x64xbf16, #tpu.memory_space<vmem_shared>>
      tpu.wait_dma2 semaphore(%run_scoped3A : memref<!tpu.dma_semaphore, #tpu.memory_space<semaphore_mem>>) src(%arg9 : memref<128x64xbf16, #tpu.memory_space<vmem>>) dst(%dma_wait3A_149 : memref<128x64xbf16, #tpu.memory_space<vmem_shared>>)
      tpu.yield
    }) : () -> ()
    %add3A_63 = arith.constant 384 : i32
    %add3A_64 = arith.addi %mul3A_56, %add3A_63 : i32
    "tpu.region"() ({
      %run_scoped3A = tpu.sem_alloc : memref<!tpu.dma_semaphore, #tpu.memory_space<semaphore_mem>>
      %dma_start3A_142 = arith.constant 0 : i32
      %dma_start3A_143 = tpu.memref_slice %arg8[%add3A_64, %dma_start3A_142] : memref<10240x64xbf16, #tpu.memory_space<vmem_shared>> -> memref<128x64xbf16, #tpu.memory_space<vmem_shared>>
      %dma_start3A_144 = arith.constant 0 : i32
      %dma_start3A_145 = tpu.memref_slice %arg8[%add3A_64, %dma_start3A_144] : memref<10240x64xbf16, #tpu.memory_space<vmem_shared>> -> memref<128x64xbf16, #tpu.memory_space<vmem_shared>>
      tpu.enqueue_dma source(%arg9 : memref<128x64xbf16, #tpu.memory_space<vmem>>) target(%dma_start3A_145 : memref<128x64xbf16, #tpu.memory_space<vmem_shared>>) target_semaphore(%run_scoped3A : memref<!tpu.dma_semaphore, #tpu.memory_space<semaphore_mem>>)
      %dma_wait3A_146 = arith.constant 0 : i32
      %dma_wait3A_147 = tpu.memref_slice %arg8[%add3A_64, %dma_wait3A_146] : memref<10240x64xbf16, #tpu.memory_space<vmem_shared>> -> memref<128x64xbf16, #tpu.memory_space<vmem_shared>>
      %dma_wait3A_148 = arith.constant 0 : i32
      %dma_wait3A_149 = tpu.memref_slice %arg8[%add3A_64, %dma_wait3A_148] : memref<10240x64xbf16, #tpu.memory_space<vmem_shared>> -> memref<128x64xbf16, #tpu.memory_space<vmem_shared>>
      tpu.wait_dma2 semaphore(%run_scoped3A : memref<!tpu.dma_semaphore, #tpu.memory_space<semaphore_mem>>) src(%arg9 : memref<128x64xbf16, #tpu.memory_space<vmem>>) dst(%dma_wait3A_149 : memref<128x64xbf16, #tpu.memory_space<vmem_shared>>)
      tpu.yield
    }) : () -> ()
    %add3A_65 = arith.constant 512 : i32
    %add3A_66 = arith.addi %mul3A_56, %add3A_65 : i32
    "tpu.region"() ({
      %run_scoped3A = tpu.sem_alloc : memref<!tpu.dma_semaphore, #tpu.memory_space<semaphore_mem>>
      %dma_start3A_142 = arith.constant 0 : i32
      %dma_start3A_143 = tpu.memref_slice %arg8[%add3A_66, %dma_start3A_142] : memref<10240x64xbf16, #tpu.memory_space<vmem_shared>> -> memref<128x64xbf16, #tpu.memory_space<vmem_shared>>
      %dma_start3A_144 = arith.constant 0 : i32
      %dma_start3A_145 = tpu.memref_slice %arg8[%add3A_66, %dma_start3A_144] : memref<10240x64xbf16, #tpu.memory_space<vmem_shared>> -> memref<128x64xbf16, #tpu.memory_space<vmem_shared>>
      tpu.enqueue_dma source(%arg9 : memref<128x64xbf16, #tpu.memory_space<vmem>>) target(%dma_start3A_145 : memref<128x64xbf16, #tpu.memory_space<vmem_shared>>) target_semaphore(%run_scoped3A : memref<!tpu.dma_semaphore, #tpu.memory_space<semaphore_mem>>)
      %dma_wait3A_146 = arith.constant 0 : i32
      %dma_wait3A_147 = tpu.memref_slice %arg8[%add3A_66, %dma_wait3A_146] : memref<10240x64xbf16, #tpu.memory_space<vmem_shared>> -> memref<128x64xbf16, #tpu.memory_space<vmem_shared>>
      %dma_wait3A_148 = arith.constant 0 : i32
      %dma_wait3A_149 = tpu.memref_slice %arg8[%add3A_66, %dma_wait3A_148] : memref<10240x64xbf16, #tpu.memory_space<vmem_shared>> -> memref<128x64xbf16, #tpu.memory_space<vmem_shared>>
      tpu.wait_dma2 semaphore(%run_scoped3A : memref<!tpu.dma_semaphore, #tpu.memory_space<semaphore_mem>>) src(%arg9 : memref<128x64xbf16, #tpu.memory_space<vmem>>) dst(%dma_wait3A_149 : memref<128x64xbf16, #tpu.memory_space<vmem_shared>>)
      tpu.yield
    }) : () -> ()
    %dma_start3A_67 = arith.constant 0 : i32
    %dma_start3A_68 = arith.constant 0 : i32
    %dma_start3A_69 = tpu.memref_slice %arg6[%dma_start3A_67, %dma_start3A_68] : memref<80x128xi32, #tpu.memory_space<vmem>> -> memref<1x128xi32, #tpu.memory_space<vmem>>
    %dma_start3A_70 = tpu.memref_squeeze %dma_start3A_69 : memref<1x128xi32, #tpu.memory_space<vmem>> -> memref<128xi32, #tpu.memory_space<vmem>>
    %dma_start3A_71 = arith.constant 0 : i32
    %dma_start3A_72 = arith.constant 0 : i32
    %dma_start3A_73 = tpu.memref_slice %arg2[%dma_start3A_71, %dma_start3A_72] : memref<20000x64xbf16, #tpu.memory_space<hbm>> -> memref<20000x64xbf16, #tpu.memory_space<hbm>>
    tpu.enqueue_indirect_dma source(%dma_start3A_73 : memref<20000x64xbf16, #tpu.memory_space<hbm>>) target(%arg9 : memref<128x64xbf16, #tpu.memory_space<vmem>>) offsets(%dma_start3A_70 : memref<128xi32, #tpu.memory_space<vmem>>) semaphore(%arg17 : memref<!tpu.dma_semaphore, #tpu.memory_space<semaphore_mem>>)
    %barrier3A = arith.constant 0 : index
    tpu.barrier barrier_id(%barrier3A)
    %scan3A_74 = arith.constant 0 : i32
    %scan3A_75 = arith.constant 0 : i32
    %scan3A_76 = arith.constant 10 : i32
    %scan3A_77 = arith.addi %scan3A_75, %scan3A_76 : i32
    %scan3A_78 = arith.constant 1 : i32
    %scan3A_79 = scf.for %scan3A_142 = %scan3A_75 to %scan3A_77 step %scan3A_78 iter_args(%scan3A_143 = %scan3A_74) -> (i32)  : i32 {
      %mul3A_144 = arith.constant 8 : i32
      %mul3A_145 = arith.muli %scan3A_142, %mul3A_144 : i32
      %add3A_146 = arith.constant 0 : i32
      %add3A_147 = arith.addi %mul3A_145, %add3A_146 : i32
      %dma_wait3A_148 = arith.constant 0 : i32
      %dma_wait3A_149 = tpu.memref_slice %arg6[%add3A_147, %dma_wait3A_148] : memref<80x128xi32, #tpu.memory_space<vmem>> -> memref<1x128xi32, #tpu.memory_space<vmem>>
      %dma_wait3A_150 = tpu.memref_squeeze %dma_wait3A_149 : memref<1x128xi32, #tpu.memory_space<vmem>> -> memref<128xi32, #tpu.memory_space<vmem>>
      %dma_wait3A_151 = arith.constant 0 : i32
      %dma_wait3A_152 = arith.constant 0 : i32
      %dma_wait3A_153 = tpu.memref_slice %arg2[%dma_wait3A_151, %dma_wait3A_152] : memref<20000x64xbf16, #tpu.memory_space<hbm>> -> memref<20000x64xbf16, #tpu.memory_space<hbm>>
      tpu.wait_indirect_dma semaphore(%arg17 : memref<!tpu.dma_semaphore, #tpu.memory_space<semaphore_mem>>) src(%dma_wait3A_153 : memref<20000x64xbf16, #tpu.memory_space<hbm>>) dst(%arg9 : memref<128x64xbf16, #tpu.memory_space<vmem>>)
      %add3A_154 = arith.constant 0 : i32
      %add3A_155 = arith.addi %mul3A_145, %add3A_154 : i32
      %dma_start3A_156 = arith.constant 0 : i32
      %dma_start3A_157 = tpu.memref_slice %arg7[%add3A_155, %dma_start3A_156] : memref<80x128xi32, #tpu.memory_space<vmem>> -> memref<1x128xi32, #tpu.memory_space<vmem>>
      %dma_start3A_158 = tpu.memref_squeeze %dma_start3A_157 : memref<1x128xi32, #tpu.memory_space<vmem>> -> memref<128xi32, #tpu.memory_space<vmem>>
      %dma_start3A_159 = arith.constant 0 : i32
      %dma_start3A_160 = arith.constant 0 : i32
      %dma_start3A_161 = tpu.memref_slice %arg8[%dma_start3A_159, %dma_start3A_160] : memref<10240x64xbf16, #tpu.memory_space<vmem_shared>> -> memref<10240x64xbf16, #tpu.memory_space<vmem_shared>>
      tpu.enqueue_indirect_dma source(%arg9 : memref<128x64xbf16, #tpu.memory_space<vmem>>) target(%dma_start3A_161 : memref<10240x64xbf16, #tpu.memory_space<vmem_shared>>) offsets(%dma_start3A_158 : memref<128xi32, #tpu.memory_space<vmem>>) semaphore(%arg25 : memref<!tpu.dma_semaphore, #tpu.memory_space<semaphore_mem>>) {add = true}
      %add3A_162 = arith.constant 1 : i32
      %add3A_163 = arith.addi %mul3A_145, %add3A_162 : i32
      %dma_wait3A_164 = arith.constant 0 : i32
      %dma_wait3A_165 = tpu.memref_slice %arg6[%add3A_163, %dma_wait3A_164] : memref<80x128xi32, #tpu.memory_space<vmem>> -> memref<1x128xi32, #tpu.memory_space<vmem>>
      %dma_wait3A_166 = tpu.memref_squeeze %dma_wait3A_165 : memref<1x128xi32, #tpu.memory_space<vmem>> -> memref<128xi32, #tpu.memory_space<vmem>>
      %dma_wait3A_167 = arith.constant 0 : i32
      %dma_wait3A_168 = arith.constant 0 : i32
      %dma_wait3A_169 = tpu.memref_slice %arg2[%dma_wait3A_167, %dma_wait3A_168] : memref<20000x64xbf16, #tpu.memory_space<hbm>> -> memref<20000x64xbf16, #tpu.memory_space<hbm>>
      tpu.wait_indirect_dma semaphore(%arg18 : memref<!tpu.dma_semaphore, #tpu.memory_space<semaphore_mem>>) src(%dma_wait3A_169 : memref<20000x64xbf16, #tpu.memory_space<hbm>>) dst(%arg10 : memref<128x64xbf16, #tpu.memory_space<vmem>>)
      %add3A_170 = arith.constant 1 : i32
      %add3A_171 = arith.addi %mul3A_145, %add3A_170 : i32
      %dma_start3A_172 = arith.constant 0 : i32
      %dma_start3A_173 = tpu.memref_slice %arg7[%add3A_171, %dma_start3A_172] : memref<80x128xi32, #tpu.memory_space<vmem>> -> memref<1x128xi32, #tpu.memory_space<vmem>>
      %dma_start3A_174 = tpu.memref_squeeze %dma_start3A_173 : memref<1x128xi32, #tpu.memory_space<vmem>> -> memref<128xi32, #tpu.memory_space<vmem>>
      %dma_start3A_175 = arith.constant 0 : i32
      %dma_start3A_176 = arith.constant 0 : i32
      %dma_start3A_177 = tpu.memref_slice %arg8[%dma_start3A_175, %dma_start3A_176] : memref<10240x64xbf16, #tpu.memory_space<vmem_shared>> -> memref<10240x64xbf16, #tpu.memory_space<vmem_shared>>
      tpu.enqueue_indirect_dma source(%arg10 : memref<128x64xbf16, #tpu.memory_space<vmem>>) target(%dma_start3A_177 : memref<10240x64xbf16, #tpu.memory_space<vmem_shared>>) offsets(%dma_start3A_174 : memref<128xi32, #tpu.memory_space<vmem>>) semaphore(%arg26 : memref<!tpu.dma_semaphore, #tpu.memory_space<semaphore_mem>>) {add = true}
      %add3A_178 = arith.constant 2 : i32
      %add3A_179 = arith.addi %mul3A_145, %add3A_178 : i32
      %dma_wait3A_180 = arith.constant 0 : i32
      %dma_wait3A_181 = tpu.memref_slice %arg6[%add3A_179, %dma_wait3A_180] : memref<80x128xi32, #tpu.memory_space<vmem>> -> memref<1x128xi32, #tpu.memory_space<vmem>>
      %dma_wait3A_182 = tpu.memref_squeeze %dma_wait3A_181 : memref<1x128xi32, #tpu.memory_space<vmem>> -> memref<128xi32, #tpu.memory_space<vmem>>
      %dma_wait3A_183 = arith.constant 0 : i32
      %dma_wait3A_184 = arith.constant 0 : i32
      %dma_wait3A_185 = tpu.memref_slice %arg2[%dma_wait3A_183, %dma_wait3A_184] : memref<20000x64xbf16, #tpu.memory_space<hbm>> -> memref<20000x64xbf16, #tpu.memory_space<hbm>>
      tpu.wait_indirect_dma semaphore(%arg19 : memref<!tpu.dma_semaphore, #tpu.memory_space<semaphore_mem>>) src(%dma_wait3A_185 : memref<20000x64xbf16, #tpu.memory_space<hbm>>) dst(%arg11 : memref<128x64xbf16, #tpu.memory_space<vmem>>)
      %add3A_186 = arith.constant 2 : i32
      %add3A_187 = arith.addi %mul3A_145, %add3A_186 : i32
      %dma_start3A_188 = arith.constant 0 : i32
      %dma_start3A_189 = tpu.memref_slice %arg7[%add3A_187, %dma_start3A_188] : memref<80x128xi32, #tpu.memory_space<vmem>> -> memref<1x128xi32, #tpu.memory_space<vmem>>
      %dma_start3A_190 = tpu.memref_squeeze %dma_start3A_189 : memref<1x128xi32, #tpu.memory_space<vmem>> -> memref<128xi32, #tpu.memory_space<vmem>>
      %dma_start3A_191 = arith.constant 0 : i32
      %dma_start3A_192 = arith.constant 0 : i32
      %dma_start3A_193 = tpu.memref_slice %arg8[%dma_start3A_191, %dma_start3A_192] : memref<10240x64xbf16, #tpu.memory_space<vmem_shared>> -> memref<10240x64xbf16, #tpu.memory_space<vmem_shared>>
      tpu.enqueue_indirect_dma source(%arg11 : memref<128x64xbf16, #tpu.memory_space<vmem>>) target(%dma_start3A_193 : memref<10240x64xbf16, #tpu.memory_space<vmem_shared>>) offsets(%dma_start3A_190 : memref<128xi32, #tpu.memory_space<vmem>>) semaphore(%arg27 : memref<!tpu.dma_semaphore, #tpu.memory_space<semaphore_mem>>) {add = true}
      %add3A_194 = arith.constant 3 : i32
      %add3A_195 = arith.addi %mul3A_145, %add3A_194 : i32
      %dma_wait3A_196 = arith.constant 0 : i32
      %dma_wait3A_197 = tpu.memref_slice %arg6[%add3A_195, %dma_wait3A_196] : memref<80x128xi32, #tpu.memory_space<vmem>> -> memref<1x128xi32, #tpu.memory_space<vmem>>
      %dma_wait3A_198 = tpu.memref_squeeze %dma_wait3A_197 : memref<1x128xi32, #tpu.memory_space<vmem>> -> memref<128xi32, #tpu.memory_space<vmem>>
      %dma_wait3A_199 = arith.constant 0 : i32
      %dma_wait3A_200 = arith.constant 0 : i32
      %dma_wait3A_201 = tpu.memref_slice %arg2[%dma_wait3A_199, %dma_wait3A_200] : memref<20000x64xbf16, #tpu.memory_space<hbm>> -> memref<20000x64xbf16, #tpu.memory_space<hbm>>
      tpu.wait_indirect_dma semaphore(%arg20 : memref<!tpu.dma_semaphore, #tpu.memory_space<semaphore_mem>>) src(%dma_wait3A_201 : memref<20000x64xbf16, #tpu.memory_space<hbm>>) dst(%arg12 : memref<128x64xbf16, #tpu.memory_space<vmem>>)
      %add3A_202 = arith.constant 3 : i32
      %add3A_203 = arith.addi %mul3A_145, %add3A_202 : i32
      %dma_start3A_204 = arith.constant 0 : i32
      %dma_start3A_205 = tpu.memref_slice %arg7[%add3A_203, %dma_start3A_204] : memref<80x128xi32, #tpu.memory_space<vmem>> -> memref<1x128xi32, #tpu.memory_space<vmem>>
      %dma_start3A_206 = tpu.memref_squeeze %dma_start3A_205 : memref<1x128xi32, #tpu.memory_space<vmem>> -> memref<128xi32, #tpu.memory_space<vmem>>
      %dma_start3A_207 = arith.constant 0 : i32
      %dma_start3A_208 = arith.constant 0 : i32
      %dma_start3A_209 = tpu.memref_slice %arg8[%dma_start3A_207, %dma_start3A_208] : memref<10240x64xbf16, #tpu.memory_space<vmem_shared>> -> memref<10240x64xbf16, #tpu.memory_space<vmem_shared>>
      tpu.enqueue_indirect_dma source(%arg12 : memref<128x64xbf16, #tpu.memory_space<vmem>>) target(%dma_start3A_209 : memref<10240x64xbf16, #tpu.memory_space<vmem_shared>>) offsets(%dma_start3A_206 : memref<128xi32, #tpu.memory_space<vmem>>) semaphore(%arg28 : memref<!tpu.dma_semaphore, #tpu.memory_space<semaphore_mem>>) {add = true}
      %add3A_210 = arith.constant 4 : i32
      %add3A_211 = arith.addi %mul3A_145, %add3A_210 : i32
      %dma_wait3A_212 = arith.constant 0 : i32
      %dma_wait3A_213 = tpu.memref_slice %arg6[%add3A_211, %dma_wait3A_212] : memref<80x128xi32, #tpu.memory_space<vmem>> -> memref<1x128xi32, #tpu.memory_space<vmem>>
      %dma_wait3A_214 = tpu.memref_squeeze %dma_wait3A_213 : memref<1x128xi32, #tpu.memory_space<vmem>> -> memref<128xi32, #tpu.memory_space<vmem>>
      %dma_wait3A_215 = arith.constant 0 : i32
      %dma_wait3A_216 = arith.constant 0 : i32
      %dma_wait3A_217 = tpu.memref_slice %arg2[%dma_wait3A_215, %dma_wait3A_216] : memref<20000x64xbf16, #tpu.memory_space<hbm>> -> memref<20000x64xbf16, #tpu.memory_space<hbm>>
      tpu.wait_indirect_dma semaphore(%arg21 : memref<!tpu.dma_semaphore, #tpu.memory_space<semaphore_mem>>) src(%dma_wait3A_217 : memref<20000x64xbf16, #tpu.memory_space<hbm>>) dst(%arg13 : memref<128x64xbf16, #tpu.memory_space<vmem>>)
      %add3A_218 = arith.constant 4 : i32
      %add3A_219 = arith.addi %mul3A_145, %add3A_218 : i32
      %dma_start3A_220 = arith.constant 0 : i32
      %dma_start3A_221 = tpu.memref_slice %arg7[%add3A_219, %dma_start3A_220] : memref<80x128xi32, #tpu.memory_space<vmem>> -> memref<1x128xi32, #tpu.memory_space<vmem>>
      %dma_start3A_222 = tpu.memref_squeeze %dma_start3A_221 : memref<1x128xi32, #tpu.memory_space<vmem>> -> memref<128xi32, #tpu.memory_space<vmem>>
      %dma_start3A_223 = arith.constant 0 : i32
      %dma_start3A_224 = arith.constant 0 : i32
      %dma_start3A_225 = tpu.memref_slice %arg8[%dma_start3A_223, %dma_start3A_224] : memref<10240x64xbf16, #tpu.memory_space<vmem_shared>> -> memref<10240x64xbf16, #tpu.memory_space<vmem_shared>>
      tpu.enqueue_indirect_dma source(%arg13 : memref<128x64xbf16, #tpu.memory_space<vmem>>) target(%dma_start3A_225 : memref<10240x64xbf16, #tpu.memory_space<vmem_shared>>) offsets(%dma_start3A_222 : memref<128xi32, #tpu.memory_space<vmem>>) semaphore(%arg29 : memref<!tpu.dma_semaphore, #tpu.memory_space<semaphore_mem>>) {add = true}
      %add3A_226 = arith.constant 5 : i32
      %add3A_227 = arith.addi %mul3A_145, %add3A_226 : i32
      %dma_wait3A_228 = arith.constant 0 : i32
      %dma_wait3A_229 = tpu.memref_slice %arg6[%add3A_227, %dma_wait3A_228] : memref<80x128xi32, #tpu.memory_space<vmem>> -> memref<1x128xi32, #tpu.memory_space<vmem>>
      %dma_wait3A_230 = tpu.memref_squeeze %dma_wait3A_229 : memref<1x128xi32, #tpu.memory_space<vmem>> -> memref<128xi32, #tpu.memory_space<vmem>>
      %dma_wait3A_231 = arith.constant 0 : i32
      %dma_wait3A_232 = arith.constant 0 : i32
      %dma_wait3A_233 = tpu.memref_slice %arg2[%dma_wait3A_231, %dma_wait3A_232] : memref<20000x64xbf16, #tpu.memory_space<hbm>> -> memref<20000x64xbf16, #tpu.memory_space<hbm>>
      tpu.wait_indirect_dma semaphore(%arg22 : memref<!tpu.dma_semaphore, #tpu.memory_space<semaphore_mem>>) src(%dma_wait3A_233 : memref<20000x64xbf16, #tpu.memory_space<hbm>>) dst(%arg14 : memref<128x64xbf16, #tpu.memory_space<vmem>>)
      %add3A_234 = arith.constant 5 : i32
      %add3A_235 = arith.addi %mul3A_145, %add3A_234 : i32
      %dma_start3A_236 = arith.constant 0 : i32
      %dma_start3A_237 = tpu.memref_slice %arg7[%add3A_235, %dma_start3A_236] : memref<80x128xi32, #tpu.memory_space<vmem>> -> memref<1x128xi32, #tpu.memory_space<vmem>>
      %dma_start3A_238 = tpu.memref_squeeze %dma_start3A_237 : memref<1x128xi32, #tpu.memory_space<vmem>> -> memref<128xi32, #tpu.memory_space<vmem>>
      %dma_start3A_239 = arith.constant 0 : i32
      %dma_start3A_240 = arith.constant 0 : i32
      %dma_start3A_241 = tpu.memref_slice %arg8[%dma_start3A_239, %dma_start3A_240] : memref<10240x64xbf16, #tpu.memory_space<vmem_shared>> -> memref<10240x64xbf16, #tpu.memory_space<vmem_shared>>
      tpu.enqueue_indirect_dma source(%arg14 : memref<128x64xbf16, #tpu.memory_space<vmem>>) target(%dma_start3A_241 : memref<10240x64xbf16, #tpu.memory_space<vmem_shared>>) offsets(%dma_start3A_238 : memref<128xi32, #tpu.memory_space<vmem>>) semaphore(%arg30 : memref<!tpu.dma_semaphore, #tpu.memory_space<semaphore_mem>>) {add = true}
      %add3A_242 = arith.constant 6 : i32
      %add3A_243 = arith.addi %mul3A_145, %add3A_242 : i32
      %dma_wait3A_244 = arith.constant 0 : i32
      %dma_wait3A_245 = tpu.memref_slice %arg6[%add3A_243, %dma_wait3A_244] : memref<80x128xi32, #tpu.memory_space<vmem>> -> memref<1x128xi32, #tpu.memory_space<vmem>>
      %dma_wait3A_246 = tpu.memref_squeeze %dma_wait3A_245 : memref<1x128xi32, #tpu.memory_space<vmem>> -> memref<128xi32, #tpu.memory_space<vmem>>
      %dma_wait3A_247 = arith.constant 0 : i32
      %dma_wait3A_248 = arith.constant 0 : i32
      %dma_wait3A_249 = tpu.memref_slice %arg2[%dma_wait3A_247, %dma_wait3A_248] : memref<20000x64xbf16, #tpu.memory_space<hbm>> -> memref<20000x64xbf16, #tpu.memory_space<hbm>>
      tpu.wait_indirect_dma semaphore(%arg23 : memref<!tpu.dma_semaphore, #tpu.memory_space<semaphore_mem>>) src(%dma_wait3A_249 : memref<20000x64xbf16, #tpu.memory_space<hbm>>) dst(%arg15 : memref<128x64xbf16, #tpu.memory_space<vmem>>)
      %add3A_250 = arith.constant 6 : i32
      %add3A_251 = arith.addi %mul3A_145, %add3A_250 : i32
      %dma_start3A_252 = arith.constant 0 : i32
      %dma_start3A_253 = tpu.memref_slice %arg7[%add3A_251, %dma_start3A_252] : memref<80x128xi32, #tpu.memory_space<vmem>> -> memref<1x128xi32, #tpu.memory_space<vmem>>
      %dma_start3A_254 = tpu.memref_squeeze %dma_start3A_253 : memref<1x128xi32, #tpu.memory_space<vmem>> -> memref<128xi32, #tpu.memory_space<vmem>>
      %dma_start3A_255 = arith.constant 0 : i32
      %dma_start3A_256 = arith.constant 0 : i32
      %dma_start3A_257 = tpu.memref_slice %arg8[%dma_start3A_255, %dma_start3A_256] : memref<10240x64xbf16, #tpu.memory_space<vmem_shared>> -> memref<10240x64xbf16, #tpu.memory_space<vmem_shared>>
      tpu.enqueue_indirect_dma source(%arg15 : memref<128x64xbf16, #tpu.memory_space<vmem>>) target(%dma_start3A_257 : memref<10240x64xbf16, #tpu.memory_space<vmem_shared>>) offsets(%dma_start3A_254 : memref<128xi32, #tpu.memory_space<vmem>>) semaphore(%arg31 : memref<!tpu.dma_semaphore, #tpu.memory_space<semaphore_mem>>) {add = true}
      %add3A_258 = arith.constant 7 : i32
      %add3A_259 = arith.addi %mul3A_145, %add3A_258 : i32
      %dma_wait3A_260 = arith.constant 0 : i32
      %dma_wait3A_261 = tpu.memref_slice %arg6[%add3A_259, %dma_wait3A_260] : memref<80x128xi32, #tpu.memory_space<vmem>> -> memref<1x128xi32, #tpu.memory_space<vmem>>
      %dma_wait3A_262 = tpu.memref_squeeze %dma_wait3A_261 : memref<1x128xi32, #tpu.memory_space<vmem>> -> memref<128xi32, #tpu.memory_space<vmem>>
      %dma_wait3A_263 = arith.constant 0 : i32
      %dma_wait3A_264 = arith.constant 0 : i32
      %dma_wait3A_265 = tpu.memref_slice %arg2[%dma_wait3A_263, %dma_wait3A_264] : memref<20000x64xbf16, #tpu.memory_space<hbm>> -> memref<20000x64xbf16, #tpu.memory_space<hbm>>
      tpu.wait_indirect_dma semaphore(%arg24 : memref<!tpu.dma_semaphore, #tpu.memory_space<semaphore_mem>>) src(%dma_wait3A_265 : memref<20000x64xbf16, #tpu.memory_space<hbm>>) dst(%arg16 : memref<128x64xbf16, #tpu.memory_space<vmem>>)
      %add3A_266 = arith.constant 7 : i32
      %add3A_267 = arith.addi %mul3A_145, %add3A_266 : i32
      %dma_start3A_268 = arith.constant 0 : i32
      %dma_start3A_269 = tpu.memref_slice %arg7[%add3A_267, %dma_start3A_268] : memref<80x128xi32, #tpu.memory_space<vmem>> -> memref<1x128xi32, #tpu.memory_space<vmem>>
      %dma_start3A_270 = tpu.memref_squeeze %dma_start3A_269 : memref<1x128xi32, #tpu.memory_space<vmem>> -> memref<128xi32, #tpu.memory_space<vmem>>
      %dma_start3A_271 = arith.constant 0 : i32
      %dma_start3A_272 = arith.constant 0 : i32
      %dma_start3A_273 = tpu.memref_slice %arg8[%dma_start3A_271, %dma_start3A_272] : memref<10240x64xbf16, #tpu.memory_space<vmem_shared>> -> memref<10240x64xbf16, #tpu.memory_space<vmem_shared>>
      tpu.enqueue_indirect_dma source(%arg16 : memref<128x64xbf16, #tpu.memory_space<vmem>>) target(%dma_start3A_273 : memref<10240x64xbf16, #tpu.memory_space<vmem_shared>>) offsets(%dma_start3A_270 : memref<128xi32, #tpu.memory_space<vmem>>) semaphore(%arg32 : memref<!tpu.dma_semaphore, #tpu.memory_space<semaphore_mem>>) {add = true}
      %add3A_274 = arith.constant 1 : i32
      %add3A_275 = arith.addi %scan3A_142, %add3A_274 : i32
      %lt3A = arith.constant 10 : i32
      %lt3A_276 = arith.cmpi slt, %add3A_275, %lt3A : i32
      %convert_element_type3A = arith.extui %lt3A_276 : i1 to i32
      %cond3A = arith.constant 0 : i32
      %cond3A_277 = arith.cmpi ne, %convert_element_type3A, %cond3A : i32
      scf.if %cond3A_277 {
        %add3A_279 = arith.constant 0 : i32
        %add3A_280 = arith.addi %mul3A_145, %add3A_279 : i32
        %dma_wait3A_281 = arith.constant 0 : i32
        %dma_wait3A_282 = tpu.memref_slice %arg7[%add3A_280, %dma_wait3A_281] : memref<80x128xi32, #tpu.memory_space<vmem>> -> memref<1x128xi32, #tpu.memory_space<vmem>>
        %dma_wait3A_283 = tpu.memref_squeeze %dma_wait3A_282 : memref<1x128xi32, #tpu.memory_space<vmem>> -> memref<128xi32, #tpu.memory_space<vmem>>
        %dma_wait3A_284 = arith.constant 0 : i32
        %dma_wait3A_285 = arith.constant 0 : i32
        %dma_wait3A_286 = tpu.memref_slice %arg8[%dma_wait3A_284, %dma_wait3A_285] : memref<10240x64xbf16, #tpu.memory_space<vmem_shared>> -> memref<10240x64xbf16, #tpu.memory_space<vmem_shared>>
        tpu.wait_indirect_dma semaphore(%arg25 : memref<!tpu.dma_semaphore, #tpu.memory_space<semaphore_mem>>) src(%arg9 : memref<128x64xbf16, #tpu.memory_space<vmem>>) dst(%dma_wait3A_286 : memref<10240x64xbf16, #tpu.memory_space<vmem_shared>>)
        %add3A_287 = arith.constant 8 : i32
        %add3A_288 = arith.addi %mul3A_145, %add3A_287 : i32
        %add3A_289 = arith.constant 0 : i32
        %add3A_290 = arith.addi %add3A_288, %add3A_289 : i32
        %dma_start3A_291 = arith.constant 0 : i32
        %dma_start3A_292 = tpu.memref_slice %arg6[%add3A_290, %dma_start3A_291] : memref<80x128xi32, #tpu.memory_space<vmem>> -> memref<1x128xi32, #tpu.memory_space<vmem>>
        %dma_start3A_293 = tpu.memref_squeeze %dma_start3A_292 : memref<1x128xi32, #tpu.memory_space<vmem>> -> memref<128xi32, #tpu.memory_space<vmem>>
        %dma_start3A_294 = arith.constant 0 : i32
        %dma_start3A_295 = arith.constant 0 : i32
        %dma_start3A_296 = tpu.memref_slice %arg2[%dma_start3A_294, %dma_start3A_295] : memref<20000x64xbf16, #tpu.memory_space<hbm>> -> memref<20000x64xbf16, #tpu.memory_space<hbm>>
        tpu.enqueue_indirect_dma source(%dma_start3A_296 : memref<20000x64xbf16, #tpu.memory_space<hbm>>) target(%arg9 : memref<128x64xbf16, #tpu.memory_space<vmem>>) offsets(%dma_start3A_293 : memref<128xi32, #tpu.memory_space<vmem>>) semaphore(%arg17 : memref<!tpu.dma_semaphore, #tpu.memory_space<semaphore_mem>>)
        %add3A_297 = arith.constant 1 : i32
        %add3A_298 = arith.addi %mul3A_145, %add3A_297 : i32
        %dma_wait3A_299 = arith.constant 0 : i32
        %dma_wait3A_300 = tpu.memref_slice %arg7[%add3A_298, %dma_wait3A_299] : memref<80x128xi32, #tpu.memory_space<vmem>> -> memref<1x128xi32, #tpu.memory_space<vmem>>
        %dma_wait3A_301 = tpu.memref_squeeze %dma_wait3A_300 : memref<1x128xi32, #tpu.memory_space<vmem>> -> memref<128xi32, #tpu.memory_space<vmem>>
        %dma_wait3A_302 = arith.constant 0 : i32
        %dma_wait3A_303 = arith.constant 0 : i32
        %dma_wait3A_304 = tpu.memref_slice %arg8[%dma_wait3A_302, %dma_wait3A_303] : memref<10240x64xbf16, #tpu.memory_space<vmem_shared>> -> memref<10240x64xbf16, #tpu.memory_space<vmem_shared>>
        tpu.wait_indirect_dma semaphore(%arg26 : memref<!tpu.dma_semaphore, #tpu.memory_space<semaphore_mem>>) src(%arg10 : memref<128x64xbf16, #tpu.memory_space<vmem>>) dst(%dma_wait3A_304 : memref<10240x64xbf16, #tpu.memory_space<vmem_shared>>)
        %add3A_305 = arith.constant 8 : i32
        %add3A_306 = arith.addi %mul3A_145, %add3A_305 : i32
        %add3A_307 = arith.constant 1 : i32
        %add3A_308 = arith.addi %add3A_306, %add3A_307 : i32
        %dma_start3A_309 = arith.constant 0 : i32
        %dma_start3A_310 = tpu.memref_slice %arg6[%add3A_308, %dma_start3A_309] : memref<80x128xi32, #tpu.memory_space<vmem>> -> memref<1x128xi32, #tpu.memory_space<vmem>>
        %dma_start3A_311 = tpu.memref_squeeze %dma_start3A_310 : memref<1x128xi32, #tpu.memory_space<vmem>> -> memref<128xi32, #tpu.memory_space<vmem>>
        %dma_start3A_312 = arith.constant 0 : i32
        %dma_start3A_313 = arith.constant 0 : i32
        %dma_start3A_314 = tpu.memref_slice %arg2[%dma_start3A_312, %dma_start3A_313] : memref<20000x64xbf16, #tpu.memory_space<hbm>> -> memref<20000x64xbf16, #tpu.memory_space<hbm>>
        tpu.enqueue_indirect_dma source(%dma_start3A_314 : memref<20000x64xbf16, #tpu.memory_space<hbm>>) target(%arg10 : memref<128x64xbf16, #tpu.memory_space<vmem>>) offsets(%dma_start3A_311 : memref<128xi32, #tpu.memory_space<vmem>>) semaphore(%arg18 : memref<!tpu.dma_semaphore, #tpu.memory_space<semaphore_mem>>)
        %add3A_315 = arith.constant 2 : i32
        %add3A_316 = arith.addi %mul3A_145, %add3A_315 : i32
        %dma_wait3A_317 = arith.constant 0 : i32
        %dma_wait3A_318 = tpu.memref_slice %arg7[%add3A_316, %dma_wait3A_317] : memref<80x128xi32, #tpu.memory_space<vmem>> -> memref<1x128xi32, #tpu.memory_space<vmem>>
        %dma_wait3A_319 = tpu.memref_squeeze %dma_wait3A_318 : memref<1x128xi32, #tpu.memory_space<vmem>> -> memref<128xi32, #tpu.memory_space<vmem>>
        %dma_wait3A_320 = arith.constant 0 : i32
        %dma_wait3A_321 = arith.constant 0 : i32
        %dma_wait3A_322 = tpu.memref_slice %arg8[%dma_wait3A_320, %dma_wait3A_321] : memref<10240x64xbf16, #tpu.memory_space<vmem_shared>> -> memref<10240x64xbf16, #tpu.memory_space<vmem_shared>>
        tpu.wait_indirect_dma semaphore(%arg27 : memref<!tpu.dma_semaphore, #tpu.memory_space<semaphore_mem>>) src(%arg11 : memref<128x64xbf16, #tpu.memory_space<vmem>>) dst(%dma_wait3A_322 : memref<10240x64xbf16, #tpu.memory_space<vmem_shared>>)
        %add3A_323 = arith.constant 8 : i32
        %add3A_324 = arith.addi %mul3A_145, %add3A_323 : i32
        %add3A_325 = arith.constant 2 : i32
        %add3A_326 = arith.addi %add3A_324, %add3A_325 : i32
        %dma_start3A_327 = arith.constant 0 : i32
        %dma_start3A_328 = tpu.memref_slice %arg6[%add3A_326, %dma_start3A_327] : memref<80x128xi32, #tpu.memory_space<vmem>> -> memref<1x128xi32, #tpu.memory_space<vmem>>
        %dma_start3A_329 = tpu.memref_squeeze %dma_start3A_328 : memref<1x128xi32, #tpu.memory_space<vmem>> -> memref<128xi32, #tpu.memory_space<vmem>>
        %dma_start3A_330 = arith.constant 0 : i32
        %dma_start3A_331 = arith.constant 0 : i32
        %dma_start3A_332 = tpu.memref_slice %arg2[%dma_start3A_330, %dma_start3A_331] : memref<20000x64xbf16, #tpu.memory_space<hbm>> -> memref<20000x64xbf16, #tpu.memory_space<hbm>>
        tpu.enqueue_indirect_dma source(%dma_start3A_332 : memref<20000x64xbf16, #tpu.memory_space<hbm>>) target(%arg11 : memref<128x64xbf16, #tpu.memory_space<vmem>>) offsets(%dma_start3A_329 : memref<128xi32, #tpu.memory_space<vmem>>) semaphore(%arg19 : memref<!tpu.dma_semaphore, #tpu.memory_space<semaphore_mem>>)
        %add3A_333 = arith.constant 3 : i32
        %add3A_334 = arith.addi %mul3A_145, %add3A_333 : i32
        %dma_wait3A_335 = arith.constant 0 : i32
        %dma_wait3A_336 = tpu.memref_slice %arg7[%add3A_334, %dma_wait3A_335] : memref<80x128xi32, #tpu.memory_space<vmem>> -> memref<1x128xi32, #tpu.memory_space<vmem>>
        %dma_wait3A_337 = tpu.memref_squeeze %dma_wait3A_336 : memref<1x128xi32, #tpu.memory_space<vmem>> -> memref<128xi32, #tpu.memory_space<vmem>>
        %dma_wait3A_338 = arith.constant 0 : i32
        %dma_wait3A_339 = arith.constant 0 : i32
        %dma_wait3A_340 = tpu.memref_slice %arg8[%dma_wait3A_338, %dma_wait3A_339] : memref<10240x64xbf16, #tpu.memory_space<vmem_shared>> -> memref<10240x64xbf16, #tpu.memory_space<vmem_shared>>
        tpu.wait_indirect_dma semaphore(%arg28 : memref<!tpu.dma_semaphore, #tpu.memory_space<semaphore_mem>>) src(%arg12 : memref<128x64xbf16, #tpu.memory_space<vmem>>) dst(%dma_wait3A_340 : memref<10240x64xbf16, #tpu.memory_space<vmem_shared>>)
        %add3A_341 = arith.constant 8 : i32
        %add3A_342 = arith.addi %mul3A_145, %add3A_341 : i32
        %add3A_343 = arith.constant 3 : i32
        %add3A_344 = arith.addi %add3A_342, %add3A_343 : i32
        %dma_start3A_345 = arith.constant 0 : i32
        %dma_start3A_346 = tpu.memref_slice %arg6[%add3A_344, %dma_start3A_345] : memref<80x128xi32, #tpu.memory_space<vmem>> -> memref<1x128xi32, #tpu.memory_space<vmem>>
        %dma_start3A_347 = tpu.memref_squeeze %dma_start3A_346 : memref<1x128xi32, #tpu.memory_space<vmem>> -> memref<128xi32, #tpu.memory_space<vmem>>
        %dma_start3A_348 = arith.constant 0 : i32
        %dma_start3A_349 = arith.constant 0 : i32
        %dma_start3A_350 = tpu.memref_slice %arg2[%dma_start3A_348, %dma_start3A_349] : memref<20000x64xbf16, #tpu.memory_space<hbm>> -> memref<20000x64xbf16, #tpu.memory_space<hbm>>
        tpu.enqueue_indirect_dma source(%dma_start3A_350 : memref<20000x64xbf16, #tpu.memory_space<hbm>>) target(%arg12 : memref<128x64xbf16, #tpu.memory_space<vmem>>) offsets(%dma_start3A_347 : memref<128xi32, #tpu.memory_space<vmem>>) semaphore(%arg20 : memref<!tpu.dma_semaphore, #tpu.memory_space<semaphore_mem>>)
        %add3A_351 = arith.constant 4 : i32
        %add3A_352 = arith.addi %mul3A_145, %add3A_351 : i32
        %dma_wait3A_353 = arith.constant 0 : i32
        %dma_wait3A_354 = tpu.memref_slice %arg7[%add3A_352, %dma_wait3A_353] : memref<80x128xi32, #tpu.memory_space<vmem>> -> memref<1x128xi32, #tpu.memory_space<vmem>>
        %dma_wait3A_355 = tpu.memref_squeeze %dma_wait3A_354 : memref<1x128xi32, #tpu.memory_space<vmem>> -> memref<128xi32, #tpu.memory_space<vmem>>
        %dma_wait3A_356 = arith.constant 0 : i32
        %dma_wait3A_357 = arith.constant 0 : i32
        %dma_wait3A_358 = tpu.memref_slice %arg8[%dma_wait3A_356, %dma_wait3A_357] : memref<10240x64xbf16, #tpu.memory_space<vmem_shared>> -> memref<10240x64xbf16, #tpu.memory_space<vmem_shared>>
        tpu.wait_indirect_dma semaphore(%arg29 : memref<!tpu.dma_semaphore, #tpu.memory_space<semaphore_mem>>) src(%arg13 : memref<128x64xbf16, #tpu.memory_space<vmem>>) dst(%dma_wait3A_358 : memref<10240x64xbf16, #tpu.memory_space<vmem_shared>>)
        %add3A_359 = arith.constant 8 : i32
        %add3A_360 = arith.addi %mul3A_145, %add3A_359 : i32
        %add3A_361 = arith.constant 4 : i32
        %add3A_362 = arith.addi %add3A_360, %add3A_361 : i32
        %dma_start3A_363 = arith.constant 0 : i32
        %dma_start3A_364 = tpu.memref_slice %arg6[%add3A_362, %dma_start3A_363] : memref<80x128xi32, #tpu.memory_space<vmem>> -> memref<1x128xi32, #tpu.memory_space<vmem>>
        %dma_start3A_365 = tpu.memref_squeeze %dma_start3A_364 : memref<1x128xi32, #tpu.memory_space<vmem>> -> memref<128xi32, #tpu.memory_space<vmem>>
        %dma_start3A_366 = arith.constant 0 : i32
        %dma_start3A_367 = arith.constant 0 : i32
        %dma_start3A_368 = tpu.memref_slice %arg2[%dma_start3A_366, %dma_start3A_367] : memref<20000x64xbf16, #tpu.memory_space<hbm>> -> memref<20000x64xbf16, #tpu.memory_space<hbm>>
        tpu.enqueue_indirect_dma source(%dma_start3A_368 : memref<20000x64xbf16, #tpu.memory_space<hbm>>) target(%arg13 : memref<128x64xbf16, #tpu.memory_space<vmem>>) offsets(%dma_start3A_365 : memref<128xi32, #tpu.memory_space<vmem>>) semaphore(%arg21 : memref<!tpu.dma_semaphore, #tpu.memory_space<semaphore_mem>>)
        %add3A_369 = arith.constant 5 : i32
        %add3A_370 = arith.addi %mul3A_145, %add3A_369 : i32
        %dma_wait3A_371 = arith.constant 0 : i32
        %dma_wait3A_372 = tpu.memref_slice %arg7[%add3A_370, %dma_wait3A_371] : memref<80x128xi32, #tpu.memory_space<vmem>> -> memref<1x128xi32, #tpu.memory_space<vmem>>
        %dma_wait3A_373 = tpu.memref_squeeze %dma_wait3A_372 : memref<1x128xi32, #tpu.memory_space<vmem>> -> memref<128xi32, #tpu.memory_space<vmem>>
        %dma_wait3A_374 = arith.constant 0 : i32
        %dma_wait3A_375 = arith.constant 0 : i32
        %dma_wait3A_376 = tpu.memref_slice %arg8[%dma_wait3A_374, %dma_wait3A_375] : memref<10240x64xbf16, #tpu.memory_space<vmem_shared>> -> memref<10240x64xbf16, #tpu.memory_space<vmem_shared>>
        tpu.wait_indirect_dma semaphore(%arg30 : memref<!tpu.dma_semaphore, #tpu.memory_space<semaphore_mem>>) src(%arg14 : memref<128x64xbf16, #tpu.memory_space<vmem>>) dst(%dma_wait3A_376 : memref<10240x64xbf16, #tpu.memory_space<vmem_shared>>)
        %add3A_377 = arith.constant 8 : i32
        %add3A_378 = arith.addi %mul3A_145, %add3A_377 : i32
        %add3A_379 = arith.constant 5 : i32
        %add3A_380 = arith.addi %add3A_378, %add3A_379 : i32
        %dma_start3A_381 = arith.constant 0 : i32
        %dma_start3A_382 = tpu.memref_slice %arg6[%add3A_380, %dma_start3A_381] : memref<80x128xi32, #tpu.memory_space<vmem>> -> memref<1x128xi32, #tpu.memory_space<vmem>>
        %dma_start3A_383 = tpu.memref_squeeze %dma_start3A_382 : memref<1x128xi32, #tpu.memory_space<vmem>> -> memref<128xi32, #tpu.memory_space<vmem>>
        %dma_start3A_384 = arith.constant 0 : i32
        %dma_start3A_385 = arith.constant 0 : i32
        %dma_start3A_386 = tpu.memref_slice %arg2[%dma_start3A_384, %dma_start3A_385] : memref<20000x64xbf16, #tpu.memory_space<hbm>> -> memref<20000x64xbf16, #tpu.memory_space<hbm>>
        tpu.enqueue_indirect_dma source(%dma_start3A_386 : memref<20000x64xbf16, #tpu.memory_space<hbm>>) target(%arg14 : memref<128x64xbf16, #tpu.memory_space<vmem>>) offsets(%dma_start3A_383 : memref<128xi32, #tpu.memory_space<vmem>>) semaphore(%arg22 : memref<!tpu.dma_semaphore, #tpu.memory_space<semaphore_mem>>)
        %add3A_387 = arith.constant 6 : i32
        %add3A_388 = arith.addi %mul3A_145, %add3A_387 : i32
        %dma_wait3A_389 = arith.constant 0 : i32
        %dma_wait3A_390 = tpu.memref_slice %arg7[%add3A_388, %dma_wait3A_389] : memref<80x128xi32, #tpu.memory_space<vmem>> -> memref<1x128xi32, #tpu.memory_space<vmem>>
        %dma_wait3A_391 = tpu.memref_squeeze %dma_wait3A_390 : memref<1x128xi32, #tpu.memory_space<vmem>> -> memref<128xi32, #tpu.memory_space<vmem>>
        %dma_wait3A_392 = arith.constant 0 : i32
        %dma_wait3A_393 = arith.constant 0 : i32
        %dma_wait3A_394 = tpu.memref_slice %arg8[%dma_wait3A_392, %dma_wait3A_393] : memref<10240x64xbf16, #tpu.memory_space<vmem_shared>> -> memref<10240x64xbf16, #tpu.memory_space<vmem_shared>>
        tpu.wait_indirect_dma semaphore(%arg31 : memref<!tpu.dma_semaphore, #tpu.memory_space<semaphore_mem>>) src(%arg15 : memref<128x64xbf16, #tpu.memory_space<vmem>>) dst(%dma_wait3A_394 : memref<10240x64xbf16, #tpu.memory_space<vmem_shared>>)
        %add3A_395 = arith.constant 8 : i32
        %add3A_396 = arith.addi %mul3A_145, %add3A_395 : i32
        %add3A_397 = arith.constant 6 : i32
        %add3A_398 = arith.addi %add3A_396, %add3A_397 : i32
        %dma_start3A_399 = arith.constant 0 : i32
        %dma_start3A_400 = tpu.memref_slice %arg6[%add3A_398, %dma_start3A_399] : memref<80x128xi32, #tpu.memory_space<vmem>> -> memref<1x128xi32, #tpu.memory_space<vmem>>
        %dma_start3A_401 = tpu.memref_squeeze %dma_start3A_400 : memref<1x128xi32, #tpu.memory_space<vmem>> -> memref<128xi32, #tpu.memory_space<vmem>>
        %dma_start3A_402 = arith.constant 0 : i32
        %dma_start3A_403 = arith.constant 0 : i32
        %dma_start3A_404 = tpu.memref_slice %arg2[%dma_start3A_402, %dma_start3A_403] : memref<20000x64xbf16, #tpu.memory_space<hbm>> -> memref<20000x64xbf16, #tpu.memory_space<hbm>>
        tpu.enqueue_indirect_dma source(%dma_start3A_404 : memref<20000x64xbf16, #tpu.memory_space<hbm>>) target(%arg15 : memref<128x64xbf16, #tpu.memory_space<vmem>>) offsets(%dma_start3A_401 : memref<128xi32, #tpu.memory_space<vmem>>) semaphore(%arg23 : memref<!tpu.dma_semaphore, #tpu.memory_space<semaphore_mem>>)
        %add3A_405 = arith.constant 7 : i32
        %add3A_406 = arith.addi %mul3A_145, %add3A_405 : i32
        %dma_wait3A_407 = arith.constant 0 : i32
        %dma_wait3A_408 = tpu.memref_slice %arg7[%add3A_406, %dma_wait3A_407] : memref<80x128xi32, #tpu.memory_space<vmem>> -> memref<1x128xi32, #tpu.memory_space<vmem>>
        %dma_wait3A_409 = tpu.memref_squeeze %dma_wait3A_408 : memref<1x128xi32, #tpu.memory_space<vmem>> -> memref<128xi32, #tpu.memory_space<vmem>>
        %dma_wait3A_410 = arith.constant 0 : i32
        %dma_wait3A_411 = arith.constant 0 : i32
        %dma_wait3A_412 = tpu.memref_slice %arg8[%dma_wait3A_410, %dma_wait3A_411] : memref<10240x64xbf16, #tpu.memory_space<vmem_shared>> -> memref<10240x64xbf16, #tpu.memory_space<vmem_shared>>
        tpu.wait_indirect_dma semaphore(%arg32 : memref<!tpu.dma_semaphore, #tpu.memory_space<semaphore_mem>>) src(%arg16 : memref<128x64xbf16, #tpu.memory_space<vmem>>) dst(%dma_wait3A_412 : memref<10240x64xbf16, #tpu.memory_space<vmem_shared>>)
        %add3A_413 = arith.constant 8 : i32
        %add3A_414 = arith.addi %mul3A_145, %add3A_413 : i32
        %add3A_415 = arith.constant 7 : i32
        %add3A_416 = arith.addi %add3A_414, %add3A_415 : i32
        %dma_start3A_417 = arith.constant 0 : i32
        %dma_start3A_418 = tpu.memref_slice %arg6[%add3A_416, %dma_start3A_417] : memref<80x128xi32, #tpu.memory_space<vmem>> -> memref<1x128xi32, #tpu.memory_space<vmem>>
        %dma_start3A_419 = tpu.memref_squeeze %dma_start3A_418 : memref<1x128xi32, #tpu.memory_space<vmem>> -> memref<128xi32, #tpu.memory_space<vmem>>
        %dma_start3A_420 = arith.constant 0 : i32
        %dma_start3A_421 = arith.constant 0 : i32
        %dma_start3A_422 = tpu.memref_slice %arg2[%dma_start3A_420, %dma_start3A_421] : memref<20000x64xbf16, #tpu.memory_space<hbm>> -> memref<20000x64xbf16, #tpu.memory_space<hbm>>
        tpu.enqueue_indirect_dma source(%dma_start3A_422 : memref<20000x64xbf16, #tpu.memory_space<hbm>>) target(%arg16 : memref<128x64xbf16, #tpu.memory_space<vmem>>) offsets(%dma_start3A_419 : memref<128xi32, #tpu.memory_space<vmem>>) semaphore(%arg24 : memref<!tpu.dma_semaphore, #tpu.memory_space<semaphore_mem>>)
      } else {
      }
      %scan3A_278 = arith.constant 0 : i32
      scf.yield %scan3A_278 : i32
    }
    %scan3A_80 = arith.constant 10 : i32
    %dma_wait3A = arith.constant 72 : i32
    %dma_wait3A_81 = arith.constant 0 : i32
    %dma_wait3A_82 = tpu.memref_slice %arg7[%dma_wait3A, %dma_wait3A_81] : memref<80x128xi32, #tpu.memory_space<vmem>> -> memref<1x128xi32, #tpu.memory_space<vmem>>
    %dma_wait3A_83 = tpu.memref_squeeze %dma_wait3A_82 : memref<1x128xi32, #tpu.memory_space<vmem>> -> memref<128xi32, #tpu.memory_space<vmem>>
    %dma_wait3A_84 = arith.constant 0 : i32
    %dma_wait3A_85 = arith.constant 0 : i32
    %dma_wait3A_86 = tpu.memref_slice %arg8[%dma_wait3A_84, %dma_wait3A_85] : memref<10240x64xbf16, #tpu.memory_space<vmem_shared>> -> memref<10240x64xbf16, #tpu.memory_space<vmem_shared>>
    tpu.wait_indirect_dma semaphore(%arg25 : memref<!tpu.dma_semaphore, #tpu.memory_space<semaphore_mem>>) src(%arg9 : memref<128x64xbf16, #tpu.memory_space<vmem>>) dst(%dma_wait3A_86 : memref<10240x64xbf16, #tpu.memory_space<vmem_shared>>)
    %dma_wait3A_87 = arith.constant 73 : i32
    %dma_wait3A_88 = arith.constant 0 : i32
    %dma_wait3A_89 = tpu.memref_slice %arg7[%dma_wait3A_87, %dma_wait3A_88] : memref<80x128xi32, #tpu.memory_space<vmem>> -> memref<1x128xi32, #tpu.memory_space<vmem>>
    %dma_wait3A_90 = tpu.memref_squeeze %dma_wait3A_89 : memref<1x128xi32, #tpu.memory_space<vmem>> -> memref<128xi32, #tpu.memory_space<vmem>>
    %dma_wait3A_91 = arith.constant 0 : i32
    %dma_wait3A_92 = arith.constant 0 : i32
    %dma_wait3A_93 = tpu.memref_slice %arg8[%dma_wait3A_91, %dma_wait3A_92] : memref<10240x64xbf16, #tpu.memory_space<vmem_shared>> -> memref<10240x64xbf16, #tpu.memory_space<vmem_shared>>
    tpu.wait_indirect_dma semaphore(%arg26 : memref<!tpu.dma_semaphore, #tpu.memory_space<semaphore_mem>>) src(%arg10 : memref<128x64xbf16, #tpu.memory_space<vmem>>) dst(%dma_wait3A_93 : memref<10240x64xbf16, #tpu.memory_space<vmem_shared>>)
    %dma_wait3A_94 = arith.constant 74 : i32
    %dma_wait3A_95 = arith.constant 0 : i32
    %dma_wait3A_96 = tpu.memref_slice %arg7[%dma_wait3A_94, %dma_wait3A_95] : memref<80x128xi32, #tpu.memory_space<vmem>> -> memref<1x128xi32, #tpu.memory_space<vmem>>
    %dma_wait3A_97 = tpu.memref_squeeze %dma_wait3A_96 : memref<1x128xi32, #tpu.memory_space<vmem>> -> memref<128xi32, #tpu.memory_space<vmem>>
    %dma_wait3A_98 = arith.constant 0 : i32
    %dma_wait3A_99 = arith.constant 0 : i32
    %dma_wait3A_100 = tpu.memref_slice %arg8[%dma_wait3A_98, %dma_wait3A_99] : memref<10240x64xbf16, #tpu.memory_space<vmem_shared>> -> memref<10240x64xbf16, #tpu.memory_space<vmem_shared>>
    tpu.wait_indirect_dma semaphore(%arg27 : memref<!tpu.dma_semaphore, #tpu.memory_space<semaphore_mem>>) src(%arg11 : memref<128x64xbf16, #tpu.memory_space<vmem>>) dst(%dma_wait3A_100 : memref<10240x64xbf16, #tpu.memory_space<vmem_shared>>)
    %dma_wait3A_101 = arith.constant 75 : i32
    %dma_wait3A_102 = arith.constant 0 : i32
    %dma_wait3A_103 = tpu.memref_slice %arg7[%dma_wait3A_101, %dma_wait3A_102] : memref<80x128xi32, #tpu.memory_space<vmem>> -> memref<1x128xi32, #tpu.memory_space<vmem>>
    %dma_wait3A_104 = tpu.memref_squeeze %dma_wait3A_103 : memref<1x128xi32, #tpu.memory_space<vmem>> -> memref<128xi32, #tpu.memory_space<vmem>>
    %dma_wait3A_105 = arith.constant 0 : i32
    %dma_wait3A_106 = arith.constant 0 : i32
    %dma_wait3A_107 = tpu.memref_slice %arg8[%dma_wait3A_105, %dma_wait3A_106] : memref<10240x64xbf16, #tpu.memory_space<vmem_shared>> -> memref<10240x64xbf16, #tpu.memory_space<vmem_shared>>
    tpu.wait_indirect_dma semaphore(%arg28 : memref<!tpu.dma_semaphore, #tpu.memory_space<semaphore_mem>>) src(%arg12 : memref<128x64xbf16, #tpu.memory_space<vmem>>) dst(%dma_wait3A_107 : memref<10240x64xbf16, #tpu.memory_space<vmem_shared>>)
    %dma_wait3A_108 = arith.constant 76 : i32
    %dma_wait3A_109 = arith.constant 0 : i32
    %dma_wait3A_110 = tpu.memref_slice %arg7[%dma_wait3A_108, %dma_wait3A_109] : memref<80x128xi32, #tpu.memory_space<vmem>> -> memref<1x128xi32, #tpu.memory_space<vmem>>
    %dma_wait3A_111 = tpu.memref_squeeze %dma_wait3A_110 : memref<1x128xi32, #tpu.memory_space<vmem>> -> memref<128xi32, #tpu.memory_space<vmem>>
    %dma_wait3A_112 = arith.constant 0 : i32
    %dma_wait3A_113 = arith.constant 0 : i32
    %dma_wait3A_114 = tpu.memref_slice %arg8[%dma_wait3A_112, %dma_wait3A_113] : memref<10240x64xbf16, #tpu.memory_space<vmem_shared>> -> memref<10240x64xbf16, #tpu.memory_space<vmem_shared>>
    tpu.wait_indirect_dma semaphore(%arg29 : memref<!tpu.dma_semaphore, #tpu.memory_space<semaphore_mem>>) src(%arg13 : memref<128x64xbf16, #tpu.memory_space<vmem>>) dst(%dma_wait3A_114 : memref<10240x64xbf16, #tpu.memory_space<vmem_shared>>)
    %dma_wait3A_115 = arith.constant 77 : i32
    %dma_wait3A_116 = arith.constant 0 : i32
    %dma_wait3A_117 = tpu.memref_slice %arg7[%dma_wait3A_115, %dma_wait3A_116] : memref<80x128xi32, #tpu.memory_space<vmem>> -> memref<1x128xi32, #tpu.memory_space<vmem>>
    %dma_wait3A_118 = tpu.memref_squeeze %dma_wait3A_117 : memref<1x128xi32, #tpu.memory_space<vmem>> -> memref<128xi32, #tpu.memory_space<vmem>>
    %dma_wait3A_119 = arith.constant 0 : i32
    %dma_wait3A_120 = arith.constant 0 : i32
    %dma_wait3A_121 = tpu.memref_slice %arg8[%dma_wait3A_119, %dma_wait3A_120] : memref<10240x64xbf16, #tpu.memory_space<vmem_shared>> -> memref<10240x64xbf16, #tpu.memory_space<vmem_shared>>
    tpu.wait_indirect_dma semaphore(%arg30 : memref<!tpu.dma_semaphore, #tpu.memory_space<semaphore_mem>>) src(%arg14 : memref<128x64xbf16, #tpu.memory_space<vmem>>) dst(%dma_wait3A_121 : memref<10240x64xbf16, #tpu.memory_space<vmem_shared>>)
    %dma_wait3A_122 = arith.constant 78 : i32
    %dma_wait3A_123 = arith.constant 0 : i32
    %dma_wait3A_124 = tpu.memref_slice %arg7[%dma_wait3A_122, %dma_wait3A_123] : memref<80x128xi32, #tpu.memory_space<vmem>> -> memref<1x128xi32, #tpu.memory_space<vmem>>
    %dma_wait3A_125 = tpu.memref_squeeze %dma_wait3A_124 : memref<1x128xi32, #tpu.memory_space<vmem>> -> memref<128xi32, #tpu.memory_space<vmem>>
    %dma_wait3A_126 = arith.constant 0 : i32
    %dma_wait3A_127 = arith.constant 0 : i32
    %dma_wait3A_128 = tpu.memref_slice %arg8[%dma_wait3A_126, %dma_wait3A_127] : memref<10240x64xbf16, #tpu.memory_space<vmem_shared>> -> memref<10240x64xbf16, #tpu.memory_space<vmem_shared>>
    tpu.wait_indirect_dma semaphore(%arg31 : memref<!tpu.dma_semaphore, #tpu.memory_space<semaphore_mem>>) src(%arg15 : memref<128x64xbf16, #tpu.memory_space<vmem>>) dst(%dma_wait3A_128 : memref<10240x64xbf16, #tpu.memory_space<vmem_shared>>)
    %dma_wait3A_129 = arith.constant 79 : i32
    %dma_wait3A_130 = arith.constant 0 : i32
    %dma_wait3A_131 = tpu.memref_slice %arg7[%dma_wait3A_129, %dma_wait3A_130] : memref<80x128xi32, #tpu.memory_space<vmem>> -> memref<1x128xi32, #tpu.memory_space<vmem>>
    %dma_wait3A_132 = tpu.memref_squeeze %dma_wait3A_131 : memref<1x128xi32, #tpu.memory_space<vmem>> -> memref<128xi32, #tpu.memory_space<vmem>>
    %dma_wait3A_133 = arith.constant 0 : i32
    %dma_wait3A_134 = arith.constant 0 : i32
    %dma_wait3A_135 = tpu.memref_slice %arg8[%dma_wait3A_133, %dma_wait3A_134] : memref<10240x64xbf16, #tpu.memory_space<vmem_shared>> -> memref<10240x64xbf16, #tpu.memory_space<vmem_shared>>
    tpu.wait_indirect_dma semaphore(%arg32 : memref<!tpu.dma_semaphore, #tpu.memory_space<semaphore_mem>>) src(%arg16 : memref<128x64xbf16, #tpu.memory_space<vmem>>) dst(%dma_wait3A_135 : memref<10240x64xbf16, #tpu.memory_space<vmem_shared>>)
    %barrier3A_136 = arith.constant 0 : index
    tpu.barrier barrier_id(%barrier3A_136)
    %mul3A_137 = arith.constant 640 : i32
    %mul3A_138 = arith.muli %arg1, %mul3A_137 : i32
    %mul3A_139 = arith.constant 10240 : i32
    %mul3A_140 = arith.muli %arg0, %mul3A_139 : i32
    %add3A_141 = arith.addi %mul3A_140, %mul3A_138 : i32
    "tpu.region"() ({
      %run_scoped3A = tpu.sem_alloc : memref<!tpu.dma_semaphore, #tpu.memory_space<semaphore_mem>>
      %dma_start3A_142 = arith.constant 0 : i32
      %dma_start3A_143 = tpu.memref_slice %arg5[%add3A_141, %dma_start3A_142] : memref<20480x64xbf16, #tpu.memory_space<hbm>> -> memref<640x64xbf16, #tpu.memory_space<hbm>>
      %dma_start3A_144 = arith.constant 0 : i32
      %dma_start3A_145 = tpu.memref_slice %arg8[%mul3A_138, %dma_start3A_144] : memref<10240x64xbf16, #tpu.memory_space<vmem_shared>> -> memref<640x64xbf16, #tpu.memory_space<vmem_shared>>
      tpu.enqueue_dma source(%dma_start3A_145 : memref<640x64xbf16, #tpu.memory_space<vmem_shared>>) target(%dma_start3A_143 : memref<640x64xbf16, #tpu.memory_space<hbm>>) target_semaphore(%run_scoped3A : memref<!tpu.dma_semaphore, #tpu.memory_space<semaphore_mem>>)
      %dma_wait3A_146 = arith.constant 0 : i32
      %dma_wait3A_147 = tpu.memref_slice %arg5[%add3A_141, %dma_wait3A_146] : memref<20480x64xbf16, #tpu.memory_space<hbm>> -> memref<640x64xbf16, #tpu.memory_space<hbm>>
      %dma_wait3A_148 = arith.constant 0 : i32
      %dma_wait3A_149 = tpu.memref_slice %arg8[%mul3A_138, %dma_wait3A_148] : memref<10240x64xbf16, #tpu.memory_space<vmem_shared>> -> memref<640x64xbf16, #tpu.memory_space<vmem_shared>>
      tpu.wait_dma2 semaphore(%run_scoped3A : memref<!tpu.dma_semaphore, #tpu.memory_space<semaphore_mem>>) src(%dma_wait3A_149 : memref<640x64xbf16, #tpu.memory_space<vmem_shared>>) dst(%dma_wait3A_147 : memref<640x64xbf16, #tpu.memory_space<hbm>>)
      tpu.yield
    }) : () -> ()
    return
  }
}

#map = affine_map<(d0, d1) -> (0, 0)>
#map1 = affine_map<(d0, d1) -> (0, 0, 0)>
module attributes {stable_mosaic.version = 14 : i64} {
  func.func @spmv(%arg0: i32, %arg1: i32, %arg2: memref<20000x64xbf16, #tpu.memory_space<hbm>>, %arg3: memref<32x160x128xi32, #tpu.memory_space<hbm>>, %arg4: memref<32x160x128xi32, #tpu.memory_space<hbm>>, %arg5: memref<20480x64xbf16, #tpu.memory_space<hbm>>, %arg6: memref<160x128xi32, #tpu.memory_space<vmem>>, %arg7: memref<160x128xi32, #tpu.memory_space<vmem>>, %arg8: memref<10240x64xbf16, #tpu.memory_space<vmem_shared>>, %arg9: memref<128x64xbf16, #tpu.memory_space<vmem>>, %arg10: memref<128x64xbf16, #tpu.memory_space<vmem>>, %arg11: memref<128x64xbf16, #tpu.memory_space<vmem>>, %arg12: memref<128x64xbf16, #tpu.memory_space<vmem>>, %arg13: memref<128x64xbf16, #tpu.memory_space<vmem>>, %arg14: memref<128x64xbf16, #tpu.memory_space<vmem>>, %arg15: memref<128x64xbf16, #tpu.memory_space<vmem>>, %arg16: memref<128x64xbf16, #tpu.memory_space<vmem>>, %arg17: memref<!tpu.dma_semaphore, #tpu.memory_space<semaphore_mem>>, %arg18: memref<!tpu.dma_semaphore, #tpu.memory_space<semaphore_mem>>, %arg19: memref<!tpu.dma_semaphore, #tpu.memory_space<semaphore_mem>>, %arg20: memref<!tpu.dma_semaphore, #tpu.memory_space<semaphore_mem>>, %arg21: memref<!tpu.dma_semaphore, #tpu.memory_space<semaphore_mem>>, %arg22: memref<!tpu.dma_semaphore, #tpu.memory_space<semaphore_mem>>, %arg23: memref<!tpu.dma_semaphore, #tpu.memory_space<semaphore_mem>>, %arg24: memref<!tpu.dma_semaphore, #tpu.memory_space<semaphore_mem>>, %arg25: memref<!tpu.dma_semaphore, #tpu.memory_space<semaphore_mem>>, %arg26: memref<!tpu.dma_semaphore, #tpu.memory_space<semaphore_mem>>, %arg27: memref<!tpu.dma_semaphore, #tpu.memory_space<semaphore_mem>>, %arg28: memref<!tpu.dma_semaphore, #tpu.memory_space<semaphore_mem>>, %arg29: memref<!tpu.dma_semaphore, #tpu.memory_space<semaphore_mem>>, %arg30: memref<!tpu.dma_semaphore, #tpu.memory_space<semaphore_mem>>, %arg31: memref<!tpu.dma_semaphore, #tpu.memory_space<semaphore_mem>>, %arg32: memref<!tpu.dma_semaphore, #tpu.memory_space<semaphore_mem>>) attributes {dimension_semantics = [#tpu.dimension_semantics<core_parallel>, #tpu.dimension_semantics<subcore_parallel>], iteration_bounds = array<i64: 2, 16>, scalar_prefetch = 0 : i64, scratch_operands = 27 : i64, tpu.core_type = #tpu.core_type<sc_vector_subcore>, window_params = [{transform_indices = #map}, {transform_indices = #map1}, {transform_indices = #map1}, {transform_indices = #map}]} {
    %mul3A = arith.constant 16 : i32
    %mul3A_0 = arith.muli %arg0, %mul3A : i32
    %add3A = arith.addi %mul3A_0, %arg1 : i32
    "tpu.region"() ({
      %run_scoped3A = tpu.sem_alloc : memref<!tpu.dma_semaphore, #tpu.memory_space<semaphore_mem>>
      %dma_start3A_142 = arith.constant 0 : i32
      %dma_start3A_143 = arith.constant 0 : i32
      %dma_start3A_144 = tpu.memref_slice %arg3[%add3A, %dma_start3A_142, %dma_start3A_143] : memref<32x160x128xi32, #tpu.memory_space<hbm>> -> memref<1x160x128xi32, #tpu.memory_space<hbm>>
      %dma_start3A_145 = tpu.memref_squeeze %dma_start3A_144 : memref<1x160x128xi32, #tpu.memory_space<hbm>> -> memref<160x128xi32, #tpu.memory_space<hbm>>
      %dma_start3A_146 = arith.constant 0 : i32
      %dma_start3A_147 = arith.constant 0 : i32
      %dma_start3A_148 = tpu.memref_slice %arg3[%add3A, %dma_start3A_146, %dma_start3A_147] : memref<32x160x128xi32, #tpu.memory_space<hbm>> -> memref<1x160x128xi32, #tpu.memory_space<hbm>>
      %dma_start3A_149 = tpu.memref_squeeze %dma_start3A_148 : memref<1x160x128xi32, #tpu.memory_space<hbm>> -> memref<160x128xi32, #tpu.memory_space<hbm>>
      tpu.enqueue_dma source(%dma_start3A_149 : memref<160x128xi32, #tpu.memory_space<hbm>>) target(%arg6 : memref<160x128xi32, #tpu.memory_space<vmem>>) target_semaphore(%run_scoped3A : memref<!tpu.dma_semaphore, #tpu.memory_space<semaphore_mem>>)
      %dma_wait3A_150 = arith.constant 0 : i32
      %dma_wait3A_151 = arith.constant 0 : i32
      %dma_wait3A_152 = tpu.memref_slice %arg3[%add3A, %dma_wait3A_150, %dma_wait3A_151] : memref<32x160x128xi32, #tpu.memory_space<hbm>> -> memref<1x160x128xi32, #tpu.memory_space<hbm>>
      %dma_wait3A_153 = tpu.memref_squeeze %dma_wait3A_152 : memref<1x160x128xi32, #tpu.memory_space<hbm>> -> memref<160x128xi32, #tpu.memory_space<hbm>>
      %dma_wait3A_154 = arith.constant 0 : i32
      %dma_wait3A_155 = arith.constant 0 : i32
      %dma_wait3A_156 = tpu.memref_slice %arg3[%add3A, %dma_wait3A_154, %dma_wait3A_155] : memref<32x160x128xi32, #tpu.memory_space<hbm>> -> memref<1x160x128xi32, #tpu.memory_space<hbm>>
      %dma_wait3A_157 = tpu.memref_squeeze %dma_wait3A_156 : memref<1x160x128xi32, #tpu.memory_space<hbm>> -> memref<160x128xi32, #tpu.memory_space<hbm>>
      tpu.wait_dma2 semaphore(%run_scoped3A : memref<!tpu.dma_semaphore, #tpu.memory_space<semaphore_mem>>) src(%dma_wait3A_157 : memref<160x128xi32, #tpu.memory_space<hbm>>) dst(%arg6 : memref<160x128xi32, #tpu.memory_space<vmem>>)
      tpu.yield
    }) : () -> ()
    "tpu.region"() ({
      %run_scoped3A = tpu.sem_alloc : memref<!tpu.dma_semaphore, #tpu.memory_space<semaphore_mem>>
      %dma_start3A_142 = arith.constant 0 : i32
      %dma_start3A_143 = arith.constant 0 : i32
      %dma_start3A_144 = tpu.memref_slice %arg4[%add3A, %dma_start3A_142, %dma_start3A_143] : memref<32x160x128xi32, #tpu.memory_space<hbm>> -> memref<1x160x128xi32, #tpu.memory_space<hbm>>
      %dma_start3A_145 = tpu.memref_squeeze %dma_start3A_144 : memref<1x160x128xi32, #tpu.memory_space<hbm>> -> memref<160x128xi32, #tpu.memory_space<hbm>>
      %dma_start3A_146 = arith.constant 0 : i32
      %dma_start3A_147 = arith.constant 0 : i32
      %dma_start3A_148 = tpu.memref_slice %arg4[%add3A, %dma_start3A_146, %dma_start3A_147] : memref<32x160x128xi32, #tpu.memory_space<hbm>> -> memref<1x160x128xi32, #tpu.memory_space<hbm>>
      %dma_start3A_149 = tpu.memref_squeeze %dma_start3A_148 : memref<1x160x128xi32, #tpu.memory_space<hbm>> -> memref<160x128xi32, #tpu.memory_space<hbm>>
      tpu.enqueue_dma source(%dma_start3A_149 : memref<160x128xi32, #tpu.memory_space<hbm>>) target(%arg7 : memref<160x128xi32, #tpu.memory_space<vmem>>) target_semaphore(%run_scoped3A : memref<!tpu.dma_semaphore, #tpu.memory_space<semaphore_mem>>)
      %dma_wait3A_150 = arith.constant 0 : i32
      %dma_wait3A_151 = arith.constant 0 : i32
      %dma_wait3A_152 = tpu.memref_slice %arg4[%add3A, %dma_wait3A_150, %dma_wait3A_151] : memref<32x160x128xi32, #tpu.memory_space<hbm>> -> memref<1x160x128xi32, #tpu.memory_space<hbm>>
      %dma_wait3A_153 = tpu.memref_squeeze %dma_wait3A_152 : memref<1x160x128xi32, #tpu.memory_space<hbm>> -> memref<160x128xi32, #tpu.memory_space<hbm>>
      %dma_wait3A_154 = arith.constant 0 : i32
      %dma_wait3A_155 = arith.constant 0 : i32
      %dma_wait3A_156 = tpu.memref_slice %arg4[%add3A, %dma_wait3A_154, %dma_wait3A_155] : memref<32x160x128xi32, #tpu.memory_space<hbm>> -> memref<1x160x128xi32, #tpu.memory_space<hbm>>
      %dma_wait3A_157 = tpu.memref_squeeze %dma_wait3A_156 : memref<1x160x128xi32, #tpu.memory_space<hbm>> -> memref<160x128xi32, #tpu.memory_space<hbm>>
      tpu.wait_dma2 semaphore(%run_scoped3A : memref<!tpu.dma_semaphore, #tpu.memory_space<semaphore_mem>>) src(%dma_wait3A_157 : memref<160x128xi32, #tpu.memory_space<hbm>>) dst(%arg7 : memref<160x128xi32, #tpu.memory_space<vmem>>)
      tpu.yield
    }) : () -> ()
    %dma_start3A = arith.constant 1 : i32
    %dma_start3A_1 = arith.constant 0 : i32
    %dma_start3A_2 = tpu.memref_slice %arg6[%dma_start3A, %dma_start3A_1] : memref<160x128xi32, #tpu.memory_space<vmem>> -> memref<1x128xi32, #tpu.memory_space<vmem>>
    %dma_start3A_3 = tpu.memref_squeeze %dma_start3A_2 : memref<1x128xi32, #tpu.memory_space<vmem>> -> memref<128xi32, #tpu.memory_space<vmem>>
    %dma_start3A_4 = arith.constant 0 : i32
    %dma_start3A_5 = arith.constant 0 : i32
    %dma_start3A_6 = tpu.memref_slice %arg2[%dma_start3A_4, %dma_start3A_5] : memref<20000x64xbf16, #tpu.memory_space<hbm>> -> memref<20000x64xbf16, #tpu.memory_space<hbm>>
    tpu.enqueue_indirect_dma source(%dma_start3A_6 : memref<20000x64xbf16, #tpu.memory_space<hbm>>) target(%arg10 : memref<128x64xbf16, #tpu.memory_space<vmem>>) offsets(%dma_start3A_3 : memref<128xi32, #tpu.memory_space<vmem>>) semaphore(%arg18 : memref<!tpu.dma_semaphore, #tpu.memory_space<semaphore_mem>>)
    %dma_start3A_7 = arith.constant 2 : i32
    %dma_start3A_8 = arith.constant 0 : i32
    %dma_start3A_9 = tpu.memref_slice %arg6[%dma_start3A_7, %dma_start3A_8] : memref<160x128xi32, #tpu.memory_space<vmem>> -> memref<1x128xi32, #tpu.memory_space<vmem>>
    %dma_start3A_10 = tpu.memref_squeeze %dma_start3A_9 : memref<1x128xi32, #tpu.memory_space<vmem>> -> memref<128xi32, #tpu.memory_space<vmem>>
    %dma_start3A_11 = arith.constant 0 : i32
    %dma_start3A_12 = arith.constant 0 : i32
    %dma_start3A_13 = tpu.memref_slice %arg2[%dma_start3A_11, %dma_start3A_12] : memref<20000x64xbf16, #tpu.memory_space<hbm>> -> memref<20000x64xbf16, #tpu.memory_space<hbm>>
    tpu.enqueue_indirect_dma source(%dma_start3A_13 : memref<20000x64xbf16, #tpu.memory_space<hbm>>) target(%arg11 : memref<128x64xbf16, #tpu.memory_space<vmem>>) offsets(%dma_start3A_10 : memref<128xi32, #tpu.memory_space<vmem>>) semaphore(%arg19 : memref<!tpu.dma_semaphore, #tpu.memory_space<semaphore_mem>>)
    %dma_start3A_14 = arith.constant 3 : i32
    %dma_start3A_15 = arith.constant 0 : i32
    %dma_start3A_16 = tpu.memref_slice %arg6[%dma_start3A_14, %dma_start3A_15] : memref<160x128xi32, #tpu.memory_space<vmem>> -> memref<1x128xi32, #tpu.memory_space<vmem>>
    %dma_start3A_17 = tpu.memref_squeeze %dma_start3A_16 : memref<1x128xi32, #tpu.memory_space<vmem>> -> memref<128xi32, #tpu.memory_space<vmem>>
    %dma_start3A_18 = arith.constant 0 : i32
    %dma_start3A_19 = arith.constant 0 : i32
    %dma_start3A_20 = tpu.memref_slice %arg2[%dma_start3A_18, %dma_start3A_19] : memref<20000x64xbf16, #tpu.memory_space<hbm>> -> memref<20000x64xbf16, #tpu.memory_space<hbm>>
    tpu.enqueue_indirect_dma source(%dma_start3A_20 : memref<20000x64xbf16, #tpu.memory_space<hbm>>) target(%arg12 : memref<128x64xbf16, #tpu.memory_space<vmem>>) offsets(%dma_start3A_17 : memref<128xi32, #tpu.memory_space<vmem>>) semaphore(%arg20 : memref<!tpu.dma_semaphore, #tpu.memory_space<semaphore_mem>>)
    %dma_start3A_21 = arith.constant 4 : i32
    %dma_start3A_22 = arith.constant 0 : i32
    %dma_start3A_23 = tpu.memref_slice %arg6[%dma_start3A_21, %dma_start3A_22] : memref<160x128xi32, #tpu.memory_space<vmem>> -> memref<1x128xi32, #tpu.memory_space<vmem>>
    %dma_start3A_24 = tpu.memref_squeeze %dma_start3A_23 : memref<1x128xi32, #tpu.memory_space<vmem>> -> memref<128xi32, #tpu.memory_space<vmem>>
    %dma_start3A_25 = arith.constant 0 : i32
    %dma_start3A_26 = arith.constant 0 : i32
    %dma_start3A_27 = tpu.memref_slice %arg2[%dma_start3A_25, %dma_start3A_26] : memref<20000x64xbf16, #tpu.memory_space<hbm>> -> memref<20000x64xbf16, #tpu.memory_space<hbm>>
    tpu.enqueue_indirect_dma source(%dma_start3A_27 : memref<20000x64xbf16, #tpu.memory_space<hbm>>) target(%arg13 : memref<128x64xbf16, #tpu.memory_space<vmem>>) offsets(%dma_start3A_24 : memref<128xi32, #tpu.memory_space<vmem>>) semaphore(%arg21 : memref<!tpu.dma_semaphore, #tpu.memory_space<semaphore_mem>>)
    %dma_start3A_28 = arith.constant 5 : i32
    %dma_start3A_29 = arith.constant 0 : i32
    %dma_start3A_30 = tpu.memref_slice %arg6[%dma_start3A_28, %dma_start3A_29] : memref<160x128xi32, #tpu.memory_space<vmem>> -> memref<1x128xi32, #tpu.memory_space<vmem>>
    %dma_start3A_31 = tpu.memref_squeeze %dma_start3A_30 : memref<1x128xi32, #tpu.memory_space<vmem>> -> memref<128xi32, #tpu.memory_space<vmem>>
    %dma_start3A_32 = arith.constant 0 : i32
    %dma_start3A_33 = arith.constant 0 : i32
    %dma_start3A_34 = tpu.memref_slice %arg2[%dma_start3A_32, %dma_start3A_33] : memref<20000x64xbf16, #tpu.memory_space<hbm>> -> memref<20000x64xbf16, #tpu.memory_space<hbm>>
    tpu.enqueue_indirect_dma source(%dma_start3A_34 : memref<20000x64xbf16, #tpu.memory_space<hbm>>) target(%arg14 : memref<128x64xbf16, #tpu.memory_space<vmem>>) offsets(%dma_start3A_31 : memref<128xi32, #tpu.memory_space<vmem>>) semaphore(%arg22 : memref<!tpu.dma_semaphore, #tpu.memory_space<semaphore_mem>>)
    %dma_start3A_35 = arith.constant 6 : i32
    %dma_start3A_36 = arith.constant 0 : i32
    %dma_start3A_37 = tpu.memref_slice %arg6[%dma_start3A_35, %dma_start3A_36] : memref<160x128xi32, #tpu.memory_space<vmem>> -> memref<1x128xi32, #tpu.memory_space<vmem>>
    %dma_start3A_38 = tpu.memref_squeeze %dma_start3A_37 : memref<1x128xi32, #tpu.memory_space<vmem>> -> memref<128xi32, #tpu.memory_space<vmem>>
    %dma_start3A_39 = arith.constant 0 : i32
    %dma_start3A_40 = arith.constant 0 : i32
    %dma_start3A_41 = tpu.memref_slice %arg2[%dma_start3A_39, %dma_start3A_40] : memref<20000x64xbf16, #tpu.memory_space<hbm>> -> memref<20000x64xbf16, #tpu.memory_space<hbm>>
    tpu.enqueue_indirect_dma source(%dma_start3A_41 : memref<20000x64xbf16, #tpu.memory_space<hbm>>) target(%arg15 : memref<128x64xbf16, #tpu.memory_space<vmem>>) offsets(%dma_start3A_38 : memref<128xi32, #tpu.memory_space<vmem>>) semaphore(%arg23 : memref<!tpu.dma_semaphore, #tpu.memory_space<semaphore_mem>>)
    %dma_start3A_42 = arith.constant 7 : i32
    %dma_start3A_43 = arith.constant 0 : i32
    %dma_start3A_44 = tpu.memref_slice %arg6[%dma_start3A_42, %dma_start3A_43] : memref<160x128xi32, #tpu.memory_space<vmem>> -> memref<1x128xi32, #tpu.memory_space<vmem>>
    %dma_start3A_45 = tpu.memref_squeeze %dma_start3A_44 : memref<1x128xi32, #tpu.memory_space<vmem>> -> memref<128xi32, #tpu.memory_space<vmem>>
    %dma_start3A_46 = arith.constant 0 : i32
    %dma_start3A_47 = arith.constant 0 : i32
    %dma_start3A_48 = tpu.memref_slice %arg2[%dma_start3A_46, %dma_start3A_47] : memref<20000x64xbf16, #tpu.memory_space<hbm>> -> memref<20000x64xbf16, #tpu.memory_space<hbm>>
    tpu.enqueue_indirect_dma source(%dma_start3A_48 : memref<20000x64xbf16, #tpu.memory_space<hbm>>) target(%arg16 : memref<128x64xbf16, #tpu.memory_space<vmem>>) offsets(%dma_start3A_45 : memref<128xi32, #tpu.memory_space<vmem>>) semaphore(%arg24 : memref<!tpu.dma_semaphore, #tpu.memory_space<semaphore_mem>>)
    %scan3A = arith.constant 0 : i32
    %scan3A_49 = arith.constant 0 : i32
    %scan3A_50 = arith.constant 128 : i32
    %scan3A_51 = arith.addi %scan3A_49, %scan3A_50 : i32
    %scan3A_52 = arith.constant 1 : i32
    %scan3A_53 = scf.for %scan3A_142 = %scan3A_49 to %scan3A_51 step %scan3A_52 iter_args(%scan3A_143 = %scan3A) -> (i32)  : i32 {
      %broadcast_in_dim3A = arith.constant 0.000000e+00 : bf16
      %broadcast_in_dim3A_144 = vector.broadcast %broadcast_in_dim3A : bf16 to vector<32xbf16>
      %swap3A = arith.index_cast %scan3A_142 : i32 to index
      %swap3A_145 = arith.constant 0 : index
      %swap3A_146 = tpu.vector_load %arg9[%swap3A, %swap3A_145] {strides = array<i32>} : memref<128x64xbf16, #tpu.memory_space<vmem>>, vector<32xbf16>,
      tpu.vector_store %arg9[%swap3A, %swap3A_145], %broadcast_in_dim3A_144 {strides = array<i32>} : memref<128x64xbf16, #tpu.memory_space<vmem>>, vector<32xbf16>,
      %broadcast_in_dim3A_147 = arith.constant 0.000000e+00 : bf16
      %broadcast_in_dim3A_148 = vector.broadcast %broadcast_in_dim3A_147 : bf16 to vector<32xbf16>
      %swap3A_149 = arith.index_cast %scan3A_142 : i32 to index
      %swap3A_150 = arith.constant 32 : index
      %swap3A_151 = tpu.vector_load %arg9[%swap3A_149, %swap3A_150] {strides = array<i32>} : memref<128x64xbf16, #tpu.memory_space<vmem>>, vector<32xbf16>,
      tpu.vector_store %arg9[%swap3A_149, %swap3A_150], %broadcast_in_dim3A_148 {strides = array<i32>} : memref<128x64xbf16, #tpu.memory_space<vmem>>, vector<32xbf16>,
      %scan3A_152 = arith.constant 0 : i32
      scf.yield %scan3A_152 : i32
    }
    %scan3A_54 = arith.constant 128 : i32
    %mul3A_55 = arith.constant 640 : i32
    %mul3A_56 = arith.muli %arg1, %mul3A_55 : i32
    %add3A_57 = arith.constant 0 : i32
    %add3A_58 = arith.addi %mul3A_56, %add3A_57 : i32
    "tpu.region"() ({
      %run_scoped3A = tpu.sem_alloc : memref<!tpu.dma_semaphore, #tpu.memory_space<semaphore_mem>>
      %dma_start3A_142 = arith.constant 0 : i32
      %dma_start3A_143 = tpu.memref_slice %arg8[%add3A_58, %dma_start3A_142] : memref<10240x64xbf16, #tpu.memory_space<vmem_shared>> -> memref<128x64xbf16, #tpu.memory_space<vmem_shared>>
      %dma_start3A_144 = arith.constant 0 : i32
      %dma_start3A_145 = tpu.memref_slice %arg8[%add3A_58, %dma_start3A_144] : memref<10240x64xbf16, #tpu.memory_space<vmem_shared>> -> memref<128x64xbf16, #tpu.memory_space<vmem_shared>>
      tpu.enqueue_dma source(%arg9 : memref<128x64xbf16, #tpu.memory_space<vmem>>) target(%dma_start3A_145 : memref<128x64xbf16, #tpu.memory_space<vmem_shared>>) target_semaphore(%run_scoped3A : memref<!tpu.dma_semaphore, #tpu.memory_space<semaphore_mem>>)
      %dma_wait3A_146 = arith.constant 0 : i32
      %dma_wait3A_147 = tpu.memref_slice %arg8[%add3A_58, %dma_wait3A_146] : memref<10240x64xbf16, #tpu.memory_space<vmem_shared>> -> memref<128x64xbf16, #tpu.memory_space<vmem_shared>>
      %dma_wait3A_148 = arith.constant 0 : i32
      %dma_wait3A_149 = tpu.memref_slice %arg8[%add3A_58, %dma_wait3A_148] : memref<10240x64xbf16, #tpu.memory_space<vmem_shared>> -> memref<128x64xbf16, #tpu.memory_space<vmem_shared>>
      tpu.wait_dma2 semaphore(%run_scoped3A : memref<!tpu.dma_semaphore, #tpu.memory_space<semaphore_mem>>) src(%arg9 : memref<128x64xbf16, #tpu.memory_space<vmem>>) dst(%dma_wait3A_149 : memref<128x64xbf16, #tpu.memory_space<vmem_shared>>)
      tpu.yield
    }) : () -> ()
    %add3A_59 = arith.constant 128 : i32
    %add3A_60 = arith.addi %mul3A_56, %add3A_59 : i32
    "tpu.region"() ({
      %run_scoped3A = tpu.sem_alloc : memref<!tpu.dma_semaphore, #tpu.memory_space<semaphore_mem>>
      %dma_start3A_142 = arith.constant 0 : i32
      %dma_start3A_143 = tpu.memref_slice %arg8[%add3A_60, %dma_start3A_142] : memref<10240x64xbf16, #tpu.memory_space<vmem_shared>> -> memref<128x64xbf16, #tpu.memory_space<vmem_shared>>
      %dma_start3A_144 = arith.constant 0 : i32
      %dma_start3A_145 = tpu.memref_slice %arg8[%add3A_60, %dma_start3A_144] : memref<10240x64xbf16, #tpu.memory_space<vmem_shared>> -> memref<128x64xbf16, #tpu.memory_space<vmem_shared>>
      tpu.enqueue_dma source(%arg9 : memref<128x64xbf16, #tpu.memory_space<vmem>>) target(%dma_start3A_145 : memref<128x64xbf16, #tpu.memory_space<vmem_shared>>) target_semaphore(%run_scoped3A : memref<!tpu.dma_semaphore, #tpu.memory_space<semaphore_mem>>)
      %dma_wait3A_146 = arith.constant 0 : i32
      %dma_wait3A_147 = tpu.memref_slice %arg8[%add3A_60, %dma_wait3A_146] : memref<10240x64xbf16, #tpu.memory_space<vmem_shared>> -> memref<128x64xbf16, #tpu.memory_space<vmem_shared>>
      %dma_wait3A_148 = arith.constant 0 : i32
      %dma_wait3A_149 = tpu.memref_slice %arg8[%add3A_60, %dma_wait3A_148] : memref<10240x64xbf16, #tpu.memory_space<vmem_shared>> -> memref<128x64xbf16, #tpu.memory_space<vmem_shared>>
      tpu.wait_dma2 semaphore(%run_scoped3A : memref<!tpu.dma_semaphore, #tpu.memory_space<semaphore_mem>>) src(%arg9 : memref<128x64xbf16, #tpu.memory_space<vmem>>) dst(%dma_wait3A_149 : memref<128x64xbf16, #tpu.memory_space<vmem_shared>>)
      tpu.yield
    }) : () -> ()
    %add3A_61 = arith.constant 256 : i32
    %add3A_62 = arith.addi %mul3A_56, %add3A_61 : i32
    "tpu.region"() ({
      %run_scoped3A = tpu.sem_alloc : memref<!tpu.dma_semaphore, #tpu.memory_space<semaphore_mem>>
      %dma_start3A_142 = arith.constant 0 : i32
      %dma_start3A_143 = tpu.memref_slice %arg8[%add3A_62, %dma_start3A_142] : memref<10240x64xbf16, #tpu.memory_space<vmem_shared>> -> memref<128x64xbf16, #tpu.memory_space<vmem_shared>>
      %dma_start3A_144 = arith.constant 0 : i32
      %dma_start3A_145 = tpu.memref_slice %arg8[%add3A_62, %dma_start3A_144] : memref<10240x64xbf16, #tpu.memory_space<vmem_shared>> -> memref<128x64xbf16, #tpu.memory_space<vmem_shared>>
      tpu.enqueue_dma source(%arg9 : memref<128x64xbf16, #tpu.memory_space<vmem>>) target(%dma_start3A_145 : memref<128x64xbf16, #tpu.memory_space<vmem_shared>>) target_semaphore(%run_scoped3A : memref<!tpu.dma_semaphore, #tpu.memory_space<semaphore_mem>>)
      %dma_wait3A_146 = arith.constant 0 : i32
      %dma_wait3A_147 = tpu.memref_slice %arg8[%add3A_62, %dma_wait3A_146] : memref<10240x64xbf16, #tpu.memory_space<vmem_shared>> -> memref<128x64xbf16, #tpu.memory_space<vmem_shared>>
      %dma_wait3A_148 = arith.constant 0 : i32
      %dma_wait3A_149 = tpu.memref_slice %arg8[%add3A_62, %dma_wait3A_148] : memref<10240x64xbf16, #tpu.memory_space<vmem_shared>> -> memref<128x64xbf16, #tpu.memory_space<vmem_shared>>
      tpu.wait_dma2 semaphore(%run_scoped3A : memref<!tpu.dma_semaphore, #tpu.memory_space<semaphore_mem>>) src(%arg9 : memref<128x64xbf16, #tpu.memory_space<vmem>>) dst(%dma_wait3A_149 : memref<128x64xbf16, #tpu.memory_space<vmem_shared>>)
      tpu.yield
    }) : () -> ()
    %add3A_63 = arith.constant 384 : i32
    %add3A_64 = arith.addi %mul3A_56, %add3A_63 : i32
    "tpu.region"() ({
      %run_scoped3A = tpu.sem_alloc : memref<!tpu.dma_semaphore, #tpu.memory_space<semaphore_mem>>
      %dma_start3A_142 = arith.constant 0 : i32
      %dma_start3A_143 = tpu.memref_slice %arg8[%add3A_64, %dma_start3A_142] : memref<10240x64xbf16, #tpu.memory_space<vmem_shared>> -> memref<128x64xbf16, #tpu.memory_space<vmem_shared>>
      %dma_start3A_144 = arith.constant 0 : i32
      %dma_start3A_145 = tpu.memref_slice %arg8[%add3A_64, %dma_start3A_144] : memref<10240x64xbf16, #tpu.memory_space<vmem_shared>> -> memref<128x64xbf16, #tpu.memory_space<vmem_shared>>
      tpu.enqueue_dma source(%arg9 : memref<128x64xbf16, #tpu.memory_space<vmem>>) target(%dma_start3A_145 : memref<128x64xbf16, #tpu.memory_space<vmem_shared>>) target_semaphore(%run_scoped3A : memref<!tpu.dma_semaphore, #tpu.memory_space<semaphore_mem>>)
      %dma_wait3A_146 = arith.constant 0 : i32
      %dma_wait3A_147 = tpu.memref_slice %arg8[%add3A_64, %dma_wait3A_146] : memref<10240x64xbf16, #tpu.memory_space<vmem_shared>> -> memref<128x64xbf16, #tpu.memory_space<vmem_shared>>
      %dma_wait3A_148 = arith.constant 0 : i32
      %dma_wait3A_149 = tpu.memref_slice %arg8[%add3A_64, %dma_wait3A_148] : memref<10240x64xbf16, #tpu.memory_space<vmem_shared>> -> memref<128x64xbf16, #tpu.memory_space<vmem_shared>>
      tpu.wait_dma2 semaphore(%run_scoped3A : memref<!tpu.dma_semaphore, #tpu.memory_space<semaphore_mem>>) src(%arg9 : memref<128x64xbf16, #tpu.memory_space<vmem>>) dst(%dma_wait3A_149 : memref<128x64xbf16, #tpu.memory_space<vmem_shared>>)
      tpu.yield
    }) : () -> ()
    %add3A_65 = arith.constant 512 : i32
    %add3A_66 = arith.addi %mul3A_56, %add3A_65 : i32
    "tpu.region"() ({
      %run_scoped3A = tpu.sem_alloc : memref<!tpu.dma_semaphore, #tpu.memory_space<semaphore_mem>>
      %dma_start3A_142 = arith.constant 0 : i32
      %dma_start3A_143 = tpu.memref_slice %arg8[%add3A_66, %dma_start3A_142] : memref<10240x64xbf16, #tpu.memory_space<vmem_shared>> -> memref<128x64xbf16, #tpu.memory_space<vmem_shared>>
      %dma_start3A_144 = arith.constant 0 : i32
      %dma_start3A_145 = tpu.memref_slice %arg8[%add3A_66, %dma_start3A_144] : memref<10240x64xbf16, #tpu.memory_space<vmem_shared>> -> memref<128x64xbf16, #tpu.memory_space<vmem_shared>>
      tpu.enqueue_dma source(%arg9 : memref<128x64xbf16, #tpu.memory_space<vmem>>) target(%dma_start3A_145 : memref<128x64xbf16, #tpu.memory_space<vmem_shared>>) target_semaphore(%run_scoped3A : memref<!tpu.dma_semaphore, #tpu.memory_space<semaphore_mem>>)
      %dma_wait3A_146 = arith.constant 0 : i32
      %dma_wait3A_147 = tpu.memref_slice %arg8[%add3A_66, %dma_wait3A_146] : memref<10240x64xbf16, #tpu.memory_space<vmem_shared>> -> memref<128x64xbf16, #tpu.memory_space<vmem_shared>>
      %dma_wait3A_148 = arith.constant 0 : i32
      %dma_wait3A_149 = tpu.memref_slice %arg8[%add3A_66, %dma_wait3A_148] : memref<10240x64xbf16, #tpu.memory_space<vmem_shared>> -> memref<128x64xbf16, #tpu.memory_space<vmem_shared>>
      tpu.wait_dma2 semaphore(%run_scoped3A : memref<!tpu.dma_semaphore, #tpu.memory_space<semaphore_mem>>) src(%arg9 : memref<128x64xbf16, #tpu.memory_space<vmem>>) dst(%dma_wait3A_149 : memref<128x64xbf16, #tpu.memory_space<vmem_shared>>)
      tpu.yield
    }) : () -> ()
    %dma_start3A_67 = arith.constant 0 : i32
    %dma_start3A_68 = arith.constant 0 : i32
    %dma_start3A_69 = tpu.memref_slice %arg6[%dma_start3A_67, %dma_start3A_68] : memref<160x128xi32, #tpu.memory_space<vmem>> -> memref<1x128xi32, #tpu.memory_space<vmem>>
    %dma_start3A_70 = tpu.memref_squeeze %dma_start3A_69 : memref<1x128xi32, #tpu.memory_space<vmem>> -> memref<128xi32, #tpu.memory_space<vmem>>
    %dma_start3A_71 = arith.constant 0 : i32
    %dma_start3A_72 = arith.constant 0 : i32
    %dma_start3A_73 = tpu.memref_slice %arg2[%dma_start3A_71, %dma_start3A_72] : memref<20000x64xbf16, #tpu.memory_space<hbm>> -> memref<20000x64xbf16, #tpu.memory_space<hbm>>
    tpu.enqueue_indirect_dma source(%dma_start3A_73 : memref<20000x64xbf16, #tpu.memory_space<hbm>>) target(%arg9 : memref<128x64xbf16, #tpu.memory_space<vmem>>) offsets(%dma_start3A_70 : memref<128xi32, #tpu.memory_space<vmem>>) semaphore(%arg17 : memref<!tpu.dma_semaphore, #tpu.memory_space<semaphore_mem>>)
    %barrier3A = arith.constant 0 : index
    tpu.barrier barrier_id(%barrier3A)
    %scan3A_74 = arith.constant 0 : i32
    %scan3A_75 = arith.constant 0 : i32
    %scan3A_76 = arith.constant 20 : i32
    %scan3A_77 = arith.addi %scan3A_75, %scan3A_76 : i32
    %scan3A_78 = arith.constant 1 : i32
    %scan3A_79 = scf.for %scan3A_142 = %scan3A_75 to %scan3A_77 step %scan3A_78 iter_args(%scan3A_143 = %scan3A_74) -> (i32)  : i32 {
      %mul3A_144 = arith.constant 8 : i32
      %mul3A_145 = arith.muli %scan3A_142, %mul3A_144 : i32
      %add3A_146 = arith.constant 0 : i32
      %add3A_147 = arith.addi %mul3A_145, %add3A_146 : i32
      %dma_wait3A_148 = arith.constant 0 : i32
      %dma_wait3A_149 = tpu.memref_slice %arg6[%add3A_147, %dma_wait3A_148] : memref<160x128xi32, #tpu.memory_space<vmem>> -> memref<1x128xi32, #tpu.memory_space<vmem>>
      %dma_wait3A_150 = tpu.memref_squeeze %dma_wait3A_149 : memref<1x128xi32, #tpu.memory_space<vmem>> -> memref<128xi32, #tpu.memory_space<vmem>>
      %dma_wait3A_151 = arith.constant 0 : i32
      %dma_wait3A_152 = arith.constant 0 : i32
      %dma_wait3A_153 = tpu.memref_slice %arg2[%dma_wait3A_151, %dma_wait3A_152] : memref<20000x64xbf16, #tpu.memory_space<hbm>> -> memref<20000x64xbf16, #tpu.memory_space<hbm>>
      tpu.wait_indirect_dma semaphore(%arg17 : memref<!tpu.dma_semaphore, #tpu.memory_space<semaphore_mem>>) src(%dma_wait3A_153 : memref<20000x64xbf16, #tpu.memory_space<hbm>>) dst(%arg9 : memref<128x64xbf16, #tpu.memory_space<vmem>>)
      %add3A_154 = arith.constant 0 : i32
      %add3A_155 = arith.addi %mul3A_145, %add3A_154 : i32
      %dma_start3A_156 = arith.constant 0 : i32
      %dma_start3A_157 = tpu.memref_slice %arg7[%add3A_155, %dma_start3A_156] : memref<160x128xi32, #tpu.memory_space<vmem>> -> memref<1x128xi32, #tpu.memory_space<vmem>>
      %dma_start3A_158 = tpu.memref_squeeze %dma_start3A_157 : memref<1x128xi32, #tpu.memory_space<vmem>> -> memref<128xi32, #tpu.memory_space<vmem>>
      %dma_start3A_159 = arith.constant 0 : i32
      %dma_start3A_160 = arith.constant 0 : i32
      %dma_start3A_161 = tpu.memref_slice %arg8[%dma_start3A_159, %dma_start3A_160] : memref<10240x64xbf16, #tpu.memory_space<vmem_shared>> -> memref<10240x64xbf16, #tpu.memory_space<vmem_shared>>
      tpu.enqueue_indirect_dma source(%arg9 : memref<128x64xbf16, #tpu.memory_space<vmem>>) target(%dma_start3A_161 : memref<10240x64xbf16, #tpu.memory_space<vmem_shared>>) offsets(%dma_start3A_158 : memref<128xi32, #tpu.memory_space<vmem>>) semaphore(%arg25 : memref<!tpu.dma_semaphore, #tpu.memory_space<semaphore_mem>>) {add = true}
      %add3A_162 = arith.constant 1 : i32
      %add3A_163 = arith.addi %mul3A_145, %add3A_162 : i32
      %dma_wait3A_164 = arith.constant 0 : i32
      %dma_wait3A_165 = tpu.memref_slice %arg6[%add3A_163, %dma_wait3A_164] : memref<160x128xi32, #tpu.memory_space<vmem>> -> memref<1x128xi32, #tpu.memory_space<vmem>>
      %dma_wait3A_166 = tpu.memref_squeeze %dma_wait3A_165 : memref<1x128xi32, #tpu.memory_space<vmem>> -> memref<128xi32, #tpu.memory_space<vmem>>
      %dma_wait3A_167 = arith.constant 0 : i32
      %dma_wait3A_168 = arith.constant 0 : i32
      %dma_wait3A_169 = tpu.memref_slice %arg2[%dma_wait3A_167, %dma_wait3A_168] : memref<20000x64xbf16, #tpu.memory_space<hbm>> -> memref<20000x64xbf16, #tpu.memory_space<hbm>>
      tpu.wait_indirect_dma semaphore(%arg18 : memref<!tpu.dma_semaphore, #tpu.memory_space<semaphore_mem>>) src(%dma_wait3A_169 : memref<20000x64xbf16, #tpu.memory_space<hbm>>) dst(%arg10 : memref<128x64xbf16, #tpu.memory_space<vmem>>)
      %add3A_170 = arith.constant 1 : i32
      %add3A_171 = arith.addi %mul3A_145, %add3A_170 : i32
      %dma_start3A_172 = arith.constant 0 : i32
      %dma_start3A_173 = tpu.memref_slice %arg7[%add3A_171, %dma_start3A_172] : memref<160x128xi32, #tpu.memory_space<vmem>> -> memref<1x128xi32, #tpu.memory_space<vmem>>
      %dma_start3A_174 = tpu.memref_squeeze %dma_start3A_173 : memref<1x128xi32, #tpu.memory_space<vmem>> -> memref<128xi32, #tpu.memory_space<vmem>>
      %dma_start3A_175 = arith.constant 0 : i32
      %dma_start3A_176 = arith.constant 0 : i32
      %dma_start3A_177 = tpu.memref_slice %arg8[%dma_start3A_175, %dma_start3A_176] : memref<10240x64xbf16, #tpu.memory_space<vmem_shared>> -> memref<10240x64xbf16, #tpu.memory_space<vmem_shared>>
      tpu.enqueue_indirect_dma source(%arg10 : memref<128x64xbf16, #tpu.memory_space<vmem>>) target(%dma_start3A_177 : memref<10240x64xbf16, #tpu.memory_space<vmem_shared>>) offsets(%dma_start3A_174 : memref<128xi32, #tpu.memory_space<vmem>>) semaphore(%arg26 : memref<!tpu.dma_semaphore, #tpu.memory_space<semaphore_mem>>) {add = true}
      %add3A_178 = arith.constant 2 : i32
      %add3A_179 = arith.addi %mul3A_145, %add3A_178 : i32
      %dma_wait3A_180 = arith.constant 0 : i32
      %dma_wait3A_181 = tpu.memref_slice %arg6[%add3A_179, %dma_wait3A_180] : memref<160x128xi32, #tpu.memory_space<vmem>> -> memref<1x128xi32, #tpu.memory_space<vmem>>
      %dma_wait3A_182 = tpu.memref_squeeze %dma_wait3A_181 : memref<1x128xi32, #tpu.memory_space<vmem>> -> memref<128xi32, #tpu.memory_space<vmem>>
      %dma_wait3A_183 = arith.constant 0 : i32
      %dma_wait3A_184 = arith.constant 0 : i32
      %dma_wait3A_185 = tpu.memref_slice %arg2[%dma_wait3A_183, %dma_wait3A_184] : memref<20000x64xbf16, #tpu.memory_space<hbm>> -> memref<20000x64xbf16, #tpu.memory_space<hbm>>
      tpu.wait_indirect_dma semaphore(%arg19 : memref<!tpu.dma_semaphore, #tpu.memory_space<semaphore_mem>>) src(%dma_wait3A_185 : memref<20000x64xbf16, #tpu.memory_space<hbm>>) dst(%arg11 : memref<128x64xbf16, #tpu.memory_space<vmem>>)
      %add3A_186 = arith.constant 2 : i32
      %add3A_187 = arith.addi %mul3A_145, %add3A_186 : i32
      %dma_start3A_188 = arith.constant 0 : i32
      %dma_start3A_189 = tpu.memref_slice %arg7[%add3A_187, %dma_start3A_188] : memref<160x128xi32, #tpu.memory_space<vmem>> -> memref<1x128xi32, #tpu.memory_space<vmem>>
      %dma_start3A_190 = tpu.memref_squeeze %dma_start3A_189 : memref<1x128xi32, #tpu.memory_space<vmem>> -> memref<128xi32, #tpu.memory_space<vmem>>
      %dma_start3A_191 = arith.constant 0 : i32
      %dma_start3A_192 = arith.constant 0 : i32
      %dma_start3A_193 = tpu.memref_slice %arg8[%dma_start3A_191, %dma_start3A_192] : memref<10240x64xbf16, #tpu.memory_space<vmem_shared>> -> memref<10240x64xbf16, #tpu.memory_space<vmem_shared>>
      tpu.enqueue_indirect_dma source(%arg11 : memref<128x64xbf16, #tpu.memory_space<vmem>>) target(%dma_start3A_193 : memref<10240x64xbf16, #tpu.memory_space<vmem_shared>>) offsets(%dma_start3A_190 : memref<128xi32, #tpu.memory_space<vmem>>) semaphore(%arg27 : memref<!tpu.dma_semaphore, #tpu.memory_space<semaphore_mem>>) {add = true}
      %add3A_194 = arith.constant 3 : i32
      %add3A_195 = arith.addi %mul3A_145, %add3A_194 : i32
      %dma_wait3A_196 = arith.constant 0 : i32
      %dma_wait3A_197 = tpu.memref_slice %arg6[%add3A_195, %dma_wait3A_196] : memref<160x128xi32, #tpu.memory_space<vmem>> -> memref<1x128xi32, #tpu.memory_space<vmem>>
      %dma_wait3A_198 = tpu.memref_squeeze %dma_wait3A_197 : memref<1x128xi32, #tpu.memory_space<vmem>> -> memref<128xi32, #tpu.memory_space<vmem>>
      %dma_wait3A_199 = arith.constant 0 : i32
      %dma_wait3A_200 = arith.constant 0 : i32
      %dma_wait3A_201 = tpu.memref_slice %arg2[%dma_wait3A_199, %dma_wait3A_200] : memref<20000x64xbf16, #tpu.memory_space<hbm>> -> memref<20000x64xbf16, #tpu.memory_space<hbm>>
      tpu.wait_indirect_dma semaphore(%arg20 : memref<!tpu.dma_semaphore, #tpu.memory_space<semaphore_mem>>) src(%dma_wait3A_201 : memref<20000x64xbf16, #tpu.memory_space<hbm>>) dst(%arg12 : memref<128x64xbf16, #tpu.memory_space<vmem>>)
      %add3A_202 = arith.constant 3 : i32
      %add3A_203 = arith.addi %mul3A_145, %add3A_202 : i32
      %dma_start3A_204 = arith.constant 0 : i32
      %dma_start3A_205 = tpu.memref_slice %arg7[%add3A_203, %dma_start3A_204] : memref<160x128xi32, #tpu.memory_space<vmem>> -> memref<1x128xi32, #tpu.memory_space<vmem>>
      %dma_start3A_206 = tpu.memref_squeeze %dma_start3A_205 : memref<1x128xi32, #tpu.memory_space<vmem>> -> memref<128xi32, #tpu.memory_space<vmem>>
      %dma_start3A_207 = arith.constant 0 : i32
      %dma_start3A_208 = arith.constant 0 : i32
      %dma_start3A_209 = tpu.memref_slice %arg8[%dma_start3A_207, %dma_start3A_208] : memref<10240x64xbf16, #tpu.memory_space<vmem_shared>> -> memref<10240x64xbf16, #tpu.memory_space<vmem_shared>>
      tpu.enqueue_indirect_dma source(%arg12 : memref<128x64xbf16, #tpu.memory_space<vmem>>) target(%dma_start3A_209 : memref<10240x64xbf16, #tpu.memory_space<vmem_shared>>) offsets(%dma_start3A_206 : memref<128xi32, #tpu.memory_space<vmem>>) semaphore(%arg28 : memref<!tpu.dma_semaphore, #tpu.memory_space<semaphore_mem>>) {add = true}
      %add3A_210 = arith.constant 4 : i32
      %add3A_211 = arith.addi %mul3A_145, %add3A_210 : i32
      %dma_wait3A_212 = arith.constant 0 : i32
      %dma_wait3A_213 = tpu.memref_slice %arg6[%add3A_211, %dma_wait3A_212] : memref<160x128xi32, #tpu.memory_space<vmem>> -> memref<1x128xi32, #tpu.memory_space<vmem>>
      %dma_wait3A_214 = tpu.memref_squeeze %dma_wait3A_213 : memref<1x128xi32, #tpu.memory_space<vmem>> -> memref<128xi32, #tpu.memory_space<vmem>>
      %dma_wait3A_215 = arith.constant 0 : i32
      %dma_wait3A_216 = arith.constant 0 : i32
      %dma_wait3A_217 = tpu.memref_slice %arg2[%dma_wait3A_215, %dma_wait3A_216] : memref<20000x64xbf16, #tpu.memory_space<hbm>> -> memref<20000x64xbf16, #tpu.memory_space<hbm>>
      tpu.wait_indirect_dma semaphore(%arg21 : memref<!tpu.dma_semaphore, #tpu.memory_space<semaphore_mem>>) src(%dma_wait3A_217 : memref<20000x64xbf16, #tpu.memory_space<hbm>>) dst(%arg13 : memref<128x64xbf16, #tpu.memory_space<vmem>>)
      %add3A_218 = arith.constant 4 : i32
      %add3A_219 = arith.addi %mul3A_145, %add3A_218 : i32
      %dma_start3A_220 = arith.constant 0 : i32
      %dma_start3A_221 = tpu.memref_slice %arg7[%add3A_219, %dma_start3A_220] : memref<160x128xi32, #tpu.memory_space<vmem>> -> memref<1x128xi32, #tpu.memory_space<vmem>>
      %dma_start3A_222 = tpu.memref_squeeze %dma_start3A_221 : memref<1x128xi32, #tpu.memory_space<vmem>> -> memref<128xi32, #tpu.memory_space<vmem>>
      %dma_start3A_223 = arith.constant 0 : i32
      %dma_start3A_224 = arith.constant 0 : i32
      %dma_start3A_225 = tpu.memref_slice %arg8[%dma_start3A_223, %dma_start3A_224] : memref<10240x64xbf16, #tpu.memory_space<vmem_shared>> -> memref<10240x64xbf16, #tpu.memory_space<vmem_shared>>
      tpu.enqueue_indirect_dma source(%arg13 : memref<128x64xbf16, #tpu.memory_space<vmem>>) target(%dma_start3A_225 : memref<10240x64xbf16, #tpu.memory_space<vmem_shared>>) offsets(%dma_start3A_222 : memref<128xi32, #tpu.memory_space<vmem>>) semaphore(%arg29 : memref<!tpu.dma_semaphore, #tpu.memory_space<semaphore_mem>>) {add = true}
      %add3A_226 = arith.constant 5 : i32
      %add3A_227 = arith.addi %mul3A_145, %add3A_226 : i32
      %dma_wait3A_228 = arith.constant 0 : i32
      %dma_wait3A_229 = tpu.memref_slice %arg6[%add3A_227, %dma_wait3A_228] : memref<160x128xi32, #tpu.memory_space<vmem>> -> memref<1x128xi32, #tpu.memory_space<vmem>>
      %dma_wait3A_230 = tpu.memref_squeeze %dma_wait3A_229 : memref<1x128xi32, #tpu.memory_space<vmem>> -> memref<128xi32, #tpu.memory_space<vmem>>
      %dma_wait3A_231 = arith.constant 0 : i32
      %dma_wait3A_232 = arith.constant 0 : i32
      %dma_wait3A_233 = tpu.memref_slice %arg2[%dma_wait3A_231, %dma_wait3A_232] : memref<20000x64xbf16, #tpu.memory_space<hbm>> -> memref<20000x64xbf16, #tpu.memory_space<hbm>>
      tpu.wait_indirect_dma semaphore(%arg22 : memref<!tpu.dma_semaphore, #tpu.memory_space<semaphore_mem>>) src(%dma_wait3A_233 : memref<20000x64xbf16, #tpu.memory_space<hbm>>) dst(%arg14 : memref<128x64xbf16, #tpu.memory_space<vmem>>)
      %add3A_234 = arith.constant 5 : i32
      %add3A_235 = arith.addi %mul3A_145, %add3A_234 : i32
      %dma_start3A_236 = arith.constant 0 : i32
      %dma_start3A_237 = tpu.memref_slice %arg7[%add3A_235, %dma_start3A_236] : memref<160x128xi32, #tpu.memory_space<vmem>> -> memref<1x128xi32, #tpu.memory_space<vmem>>
      %dma_start3A_238 = tpu.memref_squeeze %dma_start3A_237 : memref<1x128xi32, #tpu.memory_space<vmem>> -> memref<128xi32, #tpu.memory_space<vmem>>
      %dma_start3A_239 = arith.constant 0 : i32
      %dma_start3A_240 = arith.constant 0 : i32
      %dma_start3A_241 = tpu.memref_slice %arg8[%dma_start3A_239, %dma_start3A_240] : memref<10240x64xbf16, #tpu.memory_space<vmem_shared>> -> memref<10240x64xbf16, #tpu.memory_space<vmem_shared>>
      tpu.enqueue_indirect_dma source(%arg14 : memref<128x64xbf16, #tpu.memory_space<vmem>>) target(%dma_start3A_241 : memref<10240x64xbf16, #tpu.memory_space<vmem_shared>>) offsets(%dma_start3A_238 : memref<128xi32, #tpu.memory_space<vmem>>) semaphore(%arg30 : memref<!tpu.dma_semaphore, #tpu.memory_space<semaphore_mem>>) {add = true}
      %add3A_242 = arith.constant 6 : i32
      %add3A_243 = arith.addi %mul3A_145, %add3A_242 : i32
      %dma_wait3A_244 = arith.constant 0 : i32
      %dma_wait3A_245 = tpu.memref_slice %arg6[%add3A_243, %dma_wait3A_244] : memref<160x128xi32, #tpu.memory_space<vmem>> -> memref<1x128xi32, #tpu.memory_space<vmem>>
      %dma_wait3A_246 = tpu.memref_squeeze %dma_wait3A_245 : memref<1x128xi32, #tpu.memory_space<vmem>> -> memref<128xi32, #tpu.memory_space<vmem>>
      %dma_wait3A_247 = arith.constant 0 : i32
      %dma_wait3A_248 = arith.constant 0 : i32
      %dma_wait3A_249 = tpu.memref_slice %arg2[%dma_wait3A_247, %dma_wait3A_248] : memref<20000x64xbf16, #tpu.memory_space<hbm>> -> memref<20000x64xbf16, #tpu.memory_space<hbm>>
      tpu.wait_indirect_dma semaphore(%arg23 : memref<!tpu.dma_semaphore, #tpu.memory_space<semaphore_mem>>) src(%dma_wait3A_249 : memref<20000x64xbf16, #tpu.memory_space<hbm>>) dst(%arg15 : memref<128x64xbf16, #tpu.memory_space<vmem>>)
      %add3A_250 = arith.constant 6 : i32
      %add3A_251 = arith.addi %mul3A_145, %add3A_250 : i32
      %dma_start3A_252 = arith.constant 0 : i32
      %dma_start3A_253 = tpu.memref_slice %arg7[%add3A_251, %dma_start3A_252] : memref<160x128xi32, #tpu.memory_space<vmem>> -> memref<1x128xi32, #tpu.memory_space<vmem>>
      %dma_start3A_254 = tpu.memref_squeeze %dma_start3A_253 : memref<1x128xi32, #tpu.memory_space<vmem>> -> memref<128xi32, #tpu.memory_space<vmem>>
      %dma_start3A_255 = arith.constant 0 : i32
      %dma_start3A_256 = arith.constant 0 : i32
      %dma_start3A_257 = tpu.memref_slice %arg8[%dma_start3A_255, %dma_start3A_256] : memref<10240x64xbf16, #tpu.memory_space<vmem_shared>> -> memref<10240x64xbf16, #tpu.memory_space<vmem_shared>>
      tpu.enqueue_indirect_dma source(%arg15 : memref<128x64xbf16, #tpu.memory_space<vmem>>) target(%dma_start3A_257 : memref<10240x64xbf16, #tpu.memory_space<vmem_shared>>) offsets(%dma_start3A_254 : memref<128xi32, #tpu.memory_space<vmem>>) semaphore(%arg31 : memref<!tpu.dma_semaphore, #tpu.memory_space<semaphore_mem>>) {add = true}
      %add3A_258 = arith.constant 7 : i32
      %add3A_259 = arith.addi %mul3A_145, %add3A_258 : i32
      %dma_wait3A_260 = arith.constant 0 : i32
      %dma_wait3A_261 = tpu.memref_slice %arg6[%add3A_259, %dma_wait3A_260] : memref<160x128xi32, #tpu.memory_space<vmem>> -> memref<1x128xi32, #tpu.memory_space<vmem>>
      %dma_wait3A_262 = tpu.memref_squeeze %dma_wait3A_261 : memref<1x128xi32, #tpu.memory_space<vmem>> -> memref<128xi32, #tpu.memory_space<vmem>>
      %dma_wait3A_263 = arith.constant 0 : i32
      %dma_wait3A_264 = arith.constant 0 : i32
      %dma_wait3A_265 = tpu.memref_slice %arg2[%dma_wait3A_263, %dma_wait3A_264] : memref<20000x64xbf16, #tpu.memory_space<hbm>> -> memref<20000x64xbf16, #tpu.memory_space<hbm>>
      tpu.wait_indirect_dma semaphore(%arg24 : memref<!tpu.dma_semaphore, #tpu.memory_space<semaphore_mem>>) src(%dma_wait3A_265 : memref<20000x64xbf16, #tpu.memory_space<hbm>>) dst(%arg16 : memref<128x64xbf16, #tpu.memory_space<vmem>>)
      %add3A_266 = arith.constant 7 : i32
      %add3A_267 = arith.addi %mul3A_145, %add3A_266 : i32
      %dma_start3A_268 = arith.constant 0 : i32
      %dma_start3A_269 = tpu.memref_slice %arg7[%add3A_267, %dma_start3A_268] : memref<160x128xi32, #tpu.memory_space<vmem>> -> memref<1x128xi32, #tpu.memory_space<vmem>>
      %dma_start3A_270 = tpu.memref_squeeze %dma_start3A_269 : memref<1x128xi32, #tpu.memory_space<vmem>> -> memref<128xi32, #tpu.memory_space<vmem>>
      %dma_start3A_271 = arith.constant 0 : i32
      %dma_start3A_272 = arith.constant 0 : i32
      %dma_start3A_273 = tpu.memref_slice %arg8[%dma_start3A_271, %dma_start3A_272] : memref<10240x64xbf16, #tpu.memory_space<vmem_shared>> -> memref<10240x64xbf16, #tpu.memory_space<vmem_shared>>
      tpu.enqueue_indirect_dma source(%arg16 : memref<128x64xbf16, #tpu.memory_space<vmem>>) target(%dma_start3A_273 : memref<10240x64xbf16, #tpu.memory_space<vmem_shared>>) offsets(%dma_start3A_270 : memref<128xi32, #tpu.memory_space<vmem>>) semaphore(%arg32 : memref<!tpu.dma_semaphore, #tpu.memory_space<semaphore_mem>>) {add = true}
      %add3A_274 = arith.constant 1 : i32
      %add3A_275 = arith.addi %scan3A_142, %add3A_274 : i32
      %lt3A = arith.constant 20 : i32
      %lt3A_276 = arith.cmpi slt, %add3A_275, %lt3A : i32
      %convert_element_type3A = arith.extui %lt3A_276 : i1 to i32
      %cond3A = arith.constant 0 : i32
      %cond3A_277 = arith.cmpi ne, %convert_element_type3A, %cond3A : i32
      scf.if %cond3A_277 {
        %add3A_279 = arith.constant 0 : i32
        %add3A_280 = arith.addi %mul3A_145, %add3A_279 : i32
        %dma_wait3A_281 = arith.constant 0 : i32
        %dma_wait3A_282 = tpu.memref_slice %arg7[%add3A_280, %dma_wait3A_281] : memref<160x128xi32, #tpu.memory_space<vmem>> -> memref<1x128xi32, #tpu.memory_space<vmem>>
        %dma_wait3A_283 = tpu.memref_squeeze %dma_wait3A_282 : memref<1x128xi32, #tpu.memory_space<vmem>> -> memref<128xi32, #tpu.memory_space<vmem>>
        %dma_wait3A_284 = arith.constant 0 : i32
        %dma_wait3A_285 = arith.constant 0 : i32
        %dma_wait3A_286 = tpu.memref_slice %arg8[%dma_wait3A_284, %dma_wait3A_285] : memref<10240x64xbf16, #tpu.memory_space<vmem_shared>> -> memref<10240x64xbf16, #tpu.memory_space<vmem_shared>>
        tpu.wait_indirect_dma semaphore(%arg25 : memref<!tpu.dma_semaphore, #tpu.memory_space<semaphore_mem>>) src(%arg9 : memref<128x64xbf16, #tpu.memory_space<vmem>>) dst(%dma_wait3A_286 : memref<10240x64xbf16, #tpu.memory_space<vmem_shared>>)
        %add3A_287 = arith.constant 8 : i32
        %add3A_288 = arith.addi %mul3A_145, %add3A_287 : i32
        %add3A_289 = arith.constant 0 : i32
        %add3A_290 = arith.addi %add3A_288, %add3A_289 : i32
        %dma_start3A_291 = arith.constant 0 : i32
        %dma_start3A_292 = tpu.memref_slice %arg6[%add3A_290, %dma_start3A_291] : memref<160x128xi32, #tpu.memory_space<vmem>> -> memref<1x128xi32, #tpu.memory_space<vmem>>
        %dma_start3A_293 = tpu.memref_squeeze %dma_start3A_292 : memref<1x128xi32, #tpu.memory_space<vmem>> -> memref<128xi32, #tpu.memory_space<vmem>>
        %dma_start3A_294 = arith.constant 0 : i32
        %dma_start3A_295 = arith.constant 0 : i32
        %dma_start3A_296 = tpu.memref_slice %arg2[%dma_start3A_294, %dma_start3A_295] : memref<20000x64xbf16, #tpu.memory_space<hbm>> -> memref<20000x64xbf16, #tpu.memory_space<hbm>>
        tpu.enqueue_indirect_dma source(%dma_start3A_296 : memref<20000x64xbf16, #tpu.memory_space<hbm>>) target(%arg9 : memref<128x64xbf16, #tpu.memory_space<vmem>>) offsets(%dma_start3A_293 : memref<128xi32, #tpu.memory_space<vmem>>) semaphore(%arg17 : memref<!tpu.dma_semaphore, #tpu.memory_space<semaphore_mem>>)
        %add3A_297 = arith.constant 1 : i32
        %add3A_298 = arith.addi %mul3A_145, %add3A_297 : i32
        %dma_wait3A_299 = arith.constant 0 : i32
        %dma_wait3A_300 = tpu.memref_slice %arg7[%add3A_298, %dma_wait3A_299] : memref<160x128xi32, #tpu.memory_space<vmem>> -> memref<1x128xi32, #tpu.memory_space<vmem>>
        %dma_wait3A_301 = tpu.memref_squeeze %dma_wait3A_300 : memref<1x128xi32, #tpu.memory_space<vmem>> -> memref<128xi32, #tpu.memory_space<vmem>>
        %dma_wait3A_302 = arith.constant 0 : i32
        %dma_wait3A_303 = arith.constant 0 : i32
        %dma_wait3A_304 = tpu.memref_slice %arg8[%dma_wait3A_302, %dma_wait3A_303] : memref<10240x64xbf16, #tpu.memory_space<vmem_shared>> -> memref<10240x64xbf16, #tpu.memory_space<vmem_shared>>
        tpu.wait_indirect_dma semaphore(%arg26 : memref<!tpu.dma_semaphore, #tpu.memory_space<semaphore_mem>>) src(%arg10 : memref<128x64xbf16, #tpu.memory_space<vmem>>) dst(%dma_wait3A_304 : memref<10240x64xbf16, #tpu.memory_space<vmem_shared>>)
        %add3A_305 = arith.constant 8 : i32
        %add3A_306 = arith.addi %mul3A_145, %add3A_305 : i32
        %add3A_307 = arith.constant 1 : i32
        %add3A_308 = arith.addi %add3A_306, %add3A_307 : i32
        %dma_start3A_309 = arith.constant 0 : i32
        %dma_start3A_310 = tpu.memref_slice %arg6[%add3A_308, %dma_start3A_309] : memref<160x128xi32, #tpu.memory_space<vmem>> -> memref<1x128xi32, #tpu.memory_space<vmem>>
        %dma_start3A_311 = tpu.memref_squeeze %dma_start3A_310 : memref<1x128xi32, #tpu.memory_space<vmem>> -> memref<128xi32, #tpu.memory_space<vmem>>
        %dma_start3A_312 = arith.constant 0 : i32
        %dma_start3A_313 = arith.constant 0 : i32
        %dma_start3A_314 = tpu.memref_slice %arg2[%dma_start3A_312, %dma_start3A_313] : memref<20000x64xbf16, #tpu.memory_space<hbm>> -> memref<20000x64xbf16, #tpu.memory_space<hbm>>
        tpu.enqueue_indirect_dma source(%dma_start3A_314 : memref<20000x64xbf16, #tpu.memory_space<hbm>>) target(%arg10 : memref<128x64xbf16, #tpu.memory_space<vmem>>) offsets(%dma_start3A_311 : memref<128xi32, #tpu.memory_space<vmem>>) semaphore(%arg18 : memref<!tpu.dma_semaphore, #tpu.memory_space<semaphore_mem>>)
        %add3A_315 = arith.constant 2 : i32
        %add3A_316 = arith.addi %mul3A_145, %add3A_315 : i32
        %dma_wait3A_317 = arith.constant 0 : i32
        %dma_wait3A_318 = tpu.memref_slice %arg7[%add3A_316, %dma_wait3A_317] : memref<160x128xi32, #tpu.memory_space<vmem>> -> memref<1x128xi32, #tpu.memory_space<vmem>>
        %dma_wait3A_319 = tpu.memref_squeeze %dma_wait3A_318 : memref<1x128xi32, #tpu.memory_space<vmem>> -> memref<128xi32, #tpu.memory_space<vmem>>
        %dma_wait3A_320 = arith.constant 0 : i32
        %dma_wait3A_321 = arith.constant 0 : i32
        %dma_wait3A_322 = tpu.memref_slice %arg8[%dma_wait3A_320, %dma_wait3A_321] : memref<10240x64xbf16, #tpu.memory_space<vmem_shared>> -> memref<10240x64xbf16, #tpu.memory_space<vmem_shared>>
        tpu.wait_indirect_dma semaphore(%arg27 : memref<!tpu.dma_semaphore, #tpu.memory_space<semaphore_mem>>) src(%arg11 : memref<128x64xbf16, #tpu.memory_space<vmem>>) dst(%dma_wait3A_322 : memref<10240x64xbf16, #tpu.memory_space<vmem_shared>>)
        %add3A_323 = arith.constant 8 : i32
        %add3A_324 = arith.addi %mul3A_145, %add3A_323 : i32
        %add3A_325 = arith.constant 2 : i32
        %add3A_326 = arith.addi %add3A_324, %add3A_325 : i32
        %dma_start3A_327 = arith.constant 0 : i32
        %dma_start3A_328 = tpu.memref_slice %arg6[%add3A_326, %dma_start3A_327] : memref<160x128xi32, #tpu.memory_space<vmem>> -> memref<1x128xi32, #tpu.memory_space<vmem>>
        %dma_start3A_329 = tpu.memref_squeeze %dma_start3A_328 : memref<1x128xi32, #tpu.memory_space<vmem>> -> memref<128xi32, #tpu.memory_space<vmem>>
        %dma_start3A_330 = arith.constant 0 : i32
        %dma_start3A_331 = arith.constant 0 : i32
        %dma_start3A_332 = tpu.memref_slice %arg2[%dma_start3A_330, %dma_start3A_331] : memref<20000x64xbf16, #tpu.memory_space<hbm>> -> memref<20000x64xbf16, #tpu.memory_space<hbm>>
        tpu.enqueue_indirect_dma source(%dma_start3A_332 : memref<20000x64xbf16, #tpu.memory_space<hbm>>) target(%arg11 : memref<128x64xbf16, #tpu.memory_space<vmem>>) offsets(%dma_start3A_329 : memref<128xi32, #tpu.memory_space<vmem>>) semaphore(%arg19 : memref<!tpu.dma_semaphore, #tpu.memory_space<semaphore_mem>>)
        %add3A_333 = arith.constant 3 : i32
        %add3A_334 = arith.addi %mul3A_145, %add3A_333 : i32
        %dma_wait3A_335 = arith.constant 0 : i32
        %dma_wait3A_336 = tpu.memref_slice %arg7[%add3A_334, %dma_wait3A_335] : memref<160x128xi32, #tpu.memory_space<vmem>> -> memref<1x128xi32, #tpu.memory_space<vmem>>
        %dma_wait3A_337 = tpu.memref_squeeze %dma_wait3A_336 : memref<1x128xi32, #tpu.memory_space<vmem>> -> memref<128xi32, #tpu.memory_space<vmem>>
        %dma_wait3A_338 = arith.constant 0 : i32
        %dma_wait3A_339 = arith.constant 0 : i32
        %dma_wait3A_340 = tpu.memref_slice %arg8[%dma_wait3A_338, %dma_wait3A_339] : memref<10240x64xbf16, #tpu.memory_space<vmem_shared>> -> memref<10240x64xbf16, #tpu.memory_space<vmem_shared>>
        tpu.wait_indirect_dma semaphore(%arg28 : memref<!tpu.dma_semaphore, #tpu.memory_space<semaphore_mem>>) src(%arg12 : memref<128x64xbf16, #tpu.memory_space<vmem>>) dst(%dma_wait3A_340 : memref<10240x64xbf16, #tpu.memory_space<vmem_shared>>)
        %add3A_341 = arith.constant 8 : i32
        %add3A_342 = arith.addi %mul3A_145, %add3A_341 : i32
        %add3A_343 = arith.constant 3 : i32
        %add3A_344 = arith.addi %add3A_342, %add3A_343 : i32
        %dma_start3A_345 = arith.constant 0 : i32
        %dma_start3A_346 = tpu.memref_slice %arg6[%add3A_344, %dma_start3A_345] : memref<160x128xi32, #tpu.memory_space<vmem>> -> memref<1x128xi32, #tpu.memory_space<vmem>>
        %dma_start3A_347 = tpu.memref_squeeze %dma_start3A_346 : memref<1x128xi32, #tpu.memory_space<vmem>> -> memref<128xi32, #tpu.memory_space<vmem>>
        %dma_start3A_348 = arith.constant 0 : i32
        %dma_start3A_349 = arith.constant 0 : i32
        %dma_start3A_350 = tpu.memref_slice %arg2[%dma_start3A_348, %dma_start3A_349] : memref<20000x64xbf16, #tpu.memory_space<hbm>> -> memref<20000x64xbf16, #tpu.memory_space<hbm>>
        tpu.enqueue_indirect_dma source(%dma_start3A_350 : memref<20000x64xbf16, #tpu.memory_space<hbm>>) target(%arg12 : memref<128x64xbf16, #tpu.memory_space<vmem>>) offsets(%dma_start3A_347 : memref<128xi32, #tpu.memory_space<vmem>>) semaphore(%arg20 : memref<!tpu.dma_semaphore, #tpu.memory_space<semaphore_mem>>)
        %add3A_351 = arith.constant 4 : i32
        %add3A_352 = arith.addi %mul3A_145, %add3A_351 : i32
        %dma_wait3A_353 = arith.constant 0 : i32
        %dma_wait3A_354 = tpu.memref_slice %arg7[%add3A_352, %dma_wait3A_353] : memref<160x128xi32, #tpu.memory_space<vmem>> -> memref<1x128xi32, #tpu.memory_space<vmem>>
        %dma_wait3A_355 = tpu.memref_squeeze %dma_wait3A_354 : memref<1x128xi32, #tpu.memory_space<vmem>> -> memref<128xi32, #tpu.memory_space<vmem>>
        %dma_wait3A_356 = arith.constant 0 : i32
        %dma_wait3A_357 = arith.constant 0 : i32
        %dma_wait3A_358 = tpu.memref_slice %arg8[%dma_wait3A_356, %dma_wait3A_357] : memref<10240x64xbf16, #tpu.memory_space<vmem_shared>> -> memref<10240x64xbf16, #tpu.memory_space<vmem_shared>>
        tpu.wait_indirect_dma semaphore(%arg29 : memref<!tpu.dma_semaphore, #tpu.memory_space<semaphore_mem>>) src(%arg13 : memref<128x64xbf16, #tpu.memory_space<vmem>>) dst(%dma_wait3A_358 : memref<10240x64xbf16, #tpu.memory_space<vmem_shared>>)
        %add3A_359 = arith.constant 8 : i32
        %add3A_360 = arith.addi %mul3A_145, %add3A_359 : i32
        %add3A_361 = arith.constant 4 : i32
        %add3A_362 = arith.addi %add3A_360, %add3A_361 : i32
        %dma_start3A_363 = arith.constant 0 : i32
        %dma_start3A_364 = tpu.memref_slice %arg6[%add3A_362, %dma_start3A_363] : memref<160x128xi32, #tpu.memory_space<vmem>> -> memref<1x128xi32, #tpu.memory_space<vmem>>
        %dma_start3A_365 = tpu.memref_squeeze %dma_start3A_364 : memref<1x128xi32, #tpu.memory_space<vmem>> -> memref<128xi32, #tpu.memory_space<vmem>>
        %dma_start3A_366 = arith.constant 0 : i32
        %dma_start3A_367 = arith.constant 0 : i32
        %dma_start3A_368 = tpu.memref_slice %arg2[%dma_start3A_366, %dma_start3A_367] : memref<20000x64xbf16, #tpu.memory_space<hbm>> -> memref<20000x64xbf16, #tpu.memory_space<hbm>>
        tpu.enqueue_indirect_dma source(%dma_start3A_368 : memref<20000x64xbf16, #tpu.memory_space<hbm>>) target(%arg13 : memref<128x64xbf16, #tpu.memory_space<vmem>>) offsets(%dma_start3A_365 : memref<128xi32, #tpu.memory_space<vmem>>) semaphore(%arg21 : memref<!tpu.dma_semaphore, #tpu.memory_space<semaphore_mem>>)
        %add3A_369 = arith.constant 5 : i32
        %add3A_370 = arith.addi %mul3A_145, %add3A_369 : i32
        %dma_wait3A_371 = arith.constant 0 : i32
        %dma_wait3A_372 = tpu.memref_slice %arg7[%add3A_370, %dma_wait3A_371] : memref<160x128xi32, #tpu.memory_space<vmem>> -> memref<1x128xi32, #tpu.memory_space<vmem>>
        %dma_wait3A_373 = tpu.memref_squeeze %dma_wait3A_372 : memref<1x128xi32, #tpu.memory_space<vmem>> -> memref<128xi32, #tpu.memory_space<vmem>>
        %dma_wait3A_374 = arith.constant 0 : i32
        %dma_wait3A_375 = arith.constant 0 : i32
        %dma_wait3A_376 = tpu.memref_slice %arg8[%dma_wait3A_374, %dma_wait3A_375] : memref<10240x64xbf16, #tpu.memory_space<vmem_shared>> -> memref<10240x64xbf16, #tpu.memory_space<vmem_shared>>
        tpu.wait_indirect_dma semaphore(%arg30 : memref<!tpu.dma_semaphore, #tpu.memory_space<semaphore_mem>>) src(%arg14 : memref<128x64xbf16, #tpu.memory_space<vmem>>) dst(%dma_wait3A_376 : memref<10240x64xbf16, #tpu.memory_space<vmem_shared>>)
        %add3A_377 = arith.constant 8 : i32
        %add3A_378 = arith.addi %mul3A_145, %add3A_377 : i32
        %add3A_379 = arith.constant 5 : i32
        %add3A_380 = arith.addi %add3A_378, %add3A_379 : i32
        %dma_start3A_381 = arith.constant 0 : i32
        %dma_start3A_382 = tpu.memref_slice %arg6[%add3A_380, %dma_start3A_381] : memref<160x128xi32, #tpu.memory_space<vmem>> -> memref<1x128xi32, #tpu.memory_space<vmem>>
        %dma_start3A_383 = tpu.memref_squeeze %dma_start3A_382 : memref<1x128xi32, #tpu.memory_space<vmem>> -> memref<128xi32, #tpu.memory_space<vmem>>
        %dma_start3A_384 = arith.constant 0 : i32
        %dma_start3A_385 = arith.constant 0 : i32
        %dma_start3A_386 = tpu.memref_slice %arg2[%dma_start3A_384, %dma_start3A_385] : memref<20000x64xbf16, #tpu.memory_space<hbm>> -> memref<20000x64xbf16, #tpu.memory_space<hbm>>
        tpu.enqueue_indirect_dma source(%dma_start3A_386 : memref<20000x64xbf16, #tpu.memory_space<hbm>>) target(%arg14 : memref<128x64xbf16, #tpu.memory_space<vmem>>) offsets(%dma_start3A_383 : memref<128xi32, #tpu.memory_space<vmem>>) semaphore(%arg22 : memref<!tpu.dma_semaphore, #tpu.memory_space<semaphore_mem>>)
        %add3A_387 = arith.constant 6 : i32
        %add3A_388 = arith.addi %mul3A_145, %add3A_387 : i32
        %dma_wait3A_389 = arith.constant 0 : i32
        %dma_wait3A_390 = tpu.memref_slice %arg7[%add3A_388, %dma_wait3A_389] : memref<160x128xi32, #tpu.memory_space<vmem>> -> memref<1x128xi32, #tpu.memory_space<vmem>>
        %dma_wait3A_391 = tpu.memref_squeeze %dma_wait3A_390 : memref<1x128xi32, #tpu.memory_space<vmem>> -> memref<128xi32, #tpu.memory_space<vmem>>
        %dma_wait3A_392 = arith.constant 0 : i32
        %dma_wait3A_393 = arith.constant 0 : i32
        %dma_wait3A_394 = tpu.memref_slice %arg8[%dma_wait3A_392, %dma_wait3A_393] : memref<10240x64xbf16, #tpu.memory_space<vmem_shared>> -> memref<10240x64xbf16, #tpu.memory_space<vmem_shared>>
        tpu.wait_indirect_dma semaphore(%arg31 : memref<!tpu.dma_semaphore, #tpu.memory_space<semaphore_mem>>) src(%arg15 : memref<128x64xbf16, #tpu.memory_space<vmem>>) dst(%dma_wait3A_394 : memref<10240x64xbf16, #tpu.memory_space<vmem_shared>>)
        %add3A_395 = arith.constant 8 : i32
        %add3A_396 = arith.addi %mul3A_145, %add3A_395 : i32
        %add3A_397 = arith.constant 6 : i32
        %add3A_398 = arith.addi %add3A_396, %add3A_397 : i32
        %dma_start3A_399 = arith.constant 0 : i32
        %dma_start3A_400 = tpu.memref_slice %arg6[%add3A_398, %dma_start3A_399] : memref<160x128xi32, #tpu.memory_space<vmem>> -> memref<1x128xi32, #tpu.memory_space<vmem>>
        %dma_start3A_401 = tpu.memref_squeeze %dma_start3A_400 : memref<1x128xi32, #tpu.memory_space<vmem>> -> memref<128xi32, #tpu.memory_space<vmem>>
        %dma_start3A_402 = arith.constant 0 : i32
        %dma_start3A_403 = arith.constant 0 : i32
        %dma_start3A_404 = tpu.memref_slice %arg2[%dma_start3A_402, %dma_start3A_403] : memref<20000x64xbf16, #tpu.memory_space<hbm>> -> memref<20000x64xbf16, #tpu.memory_space<hbm>>
        tpu.enqueue_indirect_dma source(%dma_start3A_404 : memref<20000x64xbf16, #tpu.memory_space<hbm>>) target(%arg15 : memref<128x64xbf16, #tpu.memory_space<vmem>>) offsets(%dma_start3A_401 : memref<128xi32, #tpu.memory_space<vmem>>) semaphore(%arg23 : memref<!tpu.dma_semaphore, #tpu.memory_space<semaphore_mem>>)
        %add3A_405 = arith.constant 7 : i32
        %add3A_406 = arith.addi %mul3A_145, %add3A_405 : i32
        %dma_wait3A_407 = arith.constant 0 : i32
        %dma_wait3A_408 = tpu.memref_slice %arg7[%add3A_406, %dma_wait3A_407] : memref<160x128xi32, #tpu.memory_space<vmem>> -> memref<1x128xi32, #tpu.memory_space<vmem>>
        %dma_wait3A_409 = tpu.memref_squeeze %dma_wait3A_408 : memref<1x128xi32, #tpu.memory_space<vmem>> -> memref<128xi32, #tpu.memory_space<vmem>>
        %dma_wait3A_410 = arith.constant 0 : i32
        %dma_wait3A_411 = arith.constant 0 : i32
        %dma_wait3A_412 = tpu.memref_slice %arg8[%dma_wait3A_410, %dma_wait3A_411] : memref<10240x64xbf16, #tpu.memory_space<vmem_shared>> -> memref<10240x64xbf16, #tpu.memory_space<vmem_shared>>
        tpu.wait_indirect_dma semaphore(%arg32 : memref<!tpu.dma_semaphore, #tpu.memory_space<semaphore_mem>>) src(%arg16 : memref<128x64xbf16, #tpu.memory_space<vmem>>) dst(%dma_wait3A_412 : memref<10240x64xbf16, #tpu.memory_space<vmem_shared>>)
        %add3A_413 = arith.constant 8 : i32
        %add3A_414 = arith.addi %mul3A_145, %add3A_413 : i32
        %add3A_415 = arith.constant 7 : i32
        %add3A_416 = arith.addi %add3A_414, %add3A_415 : i32
        %dma_start3A_417 = arith.constant 0 : i32
        %dma_start3A_418 = tpu.memref_slice %arg6[%add3A_416, %dma_start3A_417] : memref<160x128xi32, #tpu.memory_space<vmem>> -> memref<1x128xi32, #tpu.memory_space<vmem>>
        %dma_start3A_419 = tpu.memref_squeeze %dma_start3A_418 : memref<1x128xi32, #tpu.memory_space<vmem>> -> memref<128xi32, #tpu.memory_space<vmem>>
        %dma_start3A_420 = arith.constant 0 : i32
        %dma_start3A_421 = arith.constant 0 : i32
        %dma_start3A_422 = tpu.memref_slice %arg2[%dma_start3A_420, %dma_start3A_421] : memref<20000x64xbf16, #tpu.memory_space<hbm>> -> memref<20000x64xbf16, #tpu.memory_space<hbm>>
        tpu.enqueue_indirect_dma source(%dma_start3A_422 : memref<20000x64xbf16, #tpu.memory_space<hbm>>) target(%arg16 : memref<128x64xbf16, #tpu.memory_space<vmem>>) offsets(%dma_start3A_419 : memref<128xi32, #tpu.memory_space<vmem>>) semaphore(%arg24 : memref<!tpu.dma_semaphore, #tpu.memory_space<semaphore_mem>>)
      } else {
      }
      %scan3A_278 = arith.constant 0 : i32
      scf.yield %scan3A_278 : i32
    }
    %scan3A_80 = arith.constant 20 : i32
    %dma_wait3A = arith.constant 152 : i32
    %dma_wait3A_81 = arith.constant 0 : i32
    %dma_wait3A_82 = tpu.memref_slice %arg7[%dma_wait3A, %dma_wait3A_81] : memref<160x128xi32, #tpu.memory_space<vmem>> -> memref<1x128xi32, #tpu.memory_space<vmem>>
    %dma_wait3A_83 = tpu.memref_squeeze %dma_wait3A_82 : memref<1x128xi32, #tpu.memory_space<vmem>> -> memref<128xi32, #tpu.memory_space<vmem>>
    %dma_wait3A_84 = arith.constant 0 : i32
    %dma_wait3A_85 = arith.constant 0 : i32
    %dma_wait3A_86 = tpu.memref_slice %arg8[%dma_wait3A_84, %dma_wait3A_85] : memref<10240x64xbf16, #tpu.memory_space<vmem_shared>> -> memref<10240x64xbf16, #tpu.memory_space<vmem_shared>>
    tpu.wait_indirect_dma semaphore(%arg25 : memref<!tpu.dma_semaphore, #tpu.memory_space<semaphore_mem>>) src(%arg9 : memref<128x64xbf16, #tpu.memory_space<vmem>>) dst(%dma_wait3A_86 : memref<10240x64xbf16, #tpu.memory_space<vmem_shared>>)
    %dma_wait3A_87 = arith.constant 153 : i32
    %dma_wait3A_88 = arith.constant 0 : i32
    %dma_wait3A_89 = tpu.memref_slice %arg7[%dma_wait3A_87, %dma_wait3A_88] : memref<160x128xi32, #tpu.memory_space<vmem>> -> memref<1x128xi32, #tpu.memory_space<vmem>>
    %dma_wait3A_90 = tpu.memref_squeeze %dma_wait3A_89 : memref<1x128xi32, #tpu.memory_space<vmem>> -> memref<128xi32, #tpu.memory_space<vmem>>
    %dma_wait3A_91 = arith.constant 0 : i32
    %dma_wait3A_92 = arith.constant 0 : i32
    %dma_wait3A_93 = tpu.memref_slice %arg8[%dma_wait3A_91, %dma_wait3A_92] : memref<10240x64xbf16, #tpu.memory_space<vmem_shared>> -> memref<10240x64xbf16, #tpu.memory_space<vmem_shared>>
    tpu.wait_indirect_dma semaphore(%arg26 : memref<!tpu.dma_semaphore, #tpu.memory_space<semaphore_mem>>) src(%arg10 : memref<128x64xbf16, #tpu.memory_space<vmem>>) dst(%dma_wait3A_93 : memref<10240x64xbf16, #tpu.memory_space<vmem_shared>>)
    %dma_wait3A_94 = arith.constant 154 : i32
    %dma_wait3A_95 = arith.constant 0 : i32
    %dma_wait3A_96 = tpu.memref_slice %arg7[%dma_wait3A_94, %dma_wait3A_95] : memref<160x128xi32, #tpu.memory_space<vmem>> -> memref<1x128xi32, #tpu.memory_space<vmem>>
    %dma_wait3A_97 = tpu.memref_squeeze %dma_wait3A_96 : memref<1x128xi32, #tpu.memory_space<vmem>> -> memref<128xi32, #tpu.memory_space<vmem>>
    %dma_wait3A_98 = arith.constant 0 : i32
    %dma_wait3A_99 = arith.constant 0 : i32
    %dma_wait3A_100 = tpu.memref_slice %arg8[%dma_wait3A_98, %dma_wait3A_99] : memref<10240x64xbf16, #tpu.memory_space<vmem_shared>> -> memref<10240x64xbf16, #tpu.memory_space<vmem_shared>>
    tpu.wait_indirect_dma semaphore(%arg27 : memref<!tpu.dma_semaphore, #tpu.memory_space<semaphore_mem>>) src(%arg11 : memref<128x64xbf16, #tpu.memory_space<vmem>>) dst(%dma_wait3A_100 : memref<10240x64xbf16, #tpu.memory_space<vmem_shared>>)
    %dma_wait3A_101 = arith.constant 155 : i32
    %dma_wait3A_102 = arith.constant 0 : i32
    %dma_wait3A_103 = tpu.memref_slice %arg7[%dma_wait3A_101, %dma_wait3A_102] : memref<160x128xi32, #tpu.memory_space<vmem>> -> memref<1x128xi32, #tpu.memory_space<vmem>>
    %dma_wait3A_104 = tpu.memref_squeeze %dma_wait3A_103 : memref<1x128xi32, #tpu.memory_space<vmem>> -> memref<128xi32, #tpu.memory_space<vmem>>
    %dma_wait3A_105 = arith.constant 0 : i32
    %dma_wait3A_106 = arith.constant 0 : i32
    %dma_wait3A_107 = tpu.memref_slice %arg8[%dma_wait3A_105, %dma_wait3A_106] : memref<10240x64xbf16, #tpu.memory_space<vmem_shared>> -> memref<10240x64xbf16, #tpu.memory_space<vmem_shared>>
    tpu.wait_indirect_dma semaphore(%arg28 : memref<!tpu.dma_semaphore, #tpu.memory_space<semaphore_mem>>) src(%arg12 : memref<128x64xbf16, #tpu.memory_space<vmem>>) dst(%dma_wait3A_107 : memref<10240x64xbf16, #tpu.memory_space<vmem_shared>>)
    %dma_wait3A_108 = arith.constant 156 : i32
    %dma_wait3A_109 = arith.constant 0 : i32
    %dma_wait3A_110 = tpu.memref_slice %arg7[%dma_wait3A_108, %dma_wait3A_109] : memref<160x128xi32, #tpu.memory_space<vmem>> -> memref<1x128xi32, #tpu.memory_space<vmem>>
    %dma_wait3A_111 = tpu.memref_squeeze %dma_wait3A_110 : memref<1x128xi32, #tpu.memory_space<vmem>> -> memref<128xi32, #tpu.memory_space<vmem>>
    %dma_wait3A_112 = arith.constant 0 : i32
    %dma_wait3A_113 = arith.constant 0 : i32
    %dma_wait3A_114 = tpu.memref_slice %arg8[%dma_wait3A_112, %dma_wait3A_113] : memref<10240x64xbf16, #tpu.memory_space<vmem_shared>> -> memref<10240x64xbf16, #tpu.memory_space<vmem_shared>>
    tpu.wait_indirect_dma semaphore(%arg29 : memref<!tpu.dma_semaphore, #tpu.memory_space<semaphore_mem>>) src(%arg13 : memref<128x64xbf16, #tpu.memory_space<vmem>>) dst(%dma_wait3A_114 : memref<10240x64xbf16, #tpu.memory_space<vmem_shared>>)
    %dma_wait3A_115 = arith.constant 157 : i32
    %dma_wait3A_116 = arith.constant 0 : i32
    %dma_wait3A_117 = tpu.memref_slice %arg7[%dma_wait3A_115, %dma_wait3A_116] : memref<160x128xi32, #tpu.memory_space<vmem>> -> memref<1x128xi32, #tpu.memory_space<vmem>>
    %dma_wait3A_118 = tpu.memref_squeeze %dma_wait3A_117 : memref<1x128xi32, #tpu.memory_space<vmem>> -> memref<128xi32, #tpu.memory_space<vmem>>
    %dma_wait3A_119 = arith.constant 0 : i32
    %dma_wait3A_120 = arith.constant 0 : i32
    %dma_wait3A_121 = tpu.memref_slice %arg8[%dma_wait3A_119, %dma_wait3A_120] : memref<10240x64xbf16, #tpu.memory_space<vmem_shared>> -> memref<10240x64xbf16, #tpu.memory_space<vmem_shared>>
    tpu.wait_indirect_dma semaphore(%arg30 : memref<!tpu.dma_semaphore, #tpu.memory_space<semaphore_mem>>) src(%arg14 : memref<128x64xbf16, #tpu.memory_space<vmem>>) dst(%dma_wait3A_121 : memref<10240x64xbf16, #tpu.memory_space<vmem_shared>>)
    %dma_wait3A_122 = arith.constant 158 : i32
    %dma_wait3A_123 = arith.constant 0 : i32
    %dma_wait3A_124 = tpu.memref_slice %arg7[%dma_wait3A_122, %dma_wait3A_123] : memref<160x128xi32, #tpu.memory_space<vmem>> -> memref<1x128xi32, #tpu.memory_space<vmem>>
    %dma_wait3A_125 = tpu.memref_squeeze %dma_wait3A_124 : memref<1x128xi32, #tpu.memory_space<vmem>> -> memref<128xi32, #tpu.memory_space<vmem>>
    %dma_wait3A_126 = arith.constant 0 : i32
    %dma_wait3A_127 = arith.constant 0 : i32
    %dma_wait3A_128 = tpu.memref_slice %arg8[%dma_wait3A_126, %dma_wait3A_127] : memref<10240x64xbf16, #tpu.memory_space<vmem_shared>> -> memref<10240x64xbf16, #tpu.memory_space<vmem_shared>>
    tpu.wait_indirect_dma semaphore(%arg31 : memref<!tpu.dma_semaphore, #tpu.memory_space<semaphore_mem>>) src(%arg15 : memref<128x64xbf16, #tpu.memory_space<vmem>>) dst(%dma_wait3A_128 : memref<10240x64xbf16, #tpu.memory_space<vmem_shared>>)
    %dma_wait3A_129 = arith.constant 159 : i32
    %dma_wait3A_130 = arith.constant 0 : i32
    %dma_wait3A_131 = tpu.memref_slice %arg7[%dma_wait3A_129, %dma_wait3A_130] : memref<160x128xi32, #tpu.memory_space<vmem>> -> memref<1x128xi32, #tpu.memory_space<vmem>>
    %dma_wait3A_132 = tpu.memref_squeeze %dma_wait3A_131 : memref<1x128xi32, #tpu.memory_space<vmem>> -> memref<128xi32, #tpu.memory_space<vmem>>
    %dma_wait3A_133 = arith.constant 0 : i32
    %dma_wait3A_134 = arith.constant 0 : i32
    %dma_wait3A_135 = tpu.memref_slice %arg8[%dma_wait3A_133, %dma_wait3A_134] : memref<10240x64xbf16, #tpu.memory_space<vmem_shared>> -> memref<10240x64xbf16, #tpu.memory_space<vmem_shared>>
    tpu.wait_indirect_dma semaphore(%arg32 : memref<!tpu.dma_semaphore, #tpu.memory_space<semaphore_mem>>) src(%arg16 : memref<128x64xbf16, #tpu.memory_space<vmem>>) dst(%dma_wait3A_135 : memref<10240x64xbf16, #tpu.memory_space<vmem_shared>>)
    %barrier3A_136 = arith.constant 0 : index
    tpu.barrier barrier_id(%barrier3A_136)
    %mul3A_137 = arith.constant 640 : i32
    %mul3A_138 = arith.muli %arg1, %mul3A_137 : i32
    %mul3A_139 = arith.constant 10240 : i32
    %mul3A_140 = arith.muli %arg0, %mul3A_139 : i32
    %add3A_141 = arith.addi %mul3A_140, %mul3A_138 : i32
    "tpu.region"() ({
      %run_scoped3A = tpu.sem_alloc : memref<!tpu.dma_semaphore, #tpu.memory_space<semaphore_mem>>
      %dma_start3A_142 = arith.constant 0 : i32
      %dma_start3A_143 = tpu.memref_slice %arg5[%add3A_141, %dma_start3A_142] : memref<20480x64xbf16, #tpu.memory_space<hbm>> -> memref<640x64xbf16, #tpu.memory_space<hbm>>
      %dma_start3A_144 = arith.constant 0 : i32
      %dma_start3A_145 = tpu.memref_slice %arg8[%mul3A_138, %dma_start3A_144] : memref<10240x64xbf16, #tpu.memory_space<vmem_shared>> -> memref<640x64xbf16, #tpu.memory_space<vmem_shared>>
      tpu.enqueue_dma source(%dma_start3A_145 : memref<640x64xbf16, #tpu.memory_space<vmem_shared>>) target(%dma_start3A_143 : memref<640x64xbf16, #tpu.memory_space<hbm>>) target_semaphore(%run_scoped3A : memref<!tpu.dma_semaphore, #tpu.memory_space<semaphore_mem>>)
      %dma_wait3A_146 = arith.constant 0 : i32
      %dma_wait3A_147 = tpu.memref_slice %arg5[%add3A_141, %dma_wait3A_146] : memref<20480x64xbf16, #tpu.memory_space<hbm>> -> memref<640x64xbf16, #tpu.memory_space<hbm>>
      %dma_wait3A_148 = arith.constant 0 : i32
      %dma_wait3A_149 = tpu.memref_slice %arg8[%mul3A_138, %dma_wait3A_148] : memref<10240x64xbf16, #tpu.memory_space<vmem_shared>> -> memref<640x64xbf16, #tpu.memory_space<vmem_shared>>
      tpu.wait_dma2 semaphore(%run_scoped3A : memref<!tpu.dma_semaphore, #tpu.memory_space<semaphore_mem>>) src(%dma_wait3A_149 : memref<640x64xbf16, #tpu.memory_space<vmem_shared>>) dst(%dma_wait3A_147 : memref<640x64xbf16, #tpu.memory_space<hbm>>)
      tpu.yield
    }) : () -> ()
    return
  }
}

#map = affine_map<(d0, d1) -> (0, 0)>
#map1 = affine_map<(d0, d1) -> (0, 0, 0)>
module attributes {stable_mosaic.version = 14 : i64} {
  func.func @spmv(%arg0: i32, %arg1: i32, %arg2: memref<20000x64xbf16, #tpu.memory_space<hbm>>, %arg3: memref<32x40x128xi32, #tpu.memory_space<hbm>>, %arg4: memref<32x40x128xi32, #tpu.memory_space<hbm>>, %arg5: memref<20480x64xbf16, #tpu.memory_space<hbm>>, %arg6: memref<40x128xi32, #tpu.memory_space<vmem>>, %arg7: memref<40x128xi32, #tpu.memory_space<vmem>>, %arg8: memref<10240x64xbf16, #tpu.memory_space<vmem_shared>>, %arg9: memref<128x64xbf16, #tpu.memory_space<vmem>>, %arg10: memref<128x64xbf16, #tpu.memory_space<vmem>>, %arg11: memref<128x64xbf16, #tpu.memory_space<vmem>>, %arg12: memref<128x64xbf16, #tpu.memory_space<vmem>>, %arg13: memref<128x64xbf16, #tpu.memory_space<vmem>>, %arg14: memref<128x64xbf16, #tpu.memory_space<vmem>>, %arg15: memref<128x64xbf16, #tpu.memory_space<vmem>>, %arg16: memref<128x64xbf16, #tpu.memory_space<vmem>>, %arg17: memref<!tpu.dma_semaphore, #tpu.memory_space<semaphore_mem>>, %arg18: memref<!tpu.dma_semaphore, #tpu.memory_space<semaphore_mem>>, %arg19: memref<!tpu.dma_semaphore, #tpu.memory_space<semaphore_mem>>, %arg20: memref<!tpu.dma_semaphore, #tpu.memory_space<semaphore_mem>>, %arg21: memref<!tpu.dma_semaphore, #tpu.memory_space<semaphore_mem>>, %arg22: memref<!tpu.dma_semaphore, #tpu.memory_space<semaphore_mem>>, %arg23: memref<!tpu.dma_semaphore, #tpu.memory_space<semaphore_mem>>, %arg24: memref<!tpu.dma_semaphore, #tpu.memory_space<semaphore_mem>>, %arg25: memref<!tpu.dma_semaphore, #tpu.memory_space<semaphore_mem>>, %arg26: memref<!tpu.dma_semaphore, #tpu.memory_space<semaphore_mem>>, %arg27: memref<!tpu.dma_semaphore, #tpu.memory_space<semaphore_mem>>, %arg28: memref<!tpu.dma_semaphore, #tpu.memory_space<semaphore_mem>>, %arg29: memref<!tpu.dma_semaphore, #tpu.memory_space<semaphore_mem>>, %arg30: memref<!tpu.dma_semaphore, #tpu.memory_space<semaphore_mem>>, %arg31: memref<!tpu.dma_semaphore, #tpu.memory_space<semaphore_mem>>, %arg32: memref<!tpu.dma_semaphore, #tpu.memory_space<semaphore_mem>>) attributes {dimension_semantics = [#tpu.dimension_semantics<core_parallel>, #tpu.dimension_semantics<subcore_parallel>], iteration_bounds = array<i64: 2, 16>, scalar_prefetch = 0 : i64, scratch_operands = 27 : i64, tpu.core_type = #tpu.core_type<sc_vector_subcore>, window_params = [{transform_indices = #map}, {transform_indices = #map1}, {transform_indices = #map1}, {transform_indices = #map}]} {
    %mul3A = arith.constant 16 : i32
    %mul3A_0 = arith.muli %arg0, %mul3A : i32
    %add3A = arith.addi %mul3A_0, %arg1 : i32
    "tpu.region"() ({
      %run_scoped3A = tpu.sem_alloc : memref<!tpu.dma_semaphore, #tpu.memory_space<semaphore_mem>>
      %dma_start3A_142 = arith.constant 0 : i32
      %dma_start3A_143 = arith.constant 0 : i32
      %dma_start3A_144 = tpu.memref_slice %arg3[%add3A, %dma_start3A_142, %dma_start3A_143] : memref<32x40x128xi32, #tpu.memory_space<hbm>> -> memref<1x40x128xi32, #tpu.memory_space<hbm>>
      %dma_start3A_145 = tpu.memref_squeeze %dma_start3A_144 : memref<1x40x128xi32, #tpu.memory_space<hbm>> -> memref<40x128xi32, #tpu.memory_space<hbm>>
      %dma_start3A_146 = arith.constant 0 : i32
      %dma_start3A_147 = arith.constant 0 : i32
      %dma_start3A_148 = tpu.memref_slice %arg3[%add3A, %dma_start3A_146, %dma_start3A_147] : memref<32x40x128xi32, #tpu.memory_space<hbm>> -> memref<1x40x128xi32, #tpu.memory_space<hbm>>
      %dma_start3A_149 = tpu.memref_squeeze %dma_start3A_148 : memref<1x40x128xi32, #tpu.memory_space<hbm>> -> memref<40x128xi32, #tpu.memory_space<hbm>>
      tpu.enqueue_dma source(%dma_start3A_149 : memref<40x128xi32, #tpu.memory_space<hbm>>) target(%arg6 : memref<40x128xi32, #tpu.memory_space<vmem>>) target_semaphore(%run_scoped3A : memref<!tpu.dma_semaphore, #tpu.memory_space<semaphore_mem>>)
      %dma_wait3A_150 = arith.constant 0 : i32
      %dma_wait3A_151 = arith.constant 0 : i32
      %dma_wait3A_152 = tpu.memref_slice %arg3[%add3A, %dma_wait3A_150, %dma_wait3A_151] : memref<32x40x128xi32, #tpu.memory_space<hbm>> -> memref<1x40x128xi32, #tpu.memory_space<hbm>>
      %dma_wait3A_153 = tpu.memref_squeeze %dma_wait3A_152 : memref<1x40x128xi32, #tpu.memory_space<hbm>> -> memref<40x128xi32, #tpu.memory_space<hbm>>
      %dma_wait3A_154 = arith.constant 0 : i32
      %dma_wait3A_155 = arith.constant 0 : i32
      %dma_wait3A_156 = tpu.memref_slice %arg3[%add3A, %dma_wait3A_154, %dma_wait3A_155] : memref<32x40x128xi32, #tpu.memory_space<hbm>> -> memref<1x40x128xi32, #tpu.memory_space<hbm>>
      %dma_wait3A_157 = tpu.memref_squeeze %dma_wait3A_156 : memref<1x40x128xi32, #tpu.memory_space<hbm>> -> memref<40x128xi32, #tpu.memory_space<hbm>>
      tpu.wait_dma2 semaphore(%run_scoped3A : memref<!tpu.dma_semaphore, #tpu.memory_space<semaphore_mem>>) src(%dma_wait3A_157 : memref<40x128xi32, #tpu.memory_space<hbm>>) dst(%arg6 : memref<40x128xi32, #tpu.memory_space<vmem>>)
      tpu.yield
    }) : () -> ()
    "tpu.region"() ({
      %run_scoped3A = tpu.sem_alloc : memref<!tpu.dma_semaphore, #tpu.memory_space<semaphore_mem>>
      %dma_start3A_142 = arith.constant 0 : i32
      %dma_start3A_143 = arith.constant 0 : i32
      %dma_start3A_144 = tpu.memref_slice %arg4[%add3A, %dma_start3A_142, %dma_start3A_143] : memref<32x40x128xi32, #tpu.memory_space<hbm>> -> memref<1x40x128xi32, #tpu.memory_space<hbm>>
      %dma_start3A_145 = tpu.memref_squeeze %dma_start3A_144 : memref<1x40x128xi32, #tpu.memory_space<hbm>> -> memref<40x128xi32, #tpu.memory_space<hbm>>
      %dma_start3A_146 = arith.constant 0 : i32
      %dma_start3A_147 = arith.constant 0 : i32
      %dma_start3A_148 = tpu.memref_slice %arg4[%add3A, %dma_start3A_146, %dma_start3A_147] : memref<32x40x128xi32, #tpu.memory_space<hbm>> -> memref<1x40x128xi32, #tpu.memory_space<hbm>>
      %dma_start3A_149 = tpu.memref_squeeze %dma_start3A_148 : memref<1x40x128xi32, #tpu.memory_space<hbm>> -> memref<40x128xi32, #tpu.memory_space<hbm>>
      tpu.enqueue_dma source(%dma_start3A_149 : memref<40x128xi32, #tpu.memory_space<hbm>>) target(%arg7 : memref<40x128xi32, #tpu.memory_space<vmem>>) target_semaphore(%run_scoped3A : memref<!tpu.dma_semaphore, #tpu.memory_space<semaphore_mem>>)
      %dma_wait3A_150 = arith.constant 0 : i32
      %dma_wait3A_151 = arith.constant 0 : i32
      %dma_wait3A_152 = tpu.memref_slice %arg4[%add3A, %dma_wait3A_150, %dma_wait3A_151] : memref<32x40x128xi32, #tpu.memory_space<hbm>> -> memref<1x40x128xi32, #tpu.memory_space<hbm>>
      %dma_wait3A_153 = tpu.memref_squeeze %dma_wait3A_152 : memref<1x40x128xi32, #tpu.memory_space<hbm>> -> memref<40x128xi32, #tpu.memory_space<hbm>>
      %dma_wait3A_154 = arith.constant 0 : i32
      %dma_wait3A_155 = arith.constant 0 : i32
      %dma_wait3A_156 = tpu.memref_slice %arg4[%add3A, %dma_wait3A_154, %dma_wait3A_155] : memref<32x40x128xi32, #tpu.memory_space<hbm>> -> memref<1x40x128xi32, #tpu.memory_space<hbm>>
      %dma_wait3A_157 = tpu.memref_squeeze %dma_wait3A_156 : memref<1x40x128xi32, #tpu.memory_space<hbm>> -> memref<40x128xi32, #tpu.memory_space<hbm>>
      tpu.wait_dma2 semaphore(%run_scoped3A : memref<!tpu.dma_semaphore, #tpu.memory_space<semaphore_mem>>) src(%dma_wait3A_157 : memref<40x128xi32, #tpu.memory_space<hbm>>) dst(%arg7 : memref<40x128xi32, #tpu.memory_space<vmem>>)
      tpu.yield
    }) : () -> ()
    %dma_start3A = arith.constant 1 : i32
    %dma_start3A_1 = arith.constant 0 : i32
    %dma_start3A_2 = tpu.memref_slice %arg6[%dma_start3A, %dma_start3A_1] : memref<40x128xi32, #tpu.memory_space<vmem>> -> memref<1x128xi32, #tpu.memory_space<vmem>>
    %dma_start3A_3 = tpu.memref_squeeze %dma_start3A_2 : memref<1x128xi32, #tpu.memory_space<vmem>> -> memref<128xi32, #tpu.memory_space<vmem>>
    %dma_start3A_4 = arith.constant 0 : i32
    %dma_start3A_5 = arith.constant 0 : i32
    %dma_start3A_6 = tpu.memref_slice %arg2[%dma_start3A_4, %dma_start3A_5] : memref<20000x64xbf16, #tpu.memory_space<hbm>> -> memref<20000x64xbf16, #tpu.memory_space<hbm>>
    tpu.enqueue_indirect_dma source(%dma_start3A_6 : memref<20000x64xbf16, #tpu.memory_space<hbm>>) target(%arg10 : memref<128x64xbf16, #tpu.memory_space<vmem>>) offsets(%dma_start3A_3 : memref<128xi32, #tpu.memory_space<vmem>>) semaphore(%arg18 : memref<!tpu.dma_semaphore, #tpu.memory_space<semaphore_mem>>)
    %dma_start3A_7 = arith.constant 2 : i32
    %dma_start3A_8 = arith.constant 0 : i32
    %dma_start3A_9 = tpu.memref_slice %arg6[%dma_start3A_7, %dma_start3A_8] : memref<40x128xi32, #tpu.memory_space<vmem>> -> memref<1x128xi32, #tpu.memory_space<vmem>>
    %dma_start3A_10 = tpu.memref_squeeze %dma_start3A_9 : memref<1x128xi32, #tpu.memory_space<vmem>> -> memref<128xi32, #tpu.memory_space<vmem>>
    %dma_start3A_11 = arith.constant 0 : i32
    %dma_start3A_12 = arith.constant 0 : i32
    %dma_start3A_13 = tpu.memref_slice %arg2[%dma_start3A_11, %dma_start3A_12] : memref<20000x64xbf16, #tpu.memory_space<hbm>> -> memref<20000x64xbf16, #tpu.memory_space<hbm>>
    tpu.enqueue_indirect_dma source(%dma_start3A_13 : memref<20000x64xbf16, #tpu.memory_space<hbm>>) target(%arg11 : memref<128x64xbf16, #tpu.memory_space<vmem>>) offsets(%dma_start3A_10 : memref<128xi32, #tpu.memory_space<vmem>>) semaphore(%arg19 : memref<!tpu.dma_semaphore, #tpu.memory_space<semaphore_mem>>)
    %dma_start3A_14 = arith.constant 3 : i32
    %dma_start3A_15 = arith.constant 0 : i32
    %dma_start3A_16 = tpu.memref_slice %arg6[%dma_start3A_14, %dma_start3A_15] : memref<40x128xi32, #tpu.memory_space<vmem>> -> memref<1x128xi32, #tpu.memory_space<vmem>>
    %dma_start3A_17 = tpu.memref_squeeze %dma_start3A_16 : memref<1x128xi32, #tpu.memory_space<vmem>> -> memref<128xi32, #tpu.memory_space<vmem>>
    %dma_start3A_18 = arith.constant 0 : i32
    %dma_start3A_19 = arith.constant 0 : i32
    %dma_start3A_20 = tpu.memref_slice %arg2[%dma_start3A_18, %dma_start3A_19] : memref<20000x64xbf16, #tpu.memory_space<hbm>> -> memref<20000x64xbf16, #tpu.memory_space<hbm>>
    tpu.enqueue_indirect_dma source(%dma_start3A_20 : memref<20000x64xbf16, #tpu.memory_space<hbm>>) target(%arg12 : memref<128x64xbf16, #tpu.memory_space<vmem>>) offsets(%dma_start3A_17 : memref<128xi32, #tpu.memory_space<vmem>>) semaphore(%arg20 : memref<!tpu.dma_semaphore, #tpu.memory_space<semaphore_mem>>)
    %dma_start3A_21 = arith.constant 4 : i32
    %dma_start3A_22 = arith.constant 0 : i32
    %dma_start3A_23 = tpu.memref_slice %arg6[%dma_start3A_21, %dma_start3A_22] : memref<40x128xi32, #tpu.memory_space<vmem>> -> memref<1x128xi32, #tpu.memory_space<vmem>>
    %dma_start3A_24 = tpu.memref_squeeze %dma_start3A_23 : memref<1x128xi32, #tpu.memory_space<vmem>> -> memref<128xi32, #tpu.memory_space<vmem>>
    %dma_start3A_25 = arith.constant 0 : i32
    %dma_start3A_26 = arith.constant 0 : i32
    %dma_start3A_27 = tpu.memref_slice %arg2[%dma_start3A_25, %dma_start3A_26] : memref<20000x64xbf16, #tpu.memory_space<hbm>> -> memref<20000x64xbf16, #tpu.memory_space<hbm>>
    tpu.enqueue_indirect_dma source(%dma_start3A_27 : memref<20000x64xbf16, #tpu.memory_space<hbm>>) target(%arg13 : memref<128x64xbf16, #tpu.memory_space<vmem>>) offsets(%dma_start3A_24 : memref<128xi32, #tpu.memory_space<vmem>>) semaphore(%arg21 : memref<!tpu.dma_semaphore, #tpu.memory_space<semaphore_mem>>)
    %dma_start3A_28 = arith.constant 5 : i32
    %dma_start3A_29 = arith.constant 0 : i32
    %dma_start3A_30 = tpu.memref_slice %arg6[%dma_start3A_28, %dma_start3A_29] : memref<40x128xi32, #tpu.memory_space<vmem>> -> memref<1x128xi32, #tpu.memory_space<vmem>>
    %dma_start3A_31 = tpu.memref_squeeze %dma_start3A_30 : memref<1x128xi32, #tpu.memory_space<vmem>> -> memref<128xi32, #tpu.memory_space<vmem>>
    %dma_start3A_32 = arith.constant 0 : i32
    %dma_start3A_33 = arith.constant 0 : i32
    %dma_start3A_34 = tpu.memref_slice %arg2[%dma_start3A_32, %dma_start3A_33] : memref<20000x64xbf16, #tpu.memory_space<hbm>> -> memref<20000x64xbf16, #tpu.memory_space<hbm>>
    tpu.enqueue_indirect_dma source(%dma_start3A_34 : memref<20000x64xbf16, #tpu.memory_space<hbm>>) target(%arg14 : memref<128x64xbf16, #tpu.memory_space<vmem>>) offsets(%dma_start3A_31 : memref<128xi32, #tpu.memory_space<vmem>>) semaphore(%arg22 : memref<!tpu.dma_semaphore, #tpu.memory_space<semaphore_mem>>)
    %dma_start3A_35 = arith.constant 6 : i32
    %dma_start3A_36 = arith.constant 0 : i32
    %dma_start3A_37 = tpu.memref_slice %arg6[%dma_start3A_35, %dma_start3A_36] : memref<40x128xi32, #tpu.memory_space<vmem>> -> memref<1x128xi32, #tpu.memory_space<vmem>>
    %dma_start3A_38 = tpu.memref_squeeze %dma_start3A_37 : memref<1x128xi32, #tpu.memory_space<vmem>> -> memref<128xi32, #tpu.memory_space<vmem>>
    %dma_start3A_39 = arith.constant 0 : i32
    %dma_start3A_40 = arith.constant 0 : i32
    %dma_start3A_41 = tpu.memref_slice %arg2[%dma_start3A_39, %dma_start3A_40] : memref<20000x64xbf16, #tpu.memory_space<hbm>> -> memref<20000x64xbf16, #tpu.memory_space<hbm>>
    tpu.enqueue_indirect_dma source(%dma_start3A_41 : memref<20000x64xbf16, #tpu.memory_space<hbm>>) target(%arg15 : memref<128x64xbf16, #tpu.memory_space<vmem>>) offsets(%dma_start3A_38 : memref<128xi32, #tpu.memory_space<vmem>>) semaphore(%arg23 : memref<!tpu.dma_semaphore, #tpu.memory_space<semaphore_mem>>)
    %dma_start3A_42 = arith.constant 7 : i32
    %dma_start3A_43 = arith.constant 0 : i32
    %dma_start3A_44 = tpu.memref_slice %arg6[%dma_start3A_42, %dma_start3A_43] : memref<40x128xi32, #tpu.memory_space<vmem>> -> memref<1x128xi32, #tpu.memory_space<vmem>>
    %dma_start3A_45 = tpu.memref_squeeze %dma_start3A_44 : memref<1x128xi32, #tpu.memory_space<vmem>> -> memref<128xi32, #tpu.memory_space<vmem>>
    %dma_start3A_46 = arith.constant 0 : i32
    %dma_start3A_47 = arith.constant 0 : i32
    %dma_start3A_48 = tpu.memref_slice %arg2[%dma_start3A_46, %dma_start3A_47] : memref<20000x64xbf16, #tpu.memory_space<hbm>> -> memref<20000x64xbf16, #tpu.memory_space<hbm>>
    tpu.enqueue_indirect_dma source(%dma_start3A_48 : memref<20000x64xbf16, #tpu.memory_space<hbm>>) target(%arg16 : memref<128x64xbf16, #tpu.memory_space<vmem>>) offsets(%dma_start3A_45 : memref<128xi32, #tpu.memory_space<vmem>>) semaphore(%arg24 : memref<!tpu.dma_semaphore, #tpu.memory_space<semaphore_mem>>)
    %scan3A = arith.constant 0 : i32
    %scan3A_49 = arith.constant 0 : i32
    %scan3A_50 = arith.constant 128 : i32
    %scan3A_51 = arith.addi %scan3A_49, %scan3A_50 : i32
    %scan3A_52 = arith.constant 1 : i32
    %scan3A_53 = scf.for %scan3A_142 = %scan3A_49 to %scan3A_51 step %scan3A_52 iter_args(%scan3A_143 = %scan3A) -> (i32)  : i32 {
      %broadcast_in_dim3A = arith.constant 0.000000e+00 : bf16
      %broadcast_in_dim3A_144 = vector.broadcast %broadcast_in_dim3A : bf16 to vector<32xbf16>
      %swap3A = arith.index_cast %scan3A_142 : i32 to index
      %swap3A_145 = arith.constant 0 : index
      %swap3A_146 = tpu.vector_load %arg9[%swap3A, %swap3A_145] {strides = array<i32>} : memref<128x64xbf16, #tpu.memory_space<vmem>>, vector<32xbf16>,
      tpu.vector_store %arg9[%swap3A, %swap3A_145], %broadcast_in_dim3A_144 {strides = array<i32>} : memref<128x64xbf16, #tpu.memory_space<vmem>>, vector<32xbf16>,
      %broadcast_in_dim3A_147 = arith.constant 0.000000e+00 : bf16
      %broadcast_in_dim3A_148 = vector.broadcast %broadcast_in_dim3A_147 : bf16 to vector<32xbf16>
      %swap3A_149 = arith.index_cast %scan3A_142 : i32 to index
      %swap3A_150 = arith.constant 32 : index
      %swap3A_151 = tpu.vector_load %arg9[%swap3A_149, %swap3A_150] {strides = array<i32>} : memref<128x64xbf16, #tpu.memory_space<vmem>>, vector<32xbf16>,
      tpu.vector_store %arg9[%swap3A_149, %swap3A_150], %broadcast_in_dim3A_148 {strides = array<i32>} : memref<128x64xbf16, #tpu.memory_space<vmem>>, vector<32xbf16>,
      %scan3A_152 = arith.constant 0 : i32
      scf.yield %scan3A_152 : i32
    }
    %scan3A_54 = arith.constant 128 : i32
    %mul3A_55 = arith.constant 640 : i32
    %mul3A_56 = arith.muli %arg1, %mul3A_55 : i32
    %add3A_57 = arith.constant 0 : i32
    %add3A_58 = arith.addi %mul3A_56, %add3A_57 : i32
    "tpu.region"() ({
      %run_scoped3A = tpu.sem_alloc : memref<!tpu.dma_semaphore, #tpu.memory_space<semaphore_mem>>
      %dma_start3A_142 = arith.constant 0 : i32
      %dma_start3A_143 = tpu.memref_slice %arg8[%add3A_58, %dma_start3A_142] : memref<10240x64xbf16, #tpu.memory_space<vmem_shared>> -> memref<128x64xbf16, #tpu.memory_space<vmem_shared>>
      %dma_start3A_144 = arith.constant 0 : i32
      %dma_start3A_145 = tpu.memref_slice %arg8[%add3A_58, %dma_start3A_144] : memref<10240x64xbf16, #tpu.memory_space<vmem_shared>> -> memref<128x64xbf16, #tpu.memory_space<vmem_shared>>
      tpu.enqueue_dma source(%arg9 : memref<128x64xbf16, #tpu.memory_space<vmem>>) target(%dma_start3A_145 : memref<128x64xbf16, #tpu.memory_space<vmem_shared>>) target_semaphore(%run_scoped3A : memref<!tpu.dma_semaphore, #tpu.memory_space<semaphore_mem>>)
      %dma_wait3A_146 = arith.constant 0 : i32
      %dma_wait3A_147 = tpu.memref_slice %arg8[%add3A_58, %dma_wait3A_146] : memref<10240x64xbf16, #tpu.memory_space<vmem_shared>> -> memref<128x64xbf16, #tpu.memory_space<vmem_shared>>
      %dma_wait3A_148 = arith.constant 0 : i32
      %dma_wait3A_149 = tpu.memref_slice %arg8[%add3A_58, %dma_wait3A_148] : memref<10240x64xbf16, #tpu.memory_space<vmem_shared>> -> memref<128x64xbf16, #tpu.memory_space<vmem_shared>>
      tpu.wait_dma2 semaphore(%run_scoped3A : memref<!tpu.dma_semaphore, #tpu.memory_space<semaphore_mem>>) src(%arg9 : memref<128x64xbf16, #tpu.memory_space<vmem>>) dst(%dma_wait3A_149 : memref<128x64xbf16, #tpu.memory_space<vmem_shared>>)
      tpu.yield
    }) : () -> ()
    %add3A_59 = arith.constant 128 : i32
    %add3A_60 = arith.addi %mul3A_56, %add3A_59 : i32
    "tpu.region"() ({
      %run_scoped3A = tpu.sem_alloc : memref<!tpu.dma_semaphore, #tpu.memory_space<semaphore_mem>>
      %dma_start3A_142 = arith.constant 0 : i32
      %dma_start3A_143 = tpu.memref_slice %arg8[%add3A_60, %dma_start3A_142] : memref<10240x64xbf16, #tpu.memory_space<vmem_shared>> -> memref<128x64xbf16, #tpu.memory_space<vmem_shared>>
      %dma_start3A_144 = arith.constant 0 : i32
      %dma_start3A_145 = tpu.memref_slice %arg8[%add3A_60, %dma_start3A_144] : memref<10240x64xbf16, #tpu.memory_space<vmem_shared>> -> memref<128x64xbf16, #tpu.memory_space<vmem_shared>>
      tpu.enqueue_dma source(%arg9 : memref<128x64xbf16, #tpu.memory_space<vmem>>) target(%dma_start3A_145 : memref<128x64xbf16, #tpu.memory_space<vmem_shared>>) target_semaphore(%run_scoped3A : memref<!tpu.dma_semaphore, #tpu.memory_space<semaphore_mem>>)
      %dma_wait3A_146 = arith.constant 0 : i32
      %dma_wait3A_147 = tpu.memref_slice %arg8[%add3A_60, %dma_wait3A_146] : memref<10240x64xbf16, #tpu.memory_space<vmem_shared>> -> memref<128x64xbf16, #tpu.memory_space<vmem_shared>>
      %dma_wait3A_148 = arith.constant 0 : i32
      %dma_wait3A_149 = tpu.memref_slice %arg8[%add3A_60, %dma_wait3A_148] : memref<10240x64xbf16, #tpu.memory_space<vmem_shared>> -> memref<128x64xbf16, #tpu.memory_space<vmem_shared>>
      tpu.wait_dma2 semaphore(%run_scoped3A : memref<!tpu.dma_semaphore, #tpu.memory_space<semaphore_mem>>) src(%arg9 : memref<128x64xbf16, #tpu.memory_space<vmem>>) dst(%dma_wait3A_149 : memref<128x64xbf16, #tpu.memory_space<vmem_shared>>)
      tpu.yield
    }) : () -> ()
    %add3A_61 = arith.constant 256 : i32
    %add3A_62 = arith.addi %mul3A_56, %add3A_61 : i32
    "tpu.region"() ({
      %run_scoped3A = tpu.sem_alloc : memref<!tpu.dma_semaphore, #tpu.memory_space<semaphore_mem>>
      %dma_start3A_142 = arith.constant 0 : i32
      %dma_start3A_143 = tpu.memref_slice %arg8[%add3A_62, %dma_start3A_142] : memref<10240x64xbf16, #tpu.memory_space<vmem_shared>> -> memref<128x64xbf16, #tpu.memory_space<vmem_shared>>
      %dma_start3A_144 = arith.constant 0 : i32
      %dma_start3A_145 = tpu.memref_slice %arg8[%add3A_62, %dma_start3A_144] : memref<10240x64xbf16, #tpu.memory_space<vmem_shared>> -> memref<128x64xbf16, #tpu.memory_space<vmem_shared>>
      tpu.enqueue_dma source(%arg9 : memref<128x64xbf16, #tpu.memory_space<vmem>>) target(%dma_start3A_145 : memref<128x64xbf16, #tpu.memory_space<vmem_shared>>) target_semaphore(%run_scoped3A : memref<!tpu.dma_semaphore, #tpu.memory_space<semaphore_mem>>)
      %dma_wait3A_146 = arith.constant 0 : i32
      %dma_wait3A_147 = tpu.memref_slice %arg8[%add3A_62, %dma_wait3A_146] : memref<10240x64xbf16, #tpu.memory_space<vmem_shared>> -> memref<128x64xbf16, #tpu.memory_space<vmem_shared>>
      %dma_wait3A_148 = arith.constant 0 : i32
      %dma_wait3A_149 = tpu.memref_slice %arg8[%add3A_62, %dma_wait3A_148] : memref<10240x64xbf16, #tpu.memory_space<vmem_shared>> -> memref<128x64xbf16, #tpu.memory_space<vmem_shared>>
      tpu.wait_dma2 semaphore(%run_scoped3A : memref<!tpu.dma_semaphore, #tpu.memory_space<semaphore_mem>>) src(%arg9 : memref<128x64xbf16, #tpu.memory_space<vmem>>) dst(%dma_wait3A_149 : memref<128x64xbf16, #tpu.memory_space<vmem_shared>>)
      tpu.yield
    }) : () -> ()
    %add3A_63 = arith.constant 384 : i32
    %add3A_64 = arith.addi %mul3A_56, %add3A_63 : i32
    "tpu.region"() ({
      %run_scoped3A = tpu.sem_alloc : memref<!tpu.dma_semaphore, #tpu.memory_space<semaphore_mem>>
      %dma_start3A_142 = arith.constant 0 : i32
      %dma_start3A_143 = tpu.memref_slice %arg8[%add3A_64, %dma_start3A_142] : memref<10240x64xbf16, #tpu.memory_space<vmem_shared>> -> memref<128x64xbf16, #tpu.memory_space<vmem_shared>>
      %dma_start3A_144 = arith.constant 0 : i32
      %dma_start3A_145 = tpu.memref_slice %arg8[%add3A_64, %dma_start3A_144] : memref<10240x64xbf16, #tpu.memory_space<vmem_shared>> -> memref<128x64xbf16, #tpu.memory_space<vmem_shared>>
      tpu.enqueue_dma source(%arg9 : memref<128x64xbf16, #tpu.memory_space<vmem>>) target(%dma_start3A_145 : memref<128x64xbf16, #tpu.memory_space<vmem_shared>>) target_semaphore(%run_scoped3A : memref<!tpu.dma_semaphore, #tpu.memory_space<semaphore_mem>>)
      %dma_wait3A_146 = arith.constant 0 : i32
      %dma_wait3A_147 = tpu.memref_slice %arg8[%add3A_64, %dma_wait3A_146] : memref<10240x64xbf16, #tpu.memory_space<vmem_shared>> -> memref<128x64xbf16, #tpu.memory_space<vmem_shared>>
      %dma_wait3A_148 = arith.constant 0 : i32
      %dma_wait3A_149 = tpu.memref_slice %arg8[%add3A_64, %dma_wait3A_148] : memref<10240x64xbf16, #tpu.memory_space<vmem_shared>> -> memref<128x64xbf16, #tpu.memory_space<vmem_shared>>
      tpu.wait_dma2 semaphore(%run_scoped3A : memref<!tpu.dma_semaphore, #tpu.memory_space<semaphore_mem>>) src(%arg9 : memref<128x64xbf16, #tpu.memory_space<vmem>>) dst(%dma_wait3A_149 : memref<128x64xbf16, #tpu.memory_space<vmem_shared>>)
      tpu.yield
    }) : () -> ()
    %add3A_65 = arith.constant 512 : i32
    %add3A_66 = arith.addi %mul3A_56, %add3A_65 : i32
    "tpu.region"() ({
      %run_scoped3A = tpu.sem_alloc : memref<!tpu.dma_semaphore, #tpu.memory_space<semaphore_mem>>
      %dma_start3A_142 = arith.constant 0 : i32
      %dma_start3A_143 = tpu.memref_slice %arg8[%add3A_66, %dma_start3A_142] : memref<10240x64xbf16, #tpu.memory_space<vmem_shared>> -> memref<128x64xbf16, #tpu.memory_space<vmem_shared>>
      %dma_start3A_144 = arith.constant 0 : i32
      %dma_start3A_145 = tpu.memref_slice %arg8[%add3A_66, %dma_start3A_144] : memref<10240x64xbf16, #tpu.memory_space<vmem_shared>> -> memref<128x64xbf16, #tpu.memory_space<vmem_shared>>
      tpu.enqueue_dma source(%arg9 : memref<128x64xbf16, #tpu.memory_space<vmem>>) target(%dma_start3A_145 : memref<128x64xbf16, #tpu.memory_space<vmem_shared>>) target_semaphore(%run_scoped3A : memref<!tpu.dma_semaphore, #tpu.memory_space<semaphore_mem>>)
      %dma_wait3A_146 = arith.constant 0 : i32
      %dma_wait3A_147 = tpu.memref_slice %arg8[%add3A_66, %dma_wait3A_146] : memref<10240x64xbf16, #tpu.memory_space<vmem_shared>> -> memref<128x64xbf16, #tpu.memory_space<vmem_shared>>
      %dma_wait3A_148 = arith.constant 0 : i32
      %dma_wait3A_149 = tpu.memref_slice %arg8[%add3A_66, %dma_wait3A_148] : memref<10240x64xbf16, #tpu.memory_space<vmem_shared>> -> memref<128x64xbf16, #tpu.memory_space<vmem_shared>>
      tpu.wait_dma2 semaphore(%run_scoped3A : memref<!tpu.dma_semaphore, #tpu.memory_space<semaphore_mem>>) src(%arg9 : memref<128x64xbf16, #tpu.memory_space<vmem>>) dst(%dma_wait3A_149 : memref<128x64xbf16, #tpu.memory_space<vmem_shared>>)
      tpu.yield
    }) : () -> ()
    %dma_start3A_67 = arith.constant 0 : i32
    %dma_start3A_68 = arith.constant 0 : i32
    %dma_start3A_69 = tpu.memref_slice %arg6[%dma_start3A_67, %dma_start3A_68] : memref<40x128xi32, #tpu.memory_space<vmem>> -> memref<1x128xi32, #tpu.memory_space<vmem>>
    %dma_start3A_70 = tpu.memref_squeeze %dma_start3A_69 : memref<1x128xi32, #tpu.memory_space<vmem>> -> memref<128xi32, #tpu.memory_space<vmem>>
    %dma_start3A_71 = arith.constant 0 : i32
    %dma_start3A_72 = arith.constant 0 : i32
    %dma_start3A_73 = tpu.memref_slice %arg2[%dma_start3A_71, %dma_start3A_72] : memref<20000x64xbf16, #tpu.memory_space<hbm>> -> memref<20000x64xbf16, #tpu.memory_space<hbm>>
    tpu.enqueue_indirect_dma source(%dma_start3A_73 : memref<20000x64xbf16, #tpu.memory_space<hbm>>) target(%arg9 : memref<128x64xbf16, #tpu.memory_space<vmem>>) offsets(%dma_start3A_70 : memref<128xi32, #tpu.memory_space<vmem>>) semaphore(%arg17 : memref<!tpu.dma_semaphore, #tpu.memory_space<semaphore_mem>>)
    %barrier3A = arith.constant 0 : index
    tpu.barrier barrier_id(%barrier3A)
    %scan3A_74 = arith.constant 0 : i32
    %scan3A_75 = arith.constant 0 : i32
    %scan3A_76 = arith.constant 5 : i32
    %scan3A_77 = arith.addi %scan3A_75, %scan3A_76 : i32
    %scan3A_78 = arith.constant 1 : i32
    %scan3A_79 = scf.for %scan3A_142 = %scan3A_75 to %scan3A_77 step %scan3A_78 iter_args(%scan3A_143 = %scan3A_74) -> (i32)  : i32 {
      %mul3A_144 = arith.constant 8 : i32
      %mul3A_145 = arith.muli %scan3A_142, %mul3A_144 : i32
      %add3A_146 = arith.constant 0 : i32
      %add3A_147 = arith.addi %mul3A_145, %add3A_146 : i32
      %dma_wait3A_148 = arith.constant 0 : i32
      %dma_wait3A_149 = tpu.memref_slice %arg6[%add3A_147, %dma_wait3A_148] : memref<40x128xi32, #tpu.memory_space<vmem>> -> memref<1x128xi32, #tpu.memory_space<vmem>>
      %dma_wait3A_150 = tpu.memref_squeeze %dma_wait3A_149 : memref<1x128xi32, #tpu.memory_space<vmem>> -> memref<128xi32, #tpu.memory_space<vmem>>
      %dma_wait3A_151 = arith.constant 0 : i32
      %dma_wait3A_152 = arith.constant 0 : i32
      %dma_wait3A_153 = tpu.memref_slice %arg2[%dma_wait3A_151, %dma_wait3A_152] : memref<20000x64xbf16, #tpu.memory_space<hbm>> -> memref<20000x64xbf16, #tpu.memory_space<hbm>>
      tpu.wait_indirect_dma semaphore(%arg17 : memref<!tpu.dma_semaphore, #tpu.memory_space<semaphore_mem>>) src(%dma_wait3A_153 : memref<20000x64xbf16, #tpu.memory_space<hbm>>) dst(%arg9 : memref<128x64xbf16, #tpu.memory_space<vmem>>)
      %add3A_154 = arith.constant 0 : i32
      %add3A_155 = arith.addi %mul3A_145, %add3A_154 : i32
      %dma_start3A_156 = arith.constant 0 : i32
      %dma_start3A_157 = tpu.memref_slice %arg7[%add3A_155, %dma_start3A_156] : memref<40x128xi32, #tpu.memory_space<vmem>> -> memref<1x128xi32, #tpu.memory_space<vmem>>
      %dma_start3A_158 = tpu.memref_squeeze %dma_start3A_157 : memref<1x128xi32, #tpu.memory_space<vmem>> -> memref<128xi32, #tpu.memory_space<vmem>>
      %dma_start3A_159 = arith.constant 0 : i32
      %dma_start3A_160 = arith.constant 0 : i32
      %dma_start3A_161 = tpu.memref_slice %arg8[%dma_start3A_159, %dma_start3A_160] : memref<10240x64xbf16, #tpu.memory_space<vmem_shared>> -> memref<10240x64xbf16, #tpu.memory_space<vmem_shared>>
      tpu.enqueue_indirect_dma source(%arg9 : memref<128x64xbf16, #tpu.memory_space<vmem>>) target(%dma_start3A_161 : memref<10240x64xbf16, #tpu.memory_space<vmem_shared>>) offsets(%dma_start3A_158 : memref<128xi32, #tpu.memory_space<vmem>>) semaphore(%arg25 : memref<!tpu.dma_semaphore, #tpu.memory_space<semaphore_mem>>) {add = true}
      %add3A_162 = arith.constant 1 : i32
      %add3A_163 = arith.addi %mul3A_145, %add3A_162 : i32
      %dma_wait3A_164 = arith.constant 0 : i32
      %dma_wait3A_165 = tpu.memref_slice %arg6[%add3A_163, %dma_wait3A_164] : memref<40x128xi32, #tpu.memory_space<vmem>> -> memref<1x128xi32, #tpu.memory_space<vmem>>
      %dma_wait3A_166 = tpu.memref_squeeze %dma_wait3A_165 : memref<1x128xi32, #tpu.memory_space<vmem>> -> memref<128xi32, #tpu.memory_space<vmem>>
      %dma_wait3A_167 = arith.constant 0 : i32
      %dma_wait3A_168 = arith.constant 0 : i32
      %dma_wait3A_169 = tpu.memref_slice %arg2[%dma_wait3A_167, %dma_wait3A_168] : memref<20000x64xbf16, #tpu.memory_space<hbm>> -> memref<20000x64xbf16, #tpu.memory_space<hbm>>
      tpu.wait_indirect_dma semaphore(%arg18 : memref<!tpu.dma_semaphore, #tpu.memory_space<semaphore_mem>>) src(%dma_wait3A_169 : memref<20000x64xbf16, #tpu.memory_space<hbm>>) dst(%arg10 : memref<128x64xbf16, #tpu.memory_space<vmem>>)
      %add3A_170 = arith.constant 1 : i32
      %add3A_171 = arith.addi %mul3A_145, %add3A_170 : i32
      %dma_start3A_172 = arith.constant 0 : i32
      %dma_start3A_173 = tpu.memref_slice %arg7[%add3A_171, %dma_start3A_172] : memref<40x128xi32, #tpu.memory_space<vmem>> -> memref<1x128xi32, #tpu.memory_space<vmem>>
      %dma_start3A_174 = tpu.memref_squeeze %dma_start3A_173 : memref<1x128xi32, #tpu.memory_space<vmem>> -> memref<128xi32, #tpu.memory_space<vmem>>
      %dma_start3A_175 = arith.constant 0 : i32
      %dma_start3A_176 = arith.constant 0 : i32
      %dma_start3A_177 = tpu.memref_slice %arg8[%dma_start3A_175, %dma_start3A_176] : memref<10240x64xbf16, #tpu.memory_space<vmem_shared>> -> memref<10240x64xbf16, #tpu.memory_space<vmem_shared>>
      tpu.enqueue_indirect_dma source(%arg10 : memref<128x64xbf16, #tpu.memory_space<vmem>>) target(%dma_start3A_177 : memref<10240x64xbf16, #tpu.memory_space<vmem_shared>>) offsets(%dma_start3A_174 : memref<128xi32, #tpu.memory_space<vmem>>) semaphore(%arg26 : memref<!tpu.dma_semaphore, #tpu.memory_space<semaphore_mem>>) {add = true}
      %add3A_178 = arith.constant 2 : i32
      %add3A_179 = arith.addi %mul3A_145, %add3A_178 : i32
      %dma_wait3A_180 = arith.constant 0 : i32
      %dma_wait3A_181 = tpu.memref_slice %arg6[%add3A_179, %dma_wait3A_180] : memref<40x128xi32, #tpu.memory_space<vmem>> -> memref<1x128xi32, #tpu.memory_space<vmem>>
      %dma_wait3A_182 = tpu.memref_squeeze %dma_wait3A_181 : memref<1x128xi32, #tpu.memory_space<vmem>> -> memref<128xi32, #tpu.memory_space<vmem>>
      %dma_wait3A_183 = arith.constant 0 : i32
      %dma_wait3A_184 = arith.constant 0 : i32
      %dma_wait3A_185 = tpu.memref_slice %arg2[%dma_wait3A_183, %dma_wait3A_184] : memref<20000x64xbf16, #tpu.memory_space<hbm>> -> memref<20000x64xbf16, #tpu.memory_space<hbm>>
      tpu.wait_indirect_dma semaphore(%arg19 : memref<!tpu.dma_semaphore, #tpu.memory_space<semaphore_mem>>) src(%dma_wait3A_185 : memref<20000x64xbf16, #tpu.memory_space<hbm>>) dst(%arg11 : memref<128x64xbf16, #tpu.memory_space<vmem>>)
      %add3A_186 = arith.constant 2 : i32
      %add3A_187 = arith.addi %mul3A_145, %add3A_186 : i32
      %dma_start3A_188 = arith.constant 0 : i32
      %dma_start3A_189 = tpu.memref_slice %arg7[%add3A_187, %dma_start3A_188] : memref<40x128xi32, #tpu.memory_space<vmem>> -> memref<1x128xi32, #tpu.memory_space<vmem>>
      %dma_start3A_190 = tpu.memref_squeeze %dma_start3A_189 : memref<1x128xi32, #tpu.memory_space<vmem>> -> memref<128xi32, #tpu.memory_space<vmem>>
      %dma_start3A_191 = arith.constant 0 : i32
      %dma_start3A_192 = arith.constant 0 : i32
      %dma_start3A_193 = tpu.memref_slice %arg8[%dma_start3A_191, %dma_start3A_192] : memref<10240x64xbf16, #tpu.memory_space<vmem_shared>> -> memref<10240x64xbf16, #tpu.memory_space<vmem_shared>>
      tpu.enqueue_indirect_dma source(%arg11 : memref<128x64xbf16, #tpu.memory_space<vmem>>) target(%dma_start3A_193 : memref<10240x64xbf16, #tpu.memory_space<vmem_shared>>) offsets(%dma_start3A_190 : memref<128xi32, #tpu.memory_space<vmem>>) semaphore(%arg27 : memref<!tpu.dma_semaphore, #tpu.memory_space<semaphore_mem>>) {add = true}
      %add3A_194 = arith.constant 3 : i32
      %add3A_195 = arith.addi %mul3A_145, %add3A_194 : i32
      %dma_wait3A_196 = arith.constant 0 : i32
      %dma_wait3A_197 = tpu.memref_slice %arg6[%add3A_195, %dma_wait3A_196] : memref<40x128xi32, #tpu.memory_space<vmem>> -> memref<1x128xi32, #tpu.memory_space<vmem>>
      %dma_wait3A_198 = tpu.memref_squeeze %dma_wait3A_197 : memref<1x128xi32, #tpu.memory_space<vmem>> -> memref<128xi32, #tpu.memory_space<vmem>>
      %dma_wait3A_199 = arith.constant 0 : i32
      %dma_wait3A_200 = arith.constant 0 : i32
      %dma_wait3A_201 = tpu.memref_slice %arg2[%dma_wait3A_199, %dma_wait3A_200] : memref<20000x64xbf16, #tpu.memory_space<hbm>> -> memref<20000x64xbf16, #tpu.memory_space<hbm>>
      tpu.wait_indirect_dma semaphore(%arg20 : memref<!tpu.dma_semaphore, #tpu.memory_space<semaphore_mem>>) src(%dma_wait3A_201 : memref<20000x64xbf16, #tpu.memory_space<hbm>>) dst(%arg12 : memref<128x64xbf16, #tpu.memory_space<vmem>>)
      %add3A_202 = arith.constant 3 : i32
      %add3A_203 = arith.addi %mul3A_145, %add3A_202 : i32
      %dma_start3A_204 = arith.constant 0 : i32
      %dma_start3A_205 = tpu.memref_slice %arg7[%add3A_203, %dma_start3A_204] : memref<40x128xi32, #tpu.memory_space<vmem>> -> memref<1x128xi32, #tpu.memory_space<vmem>>
      %dma_start3A_206 = tpu.memref_squeeze %dma_start3A_205 : memref<1x128xi32, #tpu.memory_space<vmem>> -> memref<128xi32, #tpu.memory_space<vmem>>
      %dma_start3A_207 = arith.constant 0 : i32
      %dma_start3A_208 = arith.constant 0 : i32
      %dma_start3A_209 = tpu.memref_slice %arg8[%dma_start3A_207, %dma_start3A_208] : memref<10240x64xbf16, #tpu.memory_space<vmem_shared>> -> memref<10240x64xbf16, #tpu.memory_space<vmem_shared>>
      tpu.enqueue_indirect_dma source(%arg12 : memref<128x64xbf16, #tpu.memory_space<vmem>>) target(%dma_start3A_209 : memref<10240x64xbf16, #tpu.memory_space<vmem_shared>>) offsets(%dma_start3A_206 : memref<128xi32, #tpu.memory_space<vmem>>) semaphore(%arg28 : memref<!tpu.dma_semaphore, #tpu.memory_space<semaphore_mem>>) {add = true}
      %add3A_210 = arith.constant 4 : i32
      %add3A_211 = arith.addi %mul3A_145, %add3A_210 : i32
      %dma_wait3A_212 = arith.constant 0 : i32
      %dma_wait3A_213 = tpu.memref_slice %arg6[%add3A_211, %dma_wait3A_212] : memref<40x128xi32, #tpu.memory_space<vmem>> -> memref<1x128xi32, #tpu.memory_space<vmem>>
      %dma_wait3A_214 = tpu.memref_squeeze %dma_wait3A_213 : memref<1x128xi32, #tpu.memory_space<vmem>> -> memref<128xi32, #tpu.memory_space<vmem>>
      %dma_wait3A_215 = arith.constant 0 : i32
      %dma_wait3A_216 = arith.constant 0 : i32
      %dma_wait3A_217 = tpu.memref_slice %arg2[%dma_wait3A_215, %dma_wait3A_216] : memref<20000x64xbf16, #tpu.memory_space<hbm>> -> memref<20000x64xbf16, #tpu.memory_space<hbm>>
      tpu.wait_indirect_dma semaphore(%arg21 : memref<!tpu.dma_semaphore, #tpu.memory_space<semaphore_mem>>) src(%dma_wait3A_217 : memref<20000x64xbf16, #tpu.memory_space<hbm>>) dst(%arg13 : memref<128x64xbf16, #tpu.memory_space<vmem>>)
      %add3A_218 = arith.constant 4 : i32
      %add3A_219 = arith.addi %mul3A_145, %add3A_218 : i32
      %dma_start3A_220 = arith.constant 0 : i32
      %dma_start3A_221 = tpu.memref_slice %arg7[%add3A_219, %dma_start3A_220] : memref<40x128xi32, #tpu.memory_space<vmem>> -> memref<1x128xi32, #tpu.memory_space<vmem>>
      %dma_start3A_222 = tpu.memref_squeeze %dma_start3A_221 : memref<1x128xi32, #tpu.memory_space<vmem>> -> memref<128xi32, #tpu.memory_space<vmem>>
      %dma_start3A_223 = arith.constant 0 : i32
      %dma_start3A_224 = arith.constant 0 : i32
      %dma_start3A_225 = tpu.memref_slice %arg8[%dma_start3A_223, %dma_start3A_224] : memref<10240x64xbf16, #tpu.memory_space<vmem_shared>> -> memref<10240x64xbf16, #tpu.memory_space<vmem_shared>>
      tpu.enqueue_indirect_dma source(%arg13 : memref<128x64xbf16, #tpu.memory_space<vmem>>) target(%dma_start3A_225 : memref<10240x64xbf16, #tpu.memory_space<vmem_shared>>) offsets(%dma_start3A_222 : memref<128xi32, #tpu.memory_space<vmem>>) semaphore(%arg29 : memref<!tpu.dma_semaphore, #tpu.memory_space<semaphore_mem>>) {add = true}
      %add3A_226 = arith.constant 5 : i32
      %add3A_227 = arith.addi %mul3A_145, %add3A_226 : i32
      %dma_wait3A_228 = arith.constant 0 : i32
      %dma_wait3A_229 = tpu.memref_slice %arg6[%add3A_227, %dma_wait3A_228] : memref<40x128xi32, #tpu.memory_space<vmem>> -> memref<1x128xi32, #tpu.memory_space<vmem>>
      %dma_wait3A_230 = tpu.memref_squeeze %dma_wait3A_229 : memref<1x128xi32, #tpu.memory_space<vmem>> -> memref<128xi32, #tpu.memory_space<vmem>>
      %dma_wait3A_231 = arith.constant 0 : i32
      %dma_wait3A_232 = arith.constant 0 : i32
      %dma_wait3A_233 = tpu.memref_slice %arg2[%dma_wait3A_231, %dma_wait3A_232] : memref<20000x64xbf16, #tpu.memory_space<hbm>> -> memref<20000x64xbf16, #tpu.memory_space<hbm>>
      tpu.wait_indirect_dma semaphore(%arg22 : memref<!tpu.dma_semaphore, #tpu.memory_space<semaphore_mem>>) src(%dma_wait3A_233 : memref<20000x64xbf16, #tpu.memory_space<hbm>>) dst(%arg14 : memref<128x64xbf16, #tpu.memory_space<vmem>>)
      %add3A_234 = arith.constant 5 : i32
      %add3A_235 = arith.addi %mul3A_145, %add3A_234 : i32
      %dma_start3A_236 = arith.constant 0 : i32
      %dma_start3A_237 = tpu.memref_slice %arg7[%add3A_235, %dma_start3A_236] : memref<40x128xi32, #tpu.memory_space<vmem>> -> memref<1x128xi32, #tpu.memory_space<vmem>>
      %dma_start3A_238 = tpu.memref_squeeze %dma_start3A_237 : memref<1x128xi32, #tpu.memory_space<vmem>> -> memref<128xi32, #tpu.memory_space<vmem>>
      %dma_start3A_239 = arith.constant 0 : i32
      %dma_start3A_240 = arith.constant 0 : i32
      %dma_start3A_241 = tpu.memref_slice %arg8[%dma_start3A_239, %dma_start3A_240] : memref<10240x64xbf16, #tpu.memory_space<vmem_shared>> -> memref<10240x64xbf16, #tpu.memory_space<vmem_shared>>
      tpu.enqueue_indirect_dma source(%arg14 : memref<128x64xbf16, #tpu.memory_space<vmem>>) target(%dma_start3A_241 : memref<10240x64xbf16, #tpu.memory_space<vmem_shared>>) offsets(%dma_start3A_238 : memref<128xi32, #tpu.memory_space<vmem>>) semaphore(%arg30 : memref<!tpu.dma_semaphore, #tpu.memory_space<semaphore_mem>>) {add = true}
      %add3A_242 = arith.constant 6 : i32
      %add3A_243 = arith.addi %mul3A_145, %add3A_242 : i32
      %dma_wait3A_244 = arith.constant 0 : i32
      %dma_wait3A_245 = tpu.memref_slice %arg6[%add3A_243, %dma_wait3A_244] : memref<40x128xi32, #tpu.memory_space<vmem>> -> memref<1x128xi32, #tpu.memory_space<vmem>>
      %dma_wait3A_246 = tpu.memref_squeeze %dma_wait3A_245 : memref<1x128xi32, #tpu.memory_space<vmem>> -> memref<128xi32, #tpu.memory_space<vmem>>
      %dma_wait3A_247 = arith.constant 0 : i32
      %dma_wait3A_248 = arith.constant 0 : i32
      %dma_wait3A_249 = tpu.memref_slice %arg2[%dma_wait3A_247, %dma_wait3A_248] : memref<20000x64xbf16, #tpu.memory_space<hbm>> -> memref<20000x64xbf16, #tpu.memory_space<hbm>>
      tpu.wait_indirect_dma semaphore(%arg23 : memref<!tpu.dma_semaphore, #tpu.memory_space<semaphore_mem>>) src(%dma_wait3A_249 : memref<20000x64xbf16, #tpu.memory_space<hbm>>) dst(%arg15 : memref<128x64xbf16, #tpu.memory_space<vmem>>)
      %add3A_250 = arith.constant 6 : i32
      %add3A_251 = arith.addi %mul3A_145, %add3A_250 : i32
      %dma_start3A_252 = arith.constant 0 : i32
      %dma_start3A_253 = tpu.memref_slice %arg7[%add3A_251, %dma_start3A_252] : memref<40x128xi32, #tpu.memory_space<vmem>> -> memref<1x128xi32, #tpu.memory_space<vmem>>
      %dma_start3A_254 = tpu.memref_squeeze %dma_start3A_253 : memref<1x128xi32, #tpu.memory_space<vmem>> -> memref<128xi32, #tpu.memory_space<vmem>>
      %dma_start3A_255 = arith.constant 0 : i32
      %dma_start3A_256 = arith.constant 0 : i32
      %dma_start3A_257 = tpu.memref_slice %arg8[%dma_start3A_255, %dma_start3A_256] : memref<10240x64xbf16, #tpu.memory_space<vmem_shared>> -> memref<10240x64xbf16, #tpu.memory_space<vmem_shared>>
      tpu.enqueue_indirect_dma source(%arg15 : memref<128x64xbf16, #tpu.memory_space<vmem>>) target(%dma_start3A_257 : memref<10240x64xbf16, #tpu.memory_space<vmem_shared>>) offsets(%dma_start3A_254 : memref<128xi32, #tpu.memory_space<vmem>>) semaphore(%arg31 : memref<!tpu.dma_semaphore, #tpu.memory_space<semaphore_mem>>) {add = true}
      %add3A_258 = arith.constant 7 : i32
      %add3A_259 = arith.addi %mul3A_145, %add3A_258 : i32
      %dma_wait3A_260 = arith.constant 0 : i32
      %dma_wait3A_261 = tpu.memref_slice %arg6[%add3A_259, %dma_wait3A_260] : memref<40x128xi32, #tpu.memory_space<vmem>> -> memref<1x128xi32, #tpu.memory_space<vmem>>
      %dma_wait3A_262 = tpu.memref_squeeze %dma_wait3A_261 : memref<1x128xi32, #tpu.memory_space<vmem>> -> memref<128xi32, #tpu.memory_space<vmem>>
      %dma_wait3A_263 = arith.constant 0 : i32
      %dma_wait3A_264 = arith.constant 0 : i32
      %dma_wait3A_265 = tpu.memref_slice %arg2[%dma_wait3A_263, %dma_wait3A_264] : memref<20000x64xbf16, #tpu.memory_space<hbm>> -> memref<20000x64xbf16, #tpu.memory_space<hbm>>
      tpu.wait_indirect_dma semaphore(%arg24 : memref<!tpu.dma_semaphore, #tpu.memory_space<semaphore_mem>>) src(%dma_wait3A_265 : memref<20000x64xbf16, #tpu.memory_space<hbm>>) dst(%arg16 : memref<128x64xbf16, #tpu.memory_space<vmem>>)
      %add3A_266 = arith.constant 7 : i32
      %add3A_267 = arith.addi %mul3A_145, %add3A_266 : i32
      %dma_start3A_268 = arith.constant 0 : i32
      %dma_start3A_269 = tpu.memref_slice %arg7[%add3A_267, %dma_start3A_268] : memref<40x128xi32, #tpu.memory_space<vmem>> -> memref<1x128xi32, #tpu.memory_space<vmem>>
      %dma_start3A_270 = tpu.memref_squeeze %dma_start3A_269 : memref<1x128xi32, #tpu.memory_space<vmem>> -> memref<128xi32, #tpu.memory_space<vmem>>
      %dma_start3A_271 = arith.constant 0 : i32
      %dma_start3A_272 = arith.constant 0 : i32
      %dma_start3A_273 = tpu.memref_slice %arg8[%dma_start3A_271, %dma_start3A_272] : memref<10240x64xbf16, #tpu.memory_space<vmem_shared>> -> memref<10240x64xbf16, #tpu.memory_space<vmem_shared>>
      tpu.enqueue_indirect_dma source(%arg16 : memref<128x64xbf16, #tpu.memory_space<vmem>>) target(%dma_start3A_273 : memref<10240x64xbf16, #tpu.memory_space<vmem_shared>>) offsets(%dma_start3A_270 : memref<128xi32, #tpu.memory_space<vmem>>) semaphore(%arg32 : memref<!tpu.dma_semaphore, #tpu.memory_space<semaphore_mem>>) {add = true}
      %add3A_274 = arith.constant 1 : i32
      %add3A_275 = arith.addi %scan3A_142, %add3A_274 : i32
      %lt3A = arith.constant 5 : i32
      %lt3A_276 = arith.cmpi slt, %add3A_275, %lt3A : i32
      %convert_element_type3A = arith.extui %lt3A_276 : i1 to i32
      %cond3A = arith.constant 0 : i32
      %cond3A_277 = arith.cmpi ne, %convert_element_type3A, %cond3A : i32
      scf.if %cond3A_277 {
        %add3A_279 = arith.constant 0 : i32
        %add3A_280 = arith.addi %mul3A_145, %add3A_279 : i32
        %dma_wait3A_281 = arith.constant 0 : i32
        %dma_wait3A_282 = tpu.memref_slice %arg7[%add3A_280, %dma_wait3A_281] : memref<40x128xi32, #tpu.memory_space<vmem>> -> memref<1x128xi32, #tpu.memory_space<vmem>>
        %dma_wait3A_283 = tpu.memref_squeeze %dma_wait3A_282 : memref<1x128xi32, #tpu.memory_space<vmem>> -> memref<128xi32, #tpu.memory_space<vmem>>
        %dma_wait3A_284 = arith.constant 0 : i32
        %dma_wait3A_285 = arith.constant 0 : i32
        %dma_wait3A_286 = tpu.memref_slice %arg8[%dma_wait3A_284, %dma_wait3A_285] : memref<10240x64xbf16, #tpu.memory_space<vmem_shared>> -> memref<10240x64xbf16, #tpu.memory_space<vmem_shared>>
        tpu.wait_indirect_dma semaphore(%arg25 : memref<!tpu.dma_semaphore, #tpu.memory_space<semaphore_mem>>) src(%arg9 : memref<128x64xbf16, #tpu.memory_space<vmem>>) dst(%dma_wait3A_286 : memref<10240x64xbf16, #tpu.memory_space<vmem_shared>>)
        %add3A_287 = arith.constant 8 : i32
        %add3A_288 = arith.addi %mul3A_145, %add3A_287 : i32
        %add3A_289 = arith.constant 0 : i32
        %add3A_290 = arith.addi %add3A_288, %add3A_289 : i32
        %dma_start3A_291 = arith.constant 0 : i32
        %dma_start3A_292 = tpu.memref_slice %arg6[%add3A_290, %dma_start3A_291] : memref<40x128xi32, #tpu.memory_space<vmem>> -> memref<1x128xi32, #tpu.memory_space<vmem>>
        %dma_start3A_293 = tpu.memref_squeeze %dma_start3A_292 : memref<1x128xi32, #tpu.memory_space<vmem>> -> memref<128xi32, #tpu.memory_space<vmem>>
        %dma_start3A_294 = arith.constant 0 : i32
        %dma_start3A_295 = arith.constant 0 : i32
        %dma_start3A_296 = tpu.memref_slice %arg2[%dma_start3A_294, %dma_start3A_295] : memref<20000x64xbf16, #tpu.memory_space<hbm>> -> memref<20000x64xbf16, #tpu.memory_space<hbm>>
        tpu.enqueue_indirect_dma source(%dma_start3A_296 : memref<20000x64xbf16, #tpu.memory_space<hbm>>) target(%arg9 : memref<128x64xbf16, #tpu.memory_space<vmem>>) offsets(%dma_start3A_293 : memref<128xi32, #tpu.memory_space<vmem>>) semaphore(%arg17 : memref<!tpu.dma_semaphore, #tpu.memory_space<semaphore_mem>>)
        %add3A_297 = arith.constant 1 : i32
        %add3A_298 = arith.addi %mul3A_145, %add3A_297 : i32
        %dma_wait3A_299 = arith.constant 0 : i32
        %dma_wait3A_300 = tpu.memref_slice %arg7[%add3A_298, %dma_wait3A_299] : memref<40x128xi32, #tpu.memory_space<vmem>> -> memref<1x128xi32, #tpu.memory_space<vmem>>
        %dma_wait3A_301 = tpu.memref_squeeze %dma_wait3A_300 : memref<1x128xi32, #tpu.memory_space<vmem>> -> memref<128xi32, #tpu.memory_space<vmem>>
        %dma_wait3A_302 = arith.constant 0 : i32
        %dma_wait3A_303 = arith.constant 0 : i32
        %dma_wait3A_304 = tpu.memref_slice %arg8[%dma_wait3A_302, %dma_wait3A_303] : memref<10240x64xbf16, #tpu.memory_space<vmem_shared>> -> memref<10240x64xbf16, #tpu.memory_space<vmem_shared>>
        tpu.wait_indirect_dma semaphore(%arg26 : memref<!tpu.dma_semaphore, #tpu.memory_space<semaphore_mem>>) src(%arg10 : memref<128x64xbf16, #tpu.memory_space<vmem>>) dst(%dma_wait3A_304 : memref<10240x64xbf16, #tpu.memory_space<vmem_shared>>)
        %add3A_305 = arith.constant 8 : i32
        %add3A_306 = arith.addi %mul3A_145, %add3A_305 : i32
        %add3A_307 = arith.constant 1 : i32
        %add3A_308 = arith.addi %add3A_306, %add3A_307 : i32
        %dma_start3A_309 = arith.constant 0 : i32
        %dma_start3A_310 = tpu.memref_slice %arg6[%add3A_308, %dma_start3A_309] : memref<40x128xi32, #tpu.memory_space<vmem>> -> memref<1x128xi32, #tpu.memory_space<vmem>>
        %dma_start3A_311 = tpu.memref_squeeze %dma_start3A_310 : memref<1x128xi32, #tpu.memory_space<vmem>> -> memref<128xi32, #tpu.memory_space<vmem>>
        %dma_start3A_312 = arith.constant 0 : i32
        %dma_start3A_313 = arith.constant 0 : i32
        %dma_start3A_314 = tpu.memref_slice %arg2[%dma_start3A_312, %dma_start3A_313] : memref<20000x64xbf16, #tpu.memory_space<hbm>> -> memref<20000x64xbf16, #tpu.memory_space<hbm>>
        tpu.enqueue_indirect_dma source(%dma_start3A_314 : memref<20000x64xbf16, #tpu.memory_space<hbm>>) target(%arg10 : memref<128x64xbf16, #tpu.memory_space<vmem>>) offsets(%dma_start3A_311 : memref<128xi32, #tpu.memory_space<vmem>>) semaphore(%arg18 : memref<!tpu.dma_semaphore, #tpu.memory_space<semaphore_mem>>)
        %add3A_315 = arith.constant 2 : i32
        %add3A_316 = arith.addi %mul3A_145, %add3A_315 : i32
        %dma_wait3A_317 = arith.constant 0 : i32
        %dma_wait3A_318 = tpu.memref_slice %arg7[%add3A_316, %dma_wait3A_317] : memref<40x128xi32, #tpu.memory_space<vmem>> -> memref<1x128xi32, #tpu.memory_space<vmem>>
        %dma_wait3A_319 = tpu.memref_squeeze %dma_wait3A_318 : memref<1x128xi32, #tpu.memory_space<vmem>> -> memref<128xi32, #tpu.memory_space<vmem>>
        %dma_wait3A_320 = arith.constant 0 : i32
        %dma_wait3A_321 = arith.constant 0 : i32
        %dma_wait3A_322 = tpu.memref_slice %arg8[%dma_wait3A_320, %dma_wait3A_321] : memref<10240x64xbf16, #tpu.memory_space<vmem_shared>> -> memref<10240x64xbf16, #tpu.memory_space<vmem_shared>>
        tpu.wait_indirect_dma semaphore(%arg27 : memref<!tpu.dma_semaphore, #tpu.memory_space<semaphore_mem>>) src(%arg11 : memref<128x64xbf16, #tpu.memory_space<vmem>>) dst(%dma_wait3A_322 : memref<10240x64xbf16, #tpu.memory_space<vmem_shared>>)
        %add3A_323 = arith.constant 8 : i32
        %add3A_324 = arith.addi %mul3A_145, %add3A_323 : i32
        %add3A_325 = arith.constant 2 : i32
        %add3A_326 = arith.addi %add3A_324, %add3A_325 : i32
        %dma_start3A_327 = arith.constant 0 : i32
        %dma_start3A_328 = tpu.memref_slice %arg6[%add3A_326, %dma_start3A_327] : memref<40x128xi32, #tpu.memory_space<vmem>> -> memref<1x128xi32, #tpu.memory_space<vmem>>
        %dma_start3A_329 = tpu.memref_squeeze %dma_start3A_328 : memref<1x128xi32, #tpu.memory_space<vmem>> -> memref<128xi32, #tpu.memory_space<vmem>>
        %dma_start3A_330 = arith.constant 0 : i32
        %dma_start3A_331 = arith.constant 0 : i32
        %dma_start3A_332 = tpu.memref_slice %arg2[%dma_start3A_330, %dma_start3A_331] : memref<20000x64xbf16, #tpu.memory_space<hbm>> -> memref<20000x64xbf16, #tpu.memory_space<hbm>>
        tpu.enqueue_indirect_dma source(%dma_start3A_332 : memref<20000x64xbf16, #tpu.memory_space<hbm>>) target(%arg11 : memref<128x64xbf16, #tpu.memory_space<vmem>>) offsets(%dma_start3A_329 : memref<128xi32, #tpu.memory_space<vmem>>) semaphore(%arg19 : memref<!tpu.dma_semaphore, #tpu.memory_space<semaphore_mem>>)
        %add3A_333 = arith.constant 3 : i32
        %add3A_334 = arith.addi %mul3A_145, %add3A_333 : i32
        %dma_wait3A_335 = arith.constant 0 : i32
        %dma_wait3A_336 = tpu.memref_slice %arg7[%add3A_334, %dma_wait3A_335] : memref<40x128xi32, #tpu.memory_space<vmem>> -> memref<1x128xi32, #tpu.memory_space<vmem>>
        %dma_wait3A_337 = tpu.memref_squeeze %dma_wait3A_336 : memref<1x128xi32, #tpu.memory_space<vmem>> -> memref<128xi32, #tpu.memory_space<vmem>>
        %dma_wait3A_338 = arith.constant 0 : i32
        %dma_wait3A_339 = arith.constant 0 : i32
        %dma_wait3A_340 = tpu.memref_slice %arg8[%dma_wait3A_338, %dma_wait3A_339] : memref<10240x64xbf16, #tpu.memory_space<vmem_shared>> -> memref<10240x64xbf16, #tpu.memory_space<vmem_shared>>
        tpu.wait_indirect_dma semaphore(%arg28 : memref<!tpu.dma_semaphore, #tpu.memory_space<semaphore_mem>>) src(%arg12 : memref<128x64xbf16, #tpu.memory_space<vmem>>) dst(%dma_wait3A_340 : memref<10240x64xbf16, #tpu.memory_space<vmem_shared>>)
        %add3A_341 = arith.constant 8 : i32
        %add3A_342 = arith.addi %mul3A_145, %add3A_341 : i32
        %add3A_343 = arith.constant 3 : i32
        %add3A_344 = arith.addi %add3A_342, %add3A_343 : i32
        %dma_start3A_345 = arith.constant 0 : i32
        %dma_start3A_346 = tpu.memref_slice %arg6[%add3A_344, %dma_start3A_345] : memref<40x128xi32, #tpu.memory_space<vmem>> -> memref<1x128xi32, #tpu.memory_space<vmem>>
        %dma_start3A_347 = tpu.memref_squeeze %dma_start3A_346 : memref<1x128xi32, #tpu.memory_space<vmem>> -> memref<128xi32, #tpu.memory_space<vmem>>
        %dma_start3A_348 = arith.constant 0 : i32
        %dma_start3A_349 = arith.constant 0 : i32
        %dma_start3A_350 = tpu.memref_slice %arg2[%dma_start3A_348, %dma_start3A_349] : memref<20000x64xbf16, #tpu.memory_space<hbm>> -> memref<20000x64xbf16, #tpu.memory_space<hbm>>
        tpu.enqueue_indirect_dma source(%dma_start3A_350 : memref<20000x64xbf16, #tpu.memory_space<hbm>>) target(%arg12 : memref<128x64xbf16, #tpu.memory_space<vmem>>) offsets(%dma_start3A_347 : memref<128xi32, #tpu.memory_space<vmem>>) semaphore(%arg20 : memref<!tpu.dma_semaphore, #tpu.memory_space<semaphore_mem>>)
        %add3A_351 = arith.constant 4 : i32
        %add3A_352 = arith.addi %mul3A_145, %add3A_351 : i32
        %dma_wait3A_353 = arith.constant 0 : i32
        %dma_wait3A_354 = tpu.memref_slice %arg7[%add3A_352, %dma_wait3A_353] : memref<40x128xi32, #tpu.memory_space<vmem>> -> memref<1x128xi32, #tpu.memory_space<vmem>>
        %dma_wait3A_355 = tpu.memref_squeeze %dma_wait3A_354 : memref<1x128xi32, #tpu.memory_space<vmem>> -> memref<128xi32, #tpu.memory_space<vmem>>
        %dma_wait3A_356 = arith.constant 0 : i32
        %dma_wait3A_357 = arith.constant 0 : i32
        %dma_wait3A_358 = tpu.memref_slice %arg8[%dma_wait3A_356, %dma_wait3A_357] : memref<10240x64xbf16, #tpu.memory_space<vmem_shared>> -> memref<10240x64xbf16, #tpu.memory_space<vmem_shared>>
        tpu.wait_indirect_dma semaphore(%arg29 : memref<!tpu.dma_semaphore, #tpu.memory_space<semaphore_mem>>) src(%arg13 : memref<128x64xbf16, #tpu.memory_space<vmem>>) dst(%dma_wait3A_358 : memref<10240x64xbf16, #tpu.memory_space<vmem_shared>>)
        %add3A_359 = arith.constant 8 : i32
        %add3A_360 = arith.addi %mul3A_145, %add3A_359 : i32
        %add3A_361 = arith.constant 4 : i32
        %add3A_362 = arith.addi %add3A_360, %add3A_361 : i32
        %dma_start3A_363 = arith.constant 0 : i32
        %dma_start3A_364 = tpu.memref_slice %arg6[%add3A_362, %dma_start3A_363] : memref<40x128xi32, #tpu.memory_space<vmem>> -> memref<1x128xi32, #tpu.memory_space<vmem>>
        %dma_start3A_365 = tpu.memref_squeeze %dma_start3A_364 : memref<1x128xi32, #tpu.memory_space<vmem>> -> memref<128xi32, #tpu.memory_space<vmem>>
        %dma_start3A_366 = arith.constant 0 : i32
        %dma_start3A_367 = arith.constant 0 : i32
        %dma_start3A_368 = tpu.memref_slice %arg2[%dma_start3A_366, %dma_start3A_367] : memref<20000x64xbf16, #tpu.memory_space<hbm>> -> memref<20000x64xbf16, #tpu.memory_space<hbm>>
        tpu.enqueue_indirect_dma source(%dma_start3A_368 : memref<20000x64xbf16, #tpu.memory_space<hbm>>) target(%arg13 : memref<128x64xbf16, #tpu.memory_space<vmem>>) offsets(%dma_start3A_365 : memref<128xi32, #tpu.memory_space<vmem>>) semaphore(%arg21 : memref<!tpu.dma_semaphore, #tpu.memory_space<semaphore_mem>>)
        %add3A_369 = arith.constant 5 : i32
        %add3A_370 = arith.addi %mul3A_145, %add3A_369 : i32
        %dma_wait3A_371 = arith.constant 0 : i32
        %dma_wait3A_372 = tpu.memref_slice %arg7[%add3A_370, %dma_wait3A_371] : memref<40x128xi32, #tpu.memory_space<vmem>> -> memref<1x128xi32, #tpu.memory_space<vmem>>
        %dma_wait3A_373 = tpu.memref_squeeze %dma_wait3A_372 : memref<1x128xi32, #tpu.memory_space<vmem>> -> memref<128xi32, #tpu.memory_space<vmem>>
        %dma_wait3A_374 = arith.constant 0 : i32
        %dma_wait3A_375 = arith.constant 0 : i32
        %dma_wait3A_376 = tpu.memref_slice %arg8[%dma_wait3A_374, %dma_wait3A_375] : memref<10240x64xbf16, #tpu.memory_space<vmem_shared>> -> memref<10240x64xbf16, #tpu.memory_space<vmem_shared>>
        tpu.wait_indirect_dma semaphore(%arg30 : memref<!tpu.dma_semaphore, #tpu.memory_space<semaphore_mem>>) src(%arg14 : memref<128x64xbf16, #tpu.memory_space<vmem>>) dst(%dma_wait3A_376 : memref<10240x64xbf16, #tpu.memory_space<vmem_shared>>)
        %add3A_377 = arith.constant 8 : i32
        %add3A_378 = arith.addi %mul3A_145, %add3A_377 : i32
        %add3A_379 = arith.constant 5 : i32
        %add3A_380 = arith.addi %add3A_378, %add3A_379 : i32
        %dma_start3A_381 = arith.constant 0 : i32
        %dma_start3A_382 = tpu.memref_slice %arg6[%add3A_380, %dma_start3A_381] : memref<40x128xi32, #tpu.memory_space<vmem>> -> memref<1x128xi32, #tpu.memory_space<vmem>>
        %dma_start3A_383 = tpu.memref_squeeze %dma_start3A_382 : memref<1x128xi32, #tpu.memory_space<vmem>> -> memref<128xi32, #tpu.memory_space<vmem>>
        %dma_start3A_384 = arith.constant 0 : i32
        %dma_start3A_385 = arith.constant 0 : i32
        %dma_start3A_386 = tpu.memref_slice %arg2[%dma_start3A_384, %dma_start3A_385] : memref<20000x64xbf16, #tpu.memory_space<hbm>> -> memref<20000x64xbf16, #tpu.memory_space<hbm>>
        tpu.enqueue_indirect_dma source(%dma_start3A_386 : memref<20000x64xbf16, #tpu.memory_space<hbm>>) target(%arg14 : memref<128x64xbf16, #tpu.memory_space<vmem>>) offsets(%dma_start3A_383 : memref<128xi32, #tpu.memory_space<vmem>>) semaphore(%arg22 : memref<!tpu.dma_semaphore, #tpu.memory_space<semaphore_mem>>)
        %add3A_387 = arith.constant 6 : i32
        %add3A_388 = arith.addi %mul3A_145, %add3A_387 : i32
        %dma_wait3A_389 = arith.constant 0 : i32
        %dma_wait3A_390 = tpu.memref_slice %arg7[%add3A_388, %dma_wait3A_389] : memref<40x128xi32, #tpu.memory_space<vmem>> -> memref<1x128xi32, #tpu.memory_space<vmem>>
        %dma_wait3A_391 = tpu.memref_squeeze %dma_wait3A_390 : memref<1x128xi32, #tpu.memory_space<vmem>> -> memref<128xi32, #tpu.memory_space<vmem>>
        %dma_wait3A_392 = arith.constant 0 : i32
        %dma_wait3A_393 = arith.constant 0 : i32
        %dma_wait3A_394 = tpu.memref_slice %arg8[%dma_wait3A_392, %dma_wait3A_393] : memref<10240x64xbf16, #tpu.memory_space<vmem_shared>> -> memref<10240x64xbf16, #tpu.memory_space<vmem_shared>>
        tpu.wait_indirect_dma semaphore(%arg31 : memref<!tpu.dma_semaphore, #tpu.memory_space<semaphore_mem>>) src(%arg15 : memref<128x64xbf16, #tpu.memory_space<vmem>>) dst(%dma_wait3A_394 : memref<10240x64xbf16, #tpu.memory_space<vmem_shared>>)
        %add3A_395 = arith.constant 8 : i32
        %add3A_396 = arith.addi %mul3A_145, %add3A_395 : i32
        %add3A_397 = arith.constant 6 : i32
        %add3A_398 = arith.addi %add3A_396, %add3A_397 : i32
        %dma_start3A_399 = arith.constant 0 : i32
        %dma_start3A_400 = tpu.memref_slice %arg6[%add3A_398, %dma_start3A_399] : memref<40x128xi32, #tpu.memory_space<vmem>> -> memref<1x128xi32, #tpu.memory_space<vmem>>
        %dma_start3A_401 = tpu.memref_squeeze %dma_start3A_400 : memref<1x128xi32, #tpu.memory_space<vmem>> -> memref<128xi32, #tpu.memory_space<vmem>>
        %dma_start3A_402 = arith.constant 0 : i32
        %dma_start3A_403 = arith.constant 0 : i32
        %dma_start3A_404 = tpu.memref_slice %arg2[%dma_start3A_402, %dma_start3A_403] : memref<20000x64xbf16, #tpu.memory_space<hbm>> -> memref<20000x64xbf16, #tpu.memory_space<hbm>>
        tpu.enqueue_indirect_dma source(%dma_start3A_404 : memref<20000x64xbf16, #tpu.memory_space<hbm>>) target(%arg15 : memref<128x64xbf16, #tpu.memory_space<vmem>>) offsets(%dma_start3A_401 : memref<128xi32, #tpu.memory_space<vmem>>) semaphore(%arg23 : memref<!tpu.dma_semaphore, #tpu.memory_space<semaphore_mem>>)
        %add3A_405 = arith.constant 7 : i32
        %add3A_406 = arith.addi %mul3A_145, %add3A_405 : i32
        %dma_wait3A_407 = arith.constant 0 : i32
        %dma_wait3A_408 = tpu.memref_slice %arg7[%add3A_406, %dma_wait3A_407] : memref<40x128xi32, #tpu.memory_space<vmem>> -> memref<1x128xi32, #tpu.memory_space<vmem>>
        %dma_wait3A_409 = tpu.memref_squeeze %dma_wait3A_408 : memref<1x128xi32, #tpu.memory_space<vmem>> -> memref<128xi32, #tpu.memory_space<vmem>>
        %dma_wait3A_410 = arith.constant 0 : i32
        %dma_wait3A_411 = arith.constant 0 : i32
        %dma_wait3A_412 = tpu.memref_slice %arg8[%dma_wait3A_410, %dma_wait3A_411] : memref<10240x64xbf16, #tpu.memory_space<vmem_shared>> -> memref<10240x64xbf16, #tpu.memory_space<vmem_shared>>
        tpu.wait_indirect_dma semaphore(%arg32 : memref<!tpu.dma_semaphore, #tpu.memory_space<semaphore_mem>>) src(%arg16 : memref<128x64xbf16, #tpu.memory_space<vmem>>) dst(%dma_wait3A_412 : memref<10240x64xbf16, #tpu.memory_space<vmem_shared>>)
        %add3A_413 = arith.constant 8 : i32
        %add3A_414 = arith.addi %mul3A_145, %add3A_413 : i32
        %add3A_415 = arith.constant 7 : i32
        %add3A_416 = arith.addi %add3A_414, %add3A_415 : i32
        %dma_start3A_417 = arith.constant 0 : i32
        %dma_start3A_418 = tpu.memref_slice %arg6[%add3A_416, %dma_start3A_417] : memref<40x128xi32, #tpu.memory_space<vmem>> -> memref<1x128xi32, #tpu.memory_space<vmem>>
        %dma_start3A_419 = tpu.memref_squeeze %dma_start3A_418 : memref<1x128xi32, #tpu.memory_space<vmem>> -> memref<128xi32, #tpu.memory_space<vmem>>
        %dma_start3A_420 = arith.constant 0 : i32
        %dma_start3A_421 = arith.constant 0 : i32
        %dma_start3A_422 = tpu.memref_slice %arg2[%dma_start3A_420, %dma_start3A_421] : memref<20000x64xbf16, #tpu.memory_space<hbm>> -> memref<20000x64xbf16, #tpu.memory_space<hbm>>
        tpu.enqueue_indirect_dma source(%dma_start3A_422 : memref<20000x64xbf16, #tpu.memory_space<hbm>>) target(%arg16 : memref<128x64xbf16, #tpu.memory_space<vmem>>) offsets(%dma_start3A_419 : memref<128xi32, #tpu.memory_space<vmem>>) semaphore(%arg24 : memref<!tpu.dma_semaphore, #tpu.memory_space<semaphore_mem>>)
      } else {
      }
      %scan3A_278 = arith.constant 0 : i32
      scf.yield %scan3A_278 : i32
    }
    %scan3A_80 = arith.constant 5 : i32
    %dma_wait3A = arith.constant 32 : i32
    %dma_wait3A_81 = arith.constant 0 : i32
    %dma_wait3A_82 = tpu.memref_slice %arg7[%dma_wait3A, %dma_wait3A_81] : memref<40x128xi32, #tpu.memory_space<vmem>> -> memref<1x128xi32, #tpu.memory_space<vmem>>
    %dma_wait3A_83 = tpu.memref_squeeze %dma_wait3A_82 : memref<1x128xi32, #tpu.memory_space<vmem>> -> memref<128xi32, #tpu.memory_space<vmem>>
    %dma_wait3A_84 = arith.constant 0 : i32
    %dma_wait3A_85 = arith.constant 0 : i32
    %dma_wait3A_86 = tpu.memref_slice %arg8[%dma_wait3A_84, %dma_wait3A_85] : memref<10240x64xbf16, #tpu.memory_space<vmem_shared>> -> memref<10240x64xbf16, #tpu.memory_space<vmem_shared>>
    tpu.wait_indirect_dma semaphore(%arg25 : memref<!tpu.dma_semaphore, #tpu.memory_space<semaphore_mem>>) src(%arg9 : memref<128x64xbf16, #tpu.memory_space<vmem>>) dst(%dma_wait3A_86 : memref<10240x64xbf16, #tpu.memory_space<vmem_shared>>)
    %dma_wait3A_87 = arith.constant 33 : i32
    %dma_wait3A_88 = arith.constant 0 : i32
    %dma_wait3A_89 = tpu.memref_slice %arg7[%dma_wait3A_87, %dma_wait3A_88] : memref<40x128xi32, #tpu.memory_space<vmem>> -> memref<1x128xi32, #tpu.memory_space<vmem>>
    %dma_wait3A_90 = tpu.memref_squeeze %dma_wait3A_89 : memref<1x128xi32, #tpu.memory_space<vmem>> -> memref<128xi32, #tpu.memory_space<vmem>>
    %dma_wait3A_91 = arith.constant 0 : i32
    %dma_wait3A_92 = arith.constant 0 : i32
    %dma_wait3A_93 = tpu.memref_slice %arg8[%dma_wait3A_91, %dma_wait3A_92] : memref<10240x64xbf16, #tpu.memory_space<vmem_shared>> -> memref<10240x64xbf16, #tpu.memory_space<vmem_shared>>
    tpu.wait_indirect_dma semaphore(%arg26 : memref<!tpu.dma_semaphore, #tpu.memory_space<semaphore_mem>>) src(%arg10 : memref<128x64xbf16, #tpu.memory_space<vmem>>) dst(%dma_wait3A_93 : memref<10240x64xbf16, #tpu.memory_space<vmem_shared>>)
    %dma_wait3A_94 = arith.constant 34 : i32
    %dma_wait3A_95 = arith.constant 0 : i32
    %dma_wait3A_96 = tpu.memref_slice %arg7[%dma_wait3A_94, %dma_wait3A_95] : memref<40x128xi32, #tpu.memory_space<vmem>> -> memref<1x128xi32, #tpu.memory_space<vmem>>
    %dma_wait3A_97 = tpu.memref_squeeze %dma_wait3A_96 : memref<1x128xi32, #tpu.memory_space<vmem>> -> memref<128xi32, #tpu.memory_space<vmem>>
    %dma_wait3A_98 = arith.constant 0 : i32
    %dma_wait3A_99 = arith.constant 0 : i32
    %dma_wait3A_100 = tpu.memref_slice %arg8[%dma_wait3A_98, %dma_wait3A_99] : memref<10240x64xbf16, #tpu.memory_space<vmem_shared>> -> memref<10240x64xbf16, #tpu.memory_space<vmem_shared>>
    tpu.wait_indirect_dma semaphore(%arg27 : memref<!tpu.dma_semaphore, #tpu.memory_space<semaphore_mem>>) src(%arg11 : memref<128x64xbf16, #tpu.memory_space<vmem>>) dst(%dma_wait3A_100 : memref<10240x64xbf16, #tpu.memory_space<vmem_shared>>)
    %dma_wait3A_101 = arith.constant 35 : i32
    %dma_wait3A_102 = arith.constant 0 : i32
    %dma_wait3A_103 = tpu.memref_slice %arg7[%dma_wait3A_101, %dma_wait3A_102] : memref<40x128xi32, #tpu.memory_space<vmem>> -> memref<1x128xi32, #tpu.memory_space<vmem>>
    %dma_wait3A_104 = tpu.memref_squeeze %dma_wait3A_103 : memref<1x128xi32, #tpu.memory_space<vmem>> -> memref<128xi32, #tpu.memory_space<vmem>>
    %dma_wait3A_105 = arith.constant 0 : i32
    %dma_wait3A_106 = arith.constant 0 : i32
    %dma_wait3A_107 = tpu.memref_slice %arg8[%dma_wait3A_105, %dma_wait3A_106] : memref<10240x64xbf16, #tpu.memory_space<vmem_shared>> -> memref<10240x64xbf16, #tpu.memory_space<vmem_shared>>
    tpu.wait_indirect_dma semaphore(%arg28 : memref<!tpu.dma_semaphore, #tpu.memory_space<semaphore_mem>>) src(%arg12 : memref<128x64xbf16, #tpu.memory_space<vmem>>) dst(%dma_wait3A_107 : memref<10240x64xbf16, #tpu.memory_space<vmem_shared>>)
    %dma_wait3A_108 = arith.constant 36 : i32
    %dma_wait3A_109 = arith.constant 0 : i32
    %dma_wait3A_110 = tpu.memref_slice %arg7[%dma_wait3A_108, %dma_wait3A_109] : memref<40x128xi32, #tpu.memory_space<vmem>> -> memref<1x128xi32, #tpu.memory_space<vmem>>
    %dma_wait3A_111 = tpu.memref_squeeze %dma_wait3A_110 : memref<1x128xi32, #tpu.memory_space<vmem>> -> memref<128xi32, #tpu.memory_space<vmem>>
    %dma_wait3A_112 = arith.constant 0 : i32
    %dma_wait3A_113 = arith.constant 0 : i32
    %dma_wait3A_114 = tpu.memref_slice %arg8[%dma_wait3A_112, %dma_wait3A_113] : memref<10240x64xbf16, #tpu.memory_space<vmem_shared>> -> memref<10240x64xbf16, #tpu.memory_space<vmem_shared>>
    tpu.wait_indirect_dma semaphore(%arg29 : memref<!tpu.dma_semaphore, #tpu.memory_space<semaphore_mem>>) src(%arg13 : memref<128x64xbf16, #tpu.memory_space<vmem>>) dst(%dma_wait3A_114 : memref<10240x64xbf16, #tpu.memory_space<vmem_shared>>)
    %dma_wait3A_115 = arith.constant 37 : i32
    %dma_wait3A_116 = arith.constant 0 : i32
    %dma_wait3A_117 = tpu.memref_slice %arg7[%dma_wait3A_115, %dma_wait3A_116] : memref<40x128xi32, #tpu.memory_space<vmem>> -> memref<1x128xi32, #tpu.memory_space<vmem>>
    %dma_wait3A_118 = tpu.memref_squeeze %dma_wait3A_117 : memref<1x128xi32, #tpu.memory_space<vmem>> -> memref<128xi32, #tpu.memory_space<vmem>>
    %dma_wait3A_119 = arith.constant 0 : i32
    %dma_wait3A_120 = arith.constant 0 : i32
    %dma_wait3A_121 = tpu.memref_slice %arg8[%dma_wait3A_119, %dma_wait3A_120] : memref<10240x64xbf16, #tpu.memory_space<vmem_shared>> -> memref<10240x64xbf16, #tpu.memory_space<vmem_shared>>
    tpu.wait_indirect_dma semaphore(%arg30 : memref<!tpu.dma_semaphore, #tpu.memory_space<semaphore_mem>>) src(%arg14 : memref<128x64xbf16, #tpu.memory_space<vmem>>) dst(%dma_wait3A_121 : memref<10240x64xbf16, #tpu.memory_space<vmem_shared>>)
    %dma_wait3A_122 = arith.constant 38 : i32
    %dma_wait3A_123 = arith.constant 0 : i32
    %dma_wait3A_124 = tpu.memref_slice %arg7[%dma_wait3A_122, %dma_wait3A_123] : memref<40x128xi32, #tpu.memory_space<vmem>> -> memref<1x128xi32, #tpu.memory_space<vmem>>
    %dma_wait3A_125 = tpu.memref_squeeze %dma_wait3A_124 : memref<1x128xi32, #tpu.memory_space<vmem>> -> memref<128xi32, #tpu.memory_space<vmem>>
    %dma_wait3A_126 = arith.constant 0 : i32
    %dma_wait3A_127 = arith.constant 0 : i32
    %dma_wait3A_128 = tpu.memref_slice %arg8[%dma_wait3A_126, %dma_wait3A_127] : memref<10240x64xbf16, #tpu.memory_space<vmem_shared>> -> memref<10240x64xbf16, #tpu.memory_space<vmem_shared>>
    tpu.wait_indirect_dma semaphore(%arg31 : memref<!tpu.dma_semaphore, #tpu.memory_space<semaphore_mem>>) src(%arg15 : memref<128x64xbf16, #tpu.memory_space<vmem>>) dst(%dma_wait3A_128 : memref<10240x64xbf16, #tpu.memory_space<vmem_shared>>)
    %dma_wait3A_129 = arith.constant 39 : i32
    %dma_wait3A_130 = arith.constant 0 : i32
    %dma_wait3A_131 = tpu.memref_slice %arg7[%dma_wait3A_129, %dma_wait3A_130] : memref<40x128xi32, #tpu.memory_space<vmem>> -> memref<1x128xi32, #tpu.memory_space<vmem>>
    %dma_wait3A_132 = tpu.memref_squeeze %dma_wait3A_131 : memref<1x128xi32, #tpu.memory_space<vmem>> -> memref<128xi32, #tpu.memory_space<vmem>>
    %dma_wait3A_133 = arith.constant 0 : i32
    %dma_wait3A_134 = arith.constant 0 : i32
    %dma_wait3A_135 = tpu.memref_slice %arg8[%dma_wait3A_133, %dma_wait3A_134] : memref<10240x64xbf16, #tpu.memory_space<vmem_shared>> -> memref<10240x64xbf16, #tpu.memory_space<vmem_shared>>
    tpu.wait_indirect_dma semaphore(%arg32 : memref<!tpu.dma_semaphore, #tpu.memory_space<semaphore_mem>>) src(%arg16 : memref<128x64xbf16, #tpu.memory_space<vmem>>) dst(%dma_wait3A_135 : memref<10240x64xbf16, #tpu.memory_space<vmem_shared>>)
    %barrier3A_136 = arith.constant 0 : index
    tpu.barrier barrier_id(%barrier3A_136)
    %mul3A_137 = arith.constant 640 : i32
    %mul3A_138 = arith.muli %arg1, %mul3A_137 : i32
    %mul3A_139 = arith.constant 10240 : i32
    %mul3A_140 = arith.muli %arg0, %mul3A_139 : i32
    %add3A_141 = arith.addi %mul3A_140, %mul3A_138 : i32
    "tpu.region"() ({
      %run_scoped3A = tpu.sem_alloc : memref<!tpu.dma_semaphore, #tpu.memory_space<semaphore_mem>>
      %dma_start3A_142 = arith.constant 0 : i32
      %dma_start3A_143 = tpu.memref_slice %arg5[%add3A_141, %dma_start3A_142] : memref<20480x64xbf16, #tpu.memory_space<hbm>> -> memref<640x64xbf16, #tpu.memory_space<hbm>>
      %dma_start3A_144 = arith.constant 0 : i32
      %dma_start3A_145 = tpu.memref_slice %arg8[%mul3A_138, %dma_start3A_144] : memref<10240x64xbf16, #tpu.memory_space<vmem_shared>> -> memref<640x64xbf16, #tpu.memory_space<vmem_shared>>
      tpu.enqueue_dma source(%dma_start3A_145 : memref<640x64xbf16, #tpu.memory_space<vmem_shared>>) target(%dma_start3A_143 : memref<640x64xbf16, #tpu.memory_space<hbm>>) target_semaphore(%run_scoped3A : memref<!tpu.dma_semaphore, #tpu.memory_space<semaphore_mem>>)
      %dma_wait3A_146 = arith.constant 0 : i32
      %dma_wait3A_147 = tpu.memref_slice %arg5[%add3A_141, %dma_wait3A_146] : memref<20480x64xbf16, #tpu.memory_space<hbm>> -> memref<640x64xbf16, #tpu.memory_space<hbm>>
      %dma_wait3A_148 = arith.constant 0 : i32
      %dma_wait3A_149 = tpu.memref_slice %arg8[%mul3A_138, %dma_wait3A_148] : memref<10240x64xbf16, #tpu.memory_space<vmem_shared>> -> memref<640x64xbf16, #tpu.memory_space<vmem_shared>>
      tpu.wait_dma2 semaphore(%run_scoped3A : memref<!tpu.dma_semaphore, #tpu.memory_space<semaphore_mem>>) src(%dma_wait3A_149 : memref<640x64xbf16, #tpu.memory_space<vmem_shared>>) dst(%dma_wait3A_147 : memref<640x64xbf16, #tpu.memory_space<hbm>>)
      tpu.yield
    }) : () -> ()
    return
  }
}

#map = affine_map<(d0, d1) -> (0, 0)>
#map1 = affine_map<(d0, d1) -> (0, 0, 0)>
module attributes {stable_mosaic.version = 14 : i64} {
  func.func @spmv(%arg0: i32, %arg1: i32, %arg2: memref<20000x64xbf16, #tpu.memory_space<hbm>>, %arg3: memref<32x160x128xi32, #tpu.memory_space<hbm>>, %arg4: memref<32x160x128xi32, #tpu.memory_space<hbm>>, %arg5: memref<20480x64xbf16, #tpu.memory_space<hbm>>, %arg6: memref<160x128xi32, #tpu.memory_space<vmem>>, %arg7: memref<160x128xi32, #tpu.memory_space<vmem>>, %arg8: memref<10240x64xbf16, #tpu.memory_space<vmem_shared>>, %arg9: memref<128x64xbf16, #tpu.memory_space<vmem>>, %arg10: memref<128x64xbf16, #tpu.memory_space<vmem>>, %arg11: memref<128x64xbf16, #tpu.memory_space<vmem>>, %arg12: memref<128x64xbf16, #tpu.memory_space<vmem>>, %arg13: memref<128x64xbf16, #tpu.memory_space<vmem>>, %arg14: memref<128x64xbf16, #tpu.memory_space<vmem>>, %arg15: memref<128x64xbf16, #tpu.memory_space<vmem>>, %arg16: memref<128x64xbf16, #tpu.memory_space<vmem>>, %arg17: memref<!tpu.dma_semaphore, #tpu.memory_space<semaphore_mem>>, %arg18: memref<!tpu.dma_semaphore, #tpu.memory_space<semaphore_mem>>, %arg19: memref<!tpu.dma_semaphore, #tpu.memory_space<semaphore_mem>>, %arg20: memref<!tpu.dma_semaphore, #tpu.memory_space<semaphore_mem>>, %arg21: memref<!tpu.dma_semaphore, #tpu.memory_space<semaphore_mem>>, %arg22: memref<!tpu.dma_semaphore, #tpu.memory_space<semaphore_mem>>, %arg23: memref<!tpu.dma_semaphore, #tpu.memory_space<semaphore_mem>>, %arg24: memref<!tpu.dma_semaphore, #tpu.memory_space<semaphore_mem>>, %arg25: memref<!tpu.dma_semaphore, #tpu.memory_space<semaphore_mem>>, %arg26: memref<!tpu.dma_semaphore, #tpu.memory_space<semaphore_mem>>, %arg27: memref<!tpu.dma_semaphore, #tpu.memory_space<semaphore_mem>>, %arg28: memref<!tpu.dma_semaphore, #tpu.memory_space<semaphore_mem>>, %arg29: memref<!tpu.dma_semaphore, #tpu.memory_space<semaphore_mem>>, %arg30: memref<!tpu.dma_semaphore, #tpu.memory_space<semaphore_mem>>, %arg31: memref<!tpu.dma_semaphore, #tpu.memory_space<semaphore_mem>>, %arg32: memref<!tpu.dma_semaphore, #tpu.memory_space<semaphore_mem>>) attributes {dimension_semantics = [#tpu.dimension_semantics<core_parallel>, #tpu.dimension_semantics<subcore_parallel>], iteration_bounds = array<i64: 2, 16>, scalar_prefetch = 0 : i64, scratch_operands = 27 : i64, tpu.core_type = #tpu.core_type<sc_vector_subcore>, window_params = [{transform_indices = #map}, {transform_indices = #map1}, {transform_indices = #map1}, {transform_indices = #map}]} {
    %mul3A = arith.constant 16 : i32
    %mul3A_0 = arith.muli %arg0, %mul3A : i32
    %add3A = arith.addi %mul3A_0, %arg1 : i32
    "tpu.region"() ({
      %run_scoped3A = tpu.sem_alloc : memref<!tpu.dma_semaphore, #tpu.memory_space<semaphore_mem>>
      %dma_start3A_142 = arith.constant 0 : i32
      %dma_start3A_143 = arith.constant 0 : i32
      %dma_start3A_144 = tpu.memref_slice %arg3[%add3A, %dma_start3A_142, %dma_start3A_143] : memref<32x160x128xi32, #tpu.memory_space<hbm>> -> memref<1x160x128xi32, #tpu.memory_space<hbm>>
      %dma_start3A_145 = tpu.memref_squeeze %dma_start3A_144 : memref<1x160x128xi32, #tpu.memory_space<hbm>> -> memref<160x128xi32, #tpu.memory_space<hbm>>
      %dma_start3A_146 = arith.constant 0 : i32
      %dma_start3A_147 = arith.constant 0 : i32
      %dma_start3A_148 = tpu.memref_slice %arg3[%add3A, %dma_start3A_146, %dma_start3A_147] : memref<32x160x128xi32, #tpu.memory_space<hbm>> -> memref<1x160x128xi32, #tpu.memory_space<hbm>>
      %dma_start3A_149 = tpu.memref_squeeze %dma_start3A_148 : memref<1x160x128xi32, #tpu.memory_space<hbm>> -> memref<160x128xi32, #tpu.memory_space<hbm>>
      tpu.enqueue_dma source(%dma_start3A_149 : memref<160x128xi32, #tpu.memory_space<hbm>>) target(%arg6 : memref<160x128xi32, #tpu.memory_space<vmem>>) target_semaphore(%run_scoped3A : memref<!tpu.dma_semaphore, #tpu.memory_space<semaphore_mem>>)
      %dma_wait3A_150 = arith.constant 0 : i32
      %dma_wait3A_151 = arith.constant 0 : i32
      %dma_wait3A_152 = tpu.memref_slice %arg3[%add3A, %dma_wait3A_150, %dma_wait3A_151] : memref<32x160x128xi32, #tpu.memory_space<hbm>> -> memref<1x160x128xi32, #tpu.memory_space<hbm>>
      %dma_wait3A_153 = tpu.memref_squeeze %dma_wait3A_152 : memref<1x160x128xi32, #tpu.memory_space<hbm>> -> memref<160x128xi32, #tpu.memory_space<hbm>>
      %dma_wait3A_154 = arith.constant 0 : i32
      %dma_wait3A_155 = arith.constant 0 : i32
      %dma_wait3A_156 = tpu.memref_slice %arg3[%add3A, %dma_wait3A_154, %dma_wait3A_155] : memref<32x160x128xi32, #tpu.memory_space<hbm>> -> memref<1x160x128xi32, #tpu.memory_space<hbm>>
      %dma_wait3A_157 = tpu.memref_squeeze %dma_wait3A_156 : memref<1x160x128xi32, #tpu.memory_space<hbm>> -> memref<160x128xi32, #tpu.memory_space<hbm>>
      tpu.wait_dma2 semaphore(%run_scoped3A : memref<!tpu.dma_semaphore, #tpu.memory_space<semaphore_mem>>) src(%dma_wait3A_157 : memref<160x128xi32, #tpu.memory_space<hbm>>) dst(%arg6 : memref<160x128xi32, #tpu.memory_space<vmem>>)
      tpu.yield
    }) : () -> ()
    "tpu.region"() ({
      %run_scoped3A = tpu.sem_alloc : memref<!tpu.dma_semaphore, #tpu.memory_space<semaphore_mem>>
      %dma_start3A_142 = arith.constant 0 : i32
      %dma_start3A_143 = arith.constant 0 : i32
      %dma_start3A_144 = tpu.memref_slice %arg4[%add3A, %dma_start3A_142, %dma_start3A_143] : memref<32x160x128xi32, #tpu.memory_space<hbm>> -> memref<1x160x128xi32, #tpu.memory_space<hbm>>
      %dma_start3A_145 = tpu.memref_squeeze %dma_start3A_144 : memref<1x160x128xi32, #tpu.memory_space<hbm>> -> memref<160x128xi32, #tpu.memory_space<hbm>>
      %dma_start3A_146 = arith.constant 0 : i32
      %dma_start3A_147 = arith.constant 0 : i32
      %dma_start3A_148 = tpu.memref_slice %arg4[%add3A, %dma_start3A_146, %dma_start3A_147] : memref<32x160x128xi32, #tpu.memory_space<hbm>> -> memref<1x160x128xi32, #tpu.memory_space<hbm>>
      %dma_start3A_149 = tpu.memref_squeeze %dma_start3A_148 : memref<1x160x128xi32, #tpu.memory_space<hbm>> -> memref<160x128xi32, #tpu.memory_space<hbm>>
      tpu.enqueue_dma source(%dma_start3A_149 : memref<160x128xi32, #tpu.memory_space<hbm>>) target(%arg7 : memref<160x128xi32, #tpu.memory_space<vmem>>) target_semaphore(%run_scoped3A : memref<!tpu.dma_semaphore, #tpu.memory_space<semaphore_mem>>)
      %dma_wait3A_150 = arith.constant 0 : i32
      %dma_wait3A_151 = arith.constant 0 : i32
      %dma_wait3A_152 = tpu.memref_slice %arg4[%add3A, %dma_wait3A_150, %dma_wait3A_151] : memref<32x160x128xi32, #tpu.memory_space<hbm>> -> memref<1x160x128xi32, #tpu.memory_space<hbm>>
      %dma_wait3A_153 = tpu.memref_squeeze %dma_wait3A_152 : memref<1x160x128xi32, #tpu.memory_space<hbm>> -> memref<160x128xi32, #tpu.memory_space<hbm>>
      %dma_wait3A_154 = arith.constant 0 : i32
      %dma_wait3A_155 = arith.constant 0 : i32
      %dma_wait3A_156 = tpu.memref_slice %arg4[%add3A, %dma_wait3A_154, %dma_wait3A_155] : memref<32x160x128xi32, #tpu.memory_space<hbm>> -> memref<1x160x128xi32, #tpu.memory_space<hbm>>
      %dma_wait3A_157 = tpu.memref_squeeze %dma_wait3A_156 : memref<1x160x128xi32, #tpu.memory_space<hbm>> -> memref<160x128xi32, #tpu.memory_space<hbm>>
      tpu.wait_dma2 semaphore(%run_scoped3A : memref<!tpu.dma_semaphore, #tpu.memory_space<semaphore_mem>>) src(%dma_wait3A_157 : memref<160x128xi32, #tpu.memory_space<hbm>>) dst(%arg7 : memref<160x128xi32, #tpu.memory_space<vmem>>)
      tpu.yield
    }) : () -> ()
    %dma_start3A = arith.constant 1 : i32
    %dma_start3A_1 = arith.constant 0 : i32
    %dma_start3A_2 = tpu.memref_slice %arg6[%dma_start3A, %dma_start3A_1] : memref<160x128xi32, #tpu.memory_space<vmem>> -> memref<1x128xi32, #tpu.memory_space<vmem>>
    %dma_start3A_3 = tpu.memref_squeeze %dma_start3A_2 : memref<1x128xi32, #tpu.memory_space<vmem>> -> memref<128xi32, #tpu.memory_space<vmem>>
    %dma_start3A_4 = arith.constant 0 : i32
    %dma_start3A_5 = arith.constant 0 : i32
    %dma_start3A_6 = tpu.memref_slice %arg2[%dma_start3A_4, %dma_start3A_5] : memref<20000x64xbf16, #tpu.memory_space<hbm>> -> memref<20000x64xbf16, #tpu.memory_space<hbm>>
    tpu.enqueue_indirect_dma source(%dma_start3A_6 : memref<20000x64xbf16, #tpu.memory_space<hbm>>) target(%arg10 : memref<128x64xbf16, #tpu.memory_space<vmem>>) offsets(%dma_start3A_3 : memref<128xi32, #tpu.memory_space<vmem>>) semaphore(%arg18 : memref<!tpu.dma_semaphore, #tpu.memory_space<semaphore_mem>>)
    %dma_start3A_7 = arith.constant 2 : i32
    %dma_start3A_8 = arith.constant 0 : i32
    %dma_start3A_9 = tpu.memref_slice %arg6[%dma_start3A_7, %dma_start3A_8] : memref<160x128xi32, #tpu.memory_space<vmem>> -> memref<1x128xi32, #tpu.memory_space<vmem>>
    %dma_start3A_10 = tpu.memref_squeeze %dma_start3A_9 : memref<1x128xi32, #tpu.memory_space<vmem>> -> memref<128xi32, #tpu.memory_space<vmem>>
    %dma_start3A_11 = arith.constant 0 : i32
    %dma_start3A_12 = arith.constant 0 : i32
    %dma_start3A_13 = tpu.memref_slice %arg2[%dma_start3A_11, %dma_start3A_12] : memref<20000x64xbf16, #tpu.memory_space<hbm>> -> memref<20000x64xbf16, #tpu.memory_space<hbm>>
    tpu.enqueue_indirect_dma source(%dma_start3A_13 : memref<20000x64xbf16, #tpu.memory_space<hbm>>) target(%arg11 : memref<128x64xbf16, #tpu.memory_space<vmem>>) offsets(%dma_start3A_10 : memref<128xi32, #tpu.memory_space<vmem>>) semaphore(%arg19 : memref<!tpu.dma_semaphore, #tpu.memory_space<semaphore_mem>>)
    %dma_start3A_14 = arith.constant 3 : i32
    %dma_start3A_15 = arith.constant 0 : i32
    %dma_start3A_16 = tpu.memref_slice %arg6[%dma_start3A_14, %dma_start3A_15] : memref<160x128xi32, #tpu.memory_space<vmem>> -> memref<1x128xi32, #tpu.memory_space<vmem>>
    %dma_start3A_17 = tpu.memref_squeeze %dma_start3A_16 : memref<1x128xi32, #tpu.memory_space<vmem>> -> memref<128xi32, #tpu.memory_space<vmem>>
    %dma_start3A_18 = arith.constant 0 : i32
    %dma_start3A_19 = arith.constant 0 : i32
    %dma_start3A_20 = tpu.memref_slice %arg2[%dma_start3A_18, %dma_start3A_19] : memref<20000x64xbf16, #tpu.memory_space<hbm>> -> memref<20000x64xbf16, #tpu.memory_space<hbm>>
    tpu.enqueue_indirect_dma source(%dma_start3A_20 : memref<20000x64xbf16, #tpu.memory_space<hbm>>) target(%arg12 : memref<128x64xbf16, #tpu.memory_space<vmem>>) offsets(%dma_start3A_17 : memref<128xi32, #tpu.memory_space<vmem>>) semaphore(%arg20 : memref<!tpu.dma_semaphore, #tpu.memory_space<semaphore_mem>>)
    %dma_start3A_21 = arith.constant 4 : i32
    %dma_start3A_22 = arith.constant 0 : i32
    %dma_start3A_23 = tpu.memref_slice %arg6[%dma_start3A_21, %dma_start3A_22] : memref<160x128xi32, #tpu.memory_space<vmem>> -> memref<1x128xi32, #tpu.memory_space<vmem>>
    %dma_start3A_24 = tpu.memref_squeeze %dma_start3A_23 : memref<1x128xi32, #tpu.memory_space<vmem>> -> memref<128xi32, #tpu.memory_space<vmem>>
    %dma_start3A_25 = arith.constant 0 : i32
    %dma_start3A_26 = arith.constant 0 : i32
    %dma_start3A_27 = tpu.memref_slice %arg2[%dma_start3A_25, %dma_start3A_26] : memref<20000x64xbf16, #tpu.memory_space<hbm>> -> memref<20000x64xbf16, #tpu.memory_space<hbm>>
    tpu.enqueue_indirect_dma source(%dma_start3A_27 : memref<20000x64xbf16, #tpu.memory_space<hbm>>) target(%arg13 : memref<128x64xbf16, #tpu.memory_space<vmem>>) offsets(%dma_start3A_24 : memref<128xi32, #tpu.memory_space<vmem>>) semaphore(%arg21 : memref<!tpu.dma_semaphore, #tpu.memory_space<semaphore_mem>>)
    %dma_start3A_28 = arith.constant 5 : i32
    %dma_start3A_29 = arith.constant 0 : i32
    %dma_start3A_30 = tpu.memref_slice %arg6[%dma_start3A_28, %dma_start3A_29] : memref<160x128xi32, #tpu.memory_space<vmem>> -> memref<1x128xi32, #tpu.memory_space<vmem>>
    %dma_start3A_31 = tpu.memref_squeeze %dma_start3A_30 : memref<1x128xi32, #tpu.memory_space<vmem>> -> memref<128xi32, #tpu.memory_space<vmem>>
    %dma_start3A_32 = arith.constant 0 : i32
    %dma_start3A_33 = arith.constant 0 : i32
    %dma_start3A_34 = tpu.memref_slice %arg2[%dma_start3A_32, %dma_start3A_33] : memref<20000x64xbf16, #tpu.memory_space<hbm>> -> memref<20000x64xbf16, #tpu.memory_space<hbm>>
    tpu.enqueue_indirect_dma source(%dma_start3A_34 : memref<20000x64xbf16, #tpu.memory_space<hbm>>) target(%arg14 : memref<128x64xbf16, #tpu.memory_space<vmem>>) offsets(%dma_start3A_31 : memref<128xi32, #tpu.memory_space<vmem>>) semaphore(%arg22 : memref<!tpu.dma_semaphore, #tpu.memory_space<semaphore_mem>>)
    %dma_start3A_35 = arith.constant 6 : i32
    %dma_start3A_36 = arith.constant 0 : i32
    %dma_start3A_37 = tpu.memref_slice %arg6[%dma_start3A_35, %dma_start3A_36] : memref<160x128xi32, #tpu.memory_space<vmem>> -> memref<1x128xi32, #tpu.memory_space<vmem>>
    %dma_start3A_38 = tpu.memref_squeeze %dma_start3A_37 : memref<1x128xi32, #tpu.memory_space<vmem>> -> memref<128xi32, #tpu.memory_space<vmem>>
    %dma_start3A_39 = arith.constant 0 : i32
    %dma_start3A_40 = arith.constant 0 : i32
    %dma_start3A_41 = tpu.memref_slice %arg2[%dma_start3A_39, %dma_start3A_40] : memref<20000x64xbf16, #tpu.memory_space<hbm>> -> memref<20000x64xbf16, #tpu.memory_space<hbm>>
    tpu.enqueue_indirect_dma source(%dma_start3A_41 : memref<20000x64xbf16, #tpu.memory_space<hbm>>) target(%arg15 : memref<128x64xbf16, #tpu.memory_space<vmem>>) offsets(%dma_start3A_38 : memref<128xi32, #tpu.memory_space<vmem>>) semaphore(%arg23 : memref<!tpu.dma_semaphore, #tpu.memory_space<semaphore_mem>>)
    %dma_start3A_42 = arith.constant 7 : i32
    %dma_start3A_43 = arith.constant 0 : i32
    %dma_start3A_44 = tpu.memref_slice %arg6[%dma_start3A_42, %dma_start3A_43] : memref<160x128xi32, #tpu.memory_space<vmem>> -> memref<1x128xi32, #tpu.memory_space<vmem>>
    %dma_start3A_45 = tpu.memref_squeeze %dma_start3A_44 : memref<1x128xi32, #tpu.memory_space<vmem>> -> memref<128xi32, #tpu.memory_space<vmem>>
    %dma_start3A_46 = arith.constant 0 : i32
    %dma_start3A_47 = arith.constant 0 : i32
    %dma_start3A_48 = tpu.memref_slice %arg2[%dma_start3A_46, %dma_start3A_47] : memref<20000x64xbf16, #tpu.memory_space<hbm>> -> memref<20000x64xbf16, #tpu.memory_space<hbm>>
    tpu.enqueue_indirect_dma source(%dma_start3A_48 : memref<20000x64xbf16, #tpu.memory_space<hbm>>) target(%arg16 : memref<128x64xbf16, #tpu.memory_space<vmem>>) offsets(%dma_start3A_45 : memref<128xi32, #tpu.memory_space<vmem>>) semaphore(%arg24 : memref<!tpu.dma_semaphore, #tpu.memory_space<semaphore_mem>>)
    %scan3A = arith.constant 0 : i32
    %scan3A_49 = arith.constant 0 : i32
    %scan3A_50 = arith.constant 128 : i32
    %scan3A_51 = arith.addi %scan3A_49, %scan3A_50 : i32
    %scan3A_52 = arith.constant 1 : i32
    %scan3A_53 = scf.for %scan3A_142 = %scan3A_49 to %scan3A_51 step %scan3A_52 iter_args(%scan3A_143 = %scan3A) -> (i32)  : i32 {
      %broadcast_in_dim3A = arith.constant 0.000000e+00 : bf16
      %broadcast_in_dim3A_144 = vector.broadcast %broadcast_in_dim3A : bf16 to vector<32xbf16>
      %swap3A = arith.index_cast %scan3A_142 : i32 to index
      %swap3A_145 = arith.constant 0 : index
      %swap3A_146 = tpu.vector_load %arg9[%swap3A, %swap3A_145] {strides = array<i32>} : memref<128x64xbf16, #tpu.memory_space<vmem>>, vector<32xbf16>,
      tpu.vector_store %arg9[%swap3A, %swap3A_145], %broadcast_in_dim3A_144 {strides = array<i32>} : memref<128x64xbf16, #tpu.memory_space<vmem>>, vector<32xbf16>,
      %broadcast_in_dim3A_147 = arith.constant 0.000000e+00 : bf16
      %broadcast_in_dim3A_148 = vector.broadcast %broadcast_in_dim3A_147 : bf16 to vector<32xbf16>
      %swap3A_149 = arith.index_cast %scan3A_142 : i32 to index
      %swap3A_150 = arith.constant 32 : index
      %swap3A_151 = tpu.vector_load %arg9[%swap3A_149, %swap3A_150] {strides = array<i32>} : memref<128x64xbf16, #tpu.memory_space<vmem>>, vector<32xbf16>,
      tpu.vector_store %arg9[%swap3A_149, %swap3A_150], %broadcast_in_dim3A_148 {strides = array<i32>} : memref<128x64xbf16, #tpu.memory_space<vmem>>, vector<32xbf16>,
      %scan3A_152 = arith.constant 0 : i32
      scf.yield %scan3A_152 : i32
    }
    %scan3A_54 = arith.constant 128 : i32
    %mul3A_55 = arith.constant 640 : i32
    %mul3A_56 = arith.muli %arg1, %mul3A_55 : i32
    %add3A_57 = arith.constant 0 : i32
    %add3A_58 = arith.addi %mul3A_56, %add3A_57 : i32
    "tpu.region"() ({
      %run_scoped3A = tpu.sem_alloc : memref<!tpu.dma_semaphore, #tpu.memory_space<semaphore_mem>>
      %dma_start3A_142 = arith.constant 0 : i32
      %dma_start3A_143 = tpu.memref_slice %arg8[%add3A_58, %dma_start3A_142] : memref<10240x64xbf16, #tpu.memory_space<vmem_shared>> -> memref<128x64xbf16, #tpu.memory_space<vmem_shared>>
      %dma_start3A_144 = arith.constant 0 : i32
      %dma_start3A_145 = tpu.memref_slice %arg8[%add3A_58, %dma_start3A_144] : memref<10240x64xbf16, #tpu.memory_space<vmem_shared>> -> memref<128x64xbf16, #tpu.memory_space<vmem_shared>>
      tpu.enqueue_dma source(%arg9 : memref<128x64xbf16, #tpu.memory_space<vmem>>) target(%dma_start3A_145 : memref<128x64xbf16, #tpu.memory_space<vmem_shared>>) target_semaphore(%run_scoped3A : memref<!tpu.dma_semaphore, #tpu.memory_space<semaphore_mem>>)
      %dma_wait3A_146 = arith.constant 0 : i32
      %dma_wait3A_147 = tpu.memref_slice %arg8[%add3A_58, %dma_wait3A_146] : memref<10240x64xbf16, #tpu.memory_space<vmem_shared>> -> memref<128x64xbf16, #tpu.memory_space<vmem_shared>>
      %dma_wait3A_148 = arith.constant 0 : i32
      %dma_wait3A_149 = tpu.memref_slice %arg8[%add3A_58, %dma_wait3A_148] : memref<10240x64xbf16, #tpu.memory_space<vmem_shared>> -> memref<128x64xbf16, #tpu.memory_space<vmem_shared>>
      tpu.wait_dma2 semaphore(%run_scoped3A : memref<!tpu.dma_semaphore, #tpu.memory_space<semaphore_mem>>) src(%arg9 : memref<128x64xbf16, #tpu.memory_space<vmem>>) dst(%dma_wait3A_149 : memref<128x64xbf16, #tpu.memory_space<vmem_shared>>)
      tpu.yield
    }) : () -> ()
    %add3A_59 = arith.constant 128 : i32
    %add3A_60 = arith.addi %mul3A_56, %add3A_59 : i32
    "tpu.region"() ({
      %run_scoped3A = tpu.sem_alloc : memref<!tpu.dma_semaphore, #tpu.memory_space<semaphore_mem>>
      %dma_start3A_142 = arith.constant 0 : i32
      %dma_start3A_143 = tpu.memref_slice %arg8[%add3A_60, %dma_start3A_142] : memref<10240x64xbf16, #tpu.memory_space<vmem_shared>> -> memref<128x64xbf16, #tpu.memory_space<vmem_shared>>
      %dma_start3A_144 = arith.constant 0 : i32
      %dma_start3A_145 = tpu.memref_slice %arg8[%add3A_60, %dma_start3A_144] : memref<10240x64xbf16, #tpu.memory_space<vmem_shared>> -> memref<128x64xbf16, #tpu.memory_space<vmem_shared>>
      tpu.enqueue_dma source(%arg9 : memref<128x64xbf16, #tpu.memory_space<vmem>>) target(%dma_start3A_145 : memref<128x64xbf16, #tpu.memory_space<vmem_shared>>) target_semaphore(%run_scoped3A : memref<!tpu.dma_semaphore, #tpu.memory_space<semaphore_mem>>)
      %dma_wait3A_146 = arith.constant 0 : i32
      %dma_wait3A_147 = tpu.memref_slice %arg8[%add3A_60, %dma_wait3A_146] : memref<10240x64xbf16, #tpu.memory_space<vmem_shared>> -> memref<128x64xbf16, #tpu.memory_space<vmem_shared>>
      %dma_wait3A_148 = arith.constant 0 : i32
      %dma_wait3A_149 = tpu.memref_slice %arg8[%add3A_60, %dma_wait3A_148] : memref<10240x64xbf16, #tpu.memory_space<vmem_shared>> -> memref<128x64xbf16, #tpu.memory_space<vmem_shared>>
      tpu.wait_dma2 semaphore(%run_scoped3A : memref<!tpu.dma_semaphore, #tpu.memory_space<semaphore_mem>>) src(%arg9 : memref<128x64xbf16, #tpu.memory_space<vmem>>) dst(%dma_wait3A_149 : memref<128x64xbf16, #tpu.memory_space<vmem_shared>>)
      tpu.yield
    }) : () -> ()
    %add3A_61 = arith.constant 256 : i32
    %add3A_62 = arith.addi %mul3A_56, %add3A_61 : i32
    "tpu.region"() ({
      %run_scoped3A = tpu.sem_alloc : memref<!tpu.dma_semaphore, #tpu.memory_space<semaphore_mem>>
      %dma_start3A_142 = arith.constant 0 : i32
      %dma_start3A_143 = tpu.memref_slice %arg8[%add3A_62, %dma_start3A_142] : memref<10240x64xbf16, #tpu.memory_space<vmem_shared>> -> memref<128x64xbf16, #tpu.memory_space<vmem_shared>>
      %dma_start3A_144 = arith.constant 0 : i32
      %dma_start3A_145 = tpu.memref_slice %arg8[%add3A_62, %dma_start3A_144] : memref<10240x64xbf16, #tpu.memory_space<vmem_shared>> -> memref<128x64xbf16, #tpu.memory_space<vmem_shared>>
      tpu.enqueue_dma source(%arg9 : memref<128x64xbf16, #tpu.memory_space<vmem>>) target(%dma_start3A_145 : memref<128x64xbf16, #tpu.memory_space<vmem_shared>>) target_semaphore(%run_scoped3A : memref<!tpu.dma_semaphore, #tpu.memory_space<semaphore_mem>>)
      %dma_wait3A_146 = arith.constant 0 : i32
      %dma_wait3A_147 = tpu.memref_slice %arg8[%add3A_62, %dma_wait3A_146] : memref<10240x64xbf16, #tpu.memory_space<vmem_shared>> -> memref<128x64xbf16, #tpu.memory_space<vmem_shared>>
      %dma_wait3A_148 = arith.constant 0 : i32
      %dma_wait3A_149 = tpu.memref_slice %arg8[%add3A_62, %dma_wait3A_148] : memref<10240x64xbf16, #tpu.memory_space<vmem_shared>> -> memref<128x64xbf16, #tpu.memory_space<vmem_shared>>
      tpu.wait_dma2 semaphore(%run_scoped3A : memref<!tpu.dma_semaphore, #tpu.memory_space<semaphore_mem>>) src(%arg9 : memref<128x64xbf16, #tpu.memory_space<vmem>>) dst(%dma_wait3A_149 : memref<128x64xbf16, #tpu.memory_space<vmem_shared>>)
      tpu.yield
    }) : () -> ()
    %add3A_63 = arith.constant 384 : i32
    %add3A_64 = arith.addi %mul3A_56, %add3A_63 : i32
    "tpu.region"() ({
      %run_scoped3A = tpu.sem_alloc : memref<!tpu.dma_semaphore, #tpu.memory_space<semaphore_mem>>
      %dma_start3A_142 = arith.constant 0 : i32
      %dma_start3A_143 = tpu.memref_slice %arg8[%add3A_64, %dma_start3A_142] : memref<10240x64xbf16, #tpu.memory_space<vmem_shared>> -> memref<128x64xbf16, #tpu.memory_space<vmem_shared>>
      %dma_start3A_144 = arith.constant 0 : i32
      %dma_start3A_145 = tpu.memref_slice %arg8[%add3A_64, %dma_start3A_144] : memref<10240x64xbf16, #tpu.memory_space<vmem_shared>> -> memref<128x64xbf16, #tpu.memory_space<vmem_shared>>
      tpu.enqueue_dma source(%arg9 : memref<128x64xbf16, #tpu.memory_space<vmem>>) target(%dma_start3A_145 : memref<128x64xbf16, #tpu.memory_space<vmem_shared>>) target_semaphore(%run_scoped3A : memref<!tpu.dma_semaphore, #tpu.memory_space<semaphore_mem>>)
      %dma_wait3A_146 = arith.constant 0 : i32
      %dma_wait3A_147 = tpu.memref_slice %arg8[%add3A_64, %dma_wait3A_146] : memref<10240x64xbf16, #tpu.memory_space<vmem_shared>> -> memref<128x64xbf16, #tpu.memory_space<vmem_shared>>
      %dma_wait3A_148 = arith.constant 0 : i32
      %dma_wait3A_149 = tpu.memref_slice %arg8[%add3A_64, %dma_wait3A_148] : memref<10240x64xbf16, #tpu.memory_space<vmem_shared>> -> memref<128x64xbf16, #tpu.memory_space<vmem_shared>>
      tpu.wait_dma2 semaphore(%run_scoped3A : memref<!tpu.dma_semaphore, #tpu.memory_space<semaphore_mem>>) src(%arg9 : memref<128x64xbf16, #tpu.memory_space<vmem>>) dst(%dma_wait3A_149 : memref<128x64xbf16, #tpu.memory_space<vmem_shared>>)
      tpu.yield
    }) : () -> ()
    %add3A_65 = arith.constant 512 : i32
    %add3A_66 = arith.addi %mul3A_56, %add3A_65 : i32
    "tpu.region"() ({
      %run_scoped3A = tpu.sem_alloc : memref<!tpu.dma_semaphore, #tpu.memory_space<semaphore_mem>>
      %dma_start3A_142 = arith.constant 0 : i32
      %dma_start3A_143 = tpu.memref_slice %arg8[%add3A_66, %dma_start3A_142] : memref<10240x64xbf16, #tpu.memory_space<vmem_shared>> -> memref<128x64xbf16, #tpu.memory_space<vmem_shared>>
      %dma_start3A_144 = arith.constant 0 : i32
      %dma_start3A_145 = tpu.memref_slice %arg8[%add3A_66, %dma_start3A_144] : memref<10240x64xbf16, #tpu.memory_space<vmem_shared>> -> memref<128x64xbf16, #tpu.memory_space<vmem_shared>>
      tpu.enqueue_dma source(%arg9 : memref<128x64xbf16, #tpu.memory_space<vmem>>) target(%dma_start3A_145 : memref<128x64xbf16, #tpu.memory_space<vmem_shared>>) target_semaphore(%run_scoped3A : memref<!tpu.dma_semaphore, #tpu.memory_space<semaphore_mem>>)
      %dma_wait3A_146 = arith.constant 0 : i32
      %dma_wait3A_147 = tpu.memref_slice %arg8[%add3A_66, %dma_wait3A_146] : memref<10240x64xbf16, #tpu.memory_space<vmem_shared>> -> memref<128x64xbf16, #tpu.memory_space<vmem_shared>>
      %dma_wait3A_148 = arith.constant 0 : i32
      %dma_wait3A_149 = tpu.memref_slice %arg8[%add3A_66, %dma_wait3A_148] : memref<10240x64xbf16, #tpu.memory_space<vmem_shared>> -> memref<128x64xbf16, #tpu.memory_space<vmem_shared>>
      tpu.wait_dma2 semaphore(%run_scoped3A : memref<!tpu.dma_semaphore, #tpu.memory_space<semaphore_mem>>) src(%arg9 : memref<128x64xbf16, #tpu.memory_space<vmem>>) dst(%dma_wait3A_149 : memref<128x64xbf16, #tpu.memory_space<vmem_shared>>)
      tpu.yield
    }) : () -> ()
    %dma_start3A_67 = arith.constant 0 : i32
    %dma_start3A_68 = arith.constant 0 : i32
    %dma_start3A_69 = tpu.memref_slice %arg6[%dma_start3A_67, %dma_start3A_68] : memref<160x128xi32, #tpu.memory_space<vmem>> -> memref<1x128xi32, #tpu.memory_space<vmem>>
    %dma_start3A_70 = tpu.memref_squeeze %dma_start3A_69 : memref<1x128xi32, #tpu.memory_space<vmem>> -> memref<128xi32, #tpu.memory_space<vmem>>
    %dma_start3A_71 = arith.constant 0 : i32
    %dma_start3A_72 = arith.constant 0 : i32
    %dma_start3A_73 = tpu.memref_slice %arg2[%dma_start3A_71, %dma_start3A_72] : memref<20000x64xbf16, #tpu.memory_space<hbm>> -> memref<20000x64xbf16, #tpu.memory_space<hbm>>
    tpu.enqueue_indirect_dma source(%dma_start3A_73 : memref<20000x64xbf16, #tpu.memory_space<hbm>>) target(%arg9 : memref<128x64xbf16, #tpu.memory_space<vmem>>) offsets(%dma_start3A_70 : memref<128xi32, #tpu.memory_space<vmem>>) semaphore(%arg17 : memref<!tpu.dma_semaphore, #tpu.memory_space<semaphore_mem>>)
    %barrier3A = arith.constant 0 : index
    tpu.barrier barrier_id(%barrier3A)
    %scan3A_74 = arith.constant 0 : i32
    %scan3A_75 = arith.constant 0 : i32
    %scan3A_76 = arith.constant 20 : i32
    %scan3A_77 = arith.addi %scan3A_75, %scan3A_76 : i32
    %scan3A_78 = arith.constant 1 : i32
    %scan3A_79 = scf.for %scan3A_142 = %scan3A_75 to %scan3A_77 step %scan3A_78 iter_args(%scan3A_143 = %scan3A_74) -> (i32)  : i32 {
      %mul3A_144 = arith.constant 8 : i32
      %mul3A_145 = arith.muli %scan3A_142, %mul3A_144 : i32
      %add3A_146 = arith.constant 0 : i32
      %add3A_147 = arith.addi %mul3A_145, %add3A_146 : i32
      %dma_wait3A_148 = arith.constant 0 : i32
      %dma_wait3A_149 = tpu.memref_slice %arg6[%add3A_147, %dma_wait3A_148] : memref<160x128xi32, #tpu.memory_space<vmem>> -> memref<1x128xi32, #tpu.memory_space<vmem>>
      %dma_wait3A_150 = tpu.memref_squeeze %dma_wait3A_149 : memref<1x128xi32, #tpu.memory_space<vmem>> -> memref<128xi32, #tpu.memory_space<vmem>>
      %dma_wait3A_151 = arith.constant 0 : i32
      %dma_wait3A_152 = arith.constant 0 : i32
      %dma_wait3A_153 = tpu.memref_slice %arg2[%dma_wait3A_151, %dma_wait3A_152] : memref<20000x64xbf16, #tpu.memory_space<hbm>> -> memref<20000x64xbf16, #tpu.memory_space<hbm>>
      tpu.wait_indirect_dma semaphore(%arg17 : memref<!tpu.dma_semaphore, #tpu.memory_space<semaphore_mem>>) src(%dma_wait3A_153 : memref<20000x64xbf16, #tpu.memory_space<hbm>>) dst(%arg9 : memref<128x64xbf16, #tpu.memory_space<vmem>>)
      %add3A_154 = arith.constant 0 : i32
      %add3A_155 = arith.addi %mul3A_145, %add3A_154 : i32
      %dma_start3A_156 = arith.constant 0 : i32
      %dma_start3A_157 = tpu.memref_slice %arg7[%add3A_155, %dma_start3A_156] : memref<160x128xi32, #tpu.memory_space<vmem>> -> memref<1x128xi32, #tpu.memory_space<vmem>>
      %dma_start3A_158 = tpu.memref_squeeze %dma_start3A_157 : memref<1x128xi32, #tpu.memory_space<vmem>> -> memref<128xi32, #tpu.memory_space<vmem>>
      %dma_start3A_159 = arith.constant 0 : i32
      %dma_start3A_160 = arith.constant 0 : i32
      %dma_start3A_161 = tpu.memref_slice %arg8[%dma_start3A_159, %dma_start3A_160] : memref<10240x64xbf16, #tpu.memory_space<vmem_shared>> -> memref<10240x64xbf16, #tpu.memory_space<vmem_shared>>
      tpu.enqueue_indirect_dma source(%arg9 : memref<128x64xbf16, #tpu.memory_space<vmem>>) target(%dma_start3A_161 : memref<10240x64xbf16, #tpu.memory_space<vmem_shared>>) offsets(%dma_start3A_158 : memref<128xi32, #tpu.memory_space<vmem>>) semaphore(%arg25 : memref<!tpu.dma_semaphore, #tpu.memory_space<semaphore_mem>>) {add = true}
      %add3A_162 = arith.constant 1 : i32
      %add3A_163 = arith.addi %mul3A_145, %add3A_162 : i32
      %dma_wait3A_164 = arith.constant 0 : i32
      %dma_wait3A_165 = tpu.memref_slice %arg6[%add3A_163, %dma_wait3A_164] : memref<160x128xi32, #tpu.memory_space<vmem>> -> memref<1x128xi32, #tpu.memory_space<vmem>>
      %dma_wait3A_166 = tpu.memref_squeeze %dma_wait3A_165 : memref<1x128xi32, #tpu.memory_space<vmem>> -> memref<128xi32, #tpu.memory_space<vmem>>
      %dma_wait3A_167 = arith.constant 0 : i32
      %dma_wait3A_168 = arith.constant 0 : i32
      %dma_wait3A_169 = tpu.memref_slice %arg2[%dma_wait3A_167, %dma_wait3A_168] : memref<20000x64xbf16, #tpu.memory_space<hbm>> -> memref<20000x64xbf16, #tpu.memory_space<hbm>>
      tpu.wait_indirect_dma semaphore(%arg18 : memref<!tpu.dma_semaphore, #tpu.memory_space<semaphore_mem>>) src(%dma_wait3A_169 : memref<20000x64xbf16, #tpu.memory_space<hbm>>) dst(%arg10 : memref<128x64xbf16, #tpu.memory_space<vmem>>)
      %add3A_170 = arith.constant 1 : i32
      %add3A_171 = arith.addi %mul3A_145, %add3A_170 : i32
      %dma_start3A_172 = arith.constant 0 : i32
      %dma_start3A_173 = tpu.memref_slice %arg7[%add3A_171, %dma_start3A_172] : memref<160x128xi32, #tpu.memory_space<vmem>> -> memref<1x128xi32, #tpu.memory_space<vmem>>
      %dma_start3A_174 = tpu.memref_squeeze %dma_start3A_173 : memref<1x128xi32, #tpu.memory_space<vmem>> -> memref<128xi32, #tpu.memory_space<vmem>>
      %dma_start3A_175 = arith.constant 0 : i32
      %dma_start3A_176 = arith.constant 0 : i32
      %dma_start3A_177 = tpu.memref_slice %arg8[%dma_start3A_175, %dma_start3A_176] : memref<10240x64xbf16, #tpu.memory_space<vmem_shared>> -> memref<10240x64xbf16, #tpu.memory_space<vmem_shared>>
      tpu.enqueue_indirect_dma source(%arg10 : memref<128x64xbf16, #tpu.memory_space<vmem>>) target(%dma_start3A_177 : memref<10240x64xbf16, #tpu.memory_space<vmem_shared>>) offsets(%dma_start3A_174 : memref<128xi32, #tpu.memory_space<vmem>>) semaphore(%arg26 : memref<!tpu.dma_semaphore, #tpu.memory_space<semaphore_mem>>) {add = true}
      %add3A_178 = arith.constant 2 : i32
      %add3A_179 = arith.addi %mul3A_145, %add3A_178 : i32
      %dma_wait3A_180 = arith.constant 0 : i32
      %dma_wait3A_181 = tpu.memref_slice %arg6[%add3A_179, %dma_wait3A_180] : memref<160x128xi32, #tpu.memory_space<vmem>> -> memref<1x128xi32, #tpu.memory_space<vmem>>
      %dma_wait3A_182 = tpu.memref_squeeze %dma_wait3A_181 : memref<1x128xi32, #tpu.memory_space<vmem>> -> memref<128xi32, #tpu.memory_space<vmem>>
      %dma_wait3A_183 = arith.constant 0 : i32
      %dma_wait3A_184 = arith.constant 0 : i32
      %dma_wait3A_185 = tpu.memref_slice %arg2[%dma_wait3A_183, %dma_wait3A_184] : memref<20000x64xbf16, #tpu.memory_space<hbm>> -> memref<20000x64xbf16, #tpu.memory_space<hbm>>
      tpu.wait_indirect_dma semaphore(%arg19 : memref<!tpu.dma_semaphore, #tpu.memory_space<semaphore_mem>>) src(%dma_wait3A_185 : memref<20000x64xbf16, #tpu.memory_space<hbm>>) dst(%arg11 : memref<128x64xbf16, #tpu.memory_space<vmem>>)
      %add3A_186 = arith.constant 2 : i32
      %add3A_187 = arith.addi %mul3A_145, %add3A_186 : i32
      %dma_start3A_188 = arith.constant 0 : i32
      %dma_start3A_189 = tpu.memref_slice %arg7[%add3A_187, %dma_start3A_188] : memref<160x128xi32, #tpu.memory_space<vmem>> -> memref<1x128xi32, #tpu.memory_space<vmem>>
      %dma_start3A_190 = tpu.memref_squeeze %dma_start3A_189 : memref<1x128xi32, #tpu.memory_space<vmem>> -> memref<128xi32, #tpu.memory_space<vmem>>
      %dma_start3A_191 = arith.constant 0 : i32
      %dma_start3A_192 = arith.constant 0 : i32
      %dma_start3A_193 = tpu.memref_slice %arg8[%dma_start3A_191, %dma_start3A_192] : memref<10240x64xbf16, #tpu.memory_space<vmem_shared>> -> memref<10240x64xbf16, #tpu.memory_space<vmem_shared>>
      tpu.enqueue_indirect_dma source(%arg11 : memref<128x64xbf16, #tpu.memory_space<vmem>>) target(%dma_start3A_193 : memref<10240x64xbf16, #tpu.memory_space<vmem_shared>>) offsets(%dma_start3A_190 : memref<128xi32, #tpu.memory_space<vmem>>) semaphore(%arg27 : memref<!tpu.dma_semaphore, #tpu.memory_space<semaphore_mem>>) {add = true}
      %add3A_194 = arith.constant 3 : i32
      %add3A_195 = arith.addi %mul3A_145, %add3A_194 : i32
      %dma_wait3A_196 = arith.constant 0 : i32
      %dma_wait3A_197 = tpu.memref_slice %arg6[%add3A_195, %dma_wait3A_196] : memref<160x128xi32, #tpu.memory_space<vmem>> -> memref<1x128xi32, #tpu.memory_space<vmem>>
      %dma_wait3A_198 = tpu.memref_squeeze %dma_wait3A_197 : memref<1x128xi32, #tpu.memory_space<vmem>> -> memref<128xi32, #tpu.memory_space<vmem>>
      %dma_wait3A_199 = arith.constant 0 : i32
      %dma_wait3A_200 = arith.constant 0 : i32
      %dma_wait3A_201 = tpu.memref_slice %arg2[%dma_wait3A_199, %dma_wait3A_200] : memref<20000x64xbf16, #tpu.memory_space<hbm>> -> memref<20000x64xbf16, #tpu.memory_space<hbm>>
      tpu.wait_indirect_dma semaphore(%arg20 : memref<!tpu.dma_semaphore, #tpu.memory_space<semaphore_mem>>) src(%dma_wait3A_201 : memref<20000x64xbf16, #tpu.memory_space<hbm>>) dst(%arg12 : memref<128x64xbf16, #tpu.memory_space<vmem>>)
      %add3A_202 = arith.constant 3 : i32
      %add3A_203 = arith.addi %mul3A_145, %add3A_202 : i32
      %dma_start3A_204 = arith.constant 0 : i32
      %dma_start3A_205 = tpu.memref_slice %arg7[%add3A_203, %dma_start3A_204] : memref<160x128xi32, #tpu.memory_space<vmem>> -> memref<1x128xi32, #tpu.memory_space<vmem>>
      %dma_start3A_206 = tpu.memref_squeeze %dma_start3A_205 : memref<1x128xi32, #tpu.memory_space<vmem>> -> memref<128xi32, #tpu.memory_space<vmem>>
      %dma_start3A_207 = arith.constant 0 : i32
      %dma_start3A_208 = arith.constant 0 : i32
      %dma_start3A_209 = tpu.memref_slice %arg8[%dma_start3A_207, %dma_start3A_208] : memref<10240x64xbf16, #tpu.memory_space<vmem_shared>> -> memref<10240x64xbf16, #tpu.memory_space<vmem_shared>>
      tpu.enqueue_indirect_dma source(%arg12 : memref<128x64xbf16, #tpu.memory_space<vmem>>) target(%dma_start3A_209 : memref<10240x64xbf16, #tpu.memory_space<vmem_shared>>) offsets(%dma_start3A_206 : memref<128xi32, #tpu.memory_space<vmem>>) semaphore(%arg28 : memref<!tpu.dma_semaphore, #tpu.memory_space<semaphore_mem>>) {add = true}
      %add3A_210 = arith.constant 4 : i32
      %add3A_211 = arith.addi %mul3A_145, %add3A_210 : i32
      %dma_wait3A_212 = arith.constant 0 : i32
      %dma_wait3A_213 = tpu.memref_slice %arg6[%add3A_211, %dma_wait3A_212] : memref<160x128xi32, #tpu.memory_space<vmem>> -> memref<1x128xi32, #tpu.memory_space<vmem>>
      %dma_wait3A_214 = tpu.memref_squeeze %dma_wait3A_213 : memref<1x128xi32, #tpu.memory_space<vmem>> -> memref<128xi32, #tpu.memory_space<vmem>>
      %dma_wait3A_215 = arith.constant 0 : i32
      %dma_wait3A_216 = arith.constant 0 : i32
      %dma_wait3A_217 = tpu.memref_slice %arg2[%dma_wait3A_215, %dma_wait3A_216] : memref<20000x64xbf16, #tpu.memory_space<hbm>> -> memref<20000x64xbf16, #tpu.memory_space<hbm>>
      tpu.wait_indirect_dma semaphore(%arg21 : memref<!tpu.dma_semaphore, #tpu.memory_space<semaphore_mem>>) src(%dma_wait3A_217 : memref<20000x64xbf16, #tpu.memory_space<hbm>>) dst(%arg13 : memref<128x64xbf16, #tpu.memory_space<vmem>>)
      %add3A_218 = arith.constant 4 : i32
      %add3A_219 = arith.addi %mul3A_145, %add3A_218 : i32
      %dma_start3A_220 = arith.constant 0 : i32
      %dma_start3A_221 = tpu.memref_slice %arg7[%add3A_219, %dma_start3A_220] : memref<160x128xi32, #tpu.memory_space<vmem>> -> memref<1x128xi32, #tpu.memory_space<vmem>>
      %dma_start3A_222 = tpu.memref_squeeze %dma_start3A_221 : memref<1x128xi32, #tpu.memory_space<vmem>> -> memref<128xi32, #tpu.memory_space<vmem>>
      %dma_start3A_223 = arith.constant 0 : i32
      %dma_start3A_224 = arith.constant 0 : i32
      %dma_start3A_225 = tpu.memref_slice %arg8[%dma_start3A_223, %dma_start3A_224] : memref<10240x64xbf16, #tpu.memory_space<vmem_shared>> -> memref<10240x64xbf16, #tpu.memory_space<vmem_shared>>
      tpu.enqueue_indirect_dma source(%arg13 : memref<128x64xbf16, #tpu.memory_space<vmem>>) target(%dma_start3A_225 : memref<10240x64xbf16, #tpu.memory_space<vmem_shared>>) offsets(%dma_start3A_222 : memref<128xi32, #tpu.memory_space<vmem>>) semaphore(%arg29 : memref<!tpu.dma_semaphore, #tpu.memory_space<semaphore_mem>>) {add = true}
      %add3A_226 = arith.constant 5 : i32
      %add3A_227 = arith.addi %mul3A_145, %add3A_226 : i32
      %dma_wait3A_228 = arith.constant 0 : i32
      %dma_wait3A_229 = tpu.memref_slice %arg6[%add3A_227, %dma_wait3A_228] : memref<160x128xi32, #tpu.memory_space<vmem>> -> memref<1x128xi32, #tpu.memory_space<vmem>>
      %dma_wait3A_230 = tpu.memref_squeeze %dma_wait3A_229 : memref<1x128xi32, #tpu.memory_space<vmem>> -> memref<128xi32, #tpu.memory_space<vmem>>
      %dma_wait3A_231 = arith.constant 0 : i32
      %dma_wait3A_232 = arith.constant 0 : i32
      %dma_wait3A_233 = tpu.memref_slice %arg2[%dma_wait3A_231, %dma_wait3A_232] : memref<20000x64xbf16, #tpu.memory_space<hbm>> -> memref<20000x64xbf16, #tpu.memory_space<hbm>>
      tpu.wait_indirect_dma semaphore(%arg22 : memref<!tpu.dma_semaphore, #tpu.memory_space<semaphore_mem>>) src(%dma_wait3A_233 : memref<20000x64xbf16, #tpu.memory_space<hbm>>) dst(%arg14 : memref<128x64xbf16, #tpu.memory_space<vmem>>)
      %add3A_234 = arith.constant 5 : i32
      %add3A_235 = arith.addi %mul3A_145, %add3A_234 : i32
      %dma_start3A_236 = arith.constant 0 : i32
      %dma_start3A_237 = tpu.memref_slice %arg7[%add3A_235, %dma_start3A_236] : memref<160x128xi32, #tpu.memory_space<vmem>> -> memref<1x128xi32, #tpu.memory_space<vmem>>
      %dma_start3A_238 = tpu.memref_squeeze %dma_start3A_237 : memref<1x128xi32, #tpu.memory_space<vmem>> -> memref<128xi32, #tpu.memory_space<vmem>>
      %dma_start3A_239 = arith.constant 0 : i32
      %dma_start3A_240 = arith.constant 0 : i32
      %dma_start3A_241 = tpu.memref_slice %arg8[%dma_start3A_239, %dma_start3A_240] : memref<10240x64xbf16, #tpu.memory_space<vmem_shared>> -> memref<10240x64xbf16, #tpu.memory_space<vmem_shared>>
      tpu.enqueue_indirect_dma source(%arg14 : memref<128x64xbf16, #tpu.memory_space<vmem>>) target(%dma_start3A_241 : memref<10240x64xbf16, #tpu.memory_space<vmem_shared>>) offsets(%dma_start3A_238 : memref<128xi32, #tpu.memory_space<vmem>>) semaphore(%arg30 : memref<!tpu.dma_semaphore, #tpu.memory_space<semaphore_mem>>) {add = true}
      %add3A_242 = arith.constant 6 : i32
      %add3A_243 = arith.addi %mul3A_145, %add3A_242 : i32
      %dma_wait3A_244 = arith.constant 0 : i32
      %dma_wait3A_245 = tpu.memref_slice %arg6[%add3A_243, %dma_wait3A_244] : memref<160x128xi32, #tpu.memory_space<vmem>> -> memref<1x128xi32, #tpu.memory_space<vmem>>
      %dma_wait3A_246 = tpu.memref_squeeze %dma_wait3A_245 : memref<1x128xi32, #tpu.memory_space<vmem>> -> memref<128xi32, #tpu.memory_space<vmem>>
      %dma_wait3A_247 = arith.constant 0 : i32
      %dma_wait3A_248 = arith.constant 0 : i32
      %dma_wait3A_249 = tpu.memref_slice %arg2[%dma_wait3A_247, %dma_wait3A_248] : memref<20000x64xbf16, #tpu.memory_space<hbm>> -> memref<20000x64xbf16, #tpu.memory_space<hbm>>
      tpu.wait_indirect_dma semaphore(%arg23 : memref<!tpu.dma_semaphore, #tpu.memory_space<semaphore_mem>>) src(%dma_wait3A_249 : memref<20000x64xbf16, #tpu.memory_space<hbm>>) dst(%arg15 : memref<128x64xbf16, #tpu.memory_space<vmem>>)
      %add3A_250 = arith.constant 6 : i32
      %add3A_251 = arith.addi %mul3A_145, %add3A_250 : i32
      %dma_start3A_252 = arith.constant 0 : i32
      %dma_start3A_253 = tpu.memref_slice %arg7[%add3A_251, %dma_start3A_252] : memref<160x128xi32, #tpu.memory_space<vmem>> -> memref<1x128xi32, #tpu.memory_space<vmem>>
      %dma_start3A_254 = tpu.memref_squeeze %dma_start3A_253 : memref<1x128xi32, #tpu.memory_space<vmem>> -> memref<128xi32, #tpu.memory_space<vmem>>
      %dma_start3A_255 = arith.constant 0 : i32
      %dma_start3A_256 = arith.constant 0 : i32
      %dma_start3A_257 = tpu.memref_slice %arg8[%dma_start3A_255, %dma_start3A_256] : memref<10240x64xbf16, #tpu.memory_space<vmem_shared>> -> memref<10240x64xbf16, #tpu.memory_space<vmem_shared>>
      tpu.enqueue_indirect_dma source(%arg15 : memref<128x64xbf16, #tpu.memory_space<vmem>>) target(%dma_start3A_257 : memref<10240x64xbf16, #tpu.memory_space<vmem_shared>>) offsets(%dma_start3A_254 : memref<128xi32, #tpu.memory_space<vmem>>) semaphore(%arg31 : memref<!tpu.dma_semaphore, #tpu.memory_space<semaphore_mem>>) {add = true}
      %add3A_258 = arith.constant 7 : i32
      %add3A_259 = arith.addi %mul3A_145, %add3A_258 : i32
      %dma_wait3A_260 = arith.constant 0 : i32
      %dma_wait3A_261 = tpu.memref_slice %arg6[%add3A_259, %dma_wait3A_260] : memref<160x128xi32, #tpu.memory_space<vmem>> -> memref<1x128xi32, #tpu.memory_space<vmem>>
      %dma_wait3A_262 = tpu.memref_squeeze %dma_wait3A_261 : memref<1x128xi32, #tpu.memory_space<vmem>> -> memref<128xi32, #tpu.memory_space<vmem>>
      %dma_wait3A_263 = arith.constant 0 : i32
      %dma_wait3A_264 = arith.constant 0 : i32
      %dma_wait3A_265 = tpu.memref_slice %arg2[%dma_wait3A_263, %dma_wait3A_264] : memref<20000x64xbf16, #tpu.memory_space<hbm>> -> memref<20000x64xbf16, #tpu.memory_space<hbm>>
      tpu.wait_indirect_dma semaphore(%arg24 : memref<!tpu.dma_semaphore, #tpu.memory_space<semaphore_mem>>) src(%dma_wait3A_265 : memref<20000x64xbf16, #tpu.memory_space<hbm>>) dst(%arg16 : memref<128x64xbf16, #tpu.memory_space<vmem>>)
      %add3A_266 = arith.constant 7 : i32
      %add3A_267 = arith.addi %mul3A_145, %add3A_266 : i32
      %dma_start3A_268 = arith.constant 0 : i32
      %dma_start3A_269 = tpu.memref_slice %arg7[%add3A_267, %dma_start3A_268] : memref<160x128xi32, #tpu.memory_space<vmem>> -> memref<1x128xi32, #tpu.memory_space<vmem>>
      %dma_start3A_270 = tpu.memref_squeeze %dma_start3A_269 : memref<1x128xi32, #tpu.memory_space<vmem>> -> memref<128xi32, #tpu.memory_space<vmem>>
      %dma_start3A_271 = arith.constant 0 : i32
      %dma_start3A_272 = arith.constant 0 : i32
      %dma_start3A_273 = tpu.memref_slice %arg8[%dma_start3A_271, %dma_start3A_272] : memref<10240x64xbf16, #tpu.memory_space<vmem_shared>> -> memref<10240x64xbf16, #tpu.memory_space<vmem_shared>>
      tpu.enqueue_indirect_dma source(%arg16 : memref<128x64xbf16, #tpu.memory_space<vmem>>) target(%dma_start3A_273 : memref<10240x64xbf16, #tpu.memory_space<vmem_shared>>) offsets(%dma_start3A_270 : memref<128xi32, #tpu.memory_space<vmem>>) semaphore(%arg32 : memref<!tpu.dma_semaphore, #tpu.memory_space<semaphore_mem>>) {add = true}
      %add3A_274 = arith.constant 1 : i32
      %add3A_275 = arith.addi %scan3A_142, %add3A_274 : i32
      %lt3A = arith.constant 20 : i32
      %lt3A_276 = arith.cmpi slt, %add3A_275, %lt3A : i32
      %convert_element_type3A = arith.extui %lt3A_276 : i1 to i32
      %cond3A = arith.constant 0 : i32
      %cond3A_277 = arith.cmpi ne, %convert_element_type3A, %cond3A : i32
      scf.if %cond3A_277 {
        %add3A_279 = arith.constant 0 : i32
        %add3A_280 = arith.addi %mul3A_145, %add3A_279 : i32
        %dma_wait3A_281 = arith.constant 0 : i32
        %dma_wait3A_282 = tpu.memref_slice %arg7[%add3A_280, %dma_wait3A_281] : memref<160x128xi32, #tpu.memory_space<vmem>> -> memref<1x128xi32, #tpu.memory_space<vmem>>
        %dma_wait3A_283 = tpu.memref_squeeze %dma_wait3A_282 : memref<1x128xi32, #tpu.memory_space<vmem>> -> memref<128xi32, #tpu.memory_space<vmem>>
        %dma_wait3A_284 = arith.constant 0 : i32
        %dma_wait3A_285 = arith.constant 0 : i32
        %dma_wait3A_286 = tpu.memref_slice %arg8[%dma_wait3A_284, %dma_wait3A_285] : memref<10240x64xbf16, #tpu.memory_space<vmem_shared>> -> memref<10240x64xbf16, #tpu.memory_space<vmem_shared>>
        tpu.wait_indirect_dma semaphore(%arg25 : memref<!tpu.dma_semaphore, #tpu.memory_space<semaphore_mem>>) src(%arg9 : memref<128x64xbf16, #tpu.memory_space<vmem>>) dst(%dma_wait3A_286 : memref<10240x64xbf16, #tpu.memory_space<vmem_shared>>)
        %add3A_287 = arith.constant 8 : i32
        %add3A_288 = arith.addi %mul3A_145, %add3A_287 : i32
        %add3A_289 = arith.constant 0 : i32
        %add3A_290 = arith.addi %add3A_288, %add3A_289 : i32
        %dma_start3A_291 = arith.constant 0 : i32
        %dma_start3A_292 = tpu.memref_slice %arg6[%add3A_290, %dma_start3A_291] : memref<160x128xi32, #tpu.memory_space<vmem>> -> memref<1x128xi32, #tpu.memory_space<vmem>>
        %dma_start3A_293 = tpu.memref_squeeze %dma_start3A_292 : memref<1x128xi32, #tpu.memory_space<vmem>> -> memref<128xi32, #tpu.memory_space<vmem>>
        %dma_start3A_294 = arith.constant 0 : i32
        %dma_start3A_295 = arith.constant 0 : i32
        %dma_start3A_296 = tpu.memref_slice %arg2[%dma_start3A_294, %dma_start3A_295] : memref<20000x64xbf16, #tpu.memory_space<hbm>> -> memref<20000x64xbf16, #tpu.memory_space<hbm>>
        tpu.enqueue_indirect_dma source(%dma_start3A_296 : memref<20000x64xbf16, #tpu.memory_space<hbm>>) target(%arg9 : memref<128x64xbf16, #tpu.memory_space<vmem>>) offsets(%dma_start3A_293 : memref<128xi32, #tpu.memory_space<vmem>>) semaphore(%arg17 : memref<!tpu.dma_semaphore, #tpu.memory_space<semaphore_mem>>)
        %add3A_297 = arith.constant 1 : i32
        %add3A_298 = arith.addi %mul3A_145, %add3A_297 : i32
        %dma_wait3A_299 = arith.constant 0 : i32
        %dma_wait3A_300 = tpu.memref_slice %arg7[%add3A_298, %dma_wait3A_299] : memref<160x128xi32, #tpu.memory_space<vmem>> -> memref<1x128xi32, #tpu.memory_space<vmem>>
        %dma_wait3A_301 = tpu.memref_squeeze %dma_wait3A_300 : memref<1x128xi32, #tpu.memory_space<vmem>> -> memref<128xi32, #tpu.memory_space<vmem>>
        %dma_wait3A_302 = arith.constant 0 : i32
        %dma_wait3A_303 = arith.constant 0 : i32
        %dma_wait3A_304 = tpu.memref_slice %arg8[%dma_wait3A_302, %dma_wait3A_303] : memref<10240x64xbf16, #tpu.memory_space<vmem_shared>> -> memref<10240x64xbf16, #tpu.memory_space<vmem_shared>>
        tpu.wait_indirect_dma semaphore(%arg26 : memref<!tpu.dma_semaphore, #tpu.memory_space<semaphore_mem>>) src(%arg10 : memref<128x64xbf16, #tpu.memory_space<vmem>>) dst(%dma_wait3A_304 : memref<10240x64xbf16, #tpu.memory_space<vmem_shared>>)
        %add3A_305 = arith.constant 8 : i32
        %add3A_306 = arith.addi %mul3A_145, %add3A_305 : i32
        %add3A_307 = arith.constant 1 : i32
        %add3A_308 = arith.addi %add3A_306, %add3A_307 : i32
        %dma_start3A_309 = arith.constant 0 : i32
        %dma_start3A_310 = tpu.memref_slice %arg6[%add3A_308, %dma_start3A_309] : memref<160x128xi32, #tpu.memory_space<vmem>> -> memref<1x128xi32, #tpu.memory_space<vmem>>
        %dma_start3A_311 = tpu.memref_squeeze %dma_start3A_310 : memref<1x128xi32, #tpu.memory_space<vmem>> -> memref<128xi32, #tpu.memory_space<vmem>>
        %dma_start3A_312 = arith.constant 0 : i32
        %dma_start3A_313 = arith.constant 0 : i32
        %dma_start3A_314 = tpu.memref_slice %arg2[%dma_start3A_312, %dma_start3A_313] : memref<20000x64xbf16, #tpu.memory_space<hbm>> -> memref<20000x64xbf16, #tpu.memory_space<hbm>>
        tpu.enqueue_indirect_dma source(%dma_start3A_314 : memref<20000x64xbf16, #tpu.memory_space<hbm>>) target(%arg10 : memref<128x64xbf16, #tpu.memory_space<vmem>>) offsets(%dma_start3A_311 : memref<128xi32, #tpu.memory_space<vmem>>) semaphore(%arg18 : memref<!tpu.dma_semaphore, #tpu.memory_space<semaphore_mem>>)
        %add3A_315 = arith.constant 2 : i32
        %add3A_316 = arith.addi %mul3A_145, %add3A_315 : i32
        %dma_wait3A_317 = arith.constant 0 : i32
        %dma_wait3A_318 = tpu.memref_slice %arg7[%add3A_316, %dma_wait3A_317] : memref<160x128xi32, #tpu.memory_space<vmem>> -> memref<1x128xi32, #tpu.memory_space<vmem>>
        %dma_wait3A_319 = tpu.memref_squeeze %dma_wait3A_318 : memref<1x128xi32, #tpu.memory_space<vmem>> -> memref<128xi32, #tpu.memory_space<vmem>>
        %dma_wait3A_320 = arith.constant 0 : i32
        %dma_wait3A_321 = arith.constant 0 : i32
        %dma_wait3A_322 = tpu.memref_slice %arg8[%dma_wait3A_320, %dma_wait3A_321] : memref<10240x64xbf16, #tpu.memory_space<vmem_shared>> -> memref<10240x64xbf16, #tpu.memory_space<vmem_shared>>
        tpu.wait_indirect_dma semaphore(%arg27 : memref<!tpu.dma_semaphore, #tpu.memory_space<semaphore_mem>>) src(%arg11 : memref<128x64xbf16, #tpu.memory_space<vmem>>) dst(%dma_wait3A_322 : memref<10240x64xbf16, #tpu.memory_space<vmem_shared>>)
        %add3A_323 = arith.constant 8 : i32
        %add3A_324 = arith.addi %mul3A_145, %add3A_323 : i32
        %add3A_325 = arith.constant 2 : i32
        %add3A_326 = arith.addi %add3A_324, %add3A_325 : i32
        %dma_start3A_327 = arith.constant 0 : i32
        %dma_start3A_328 = tpu.memref_slice %arg6[%add3A_326, %dma_start3A_327] : memref<160x128xi32, #tpu.memory_space<vmem>> -> memref<1x128xi32, #tpu.memory_space<vmem>>
        %dma_start3A_329 = tpu.memref_squeeze %dma_start3A_328 : memref<1x128xi32, #tpu.memory_space<vmem>> -> memref<128xi32, #tpu.memory_space<vmem>>
        %dma_start3A_330 = arith.constant 0 : i32
        %dma_start3A_331 = arith.constant 0 : i32
        %dma_start3A_332 = tpu.memref_slice %arg2[%dma_start3A_330, %dma_start3A_331] : memref<20000x64xbf16, #tpu.memory_space<hbm>> -> memref<20000x64xbf16, #tpu.memory_space<hbm>>
        tpu.enqueue_indirect_dma source(%dma_start3A_332 : memref<20000x64xbf16, #tpu.memory_space<hbm>>) target(%arg11 : memref<128x64xbf16, #tpu.memory_space<vmem>>) offsets(%dma_start3A_329 : memref<128xi32, #tpu.memory_space<vmem>>) semaphore(%arg19 : memref<!tpu.dma_semaphore, #tpu.memory_space<semaphore_mem>>)
        %add3A_333 = arith.constant 3 : i32
        %add3A_334 = arith.addi %mul3A_145, %add3A_333 : i32
        %dma_wait3A_335 = arith.constant 0 : i32
        %dma_wait3A_336 = tpu.memref_slice %arg7[%add3A_334, %dma_wait3A_335] : memref<160x128xi32, #tpu.memory_space<vmem>> -> memref<1x128xi32, #tpu.memory_space<vmem>>
        %dma_wait3A_337 = tpu.memref_squeeze %dma_wait3A_336 : memref<1x128xi32, #tpu.memory_space<vmem>> -> memref<128xi32, #tpu.memory_space<vmem>>
        %dma_wait3A_338 = arith.constant 0 : i32
        %dma_wait3A_339 = arith.constant 0 : i32
        %dma_wait3A_340 = tpu.memref_slice %arg8[%dma_wait3A_338, %dma_wait3A_339] : memref<10240x64xbf16, #tpu.memory_space<vmem_shared>> -> memref<10240x64xbf16, #tpu.memory_space<vmem_shared>>
        tpu.wait_indirect_dma semaphore(%arg28 : memref<!tpu.dma_semaphore, #tpu.memory_space<semaphore_mem>>) src(%arg12 : memref<128x64xbf16, #tpu.memory_space<vmem>>) dst(%dma_wait3A_340 : memref<10240x64xbf16, #tpu.memory_space<vmem_shared>>)
        %add3A_341 = arith.constant 8 : i32
        %add3A_342 = arith.addi %mul3A_145, %add3A_341 : i32
        %add3A_343 = arith.constant 3 : i32
        %add3A_344 = arith.addi %add3A_342, %add3A_343 : i32
        %dma_start3A_345 = arith.constant 0 : i32
        %dma_start3A_346 = tpu.memref_slice %arg6[%add3A_344, %dma_start3A_345] : memref<160x128xi32, #tpu.memory_space<vmem>> -> memref<1x128xi32, #tpu.memory_space<vmem>>
        %dma_start3A_347 = tpu.memref_squeeze %dma_start3A_346 : memref<1x128xi32, #tpu.memory_space<vmem>> -> memref<128xi32, #tpu.memory_space<vmem>>
        %dma_start3A_348 = arith.constant 0 : i32
        %dma_start3A_349 = arith.constant 0 : i32
        %dma_start3A_350 = tpu.memref_slice %arg2[%dma_start3A_348, %dma_start3A_349] : memref<20000x64xbf16, #tpu.memory_space<hbm>> -> memref<20000x64xbf16, #tpu.memory_space<hbm>>
        tpu.enqueue_indirect_dma source(%dma_start3A_350 : memref<20000x64xbf16, #tpu.memory_space<hbm>>) target(%arg12 : memref<128x64xbf16, #tpu.memory_space<vmem>>) offsets(%dma_start3A_347 : memref<128xi32, #tpu.memory_space<vmem>>) semaphore(%arg20 : memref<!tpu.dma_semaphore, #tpu.memory_space<semaphore_mem>>)
        %add3A_351 = arith.constant 4 : i32
        %add3A_352 = arith.addi %mul3A_145, %add3A_351 : i32
        %dma_wait3A_353 = arith.constant 0 : i32
        %dma_wait3A_354 = tpu.memref_slice %arg7[%add3A_352, %dma_wait3A_353] : memref<160x128xi32, #tpu.memory_space<vmem>> -> memref<1x128xi32, #tpu.memory_space<vmem>>
        %dma_wait3A_355 = tpu.memref_squeeze %dma_wait3A_354 : memref<1x128xi32, #tpu.memory_space<vmem>> -> memref<128xi32, #tpu.memory_space<vmem>>
        %dma_wait3A_356 = arith.constant 0 : i32
        %dma_wait3A_357 = arith.constant 0 : i32
        %dma_wait3A_358 = tpu.memref_slice %arg8[%dma_wait3A_356, %dma_wait3A_357] : memref<10240x64xbf16, #tpu.memory_space<vmem_shared>> -> memref<10240x64xbf16, #tpu.memory_space<vmem_shared>>
        tpu.wait_indirect_dma semaphore(%arg29 : memref<!tpu.dma_semaphore, #tpu.memory_space<semaphore_mem>>) src(%arg13 : memref<128x64xbf16, #tpu.memory_space<vmem>>) dst(%dma_wait3A_358 : memref<10240x64xbf16, #tpu.memory_space<vmem_shared>>)
        %add3A_359 = arith.constant 8 : i32
        %add3A_360 = arith.addi %mul3A_145, %add3A_359 : i32
        %add3A_361 = arith.constant 4 : i32
        %add3A_362 = arith.addi %add3A_360, %add3A_361 : i32
        %dma_start3A_363 = arith.constant 0 : i32
        %dma_start3A_364 = tpu.memref_slice %arg6[%add3A_362, %dma_start3A_363] : memref<160x128xi32, #tpu.memory_space<vmem>> -> memref<1x128xi32, #tpu.memory_space<vmem>>
        %dma_start3A_365 = tpu.memref_squeeze %dma_start3A_364 : memref<1x128xi32, #tpu.memory_space<vmem>> -> memref<128xi32, #tpu.memory_space<vmem>>
        %dma_start3A_366 = arith.constant 0 : i32
        %dma_start3A_367 = arith.constant 0 : i32
        %dma_start3A_368 = tpu.memref_slice %arg2[%dma_start3A_366, %dma_start3A_367] : memref<20000x64xbf16, #tpu.memory_space<hbm>> -> memref<20000x64xbf16, #tpu.memory_space<hbm>>
        tpu.enqueue_indirect_dma source(%dma_start3A_368 : memref<20000x64xbf16, #tpu.memory_space<hbm>>) target(%arg13 : memref<128x64xbf16, #tpu.memory_space<vmem>>) offsets(%dma_start3A_365 : memref<128xi32, #tpu.memory_space<vmem>>) semaphore(%arg21 : memref<!tpu.dma_semaphore, #tpu.memory_space<semaphore_mem>>)
        %add3A_369 = arith.constant 5 : i32
        %add3A_370 = arith.addi %mul3A_145, %add3A_369 : i32
        %dma_wait3A_371 = arith.constant 0 : i32
        %dma_wait3A_372 = tpu.memref_slice %arg7[%add3A_370, %dma_wait3A_371] : memref<160x128xi32, #tpu.memory_space<vmem>> -> memref<1x128xi32, #tpu.memory_space<vmem>>
        %dma_wait3A_373 = tpu.memref_squeeze %dma_wait3A_372 : memref<1x128xi32, #tpu.memory_space<vmem>> -> memref<128xi32, #tpu.memory_space<vmem>>
        %dma_wait3A_374 = arith.constant 0 : i32
        %dma_wait3A_375 = arith.constant 0 : i32
        %dma_wait3A_376 = tpu.memref_slice %arg8[%dma_wait3A_374, %dma_wait3A_375] : memref<10240x64xbf16, #tpu.memory_space<vmem_shared>> -> memref<10240x64xbf16, #tpu.memory_space<vmem_shared>>
        tpu.wait_indirect_dma semaphore(%arg30 : memref<!tpu.dma_semaphore, #tpu.memory_space<semaphore_mem>>) src(%arg14 : memref<128x64xbf16, #tpu.memory_space<vmem>>) dst(%dma_wait3A_376 : memref<10240x64xbf16, #tpu.memory_space<vmem_shared>>)
        %add3A_377 = arith.constant 8 : i32
        %add3A_378 = arith.addi %mul3A_145, %add3A_377 : i32
        %add3A_379 = arith.constant 5 : i32
        %add3A_380 = arith.addi %add3A_378, %add3A_379 : i32
        %dma_start3A_381 = arith.constant 0 : i32
        %dma_start3A_382 = tpu.memref_slice %arg6[%add3A_380, %dma_start3A_381] : memref<160x128xi32, #tpu.memory_space<vmem>> -> memref<1x128xi32, #tpu.memory_space<vmem>>
        %dma_start3A_383 = tpu.memref_squeeze %dma_start3A_382 : memref<1x128xi32, #tpu.memory_space<vmem>> -> memref<128xi32, #tpu.memory_space<vmem>>
        %dma_start3A_384 = arith.constant 0 : i32
        %dma_start3A_385 = arith.constant 0 : i32
        %dma_start3A_386 = tpu.memref_slice %arg2[%dma_start3A_384, %dma_start3A_385] : memref<20000x64xbf16, #tpu.memory_space<hbm>> -> memref<20000x64xbf16, #tpu.memory_space<hbm>>
        tpu.enqueue_indirect_dma source(%dma_start3A_386 : memref<20000x64xbf16, #tpu.memory_space<hbm>>) target(%arg14 : memref<128x64xbf16, #tpu.memory_space<vmem>>) offsets(%dma_start3A_383 : memref<128xi32, #tpu.memory_space<vmem>>) semaphore(%arg22 : memref<!tpu.dma_semaphore, #tpu.memory_space<semaphore_mem>>)
        %add3A_387 = arith.constant 6 : i32
        %add3A_388 = arith.addi %mul3A_145, %add3A_387 : i32
        %dma_wait3A_389 = arith.constant 0 : i32
        %dma_wait3A_390 = tpu.memref_slice %arg7[%add3A_388, %dma_wait3A_389] : memref<160x128xi32, #tpu.memory_space<vmem>> -> memref<1x128xi32, #tpu.memory_space<vmem>>
        %dma_wait3A_391 = tpu.memref_squeeze %dma_wait3A_390 : memref<1x128xi32, #tpu.memory_space<vmem>> -> memref<128xi32, #tpu.memory_space<vmem>>
        %dma_wait3A_392 = arith.constant 0 : i32
        %dma_wait3A_393 = arith.constant 0 : i32
        %dma_wait3A_394 = tpu.memref_slice %arg8[%dma_wait3A_392, %dma_wait3A_393] : memref<10240x64xbf16, #tpu.memory_space<vmem_shared>> -> memref<10240x64xbf16, #tpu.memory_space<vmem_shared>>
        tpu.wait_indirect_dma semaphore(%arg31 : memref<!tpu.dma_semaphore, #tpu.memory_space<semaphore_mem>>) src(%arg15 : memref<128x64xbf16, #tpu.memory_space<vmem>>) dst(%dma_wait3A_394 : memref<10240x64xbf16, #tpu.memory_space<vmem_shared>>)
        %add3A_395 = arith.constant 8 : i32
        %add3A_396 = arith.addi %mul3A_145, %add3A_395 : i32
        %add3A_397 = arith.constant 6 : i32
        %add3A_398 = arith.addi %add3A_396, %add3A_397 : i32
        %dma_start3A_399 = arith.constant 0 : i32
        %dma_start3A_400 = tpu.memref_slice %arg6[%add3A_398, %dma_start3A_399] : memref<160x128xi32, #tpu.memory_space<vmem>> -> memref<1x128xi32, #tpu.memory_space<vmem>>
        %dma_start3A_401 = tpu.memref_squeeze %dma_start3A_400 : memref<1x128xi32, #tpu.memory_space<vmem>> -> memref<128xi32, #tpu.memory_space<vmem>>
        %dma_start3A_402 = arith.constant 0 : i32
        %dma_start3A_403 = arith.constant 0 : i32
        %dma_start3A_404 = tpu.memref_slice %arg2[%dma_start3A_402, %dma_start3A_403] : memref<20000x64xbf16, #tpu.memory_space<hbm>> -> memref<20000x64xbf16, #tpu.memory_space<hbm>>
        tpu.enqueue_indirect_dma source(%dma_start3A_404 : memref<20000x64xbf16, #tpu.memory_space<hbm>>) target(%arg15 : memref<128x64xbf16, #tpu.memory_space<vmem>>) offsets(%dma_start3A_401 : memref<128xi32, #tpu.memory_space<vmem>>) semaphore(%arg23 : memref<!tpu.dma_semaphore, #tpu.memory_space<semaphore_mem>>)
        %add3A_405 = arith.constant 7 : i32
        %add3A_406 = arith.addi %mul3A_145, %add3A_405 : i32
        %dma_wait3A_407 = arith.constant 0 : i32
        %dma_wait3A_408 = tpu.memref_slice %arg7[%add3A_406, %dma_wait3A_407] : memref<160x128xi32, #tpu.memory_space<vmem>> -> memref<1x128xi32, #tpu.memory_space<vmem>>
        %dma_wait3A_409 = tpu.memref_squeeze %dma_wait3A_408 : memref<1x128xi32, #tpu.memory_space<vmem>> -> memref<128xi32, #tpu.memory_space<vmem>>
        %dma_wait3A_410 = arith.constant 0 : i32
        %dma_wait3A_411 = arith.constant 0 : i32
        %dma_wait3A_412 = tpu.memref_slice %arg8[%dma_wait3A_410, %dma_wait3A_411] : memref<10240x64xbf16, #tpu.memory_space<vmem_shared>> -> memref<10240x64xbf16, #tpu.memory_space<vmem_shared>>
        tpu.wait_indirect_dma semaphore(%arg32 : memref<!tpu.dma_semaphore, #tpu.memory_space<semaphore_mem>>) src(%arg16 : memref<128x64xbf16, #tpu.memory_space<vmem>>) dst(%dma_wait3A_412 : memref<10240x64xbf16, #tpu.memory_space<vmem_shared>>)
        %add3A_413 = arith.constant 8 : i32
        %add3A_414 = arith.addi %mul3A_145, %add3A_413 : i32
        %add3A_415 = arith.constant 7 : i32
        %add3A_416 = arith.addi %add3A_414, %add3A_415 : i32
        %dma_start3A_417 = arith.constant 0 : i32
        %dma_start3A_418 = tpu.memref_slice %arg6[%add3A_416, %dma_start3A_417] : memref<160x128xi32, #tpu.memory_space<vmem>> -> memref<1x128xi32, #tpu.memory_space<vmem>>
        %dma_start3A_419 = tpu.memref_squeeze %dma_start3A_418 : memref<1x128xi32, #tpu.memory_space<vmem>> -> memref<128xi32, #tpu.memory_space<vmem>>
        %dma_start3A_420 = arith.constant 0 : i32
        %dma_start3A_421 = arith.constant 0 : i32
        %dma_start3A_422 = tpu.memref_slice %arg2[%dma_start3A_420, %dma_start3A_421] : memref<20000x64xbf16, #tpu.memory_space<hbm>> -> memref<20000x64xbf16, #tpu.memory_space<hbm>>
        tpu.enqueue_indirect_dma source(%dma_start3A_422 : memref<20000x64xbf16, #tpu.memory_space<hbm>>) target(%arg16 : memref<128x64xbf16, #tpu.memory_space<vmem>>) offsets(%dma_start3A_419 : memref<128xi32, #tpu.memory_space<vmem>>) semaphore(%arg24 : memref<!tpu.dma_semaphore, #tpu.memory_space<semaphore_mem>>)
      } else {
      }
      %scan3A_278 = arith.constant 0 : i32
      scf.yield %scan3A_278 : i32
    }
    %scan3A_80 = arith.constant 20 : i32
    %dma_wait3A = arith.constant 152 : i32
    %dma_wait3A_81 = arith.constant 0 : i32
    %dma_wait3A_82 = tpu.memref_slice %arg7[%dma_wait3A, %dma_wait3A_81] : memref<160x128xi32, #tpu.memory_space<vmem>> -> memref<1x128xi32, #tpu.memory_space<vmem>>
    %dma_wait3A_83 = tpu.memref_squeeze %dma_wait3A_82 : memref<1x128xi32, #tpu.memory_space<vmem>> -> memref<128xi32, #tpu.memory_space<vmem>>
    %dma_wait3A_84 = arith.constant 0 : i32
    %dma_wait3A_85 = arith.constant 0 : i32
    %dma_wait3A_86 = tpu.memref_slice %arg8[%dma_wait3A_84, %dma_wait3A_85] : memref<10240x64xbf16, #tpu.memory_space<vmem_shared>> -> memref<10240x64xbf16, #tpu.memory_space<vmem_shared>>
    tpu.wait_indirect_dma semaphore(%arg25 : memref<!tpu.dma_semaphore, #tpu.memory_space<semaphore_mem>>) src(%arg9 : memref<128x64xbf16, #tpu.memory_space<vmem>>) dst(%dma_wait3A_86 : memref<10240x64xbf16, #tpu.memory_space<vmem_shared>>)
    %dma_wait3A_87 = arith.constant 153 : i32
    %dma_wait3A_88 = arith.constant 0 : i32
    %dma_wait3A_89 = tpu.memref_slice %arg7[%dma_wait3A_87, %dma_wait3A_88] : memref<160x128xi32, #tpu.memory_space<vmem>> -> memref<1x128xi32, #tpu.memory_space<vmem>>
    %dma_wait3A_90 = tpu.memref_squeeze %dma_wait3A_89 : memref<1x128xi32, #tpu.memory_space<vmem>> -> memref<128xi32, #tpu.memory_space<vmem>>
    %dma_wait3A_91 = arith.constant 0 : i32
    %dma_wait3A_92 = arith.constant 0 : i32
    %dma_wait3A_93 = tpu.memref_slice %arg8[%dma_wait3A_91, %dma_wait3A_92] : memref<10240x64xbf16, #tpu.memory_space<vmem_shared>> -> memref<10240x64xbf16, #tpu.memory_space<vmem_shared>>
    tpu.wait_indirect_dma semaphore(%arg26 : memref<!tpu.dma_semaphore, #tpu.memory_space<semaphore_mem>>) src(%arg10 : memref<128x64xbf16, #tpu.memory_space<vmem>>) dst(%dma_wait3A_93 : memref<10240x64xbf16, #tpu.memory_space<vmem_shared>>)
    %dma_wait3A_94 = arith.constant 154 : i32
    %dma_wait3A_95 = arith.constant 0 : i32
    %dma_wait3A_96 = tpu.memref_slice %arg7[%dma_wait3A_94, %dma_wait3A_95] : memref<160x128xi32, #tpu.memory_space<vmem>> -> memref<1x128xi32, #tpu.memory_space<vmem>>
    %dma_wait3A_97 = tpu.memref_squeeze %dma_wait3A_96 : memref<1x128xi32, #tpu.memory_space<vmem>> -> memref<128xi32, #tpu.memory_space<vmem>>
    %dma_wait3A_98 = arith.constant 0 : i32
    %dma_wait3A_99 = arith.constant 0 : i32
    %dma_wait3A_100 = tpu.memref_slice %arg8[%dma_wait3A_98, %dma_wait3A_99] : memref<10240x64xbf16, #tpu.memory_space<vmem_shared>> -> memref<10240x64xbf16, #tpu.memory_space<vmem_shared>>
    tpu.wait_indirect_dma semaphore(%arg27 : memref<!tpu.dma_semaphore, #tpu.memory_space<semaphore_mem>>) src(%arg11 : memref<128x64xbf16, #tpu.memory_space<vmem>>) dst(%dma_wait3A_100 : memref<10240x64xbf16, #tpu.memory_space<vmem_shared>>)
    %dma_wait3A_101 = arith.constant 155 : i32
    %dma_wait3A_102 = arith.constant 0 : i32
    %dma_wait3A_103 = tpu.memref_slice %arg7[%dma_wait3A_101, %dma_wait3A_102] : memref<160x128xi32, #tpu.memory_space<vmem>> -> memref<1x128xi32, #tpu.memory_space<vmem>>
    %dma_wait3A_104 = tpu.memref_squeeze %dma_wait3A_103 : memref<1x128xi32, #tpu.memory_space<vmem>> -> memref<128xi32, #tpu.memory_space<vmem>>
    %dma_wait3A_105 = arith.constant 0 : i32
    %dma_wait3A_106 = arith.constant 0 : i32
    %dma_wait3A_107 = tpu.memref_slice %arg8[%dma_wait3A_105, %dma_wait3A_106] : memref<10240x64xbf16, #tpu.memory_space<vmem_shared>> -> memref<10240x64xbf16, #tpu.memory_space<vmem_shared>>
    tpu.wait_indirect_dma semaphore(%arg28 : memref<!tpu.dma_semaphore, #tpu.memory_space<semaphore_mem>>) src(%arg12 : memref<128x64xbf16, #tpu.memory_space<vmem>>) dst(%dma_wait3A_107 : memref<10240x64xbf16, #tpu.memory_space<vmem_shared>>)
    %dma_wait3A_108 = arith.constant 156 : i32
    %dma_wait3A_109 = arith.constant 0 : i32
    %dma_wait3A_110 = tpu.memref_slice %arg7[%dma_wait3A_108, %dma_wait3A_109] : memref<160x128xi32, #tpu.memory_space<vmem>> -> memref<1x128xi32, #tpu.memory_space<vmem>>
    %dma_wait3A_111 = tpu.memref_squeeze %dma_wait3A_110 : memref<1x128xi32, #tpu.memory_space<vmem>> -> memref<128xi32, #tpu.memory_space<vmem>>
    %dma_wait3A_112 = arith.constant 0 : i32
    %dma_wait3A_113 = arith.constant 0 : i32
    %dma_wait3A_114 = tpu.memref_slice %arg8[%dma_wait3A_112, %dma_wait3A_113] : memref<10240x64xbf16, #tpu.memory_space<vmem_shared>> -> memref<10240x64xbf16, #tpu.memory_space<vmem_shared>>
    tpu.wait_indirect_dma semaphore(%arg29 : memref<!tpu.dma_semaphore, #tpu.memory_space<semaphore_mem>>) src(%arg13 : memref<128x64xbf16, #tpu.memory_space<vmem>>) dst(%dma_wait3A_114 : memref<10240x64xbf16, #tpu.memory_space<vmem_shared>>)
    %dma_wait3A_115 = arith.constant 157 : i32
    %dma_wait3A_116 = arith.constant 0 : i32
    %dma_wait3A_117 = tpu.memref_slice %arg7[%dma_wait3A_115, %dma_wait3A_116] : memref<160x128xi32, #tpu.memory_space<vmem>> -> memref<1x128xi32, #tpu.memory_space<vmem>>
    %dma_wait3A_118 = tpu.memref_squeeze %dma_wait3A_117 : memref<1x128xi32, #tpu.memory_space<vmem>> -> memref<128xi32, #tpu.memory_space<vmem>>
    %dma_wait3A_119 = arith.constant 0 : i32
    %dma_wait3A_120 = arith.constant 0 : i32
    %dma_wait3A_121 = tpu.memref_slice %arg8[%dma_wait3A_119, %dma_wait3A_120] : memref<10240x64xbf16, #tpu.memory_space<vmem_shared>> -> memref<10240x64xbf16, #tpu.memory_space<vmem_shared>>
    tpu.wait_indirect_dma semaphore(%arg30 : memref<!tpu.dma_semaphore, #tpu.memory_space<semaphore_mem>>) src(%arg14 : memref<128x64xbf16, #tpu.memory_space<vmem>>) dst(%dma_wait3A_121 : memref<10240x64xbf16, #tpu.memory_space<vmem_shared>>)
    %dma_wait3A_122 = arith.constant 158 : i32
    %dma_wait3A_123 = arith.constant 0 : i32
    %dma_wait3A_124 = tpu.memref_slice %arg7[%dma_wait3A_122, %dma_wait3A_123] : memref<160x128xi32, #tpu.memory_space<vmem>> -> memref<1x128xi32, #tpu.memory_space<vmem>>
    %dma_wait3A_125 = tpu.memref_squeeze %dma_wait3A_124 : memref<1x128xi32, #tpu.memory_space<vmem>> -> memref<128xi32, #tpu.memory_space<vmem>>
    %dma_wait3A_126 = arith.constant 0 : i32
    %dma_wait3A_127 = arith.constant 0 : i32
    %dma_wait3A_128 = tpu.memref_slice %arg8[%dma_wait3A_126, %dma_wait3A_127] : memref<10240x64xbf16, #tpu.memory_space<vmem_shared>> -> memref<10240x64xbf16, #tpu.memory_space<vmem_shared>>
    tpu.wait_indirect_dma semaphore(%arg31 : memref<!tpu.dma_semaphore, #tpu.memory_space<semaphore_mem>>) src(%arg15 : memref<128x64xbf16, #tpu.memory_space<vmem>>) dst(%dma_wait3A_128 : memref<10240x64xbf16, #tpu.memory_space<vmem_shared>>)
    %dma_wait3A_129 = arith.constant 159 : i32
    %dma_wait3A_130 = arith.constant 0 : i32
    %dma_wait3A_131 = tpu.memref_slice %arg7[%dma_wait3A_129, %dma_wait3A_130] : memref<160x128xi32, #tpu.memory_space<vmem>> -> memref<1x128xi32, #tpu.memory_space<vmem>>
    %dma_wait3A_132 = tpu.memref_squeeze %dma_wait3A_131 : memref<1x128xi32, #tpu.memory_space<vmem>> -> memref<128xi32, #tpu.memory_space<vmem>>
    %dma_wait3A_133 = arith.constant 0 : i32
    %dma_wait3A_134 = arith.constant 0 : i32
    %dma_wait3A_135 = tpu.memref_slice %arg8[%dma_wait3A_133, %dma_wait3A_134] : memref<10240x64xbf16, #tpu.memory_space<vmem_shared>> -> memref<10240x64xbf16, #tpu.memory_space<vmem_shared>>
    tpu.wait_indirect_dma semaphore(%arg32 : memref<!tpu.dma_semaphore, #tpu.memory_space<semaphore_mem>>) src(%arg16 : memref<128x64xbf16, #tpu.memory_space<vmem>>) dst(%dma_wait3A_135 : memref<10240x64xbf16, #tpu.memory_space<vmem_shared>>)
    %barrier3A_136 = arith.constant 0 : index
    tpu.barrier barrier_id(%barrier3A_136)
    %mul3A_137 = arith.constant 640 : i32
    %mul3A_138 = arith.muli %arg1, %mul3A_137 : i32
    %mul3A_139 = arith.constant 10240 : i32
    %mul3A_140 = arith.muli %arg0, %mul3A_139 : i32
    %add3A_141 = arith.addi %mul3A_140, %mul3A_138 : i32
    "tpu.region"() ({
      %run_scoped3A = tpu.sem_alloc : memref<!tpu.dma_semaphore, #tpu.memory_space<semaphore_mem>>
      %dma_start3A_142 = arith.constant 0 : i32
      %dma_start3A_143 = tpu.memref_slice %arg5[%add3A_141, %dma_start3A_142] : memref<20480x64xbf16, #tpu.memory_space<hbm>> -> memref<640x64xbf16, #tpu.memory_space<hbm>>
      %dma_start3A_144 = arith.constant 0 : i32
      %dma_start3A_145 = tpu.memref_slice %arg8[%mul3A_138, %dma_start3A_144] : memref<10240x64xbf16, #tpu.memory_space<vmem_shared>> -> memref<640x64xbf16, #tpu.memory_space<vmem_shared>>
      tpu.enqueue_dma source(%dma_start3A_145 : memref<640x64xbf16, #tpu.memory_space<vmem_shared>>) target(%dma_start3A_143 : memref<640x64xbf16, #tpu.memory_space<hbm>>) target_semaphore(%run_scoped3A : memref<!tpu.dma_semaphore, #tpu.memory_space<semaphore_mem>>)
      %dma_wait3A_146 = arith.constant 0 : i32
      %dma_wait3A_147 = tpu.memref_slice %arg5[%add3A_141, %dma_wait3A_146] : memref<20480x64xbf16, #tpu.memory_space<hbm>> -> memref<640x64xbf16, #tpu.memory_space<hbm>>
      %dma_wait3A_148 = arith.constant 0 : i32
      %dma_wait3A_149 = tpu.memref_slice %arg8[%mul3A_138, %dma_wait3A_148] : memref<10240x64xbf16, #tpu.memory_space<vmem_shared>> -> memref<640x64xbf16, #tpu.memory_space<vmem_shared>>
      tpu.wait_dma2 semaphore(%run_scoped3A : memref<!tpu.dma_semaphore, #tpu.memory_space<semaphore_mem>>) src(%dma_wait3A_149 : memref<640x64xbf16, #tpu.memory_space<vmem_shared>>) dst(%dma_wait3A_147 : memref<640x64xbf16, #tpu.memory_space<hbm>>)
      tpu.yield
    }) : () -> ()
    return
  }
}

module attributes {stable_mosaic.version = 14 : i64} {
  func.func @_mm_body(%arg0: i32, %arg1: memref<2000x128xf32, #tpu.memory_space<vmem>>, %arg2: memref<128x128xf32, #tpu.memory_space<vmem>>, %arg3: memref<2x2000x64xbf16, #tpu.memory_space<vmem>>) attributes {dimension_semantics = [#tpu.dimension_semantics<arbitrary>], iteration_bounds = array<i64: 5>, scalar_prefetch = 0 : i64, scratch_operands = 0 : i64, tpu.core_type = #tpu.core_type<tc>, window_params = [{transform_indices = @transform_0, window_bounds = array<i64: 2000, 128>}, {pipeline_mode = #tpu.pipeline_mode<synchronous>, transform_indices = @transform_1, window_bounds = array<i64: 128, 128>}, {transform_indices = @transform_2, window_bounds = array<i64: 2, 2000, 64>}]} {
    %get3A = arith.constant 0 : index
    %get3A_0 = arith.constant 0 : index
    %get3A_1 = vector.load %arg1[%get3A, %get3A_0] : memref<2000x128xf32, #tpu.memory_space<vmem>>, vector<2000x128xf32>
    %get3A_2 = arith.constant 0 : index
    %get3A_3 = arith.constant 0 : index
    %get3A_4 = vector.load %arg2[%get3A_2, %get3A_3] : memref<128x128xf32, #tpu.memory_space<vmem>>, vector<128x128xf32>
    %dot_general3A = arith.constant dense<0.000000e+00> : vector<2000x128xf32>
    %dot_general3A_5 = tpu.matmul %get3A_1, %get3A_4, %dot_general3A {dimension_numbers = #tpu.dot_dimension_numbers<[1], [0], [0], [1], [0, 0, 1, 1], [], []>, transpose_lhs_hint = false} : vector<2000x128xf32>, vector<128x128xf32>, vector<2000x128xf32> -> vector<2000x128xf32>
    %slice3A = vector.extract_strided_slice %dot_general3A_5 {offsets = [0, 0], sizes = [2000, 64], strides = [1, 1]} : vector<2000x128xf32> to vector<2000x64xf32>
    %convert_element_type3A = arith.truncf %slice3A : vector<2000x64xf32> to vector<2000x64xbf16>
    %swap3A = arith.constant 0 : index
    %swap3A_6 = arith.constant 0 : index
    %swap3A_7 = arith.constant 0 : index
    %swap3A_8 = vector.load %arg3[%swap3A, %swap3A_6, %swap3A_7] : memref<2x2000x64xbf16, #tpu.memory_space<vmem>>, vector<1x2000x64xbf16>
    %swap3A_9 = vector.shape_cast %swap3A_8 : vector<1x2000x64xbf16> to vector<2000x64xbf16>
    %swap3A_10 = vector.shape_cast %convert_element_type3A : vector<2000x64xbf16> to vector<1x2000x64xbf16>
    tpu.vector_store %arg3[%swap3A, %swap3A_6, %swap3A_7], %swap3A_10 {strides = array<i32>} : memref<2x2000x64xbf16, #tpu.memory_space<vmem>>, vector<1x2000x64xbf16>,
    %slice3A_11 = vector.extract_strided_slice %dot_general3A_5 {offsets = [0, 64], sizes = [2000, 64], strides = [1, 1]} : vector<2000x128xf32> to vector<2000x64xf32>
    %convert_element_type3A_12 = arith.truncf %slice3A_11 : vector<2000x64xf32> to vector<2000x64xbf16>
    %swap3A_13 = arith.constant 1 : index
    %swap3A_14 = arith.constant 0 : index
    %swap3A_15 = arith.constant 0 : index
    %swap3A_16 = vector.load %arg3[%swap3A_13, %swap3A_14, %swap3A_15] : memref<2x2000x64xbf16, #tpu.memory_space<vmem>>, vector<1x2000x64xbf16>
    %swap3A_17 = vector.shape_cast %swap3A_16 : vector<1x2000x64xbf16> to vector<2000x64xbf16>
    %swap3A_18 = vector.shape_cast %convert_element_type3A_12 : vector<2000x64xbf16> to vector<1x2000x64xbf16>
    tpu.vector_store %arg3[%swap3A_13, %swap3A_14, %swap3A_15], %swap3A_18 {strides = array<i32>} : memref<2x2000x64xbf16, #tpu.memory_space<vmem>>, vector<1x2000x64xbf16>,
    return
  }
  func.func @transform_0(%arg0: i32) -> (i32, i32) {
    %c0_i32 = arith.constant 0 : i32
    %c0_i32_0 = arith.constant 0 : i32
    return %arg0, %c0_i32 : i32, i32
  }
  func.func @transform_1(%arg0: i32) -> (i32, i32) {
    %c0_i32 = arith.constant 0 : i32
    %c0_i32_0 = arith.constant 0 : i32
    %c0_i32_1 = arith.constant 0 : i32
    return %c0_i32, %c0_i32_0 : i32, i32
  }
  func.func @transform_2(%arg0: i32) -> (i32, i32, i32) {
    %c0_i32 = arith.constant 0 : i32
    %c0_i32_0 = arith.constant 0 : i32
    %c0_i32_1 = arith.constant 0 : i32
    return %c0_i32, %arg0, %c0_i32_0 : i32, i32, i32
  }
}

module attributes {stable_mosaic.version = 14 : i64} {
  func.func @_relu_mm_body(%arg0: i32, %arg1: memref<2x2000x64xbf16, #tpu.memory_space<vmem>>, %arg2: memref<128x128xf32, #tpu.memory_space<vmem>>, %arg3: memref<2000x128xf32, #tpu.memory_space<vmem>>, %arg4: memref<2x2000x64xbf16, #tpu.memory_space<vmem>>) attributes {dimension_semantics = [#tpu.dimension_semantics<arbitrary>], iteration_bounds = array<i64: 5>, scalar_prefetch = 0 : i64, scratch_operands = 0 : i64, tpu.core_type = #tpu.core_type<tc>, window_params = [{transform_indices = @transform_0, window_bounds = array<i64: 2, 2000, 64>}, {pipeline_mode = #tpu.pipeline_mode<synchronous>, transform_indices = @transform_1, window_bounds = array<i64: 128, 128>}, {transform_indices = @transform_2, window_bounds = array<i64: 2000, 128>}, {transform_indices = @transform_3, window_bounds = array<i64: 2, 2000, 64>}]} {
    %get3A = arith.constant 0 : index
    %get3A_0 = arith.constant 0 : index
    %get3A_1 = arith.constant 0 : index
    %get3A_2 = vector.load %arg1[%get3A, %get3A_0, %get3A_1] : memref<2x2000x64xbf16, #tpu.memory_space<vmem>>, vector<1x2000x64xbf16>
    %get3A_3 = vector.shape_cast %get3A_2 : vector<1x2000x64xbf16> to vector<2000x64xbf16>
    %get3A_4 = arith.constant 1 : index
    %get3A_5 = arith.constant 0 : index
    %get3A_6 = arith.constant 0 : index
    %get3A_7 = vector.load %arg1[%get3A_4, %get3A_5, %get3A_6] : memref<2x2000x64xbf16, #tpu.memory_space<vmem>>, vector<1x2000x64xbf16>
    %get3A_8 = vector.shape_cast %get3A_7 : vector<1x2000x64xbf16> to vector<2000x64xbf16>
    %concatenate3A = tpu.concatenate %get3A_3, %get3A_8 in 1 : vector<2000x64xbf16>, vector<2000x64xbf16> -> vector<2000x128xbf16>
    %convert_element_type3A = arith.extf %concatenate3A : vector<2000x128xbf16> to vector<2000x128xf32>
    %max3A = arith.constant 0.000000e+00 : f32
    %max3A_9 = vector.broadcast %max3A : f32 to vector<2000x128xf32>
    %max3A_10 = arith.maximumf %convert_element_type3A, %max3A_9 : vector<2000x128xf32>
    %swap3A = arith.constant 0 : index
    %swap3A_11 = arith.constant 0 : index
    %swap3A_12 = vector.load %arg3[%swap3A, %swap3A_11] : memref<2000x128xf32, #tpu.memory_space<vmem>>, vector<2000x128xf32>
    tpu.vector_store %arg3[%swap3A, %swap3A_11], %max3A_10 {strides = array<i32>} : memref<2000x128xf32, #tpu.memory_space<vmem>>, vector<2000x128xf32>,
    %get3A_13 = arith.constant 0 : index
    %get3A_14 = arith.constant 0 : index
    %get3A_15 = vector.load %arg2[%get3A_13, %get3A_14] : memref<128x128xf32, #tpu.memory_space<vmem>>, vector<128x128xf32>
    %dot_general3A = arith.constant dense<0.000000e+00> : vector<2000x128xf32>
    %dot_general3A_16 = tpu.matmul %max3A_10, %get3A_15, %dot_general3A {dimension_numbers = #tpu.dot_dimension_numbers<[1], [0], [0], [1], [0, 0, 1, 1], [], []>, transpose_lhs_hint = false} : vector<2000x128xf32>, vector<128x128xf32>, vector<2000x128xf32> -> vector<2000x128xf32>
    %slice3A = vector.extract_strided_slice %dot_general3A_16 {offsets = [0, 0], sizes = [2000, 64], strides = [1, 1]} : vector<2000x128xf32> to vector<2000x64xf32>
    %convert_element_type3A_17 = arith.truncf %slice3A : vector<2000x64xf32> to vector<2000x64xbf16>
    %swap3A_18 = arith.constant 0 : index
    %swap3A_19 = arith.constant 0 : index
    %swap3A_20 = arith.constant 0 : index
    %swap3A_21 = vector.load %arg4[%swap3A_18, %swap3A_19, %swap3A_20] : memref<2x2000x64xbf16, #tpu.memory_space<vmem>>, vector<1x2000x64xbf16>
    %swap3A_22 = vector.shape_cast %swap3A_21 : vector<1x2000x64xbf16> to vector<2000x64xbf16>
    %swap3A_23 = vector.shape_cast %convert_element_type3A_17 : vector<2000x64xbf16> to vector<1x2000x64xbf16>
    tpu.vector_store %arg4[%swap3A_18, %swap3A_19, %swap3A_20], %swap3A_23 {strides = array<i32>} : memref<2x2000x64xbf16, #tpu.memory_space<vmem>>, vector<1x2000x64xbf16>,
    %slice3A_24 = vector.extract_strided_slice %dot_general3A_16 {offsets = [0, 64], sizes = [2000, 64], strides = [1, 1]} : vector<2000x128xf32> to vector<2000x64xf32>
    %convert_element_type3A_25 = arith.truncf %slice3A_24 : vector<2000x64xf32> to vector<2000x64xbf16>
    %swap3A_26 = arith.constant 1 : index
    %swap3A_27 = arith.constant 0 : index
    %swap3A_28 = arith.constant 0 : index
    %swap3A_29 = vector.load %arg4[%swap3A_26, %swap3A_27, %swap3A_28] : memref<2x2000x64xbf16, #tpu.memory_space<vmem>>, vector<1x2000x64xbf16>
    %swap3A_30 = vector.shape_cast %swap3A_29 : vector<1x2000x64xbf16> to vector<2000x64xbf16>
    %swap3A_31 = vector.shape_cast %convert_element_type3A_25 : vector<2000x64xbf16> to vector<1x2000x64xbf16>
    tpu.vector_store %arg4[%swap3A_26, %swap3A_27, %swap3A_28], %swap3A_31 {strides = array<i32>} : memref<2x2000x64xbf16, #tpu.memory_space<vmem>>, vector<1x2000x64xbf16>,
    return
  }
  func.func @transform_0(%arg0: i32) -> (i32, i32, i32) {
    %c0_i32 = arith.constant 0 : i32
    %c0_i32_0 = arith.constant 0 : i32
    %c0_i32_1 = arith.constant 0 : i32
    return %c0_i32, %arg0, %c0_i32_0 : i32, i32, i32
  }
  func.func @transform_1(%arg0: i32) -> (i32, i32) {
    %c0_i32 = arith.constant 0 : i32
    %c0_i32_0 = arith.constant 0 : i32
    %c0_i32_1 = arith.constant 0 : i32
    return %c0_i32, %c0_i32_0 : i32, i32
  }
  func.func @transform_2(%arg0: i32) -> (i32, i32) {
    %c0_i32 = arith.constant 0 : i32
    %c0_i32_0 = arith.constant 0 : i32
    return %arg0, %c0_i32 : i32, i32
  }
  func.func @transform_3(%arg0: i32) -> (i32, i32, i32) {
    %c0_i32 = arith.constant 0 : i32
    %c0_i32_0 = arith.constant 0 : i32
    %c0_i32_1 = arith.constant 0 : i32
    return %c0_i32, %arg0, %c0_i32_0 : i32, i32, i32
  }
}

module attributes {stable_mosaic.version = 14 : i64} {
  func.func @_relu_mm_body(%arg0: i32, %arg1: memref<2x2000x64xbf16, #tpu.memory_space<vmem>>, %arg2: memref<128x128xf32, #tpu.memory_space<vmem>>, %arg3: memref<2000x128xf32, #tpu.memory_space<vmem>>, %arg4: memref<2x2000x64xbf16, #tpu.memory_space<vmem>>) attributes {dimension_semantics = [#tpu.dimension_semantics<arbitrary>], iteration_bounds = array<i64: 5>, scalar_prefetch = 0 : i64, scratch_operands = 0 : i64, tpu.core_type = #tpu.core_type<tc>, window_params = [{transform_indices = @transform_0, window_bounds = array<i64: 2, 2000, 64>}, {pipeline_mode = #tpu.pipeline_mode<synchronous>, transform_indices = @transform_1, window_bounds = array<i64: 128, 128>}, {transform_indices = @transform_2, window_bounds = array<i64: 2000, 128>}, {transform_indices = @transform_3, window_bounds = array<i64: 2, 2000, 64>}]} {
    %get3A = arith.constant 0 : index
    %get3A_0 = arith.constant 0 : index
    %get3A_1 = arith.constant 0 : index
    %get3A_2 = vector.load %arg1[%get3A, %get3A_0, %get3A_1] : memref<2x2000x64xbf16, #tpu.memory_space<vmem>>, vector<1x2000x64xbf16>
    %get3A_3 = vector.shape_cast %get3A_2 : vector<1x2000x64xbf16> to vector<2000x64xbf16>
    %get3A_4 = arith.constant 1 : index
    %get3A_5 = arith.constant 0 : index
    %get3A_6 = arith.constant 0 : index
    %get3A_7 = vector.load %arg1[%get3A_4, %get3A_5, %get3A_6] : memref<2x2000x64xbf16, #tpu.memory_space<vmem>>, vector<1x2000x64xbf16>
    %get3A_8 = vector.shape_cast %get3A_7 : vector<1x2000x64xbf16> to vector<2000x64xbf16>
    %concatenate3A = tpu.concatenate %get3A_3, %get3A_8 in 1 : vector<2000x64xbf16>, vector<2000x64xbf16> -> vector<2000x128xbf16>
    %convert_element_type3A = arith.extf %concatenate3A : vector<2000x128xbf16> to vector<2000x128xf32>
    %max3A = arith.constant 0.000000e+00 : f32
    %max3A_9 = vector.broadcast %max3A : f32 to vector<2000x128xf32>
    %max3A_10 = arith.maximumf %convert_element_type3A, %max3A_9 : vector<2000x128xf32>
    %swap3A = arith.constant 0 : index
    %swap3A_11 = arith.constant 0 : index
    %swap3A_12 = vector.load %arg3[%swap3A, %swap3A_11] : memref<2000x128xf32, #tpu.memory_space<vmem>>, vector<2000x128xf32>
    tpu.vector_store %arg3[%swap3A, %swap3A_11], %max3A_10 {strides = array<i32>} : memref<2000x128xf32, #tpu.memory_space<vmem>>, vector<2000x128xf32>,
    %get3A_13 = arith.constant 0 : index
    %get3A_14 = arith.constant 0 : index
    %get3A_15 = vector.load %arg2[%get3A_13, %get3A_14] : memref<128x128xf32, #tpu.memory_space<vmem>>, vector<128x128xf32>
    %dot_general3A = arith.constant dense<0.000000e+00> : vector<2000x128xf32>
    %dot_general3A_16 = tpu.matmul %max3A_10, %get3A_15, %dot_general3A {dimension_numbers = #tpu.dot_dimension_numbers<[1], [0], [0], [1], [0, 0, 1, 1], [], []>, transpose_lhs_hint = false} : vector<2000x128xf32>, vector<128x128xf32>, vector<2000x128xf32> -> vector<2000x128xf32>
    %slice3A = vector.extract_strided_slice %dot_general3A_16 {offsets = [0, 0], sizes = [2000, 64], strides = [1, 1]} : vector<2000x128xf32> to vector<2000x64xf32>
    %convert_element_type3A_17 = arith.truncf %slice3A : vector<2000x64xf32> to vector<2000x64xbf16>
    %swap3A_18 = arith.constant 0 : index
    %swap3A_19 = arith.constant 0 : index
    %swap3A_20 = arith.constant 0 : index
    %swap3A_21 = vector.load %arg4[%swap3A_18, %swap3A_19, %swap3A_20] : memref<2x2000x64xbf16, #tpu.memory_space<vmem>>, vector<1x2000x64xbf16>
    %swap3A_22 = vector.shape_cast %swap3A_21 : vector<1x2000x64xbf16> to vector<2000x64xbf16>
    %swap3A_23 = vector.shape_cast %convert_element_type3A_17 : vector<2000x64xbf16> to vector<1x2000x64xbf16>
    tpu.vector_store %arg4[%swap3A_18, %swap3A_19, %swap3A_20], %swap3A_23 {strides = array<i32>} : memref<2x2000x64xbf16, #tpu.memory_space<vmem>>, vector<1x2000x64xbf16>,
    %slice3A_24 = vector.extract_strided_slice %dot_general3A_16 {offsets = [0, 64], sizes = [2000, 64], strides = [1, 1]} : vector<2000x128xf32> to vector<2000x64xf32>
    %convert_element_type3A_25 = arith.truncf %slice3A_24 : vector<2000x64xf32> to vector<2000x64xbf16>
    %swap3A_26 = arith.constant 1 : index
    %swap3A_27 = arith.constant 0 : index
    %swap3A_28 = arith.constant 0 : index
    %swap3A_29 = vector.load %arg4[%swap3A_26, %swap3A_27, %swap3A_28] : memref<2x2000x64xbf16, #tpu.memory_space<vmem>>, vector<1x2000x64xbf16>
    %swap3A_30 = vector.shape_cast %swap3A_29 : vector<1x2000x64xbf16> to vector<2000x64xbf16>
    %swap3A_31 = vector.shape_cast %convert_element_type3A_25 : vector<2000x64xbf16> to vector<1x2000x64xbf16>
    tpu.vector_store %arg4[%swap3A_26, %swap3A_27, %swap3A_28], %swap3A_31 {strides = array<i32>} : memref<2x2000x64xbf16, #tpu.memory_space<vmem>>, vector<1x2000x64xbf16>,
    return
  }
  func.func @transform_0(%arg0: i32) -> (i32, i32, i32) {
    %c0_i32 = arith.constant 0 : i32
    %c0_i32_0 = arith.constant 0 : i32
    %c0_i32_1 = arith.constant 0 : i32
    return %c0_i32, %arg0, %c0_i32_0 : i32, i32, i32
  }
  func.func @transform_1(%arg0: i32) -> (i32, i32) {
    %c0_i32 = arith.constant 0 : i32
    %c0_i32_0 = arith.constant 0 : i32
    %c0_i32_1 = arith.constant 0 : i32
    return %c0_i32, %c0_i32_0 : i32, i32
  }
  func.func @transform_2(%arg0: i32) -> (i32, i32) {
    %c0_i32 = arith.constant 0 : i32
    %c0_i32_0 = arith.constant 0 : i32
    return %arg0, %c0_i32 : i32, i32
  }
  func.func @transform_3(%arg0: i32) -> (i32, i32, i32) {
    %c0_i32 = arith.constant 0 : i32
    %c0_i32_0 = arith.constant 0 : i32
    %c0_i32_1 = arith.constant 0 : i32
    return %c0_i32, %arg0, %c0_i32_0 : i32, i32, i32
  }
}

module attributes {stable_mosaic.version = 14 : i64} {
  func.func @_blend_mm_body(%arg0: i32, %arg1: memref<2x2000x64xbf16, #tpu.memory_space<vmem>>, %arg2: memref<2000x128xf32, #tpu.memory_space<vmem>>, %arg3: memref<1x1xf32, #tpu.memory_space<smem>>, %arg4: memref<128x128xf32, #tpu.memory_space<vmem>>, %arg5: memref<2000x128xf32, #tpu.memory_space<vmem>>, %arg6: memref<2x2000x64xbf16, #tpu.memory_space<vmem>>) attributes {dimension_semantics = [#tpu.dimension_semantics<arbitrary>], iteration_bounds = array<i64: 5>, scalar_prefetch = 0 : i64, scratch_operands = 0 : i64, tpu.core_type = #tpu.core_type<tc>, window_params = [{transform_indices = @transform_0, window_bounds = array<i64: 2, 2000, 64>}, {transform_indices = @transform_1, window_bounds = array<i64: 2000, 128>}, {transform_indices = @transform_2, window_bounds = array<i64: 1, 1>}, {pipeline_mode = #tpu.pipeline_mode<synchronous>, transform_indices = @transform_3, window_bounds = array<i64: 128, 128>}, {transform_indices = @transform_4, window_bounds = array<i64: 2000, 128>}, {transform_indices = @transform_5, window_bounds = array<i64: 2, 2000, 64>}]} {
    %get3A = arith.constant 0 : index
    %get3A_0 = arith.constant 0 : index
    %get3A_1 = memref.load %arg3[%get3A, %get3A_0] : memref<1x1xf32, #tpu.memory_space<smem>>
    %get3A_2 = arith.constant 0 : index
    %get3A_3 = arith.constant 0 : index
    %get3A_4 = arith.constant 0 : index
    %get3A_5 = vector.load %arg1[%get3A_2, %get3A_3, %get3A_4] : memref<2x2000x64xbf16, #tpu.memory_space<vmem>>, vector<1x2000x64xbf16>
    %get3A_6 = vector.shape_cast %get3A_5 : vector<1x2000x64xbf16> to vector<2000x64xbf16>
    %get3A_7 = arith.constant 1 : index
    %get3A_8 = arith.constant 0 : index
    %get3A_9 = arith.constant 0 : index
    %get3A_10 = vector.load %arg1[%get3A_7, %get3A_8, %get3A_9] : memref<2x2000x64xbf16, #tpu.memory_space<vmem>>, vector<1x2000x64xbf16>
    %get3A_11 = vector.shape_cast %get3A_10 : vector<1x2000x64xbf16> to vector<2000x64xbf16>
    %concatenate3A = tpu.concatenate %get3A_6, %get3A_11 in 1 : vector<2000x64xbf16>, vector<2000x64xbf16> -> vector<2000x128xbf16>
    %convert_element_type3A = arith.extf %concatenate3A : vector<2000x128xbf16> to vector<2000x128xf32>
    %max3A = arith.constant 0.000000e+00 : f32
    %max3A_12 = vector.broadcast %max3A : f32 to vector<2000x128xf32>
    %max3A_13 = arith.maximumf %convert_element_type3A, %max3A_12 : vector<2000x128xf32>
    %mul3A = vector.broadcast %get3A_1 : f32 to vector<2000x128xf32>
    %mul3A_14 = arith.mulf %mul3A, %max3A_13 : vector<2000x128xf32>
    %sub3A = arith.constant 1.000000e+00 : f32
    %sub3A_15 = arith.subf %sub3A, %get3A_1 : f32
    %get3A_16 = arith.constant 0 : index
    %get3A_17 = arith.constant 0 : index
    %get3A_18 = vector.load %arg2[%get3A_16, %get3A_17] : memref<2000x128xf32, #tpu.memory_space<vmem>>, vector<2000x128xf32>
    %mul3A_19 = vector.broadcast %sub3A_15 : f32 to vector<2000x128xf32>
    %mul3A_20 = arith.mulf %mul3A_19, %get3A_18 : vector<2000x128xf32>
    %add3A = arith.addf %mul3A_14, %mul3A_20 : vector<2000x128xf32>
    %swap3A = arith.constant 0 : index
    %swap3A_21 = arith.constant 0 : index
    %swap3A_22 = vector.load %arg5[%swap3A, %swap3A_21] : memref<2000x128xf32, #tpu.memory_space<vmem>>, vector<2000x128xf32>
    tpu.vector_store %arg5[%swap3A, %swap3A_21], %add3A {strides = array<i32>} : memref<2000x128xf32, #tpu.memory_space<vmem>>, vector<2000x128xf32>,
    %get3A_23 = arith.constant 0 : index
    %get3A_24 = arith.constant 0 : index
    %get3A_25 = vector.load %arg4[%get3A_23, %get3A_24] : memref<128x128xf32, #tpu.memory_space<vmem>>, vector<128x128xf32>
    %dot_general3A = arith.constant dense<0.000000e+00> : vector<2000x128xf32>
    %dot_general3A_26 = tpu.matmul %add3A, %get3A_25, %dot_general3A {dimension_numbers = #tpu.dot_dimension_numbers<[1], [0], [0], [1], [0, 0, 1, 1], [], []>, transpose_lhs_hint = false} : vector<2000x128xf32>, vector<128x128xf32>, vector<2000x128xf32> -> vector<2000x128xf32>
    %slice3A = vector.extract_strided_slice %dot_general3A_26 {offsets = [0, 0], sizes = [2000, 64], strides = [1, 1]} : vector<2000x128xf32> to vector<2000x64xf32>
    %convert_element_type3A_27 = arith.truncf %slice3A : vector<2000x64xf32> to vector<2000x64xbf16>
    %swap3A_28 = arith.constant 0 : index
    %swap3A_29 = arith.constant 0 : index
    %swap3A_30 = arith.constant 0 : index
    %swap3A_31 = vector.load %arg6[%swap3A_28, %swap3A_29, %swap3A_30] : memref<2x2000x64xbf16, #tpu.memory_space<vmem>>, vector<1x2000x64xbf16>
    %swap3A_32 = vector.shape_cast %swap3A_31 : vector<1x2000x64xbf16> to vector<2000x64xbf16>
    %swap3A_33 = vector.shape_cast %convert_element_type3A_27 : vector<2000x64xbf16> to vector<1x2000x64xbf16>
    tpu.vector_store %arg6[%swap3A_28, %swap3A_29, %swap3A_30], %swap3A_33 {strides = array<i32>} : memref<2x2000x64xbf16, #tpu.memory_space<vmem>>, vector<1x2000x64xbf16>,
    %slice3A_34 = vector.extract_strided_slice %dot_general3A_26 {offsets = [0, 64], sizes = [2000, 64], strides = [1, 1]} : vector<2000x128xf32> to vector<2000x64xf32>
    %convert_element_type3A_35 = arith.truncf %slice3A_34 : vector<2000x64xf32> to vector<2000x64xbf16>
    %swap3A_36 = arith.constant 1 : index
    %swap3A_37 = arith.constant 0 : index
    %swap3A_38 = arith.constant 0 : index
    %swap3A_39 = vector.load %arg6[%swap3A_36, %swap3A_37, %swap3A_38] : memref<2x2000x64xbf16, #tpu.memory_space<vmem>>, vector<1x2000x64xbf16>
    %swap3A_40 = vector.shape_cast %swap3A_39 : vector<1x2000x64xbf16> to vector<2000x64xbf16>
    %swap3A_41 = vector.shape_cast %convert_element_type3A_35 : vector<2000x64xbf16> to vector<1x2000x64xbf16>
    tpu.vector_store %arg6[%swap3A_36, %swap3A_37, %swap3A_38], %swap3A_41 {strides = array<i32>} : memref<2x2000x64xbf16, #tpu.memory_space<vmem>>, vector<1x2000x64xbf16>,
    return
  }
  func.func @transform_0(%arg0: i32) -> (i32, i32, i32) {
    %c0_i32 = arith.constant 0 : i32
    %c0_i32_0 = arith.constant 0 : i32
    %c0_i32_1 = arith.constant 0 : i32
    return %c0_i32, %arg0, %c0_i32_0 : i32, i32, i32
  }
  func.func @transform_1(%arg0: i32) -> (i32, i32) {
    %c0_i32 = arith.constant 0 : i32
    %c0_i32_0 = arith.constant 0 : i32
    return %arg0, %c0_i32 : i32, i32
  }
  func.func @transform_2(%arg0: i32) -> (i32, i32) {
    %c0_i32 = arith.constant 0 : i32
    %c0_i32_0 = arith.constant 0 : i32
    %c0_i32_1 = arith.constant 0 : i32
    return %c0_i32, %c0_i32_0 : i32, i32
  }
  func.func @transform_3(%arg0: i32) -> (i32, i32) {
    %c0_i32 = arith.constant 0 : i32
    %c0_i32_0 = arith.constant 0 : i32
    %c0_i32_1 = arith.constant 0 : i32
    return %c0_i32, %c0_i32_0 : i32, i32
  }
  func.func @transform_4(%arg0: i32) -> (i32, i32) {
    %c0_i32 = arith.constant 0 : i32
    %c0_i32_0 = arith.constant 0 : i32
    return %arg0, %c0_i32 : i32, i32
  }
  func.func @transform_5(%arg0: i32) -> (i32, i32, i32) {
    %c0_i32 = arith.constant 0 : i32
    %c0_i32_0 = arith.constant 0 : i32
    %c0_i32_1 = arith.constant 0 : i32
    return %c0_i32, %arg0, %c0_i32_0 : i32, i32, i32
  }
}

module attributes {stable_mosaic.version = 14 : i64} {
  func.func @_final_body(%arg0: i32, %arg1: memref<2x2000x64xbf16, #tpu.memory_space<vmem>>, %arg2: memref<2000x128xf32, #tpu.memory_space<vmem>>, %arg3: memref<2000x128xf32, #tpu.memory_space<vmem>>, %arg4: memref<1x1xf32, #tpu.memory_space<smem>>, %arg5: memref<2000x128xf32, #tpu.memory_space<vmem>>) attributes {dimension_semantics = [#tpu.dimension_semantics<arbitrary>], iteration_bounds = array<i64: 5>, scalar_prefetch = 0 : i64, scratch_operands = 0 : i64, tpu.core_type = #tpu.core_type<tc>, window_params = [{transform_indices = @transform_0, window_bounds = array<i64: 2, 2000, 64>}, {transform_indices = @transform_1, window_bounds = array<i64: 2000, 128>}, {transform_indices = @transform_2, window_bounds = array<i64: 2000, 128>}, {transform_indices = @transform_3, window_bounds = array<i64: 1, 1>}, {transform_indices = @transform_4, window_bounds = array<i64: 2000, 128>}]} {
    %get3A = arith.constant 0 : index
    %get3A_0 = arith.constant 0 : index
    %get3A_1 = memref.load %arg4[%get3A, %get3A_0] : memref<1x1xf32, #tpu.memory_space<smem>>
    %get3A_2 = arith.constant 0 : index
    %get3A_3 = arith.constant 0 : index
    %get3A_4 = arith.constant 0 : index
    %get3A_5 = vector.load %arg1[%get3A_2, %get3A_3, %get3A_4] : memref<2x2000x64xbf16, #tpu.memory_space<vmem>>, vector<1x2000x64xbf16>
    %get3A_6 = vector.shape_cast %get3A_5 : vector<1x2000x64xbf16> to vector<2000x64xbf16>
    %get3A_7 = arith.constant 1 : index
    %get3A_8 = arith.constant 0 : index
    %get3A_9 = arith.constant 0 : index
    %get3A_10 = vector.load %arg1[%get3A_7, %get3A_8, %get3A_9] : memref<2x2000x64xbf16, #tpu.memory_space<vmem>>, vector<1x2000x64xbf16>
    %get3A_11 = vector.shape_cast %get3A_10 : vector<1x2000x64xbf16> to vector<2000x64xbf16>
    %concatenate3A = tpu.concatenate %get3A_6, %get3A_11 in 1 : vector<2000x64xbf16>, vector<2000x64xbf16> -> vector<2000x128xbf16>
    %convert_element_type3A = arith.extf %concatenate3A : vector<2000x128xbf16> to vector<2000x128xf32>
    %max3A = arith.constant 0.000000e+00 : f32
    %max3A_12 = vector.broadcast %max3A : f32 to vector<2000x128xf32>
    %max3A_13 = arith.maximumf %convert_element_type3A, %max3A_12 : vector<2000x128xf32>
    %mul3A = vector.broadcast %get3A_1 : f32 to vector<2000x128xf32>
    %mul3A_14 = arith.mulf %mul3A, %max3A_13 : vector<2000x128xf32>
    %sub3A = arith.constant 1.000000e+00 : f32
    %sub3A_15 = arith.subf %sub3A, %get3A_1 : f32
    %get3A_16 = arith.constant 0 : index
    %get3A_17 = arith.constant 0 : index
    %get3A_18 = vector.load %arg2[%get3A_16, %get3A_17] : memref<2000x128xf32, #tpu.memory_space<vmem>>, vector<2000x128xf32>
    %mul3A_19 = vector.broadcast %sub3A_15 : f32 to vector<2000x128xf32>
    %mul3A_20 = arith.mulf %mul3A_19, %get3A_18 : vector<2000x128xf32>
    %add3A = arith.addf %mul3A_14, %mul3A_20 : vector<2000x128xf32>
    %get3A_21 = arith.constant 0 : index
    %get3A_22 = arith.constant 0 : index
    %get3A_23 = vector.load %arg3[%get3A_21, %get3A_22] : memref<2000x128xf32, #tpu.memory_space<vmem>>, vector<2000x128xf32>
    %add3A_24 = arith.addf %add3A, %get3A_23 : vector<2000x128xf32>
    %swap3A = arith.constant 0 : index
    %swap3A_25 = arith.constant 0 : index
    %swap3A_26 = vector.load %arg5[%swap3A, %swap3A_25] : memref<2000x128xf32, #tpu.memory_space<vmem>>, vector<2000x128xf32>
    tpu.vector_store %arg5[%swap3A, %swap3A_25], %add3A_24 {strides = array<i32>} : memref<2000x128xf32, #tpu.memory_space<vmem>>, vector<2000x128xf32>,
    return
  }
  func.func @transform_0(%arg0: i32) -> (i32, i32, i32) {
    %c0_i32 = arith.constant 0 : i32
    %c0_i32_0 = arith.constant 0 : i32
    %c0_i32_1 = arith.constant 0 : i32
    return %c0_i32, %arg0, %c0_i32_0 : i32, i32, i32
  }
  func.func @transform_1(%arg0: i32) -> (i32, i32) {
    %c0_i32 = arith.constant 0 : i32
    %c0_i32_0 = arith.constant 0 : i32
    return %arg0, %c0_i32 : i32, i32
  }
  func.func @transform_2(%arg0: i32) -> (i32, i32) {
    %c0_i32 = arith.constant 0 : i32
    %c0_i32_0 = arith.constant 0 : i32
    return %arg0, %c0_i32 : i32, i32
  }
  func.func @transform_3(%arg0: i32) -> (i32, i32) {
    %c0_i32 = arith.constant 0 : i32
    %c0_i32_0 = arith.constant 0 : i32
    %c0_i32_1 = arith.constant 0 : i32
    return %c0_i32, %c0_i32_0 : i32, i32
  }
  func.func @transform_4(%arg0: i32) -> (i32, i32) {
    %c0_i32 = arith.constant 0 : i32
    %c0_i32_0 = arith.constant 0 : i32
    return %arg0, %c0_i32 : i32, i32
  }
}

</mosaic_0001>

<sc_bundles>
// kernel: kernel.11.cloned.1.call-start
scs
__scs_entry_jumppad:
0x0: {  	(pc) =	sbr.rel $0x88, $3  }
0x1: {  	(tag) =	ssettag $0x0;
	lr =	simm.s32 $0x1  }
0x2: {  	[smem:$0x3F9A] =	sst lr;
	_ =	strace $0xD0000000  }
0x3: {  	_ = 	snop  }
0x4: {  	_ = 	snop  }
0x5: {  	_ = 	snop  }
0x6: {  	_ = 	snop  }
0x7: {  	_ = 	snop  }
__scs_overlays_trampoline_lowered:
0x8: {  	[smem:$0x3FA9] =	sst s0  }
0x9: {  	[smem:$0x3FAA] =	sst s1  }
0xa: {  	[smem:$0x3FAB] =	sst s2  }
0xb: {  	[smem:$0x3FAC] =	sst s3  }
0xc: {  	[smem:$0x3FAD] =	sst s4  }
0xd: {  	[smem:$0x3FAE] =	sst s5  }
0xe: {  	[smem:$0x3FAF] =	sst s6  }
0xf: {  	[smem:$0x3FB0] =	sst s7  }
0x10: {  	[smem:$0x3FB1] =	sst s8  }
0x11: {  	[smem:$0x3FB2] =	sst s9;
	s0 =	simm.s32 @!p0 $0x0  }
0x12: {  	s1 =	sld [smem:$0x3F98];
	s0 =	simm.s32 @p0 $0x1  }
0x13: {  	[smem:$0x3FB3] =	sst s0;
	s0 =	simm.s32 @!p1 $0x0  }
0x14: {  	s2 =	sld [smem:$0x3F97];
	s0 =	simm.s32 @p1 $0x1  }
0x15: {  	[smem:$0x3FB4] =	sst s0;
	s0 =	simm.s32 @!p2 $0x0  }
0x16: {  	s3 =	sld [smem:$0x3FDB];
	s0 =	simm.s32 @p2 $0x1  }
0x17: {  	s4 =	simm.s32 $0x1BF5;
	[smem:$0x3FB6] =	sst s0  }
0x18: {  	s0 =	sld [smem:$0x3F99];
	_ =	swait.ge [sflag:s4], $0x0  }
0x19: {  	s7 =	sld [smem:$0x3F9A]  }
0x1a: {  	s8 =	sadd.s32 $0xFFFFE003, lr  }
0x1b: {  	s9 =	sadd.s32 $0xFFFFFEF7, lr;
	s5 =	simm.s32 $0xFFFFFFFF;
	p2 =	slt.u32 s8, $0xFFFFF086  }
0x1c: {  	p1 =	slt.u32 s9, $0xF7A;
	s5 =	simm.s32 @!p2 $0x0  }
0x1d: {  	s5 =	simm.s32 @p1 $0x1;
	p0 =	seq.s32 s7, s2  }
0x1e: {  	s7 =	smul.u32 @!p0 $0xF7A, s2;
	p2 =	seq.s32 @!p0 s5, $0x0  }
0x1f: {  	s9 =	smul.u32 $0xF7A, s1;
	s8 =	simm.s32 @!p0 $0x1BF5;
	p2 =	por !p2, p0  }
0x20: {  	[sflag:s8] =	ssyncset.s32 @!p0 $0xFFFFF086;
	s6 =	sadd.s32 @!p0 s3, s7;
	s7 =	simm.s32 @!p0 $0x108  }
0x21: {  	s3 =	sadd.s32 s3, s9;
	s6 =	sadd.s32 @!p0 $0x88, s6;
	s7 =	simm.s32 @p2 $0x1082  }
0x22: {  	[simem:s7], [sflag:s8] =	dma.local @!p0 [hbm:s6], $0xF7A  }
0x23: {  	s9 =	sor.u32 $0xD0000000, s2;
	s6 =	simm.s32 $0x108;
	_ =	swait.ge @!p0 [sflag:s8], $0x0  }
0x24: {  	s3 =	sadd.s32 $0x88, s3;
	s6 =	simm.s32 @!p1 $0x1082;
	[sflag:s4] =	ssyncset.s32 $0xFFFFF086  }
0x25: {  	[simem:s6], [sflag:s4] =	dma.local [hbm:s3], $0xF7A  }
0x26: {  	[smem:$0x3F9A] =	sst s1;
	(tag) =	ssettag s2;
	_ =	strace s9  }
0x27: {  	s1 =	sld [smem:$0x3FAA]  }
0x28: {  	s2 =	sld [smem:$0x3FAB]  }
0x29: {  	s4 =	sld [smem:$0x3FAD]  }
0x2a: {  	p0 =	seq.s32 s5, $0x0;
	s5 =	sld [smem:$0x3FAE]  }
0x2b: {  	s6 =	sld [smem:$0x3FAF]  }
0x2c: {  	s7 =	sld [smem:$0x3FB0]  }
0x2d: {  	s3 =	simm.s32 $0x108;
	s8 =	sld [smem:$0x3FB1]  }
0x2e: {  	s3 =	simm.s32 @!p0 $0x1082;
	s9 =	sld [smem:$0x3FB2]  }
0x2f: {  	lr =	sadd.s32 s0, s3;
	s0 =	sld [smem:$0x3FA9]  }
0x30: {  	s3 =	sld [smem:$0x3FAC]  }
0x31: {  	[smem:$0x3FB5] =	sst s10  }
0x32: {  	s10 =	sld [smem:$0x3FB3];
	_ =	sdelay $0x3  }
0x33: {  	p0 =	seq.s32 s10, $0x1;
	s10 =	sld [smem:$0x3FB5];
	_ =	sdelay $0x3  }
0x34: {  	[smem:$0x3FB5] =	sst s10  }
0x35: {  	s10 =	sld [smem:$0x3FB4];
	_ =	sdelay $0x3  }
0x36: {  	p1 =	seq.s32 s10, $0x1;
	s10 =	sld [smem:$0x3FB5];
	_ =	sdelay $0x3  }
0x37: {  	[smem:$0x3FB5] =	sst s10  }
0x38: {  	s10 =	sld [smem:$0x3FB6]  }
0x39: {  	_ = 	snop;
	(pc) =	sbr.ind lr, $3  }
0x3a: {  	_ = 	snop  }
0x3b: {  	_ = 	snop  }
0x3c: {  	p2 =	seq.s32 s10, $0x1;
	s10 =	sld [smem:$0x3FB5]  }
0x3d: {  	_ =	shalt  }
0x3e: {  	_ =	shalt  }
0x3f: {  	_ =	shalt  }
0x40: {  	_ =	shalt  }
0x41: {  	_ =	shalt  }
0x42: {  	_ =	shalt  }
0x43: {  	_ =	shalt  }
0x44: {  	_ =	shalt  }
0x45: {  	_ =	shalt  }
0x46: {  	_ =	shalt  }
0x47: {  	_ =	shalt  }
0x48: {  	_ =	shalt  }
0x49: {  	_ =	shalt  }
0x4a: {  	_ =	shalt  }
0x4b: {  	_ =	shalt  }
0x4c: {  	_ =	shalt  }
0x4d: {  	_ =	shalt  }
0x4e: {  	_ =	shalt  }
0x4f: {  	_ =	shalt  }
0x50: {  	_ =	shalt  }
0x51: {  	_ =	shalt  }
0x52: {  	_ =	shalt  }
0x53: {  	_ =	shalt  }
0x54: {  	_ =	shalt  }
0x55: {  	_ =	shalt  }
0x56: {  	_ =	shalt  }
0x57: {  	_ =	shalt  }
0x58: {  	_ =	shalt  }
0x59: {  	_ =	shalt  }
0x5a: {  	_ =	shalt  }
0x5b: {  	_ =	shalt  }
0x5c: {  	_ =	shalt  }
0x5d: {  	_ =	shalt  }
0x5e: {  	_ =	shalt  }
0x5f: {  	_ =	shalt  }
0x60: {  	_ =	shalt  }
0x61: {  	_ =	shalt  }
0x62: {  	_ =	shalt  }
0x63: {  	_ =	shalt  }
0x64: {  	_ =	shalt  }
0x65: {  	_ =	shalt  }
0x66: {  	_ =	shalt  }
0x67: {  	_ =	shalt  }
0x68: {  	_ =	shalt  }
0x69: {  	_ =	shalt  }
0x6a: {  	_ =	shalt  }
0x6b: {  	_ =	shalt  }
0x6c: {  	_ =	shalt  }
0x6d: {  	_ =	shalt  }
0x6e: {  	_ =	shalt  }
0x6f: {  	_ =	shalt  }
0x70: {  	_ =	shalt  }
0x71: {  	_ =	shalt  }
0x72: {  	_ =	shalt  }
0x73: {  	_ =	shalt  }
0x74: {  	_ =	shalt  }
0x75: {  	_ =	shalt  }
0x76: {  	_ =	shalt  }
0x77: {  	_ =	shalt  }
0x78: {  	_ =	shalt  }
0x79: {  	_ =	shalt  }
0x7a: {  	_ =	shalt  }
0x7b: {  	_ =	shalt  }
0x7c: {  	_ =	shalt  }
0x7d: {  	_ =	shalt  }
0x7e: {  	_ =	shalt  }
0x7f: {  	_ =	shalt  }
0x80: {  	_ =	shalt  }
0x81: {  	_ =	shalt  }
0x82: {  	_ =	shalt  }
0x83: {  	_ =	shalt  }
0x84: {  	_ =	shalt  }
0x85: {  	_ =	shalt  }
0x86: {  	_ =	shalt  }
0x87: {  	_ =	shalt  }
.Lfunc_end0:
.L_simem_size_0:
called_computation_lowered:
.L_overlay_start_0:
0x88: {  	s2 =	sld [smem:$0x3FD9]  }
0x89: {  	s3 =	sld [smem:$0x3FFE];
	_ =	sdelay $0x1  }
0x8a: {  	s1 =	srdreg.scid  }
0x8b: {  	s0 =	sand.u32 $0x1, s1  }
0x8c: {  	s17 =	sshll.u32 s0, $0xA;
	s2 =	sadd.s32 s3, s2  }
0x8d: {  	s2 =	sadd.s32 s2, s17  }
0x8e: {  	[smem:$0x3FC1] =	sst s2  }
0x8f: {  	_ = 	snop  }
0x90: {  	s2 =	sld [smem:$0x3FD0];
	(tm) =	ssettm $0x1  }
0x91: {  	s18 =	sld [smem:$0x3FFB];
	_ =	sdelay $0x3  }
0x92: {  	_ =	strace s18  }
0x93: {  	s3 =	sld [smem:$0x3FFC];
	_ =	sdelay $0x3  }
0x94: {  	_ =	strace s3  }
0x95: {  	s3 =	sld [smem:$0x3FFD];
	_ =	sdelay $0x3  }
0x96: {  	_ =	strace s3  }
0x97: {  	_ =	strace $0x8FFFFFFF  }
0x98: {  	s19 =	sld [smem:$0x3FDB];
	_ =	sdelay $0x1  }
0x99: {  	s4 =	simm.s32 $_scs_section_size  }
0x9a: {  	s5 =	simm.s32 $_size__tile_overlayer_lowered;
	s6 =	simm.s32 $_tile_overlayer_lowered  }
0x9b: {  	s22 =	simm.s32 $0x1BFF;
	s21 =	sshll.u32 s6, $0x1;
	s3 =	sadd.s32 s4, s19  }
0x9c: {  	s7 =	simm.s32 $0x0;
	s20 =	sshll.u32 s5, $0x1;
	s5 =	sadd.s32 s21, s3  }
0x9d: {  	[timem:s7], [sflag:s22] =	dma.local [hbm:s5], s20  }
0x9e: {  	_ =	swait.ge [sflag:s22], s20  }
0x9f: {  	s4 =	ssub.s32 $0x0, s20;
	[sflag:s22] =	ssyncset.done $0x0  }
0xa0: {  	[sflag:s22] =	ssyncadd.s32 s4;
	_ =	sdelay $0x1  }
0xa1: {  	s23 =	simm.s32 $0x1B8B  }
0xa2: {  	_ =	swait.ge [sflag:s23], $0x1  }
0xa3: {  	[sflag:s23] =	ssyncset.done $0x0  }
0xa4: {  	s25 =	simm.s32 $0x1B8E;
	s24 =	sld [smem:$0x3FFE];
	[sflag:s23] =	ssyncadd.s32 $0xFFFFFFFF  }
0xa5: {  	s26 =	simm.s32 $execute0_lowered;
	[smem:$0x3FD2] =	sst s25  }
0xa6: {  	s5 =	sshll.u32 s26, $0x1;
	_ =	strace $0x80000046;
	[dreg:$0x1] =	wrdreg $0xFFFFFFFF  }
0xa7: {  	s28 =	simm.s32 $_size_execute0_lowered;
	s3 =	sadd.s32 s3, s5;
	[dreg:$0x0] =	wrdreg $0x0  }
0xa8: {  	s5 =	sshll.u32 s28, $0x1;
	[dreg:$0x2] =	wrdreg s3  }
0xa9: {  	[dreg:$0x3] =	wrdreg s5  }
0xaa: {  	[dreg:$0x4] =	wrdreg $0xC0  }
0xab: {  	_ =	task [dreg:s7], $0x5FFFF  }
0xac: {  	[dreg:$0x1] =	wrdreg $0xFFFFFFFF  }
0xad: {  	[dreg:$0x0] =	wrdreg $0x60  }
0xae: {  	[dreg:$0x2] =	wrdreg s24  }
0xaf: {  	[dreg:$0x3] =	wrdreg s2  }
0xb0: {  	[dreg:$0x4] =	wrdreg $0xA0000  }
0xb1: {  	[dreg:$0x5] =	wrdreg $0x9  }
0xb2: {  	_ =	task.clear_ibuf [dreg:s7], $0x6FFFF;
	_ =	strace $0x90000046  }
0xb3: {  	s29 =	simm.s32 $0x9;
	_ =	strace $0x80000048  }
0xb4: {  	_ =	swait.ge [sflag:s29], $0x1  }
0xb5: {  	[sflag:s29] =	ssyncadd.s32 $0xFFFFFFFF  }
0xb6: {  	_ =	strace $0x90000048  }
0xb7: {  	_ =	sfence  }
0xb8: {  	s30 =	sld [smem:$0x0];
	_ =	sdelay $0x2  }
0xb9: {  	s31 =	sshll.u32 s1, $0xD;
	s1 =	sshrl.u32 s1, $0x2  }
0xba: {  	s3 =	sand.u32 $0x4000, s31;
	s1 =	sadd.s32 s1, s30  }
0xbb: {  	s0 =	sor.u32 s3, s0;
	s1 =	sshll.u32 s1, $0x11  }
0xbc: {  	s0 =	sor.u32 s1, s0  }
0xbd: {  	s0 =	sadd.s32 $0x8F2B, s0  }
0xbe: {  	[sflag:s0] =	ssyncadd.remote.s32 $0x1  }
0xbf: {  	_ =	sfence.sel $0xFFFF  }
0xc0: {  	[dreg:$0x0] =	wrdreg $0xFFFFFFFF;
	(pc) =	sbr.abs _section_cstart, $3  }
0xc1: {  	[dreg:$0x1] =	wrdreg $0xFFFFFFFF  }
0xc2: {  	_ =	task.clear_ibuf [dreg:s7], $0x2FFFF;
	_ =	strace $0x9FFFFFFF  }
0xc3: {  	(tm) =	ssettm $0x7FFFFFFF  }
tec
execute0_lowered:
.L_overlay_start_1:
0x0: {  	(tag) =	ssettag $0x1  }
0x1: {  	s0 =	rddreg [dreg:$0x0]  }
0x2: {  	s3 =	rddreg [dreg:$0x1]  }
0x3: {  	s1 =	srdreg.scid;
	s2 =	rddreg [dreg:$0x2]  }
0x4: {  	s8 =	stileid.u32;
	s5 =	simm.s32 $0x0;
	s14 =	simm.s32 $0x11  }
0x5: {  	s16 =	simm.s32 $0x80;
	s17 =	simm.s32 $0x10000;
	s28 =	simm.s32 $0x15000  }
0x6: {  	s30 =	simm.s32 $0x16000;
	s31 =	simm.s32 $0xF000;
	s15 =	simm.s32 $0x2  }
0x7: {  	s29 =	simm.s32 $0x8;
	s9 =	simm.s32 $0xE;
	s10 =	simm.s32 $0xF  }
0x8: {  	s11 =	simm.s32 $0x10;
	s12 =	simm.s32 $0x0;
	s1 =	sand.u32 $0x1, s1  }
0x9: {  	[smem:$0x7FF] =	sst s5;
	s6 =	smul.u32 $0x14000, s8;
	s4 =	sshll.u32 s1, $0x4  }
0xa: {  	_ =	strace $0x80000047;
	s19 =	ssub.s32 $0x2, s1;
	s1 =	smul.u32 $0xA000, s1  }
0xb: {  	s4 =	sor.u32 s8, s4;
	s7 =	sshrl.u32 s19, $0x1;
	s8 =	smul.u32 $0xA00, s8  }
0xc: {  	s6 =	sshrl.u32 s6, $0x2;
	s18 =	smul.u32 $0xA00, s4;
	s4 =	sadd.s32 $0x2A200, s0  }
0xd: {  	s5 =	ssub.s32 s19, s7;
	s6 =	sadd.s32 s6, s2;
	s19 =	simm.s32 $0x11000  }
0xe: {  	s7 =	simm.s32 $0xC;
	s21 =	sadd.s32 $0x1000, s6;
	[dreg:$0x4] =	wrdreg s6  }
0xf: {  	s22 =	sadd.s32 $0x2000, s6;
	s23 =	sadd.s32 $0x3000, s6;
	[dreg:$0x7] =	wrdreg s21  }
0x10: {  	s24 =	sadd.s32 s8, s1;
	s25 =	sadd.s32 $0x4000, s6;
	[dreg:$0x8] =	wrdreg s22  }
0x11: {  	s26 =	smax.u32 s5, $0x1;
	s1 =	simm.s32 $0x9;
	[dreg:$0x9] =	wrdreg s23  }
0x12: {  	s6 =	simm.s32 $0xB;
	s8 =	simm.s32 $0xD;
	[dreg:$0xa] =	wrdreg s25  }
0x13: {  	s0 =	sadd.s32 s18, s0;
	[dreg:$0xc] =	wrdreg s26;
	s21 =	simm.s32 $0x12000  }
0x14: {  	s23 =	simm.s32 $0x13000;
	s25 =	simm.s32 $0x14000;
	s20 =	sadd.s32 $0x2200, s0  }
0x15: {  	s18 =	simm.s32 $0x3;
	s0 =	sadd.s32 $0x16200, s0;
	[dreg:$0x5] =	wrdreg s20  }
0x16: {  	s22 =	simm.s32 $0x5;
	s26 =	simm.s32 $0x7;
	[dreg:$0x6] =	wrdreg s0  }
0x17: {  	s0 =	sadd.s32 s3, s24;
	s20 =	simm.s32 $0x4;
	s24 =	simm.s32 $0x6  }
0x18: {  	v0 =	vimm.bf16 $0.0e+00;
	s3 =	simm.s32 $0xA;
	[dreg:$0xb] =	wrdreg s0;
	s0 =	simm.s32 $0x1  }
.LBB2_1:
0x19: {  	[dreg:$0xd] =	wrdreg s12  }
0x1a: {  	s5 =	simm.s32 $0x0;
	s13 =	rddreg [dreg:$0x5]  }
0x1b: {  	[tilespmem:s5], [sflag:$0x11] =	stream.linear.gather [hbm4b:s13+s5], $0x5000, $0x38;
	[tilespmem:$0x17000] =	vst v63  }
0x1c: {  	_ =	swait.ge [sflag:s14], $0x5000  }
0x1d: {  	[sflag:s14] =	ssyncset.done $0x0  }
0x1e: {  	s13 =	simm.s32 $0x5000;
	s12 =	rddreg [dreg:$0x6];
	[sflag:s14] =	ssyncadd.s32 $0xFFFFB000  }
0x1f: {  	[tilespmem:s13], [sflag:$0x11] =	stream.linear.gather [hbm4b:s12+s5], $0x5000, $0x38;
	[tilespmem:$0x17000] =	vst v63  }
0x20: {  	_ =	swait.ge [sflag:s14], $0x5000  }
0x21: {  	[sflag:s14] =	ssyncset.done $0x0  }
0x22: {  	[sflag:s14] =	ssyncadd.s32 $0xFFFFB000  }
0x23: {  	[tilespmem:s17], [sflag:$0x2] =	stream.indirect.gather [hbm4b:s4+s16], $0x20, s16, s16, $0xb8;
	[tilespmem:$0x17000] =	vst v63  }
0x24: {  	s12 =	simm.s32 $0x100  }
0x25: {  	[tilespmem:s19], [sflag:$0x3] =	stream.indirect.gather [hbm4b:s4+s16], $0x20, s12, s16, $0xb8;
	[tilespmem:$0x17000] =	vst v63  }
0x26: {  	s13 =	simm.s32 $0x180  }
0x27: {  	[tilespmem:s21], [sflag:$0x4] =	stream.indirect.gather [hbm4b:s4+s16], $0x20, s13, s16, $0xb8;
	[tilespmem:$0x17000] =	vst v63  }
0x28: {  	s12 =	simm.s32 $0x200  }
0x29: {  	[tilespmem:s23], [sflag:$0x5] =	stream.indirect.gather [hbm4b:s4+s16], $0x20, s12, s16, $0xb8;
	[tilespmem:$0x17000] =	vst v63  }
0x2a: {  	s13 =	simm.s32 $0x280  }
0x2b: {  	[tilespmem:s25], [sflag:$0x6] =	stream.indirect.gather [hbm4b:s4+s16], $0x20, s13, s16, $0xb8;
	[tilespmem:$0x17000] =	vst v63  }
0x2c: {  	s12 =	simm.s32 $0x300  }
0x2d: {  	[tilespmem:s28], [sflag:$0x7] =	stream.indirect.gather [hbm4b:s4+s16], $0x20, s12, s16, $0xb8;
	[tilespmem:$0x17000] =	vst v63  }
0x2e: {  	s13 =	simm.s32 $0x380  }
0x2f: {  	[tilespmem:s30], [sflag:$0x8] =	stream.indirect.gather [hbm4b:s4+s16], $0x20, s13, s16, $0xb8;
	[tilespmem:$0x17000] =	vst v63  }
0x30: {  	s5 =	simm.s32 $0x80;
	s13 =	simm.s32 $0x0  }
.LBB2_2:
0x31: {  	p0 =	sne.s32 s5, $0x3F80;
	[tilespmem:s13+$0xF000] =	vst v0;
	s12 =	smov.u32 s5;
	s5 =	sadd.s32 $0x80, s5  }
.Ltmp0:
0x32: {  	[tilespmem:s13+$0xF010] =	vst v0;
	(pc) =	sbr.rel @p0 .LBB2_2-.Ltmp0, $2  }
0x33: {  	_ =	sdelay $0x2  }
0x34: {  	s13 =	sshra.s32 s12, $0x2  }
0x35: {  	[tilespmem:s13+$0xF000] =	vst v0  }
0x36: {  	[tilespmem:s13+$0xF010] =	vst v0;
	s5 =	rddreg [dreg:$0x4]  }
0x37: {  	[spmem:s5] =	stream.linear.scatter [tilespmem:s31], [sflag:$0x11], $0x1000, $0x38;
	[tilespmem:$0x17000] =	vst v63  }
0x38: {  	_ =	swait.ge [sflag:s14], $0x1000  }
0x39: {  	[sflag:s14] =	ssyncset.done $0x0  }
0x3a: {  	s12 =	rddreg [dreg:$0x7];
	[sflag:s14] =	ssyncadd.s32 $0xFFFFF000  }
0x3b: {  	[spmem:s12] =	stream.linear.scatter [tilespmem:s31], [sflag:$0x11], $0x1000, $0x38;
	[tilespmem:$0x17000] =	vst v63  }
0x3c: {  	_ =	swait.ge [sflag:s14], $0x1000  }
0x3d: {  	[sflag:s14] =	ssyncset.done $0x0  }
0x3e: {  	s13 =	rddreg [dreg:$0x8];
	[sflag:s14] =	ssyncadd.s32 $0xFFFFF000  }
0x3f: {  	[spmem:s13] =	stream.linear.scatter [tilespmem:s31], [sflag:$0x11], $0x1000, $0x38;
	[tilespmem:$0x17000] =	vst v63  }
0x40: {  	_ =	swait.ge [sflag:s14], $0x1000  }
0x41: {  	[sflag:s14] =	ssyncset.done $0x0  }
0x42: {  	s12 =	rddreg [dreg:$0x9];
	[sflag:s14] =	ssyncadd.s32 $0xFFFFF000  }
0x43: {  	[spmem:s12] =	stream.linear.scatter [tilespmem:s31], [sflag:$0x11], $0x1000, $0x38;
	[tilespmem:$0x17000] =	vst v63  }
0x44: {  	_ =	swait.ge [sflag:s14], $0x1000  }
0x45: {  	[sflag:s14] =	ssyncset.done $0x0  }
0x46: {  	s13 =	rddreg [dreg:$0xa];
	[sflag:s14] =	ssyncadd.s32 $0xFFFFF000  }
0x47: {  	[spmem:s13] =	stream.linear.scatter [tilespmem:s31], [sflag:$0x11], $0x1000, $0x38;
	[tilespmem:$0x17000] =	vst v63  }
0x48: {  	_ =	swait.ge [sflag:s14], $0x1000  }
0x49: {  	[sflag:s14] =	ssyncset.done $0x0  }
0x4a: {  	s12 =	simm.s32 $0x0;
	[sflag:s14] =	ssyncadd.s32 $0xFFFFF000  }
0x4b: {  	[tilespmem:s31], [sflag:$0x1] =	stream.indirect.gather [hbm4b:s4+s16], $0x20, s12, s16, $0xb8;
	[tilespmem:$0x17000] =	vst v63  }
0x4c: {  	[bflag:$0x0] =	sbarrier.arrive $0xFFFF  }
0x4d: {  	_ =	swait.ge [sflag:s0], $0x1000  }
0x4e: {  	[sflag:s0] =	ssyncset.done $0x0  }
0x4f: {  	s13 =	simm.s32 $0x5000;
	[sflag:s0] =	ssyncadd.s32 $0xFFFFF000  }
0x50: {  	[spmem:s2] =	stream.indirect.scatter.add.bf16 [tilespmem:s31], [sflag:$0x9], $0x20, s13, s16, $0xb8;
	[tilespmem:$0x17000] =	vst v63  }
0x51: {  	_ =	swait.ge [sflag:s15], $0x1000  }
0x52: {  	[sflag:s15] =	ssyncset.done $0x0  }
0x53: {  	s12 =	simm.s32 $0x5080;
	[sflag:s15] =	ssyncadd.s32 $0xFFFFF000  }
0x54: {  	[spmem:s2] =	stream.indirect.scatter.add.bf16 [tilespmem:s17], [sflag:$0xA], $0x20, s12, s16, $0xb8;
	[tilespmem:$0x17000] =	vst v63  }
0x55: {  	_ =	swait.ge [sflag:s18], $0x1000  }
0x56: {  	[sflag:s18] =	ssyncset.done $0x0  }
0x57: {  	s13 =	simm.s32 $0x5100;
	[sflag:s18] =	ssyncadd.s32 $0xFFFFF000  }
0x58: {  	[spmem:s2] =	stream.indirect.scatter.add.bf16 [tilespmem:s19], [sflag:$0xB], $0x20, s13, s16, $0xb8;
	[tilespmem:$0x17000] =	vst v63  }
0x59: {  	_ =	swait.ge [sflag:s20], $0x1000  }
0x5a: {  	[sflag:s20] =	ssyncset.done $0x0  }
0x5b: {  	s12 =	simm.s32 $0x5180;
	[sflag:s20] =	ssyncadd.s32 $0xFFFFF000  }
0x5c: {  	[spmem:s2] =	stream.indirect.scatter.add.bf16 [tilespmem:s21], [sflag:$0xC], $0x20, s12, s16, $0xb8;
	[tilespmem:$0x17000] =	vst v63  }
0x5d: {  	_ =	swait.ge [sflag:s22], $0x1000  }
0x5e: {  	[sflag:s22] =	ssyncset.done $0x0  }
0x5f: {  	s13 =	simm.s32 $0x5200;
	[sflag:s22] =	ssyncadd.s32 $0xFFFFF000  }
0x60: {  	[spmem:s2] =	stream.indirect.scatter.add.bf16 [tilespmem:s23], [sflag:$0xD], $0x20, s13, s16, $0xb8;
	[tilespmem:$0x17000] =	vst v63  }
0x61: {  	_ =	swait.ge [sflag:s24], $0x1000  }
0x62: {  	[sflag:s24] =	ssyncset.done $0x0  }
0x63: {  	s12 =	simm.s32 $0x5280;
	[sflag:s24] =	ssyncadd.s32 $0xFFFFF000  }
0x64: {  	[spmem:s2] =	stream.indirect.scatter.add.bf16 [tilespmem:s25], [sflag:$0xE], $0x20, s12, s16, $0xb8;
	[tilespmem:$0x17000] =	vst v63  }
0x65: {  	_ =	swait.ge [sflag:s26], $0x1000  }
0x66: {  	[sflag:s26] =	ssyncset.done $0x0  }
0x67: {  	s13 =	simm.s32 $0x5300;
	[sflag:s26] =	ssyncadd.s32 $0xFFFFF000  }
0x68: {  	[spmem:s2] =	stream.indirect.scatter.add.bf16 [tilespmem:s28], [sflag:$0xF], $0x20, s13, s16, $0xb8;
	[tilespmem:$0x17000] =	vst v63  }
0x69: {  	_ =	swait.ge [sflag:s29], $0x1000  }
0x6a: {  	[sflag:s29] =	ssyncset.done $0x0  }
0x6b: {  	s12 =	simm.s32 $0x5380;
	[sflag:s29] =	ssyncadd.s32 $0xFFFFF000  }
0x6c: {  	[spmem:s2] =	stream.indirect.scatter.add.bf16 [tilespmem:s30], [sflag:$0x10], $0x20, s12, s16, $0xb8;
	[tilespmem:$0x17000] =	vst v63  }
0x6d: {  	_ =	swait.ge [sflag:s1], $0x1000  }
0x6e: {  	[sflag:s1] =	ssyncset.done $0x0  }
0x6f: {  	s13 =	simm.s32 $0x400;
	[sflag:s1] =	ssyncadd.s32 $0xFFFFF000  }
0x70: {  	[tilespmem:s31], [sflag:$0x1] =	stream.indirect.gather [hbm4b:s4+s16], $0x20, s13, s16, $0xb8;
	[tilespmem:$0x17000] =	vst v63  }
0x71: {  	_ =	swait.ge [sflag:s3], $0x1000  }
0x72: {  	[sflag:s3] =	ssyncset.done $0x0  }
0x73: {  	s12 =	simm.s32 $0x480;
	[sflag:s3] =	ssyncadd.s32 $0xFFFFF000  }
0x74: {  	[tilespmem:s17], [sflag:$0x2] =	stream.indirect.gather [hbm4b:s4+s16], $0x20, s12, s16, $0xb8;
	[tilespmem:$0x17000] =	vst v63  }
0x75: {  	_ =	swait.ge [sflag:s6], $0x1000  }
0x76: {  	[sflag:s6] =	ssyncset.done $0x0  }
0x77: {  	s13 =	simm.s32 $0x500;
	[sflag:s6] =	ssyncadd.s32 $0xFFFFF000  }
0x78: {  	[tilespmem:s19], [sflag:$0x3] =	stream.indirect.gather [hbm4b:s4+s16], $0x20, s13, s16, $0xb8;
	[tilespmem:$0x17000] =	vst v63  }
0x79: {  	_ =	swait.ge [sflag:s7], $0x1000  }
0x7a: {  	[sflag:s7] =	ssyncset.done $0x0  }
0x7b: {  	s12 =	simm.s32 $0x580;
	[sflag:s7] =	ssyncadd.s32 $0xFFFFF000  }
0x7c: {  	[tilespmem:s21], [sflag:$0x4] =	stream.indirect.gather [hbm4b:s4+s16], $0x20, s12, s16, $0xb8;
	[tilespmem:$0x17000] =	vst v63  }
0x7d: {  	_ =	swait.ge [sflag:s8], $0x1000  }
0x7e: {  	[sflag:s8] =	ssyncset.done $0x0  }
0x7f: {  	s13 =	simm.s32 $0x600;
	[sflag:s8] =	ssyncadd.s32 $0xFFFFF000  }
0x80: {  	[tilespmem:s23], [sflag:$0x5] =	stream.indirect.gather [hbm4b:s4+s16], $0x20, s13, s16, $0xb8;
	[tilespmem:$0x17000] =	vst v63  }
0x81: {  	_ =	swait.ge [sflag:s9], $0x1000  }
0x82: {  	[sflag:s9] =	ssyncset.done $0x0  }
0x83: {  	s12 =	simm.s32 $0x680;
	[sflag:s9] =	ssyncadd.s32 $0xFFFFF000  }
0x84: {  	[tilespmem:s25], [sflag:$0x6] =	stream.indirect.gather [hbm4b:s4+s16], $0x20, s12, s16, $0xb8;
	[tilespmem:$0x17000] =	vst v63  }
0x85: {  	_ =	swait.ge [sflag:s10], $0x1000  }
0x86: {  	[sflag:s10] =	ssyncset.done $0x0  }
0x87: {  	s13 =	simm.s32 $0x700;
	[sflag:s10] =	ssyncadd.s32 $0xFFFFF000  }
0x88: {  	[tilespmem:s28], [sflag:$0x7] =	stream.indirect.gather [hbm4b:s4+s16], $0x20, s13, s16, $0xb8;
	[tilespmem:$0x17000] =	vst v63  }
0x89: {  	_ =	swait.ge [sflag:s11], $0x1000  }
0x8a: {  	[sflag:s11] =	ssyncset.done $0x0  }
0x8b: {  	s5 =	simm.s32 $0x780;
	s13 =	simm.s32 $0x1000;
	[sflag:s11] =	ssyncadd.s32 $0xFFFFF000  }
.LBB2_4:
0x8c: {  	[tilespmem:s30], [sflag:$0x8] =	stream.indirect.gather [hbm4b:s4+s16], $0x20, s5, s16, $0xb8;
	[tilespmem:$0x17000] =	vst v63  }
0x8d: {  	s5 =	smov.u32 s13  }
0x8e: {  	p0 =	sne.s32 s13, $0x12000;
	s13 =	sadd.s32 $0x1000, s13;
	_ =	swait.ge [sflag:s0], $0x1000  }
0x8f: {  	s5 =	sshra.s32 s5, $0x2;
	[sflag:s0] =	ssyncset.done $0x0  }
0x90: {  	s12 =	sadd.s32 $0x5000, s5;
	[sflag:s0] =	ssyncadd.s32 $0xFFFFF000  }
0x91: {  	[spmem:s2] =	stream.indirect.scatter.add.bf16 [tilespmem:s31], [sflag:$0x9], $0x20, s12, s16, $0xb8;
	[tilespmem:$0x17000] =	vst v63  }
0x92: {  	_ =	swait.ge [sflag:s15], $0x1000  }
0x93: {  	[sflag:s15] =	ssyncset.done $0x0  }
0x94: {  	s12 =	sadd.s32 $0x5080, s5;
	[sflag:s15] =	ssyncadd.s32 $0xFFFFF000  }
0x95: {  	[spmem:s2] =	stream.indirect.scatter.add.bf16 [tilespmem:s17], [sflag:$0xA], $0x20, s12, s16, $0xb8;
	[tilespmem:$0x17000] =	vst v63  }
0x96: {  	_ =	swait.ge [sflag:s18], $0x1000  }
0x97: {  	[sflag:s18] =	ssyncset.done $0x0  }
0x98: {  	s12 =	sadd.s32 $0x5100, s5;
	[sflag:s18] =	ssyncadd.s32 $0xFFFFF000  }
0x99: {  	[spmem:s2] =	stream.indirect.scatter.add.bf16 [tilespmem:s19], [sflag:$0xB], $0x20, s12, s16, $0xb8;
	[tilespmem:$0x17000] =	vst v63  }
0x9a: {  	_ =	swait.ge [sflag:s20], $0x1000  }
0x9b: {  	[sflag:s20] =	ssyncset.done $0x0  }
0x9c: {  	s12 =	sadd.s32 $0x5180, s5;
	[sflag:s20] =	ssyncadd.s32 $0xFFFFF000  }
0x9d: {  	[spmem:s2] =	stream.indirect.scatter.add.bf16 [tilespmem:s21], [sflag:$0xC], $0x20, s12, s16, $0xb8;
	[tilespmem:$0x17000] =	vst v63  }
0x9e: {  	_ =	swait.ge [sflag:s22], $0x1000  }
0x9f: {  	[sflag:s22] =	ssyncset.done $0x0  }
0xa0: {  	s12 =	sadd.s32 $0x5200, s5;
	[sflag:s22] =	ssyncadd.s32 $0xFFFFF000  }
0xa1: {  	[spmem:s2] =	stream.indirect.scatter.add.bf16 [tilespmem:s23], [sflag:$0xD], $0x20, s12, s16, $0xb8;
	[tilespmem:$0x17000] =	vst v63  }
0xa2: {  	_ =	swait.ge [sflag:s24], $0x1000  }
0xa3: {  	[sflag:s24] =	ssyncset.done $0x0  }
0xa4: {  	s12 =	sadd.s32 $0x5280, s5;
	[sflag:s24] =	ssyncadd.s32 $0xFFFFF000  }
0xa5: {  	[spmem:s2] =	stream.indirect.scatter.add.bf16 [tilespmem:s25], [sflag:$0xE], $0x20, s12, s16, $0xb8;
	[tilespmem:$0x17000] =	vst v63  }
0xa6: {  	_ =	swait.ge [sflag:s26], $0x1000  }
0xa7: {  	[sflag:s26] =	ssyncset.done $0x0  }
0xa8: {  	s12 =	sadd.s32 $0x5300, s5;
	[sflag:s26] =	ssyncadd.s32 $0xFFFFF000  }
0xa9: {  	[spmem:s2] =	stream.indirect.scatter.add.bf16 [tilespmem:s28], [sflag:$0xF], $0x20, s12, s16, $0xb8;
	[tilespmem:$0x17000] =	vst v63  }
0xaa: {  	_ =	swait.ge [sflag:s29], $0x1000  }
0xab: {  	[sflag:s29] =	ssyncset.done $0x0  }
0xac: {  	s12 =	sadd.s32 $0x5380, s5;
	[sflag:s29] =	ssyncadd.s32 $0xFFFFF000  }
0xad: {  	[spmem:s2] =	stream.indirect.scatter.add.bf16 [tilespmem:s30], [sflag:$0x10], $0x20, s12, s16, $0xb8;
	[tilespmem:$0x17000] =	vst v63  }
0xae: {  	_ =	swait.ge [sflag:s1], $0x1000  }
0xaf: {  	[sflag:s1] =	ssyncset.done $0x0  }
0xb0: {  	s12 =	sadd.s32 $0x400, s5;
	[sflag:s1] =	ssyncadd.s32 $0xFFFFF000  }
0xb1: {  	[tilespmem:s31], [sflag:$0x1] =	stream.indirect.gather [hbm4b:s4+s16], $0x20, s12, s16, $0xb8;
	[tilespmem:$0x17000] =	vst v63  }
0xb2: {  	_ =	swait.ge [sflag:s3], $0x1000  }
0xb3: {  	[sflag:s3] =	ssyncset.done $0x0  }
0xb4: {  	s12 =	sadd.s32 $0x480, s5;
	[sflag:s3] =	ssyncadd.s32 $0xFFFFF000  }
0xb5: {  	[tilespmem:s17], [sflag:$0x2] =	stream.indirect.gather [hbm4b:s4+s16], $0x20, s12, s16, $0xb8;
	[tilespmem:$0x17000] =	vst v63  }
0xb6: {  	_ =	swait.ge [sflag:s6], $0x1000  }
0xb7: {  	[sflag:s6] =	ssyncset.done $0x0  }
0xb8: {  	s12 =	sadd.s32 $0x500, s5;
	[sflag:s6] =	ssyncadd.s32 $0xFFFFF000  }
0xb9: {  	[tilespmem:s19], [sflag:$0x3] =	stream.indirect.gather [hbm4b:s4+s16], $0x20, s12, s16, $0xb8;
	[tilespmem:$0x17000] =	vst v63  }
0xba: {  	_ =	swait.ge [sflag:s7], $0x1000  }
0xbb: {  	[sflag:s7] =	ssyncset.done $0x0  }
0xbc: {  	s12 =	sadd.s32 $0x580, s5;
	[sflag:s7] =	ssyncadd.s32 $0xFFFFF000  }
0xbd: {  	[tilespmem:s21], [sflag:$0x4] =	stream.indirect.gather [hbm4b:s4+s16], $0x20, s12, s16, $0xb8;
	[tilespmem:$0x17000] =	vst v63  }
0xbe: {  	_ =	swait.ge [sflag:s8], $0x1000  }
0xbf: {  	[sflag:s8] =	ssyncset.done $0x0  }
0xc0: {  	s12 =	sadd.s32 $0x600, s5;
	[sflag:s8] =	ssyncadd.s32 $0xFFFFF000  }
0xc1: {  	[tilespmem:s23], [sflag:$0x5] =	stream.indirect.gather [hbm4b:s4+s16], $0x20, s12, s16, $0xb8;
	[tilespmem:$0x17000] =	vst v63  }
0xc2: {  	_ =	swait.ge [sflag:s9], $0x1000  }
0xc3: {  	[sflag:s9] =	ssyncset.done $0x0  }
0xc4: {  	s12 =	sadd.s32 $0x680, s5;
	[sflag:s9] =	ssyncadd.s32 $0xFFFFF000  }
0xc5: {  	[tilespmem:s25], [sflag:$0x6] =	stream.indirect.gather [hbm4b:s4+s16], $0x20, s12, s16, $0xb8;
	[tilespmem:$0x17000] =	vst v63  }
0xc6: {  	_ =	swait.ge [sflag:s10], $0x1000  }
0xc7: {  	[sflag:s10] =	ssyncset.done $0x0  }
.Ltmp1:
0xc8: {  	s12 =	sadd.s32 $0x700, s5;
	[sflag:s10] =	ssyncadd.s32 $0xFFFFF000;
	(pc) =	sbr.rel @p0 .LBB2_4-.Ltmp1, $4  }
0xc9: {  	[tilespmem:s28], [sflag:$0x7] =	stream.indirect.gather [hbm4b:s4+s16], $0x20, s12, s16, $0xb8;
	[tilespmem:$0x17000] =	vst v63  }
0xca: {  	_ =	swait.ge [sflag:s11], $0x1000  }
0xcb: {  	[sflag:s11] =	ssyncset.done $0x0  }
0xcc: {  	s5 =	sadd.s32 $0x780, s5;
	[sflag:s11] =	ssyncadd.s32 $0xFFFFF000  }
0xcd: {  	[tilespmem:s30], [sflag:$0x8] =	stream.indirect.gather [hbm4b:s4+s16], $0x20, s5, s16, $0xb8;
	[tilespmem:$0x17000] =	vst v63  }
0xce: {  	_ =	swait.ge [sflag:s0], $0x1000  }
0xcf: {  	[sflag:s0] =	ssyncset.done $0x0  }
0xd0: {  	s13 =	simm.s32 $0x9C00;
	[sflag:s0] =	ssyncadd.s32 $0xFFFFF000  }
0xd1: {  	[spmem:s2] =	stream.indirect.scatter.add.bf16 [tilespmem:s31], [sflag:$0x9], $0x20, s13, s16, $0xb8;
	[tilespmem:$0x17000] =	vst v63  }
0xd2: {  	_ =	swait.ge [sflag:s15], $0x1000  }
0xd3: {  	[sflag:s15] =	ssyncset.done $0x0  }
0xd4: {  	s12 =	simm.s32 $0x9C80;
	[sflag:s15] =	ssyncadd.s32 $0xFFFFF000  }
0xd5: {  	[spmem:s2] =	stream.indirect.scatter.add.bf16 [tilespmem:s17], [sflag:$0xA], $0x20, s12, s16, $0xb8;
	[tilespmem:$0x17000] =	vst v63  }
0xd6: {  	_ =	swait.ge [sflag:s18], $0x1000  }
0xd7: {  	[sflag:s18] =	ssyncset.done $0x0  }
0xd8: {  	s13 =	simm.s32 $0x9D00;
	[sflag:s18] =	ssyncadd.s32 $0xFFFFF000  }
0xd9: {  	[spmem:s2] =	stream.indirect.scatter.add.bf16 [tilespmem:s19], [sflag:$0xB], $0x20, s13, s16, $0xb8;
	[tilespmem:$0x17000] =	vst v63  }
0xda: {  	_ =	swait.ge [sflag:s20], $0x1000  }
0xdb: {  	[sflag:s20] =	ssyncset.done $0x0  }
0xdc: {  	s12 =	simm.s32 $0x9D80;
	[sflag:s20] =	ssyncadd.s32 $0xFFFFF000  }
0xdd: {  	[spmem:s2] =	stream.indirect.scatter.add.bf16 [tilespmem:s21], [sflag:$0xC], $0x20, s12, s16, $0xb8;
	[tilespmem:$0x17000] =	vst v63  }
0xde: {  	_ =	swait.ge [sflag:s22], $0x1000  }
0xdf: {  	[sflag:s22] =	ssyncset.done $0x0  }
0xe0: {  	s13 =	simm.s32 $0x9E00;
	[sflag:s22] =	ssyncadd.s32 $0xFFFFF000  }
0xe1: {  	[spmem:s2] =	stream.indirect.scatter.add.bf16 [tilespmem:s23], [sflag:$0xD], $0x20, s13, s16, $0xb8;
	[tilespmem:$0x17000] =	vst v63  }
0xe2: {  	_ =	swait.ge [sflag:s24], $0x1000  }
0xe3: {  	[sflag:s24] =	ssyncset.done $0x0  }
0xe4: {  	s12 =	simm.s32 $0x9E80;
	[sflag:s24] =	ssyncadd.s32 $0xFFFFF000  }
0xe5: {  	[spmem:s2] =	stream.indirect.scatter.add.bf16 [tilespmem:s25], [sflag:$0xE], $0x20, s12, s16, $0xb8;
	[tilespmem:$0x17000] =	vst v63  }
0xe6: {  	_ =	swait.ge [sflag:s26], $0x1000  }
0xe7: {  	[sflag:s26] =	ssyncset.done $0x0  }
0xe8: {  	s13 =	simm.s32 $0x9F00;
	[sflag:s26] =	ssyncadd.s32 $0xFFFFF000  }
0xe9: {  	[spmem:s2] =	stream.indirect.scatter.add.bf16 [tilespmem:s28], [sflag:$0xF], $0x20, s13, s16, $0xb8;
	[tilespmem:$0x17000] =	vst v63  }
0xea: {  	_ =	swait.ge [sflag:s29], $0x1000  }
0xeb: {  	[sflag:s29] =	ssyncset.done $0x0  }
0xec: {  	s12 =	simm.s32 $0x9F80;
	[sflag:s29] =	ssyncadd.s32 $0xFFFFF000  }
0xed: {  	[spmem:s2] =	stream.indirect.scatter.add.bf16 [tilespmem:s30], [sflag:$0x10], $0x20, s12, s16, $0xb8;
	[tilespmem:$0x17000] =	vst v63  }
0xee: {  	_ =	swait.ge [sflag:s1], $0x1000  }
0xef: {  	[sflag:s1] =	ssyncset.done $0x0  }
0xf0: {  	[sflag:s1] =	ssyncadd.s32 $0xFFFFF000  }
0xf1: {  	_ =	swait.ge [sflag:s3], $0x1000  }
0xf2: {  	[sflag:s3] =	ssyncset.done $0x0  }
0xf3: {  	[sflag:s3] =	ssyncadd.s32 $0xFFFFF000  }
0xf4: {  	_ =	swait.ge [sflag:s6], $0x1000  }
0xf5: {  	[sflag:s6] =	ssyncset.done $0x0  }
0xf6: {  	[sflag:s6] =	ssyncadd.s32 $0xFFFFF000  }
0xf7: {  	_ =	swait.ge [sflag:s7], $0x1000  }
0xf8: {  	[sflag:s7] =	ssyncset.done $0x0  }
0xf9: {  	[sflag:s7] =	ssyncadd.s32 $0xFFFFF000  }
0xfa: {  	_ =	swait.ge [sflag:s8], $0x1000  }
0xfb: {  	[sflag:s8] =	ssyncset.done $0x0  }
0xfc: {  	[sflag:s8] =	ssyncadd.s32 $0xFFFFF000  }
0xfd: {  	_ =	swait.ge [sflag:s9], $0x1000  }
0xfe: {  	[sflag:s9] =	ssyncset.done $0x0  }
0xff: {  	[sflag:s9] =	ssyncadd.s32 $0xFFFFF000  }
0x100: {  	_ =	swait.ge [sflag:s10], $0x1000  }
0x101: {  	[sflag:s10] =	ssyncset.done $0x0  }
0x102: {  	[sflag:s10] =	ssyncadd.s32 $0xFFFFF000  }
0x103: {  	_ =	swait.ge [sflag:s11], $0x1000  }
0x104: {  	[sflag:s11] =	ssyncset.done $0x0  }
0x105: {  	[sflag:s11] =	ssyncadd.s32 $0xFFFFF000  }
0x106: {  	s13 =	stileid.u32;
	[bflag:$0x0] =	sbarrier.arrive $0xFFFF  }
0x107: {  	s5 =	sshll.u32 s13, $0x6;
	s12 =	rddreg [dreg:$0x4]  }
0x108: {  	s5 =	sor.u32 $0x1C11, s5;
	s13 =	rddreg [dreg:$0xb];
	s12 =	sshrl.u32 s12, $0x3  }
0x109: {  	[hbm:s13], [sflag:s5] =	dma.local [spmem:s12], $0xA00  }
0x10a: {  	_ =	swait.ge [sflag:s14], $0xA00  }
0x10b: {  	s5 =	rddreg [dreg:$0xd]  }
0x10c: {  	s13 =	rddreg [dreg:$0xc];
	s12 =	sadd.s32 $0x1, s5  }
0x10d: {  	p0 =	sne.s32 s12, s13  }
.Ltmp2:
0x10e: {  	_ = 	snop;
	(pc) =	sbr.rel @p0 .LBB2_1-.Ltmp2, $3  }
0x10f: {  	_ =	sdelay $0x1  }
0x110: {  	[sflag:s14] =	ssyncset.done $0x0  }
0x111: {  	[sflag:s14] =	ssyncadd.s32 $0xFFFFF600  }
0x112: {  	_ =	sfence.sel $0x180000  }
0x113: {  	[bflag:$0x0] =	sbarrier.arrive $0xFFFF  }
0x114: {  	_ =	strace $0x90000047  }
0x115: {  	s0 =	stileid.u32;
	[bflag:$0x2] =	sbarrier.arrive $0xFFFF  }
0x116: {  	p0 =	sne.s32 s0, $0x0;
	s0 =	rddreg [dreg:$0x3]  }
0x117: {  	s0 =	sadd.s32 @!p0 $0x100000, s0  }
0x118: {  	[sflag:s0] =	ssyncadd.tile.s32 @!p0 $0x1;
	_ =	shalt  }
.Lfunc_end2:
_tile_overlayer_lowered:
.L_overlay_start_2:
0x119: {  	(tag) =	ssettag $0x2  }
0x11a: {  	s0 =	rddreg [dreg:$0x0];
	s2 =	stileid.u32  }
0x11b: {  	s1 =	rddreg [dreg:$0x1];
	p0 =	sne.s32 s2, $0x0  }
0x11c: {  	s3 =	rddreg [dreg:$0x2];
	[bflag:$0x3] =	sbarrier.arrive $0xFFFF;
	s2 =	simm.s32 @!p0 $0x1C11  }
0x11d: {  	[timem:s3], [sflag:s2] =	dma.local @!p0 [hbm:s0], s1  }
0x11e: {  	s0 =	simm.s32 @!p0 $0x11  }
0x11f: {  	_ =	swait.ge @!p0 [sflag:s0], s1  }
0x120: {  	s1 =	ssub.s32 @!p0 $0x0, s1;
	[sflag:s0] =	ssyncset.done @!p0 $0x0  }
0x121: {  	[sflag:s0] =	ssyncadd.s32 @!p0 s1  }
0x122: {  	[bflag:$0x3] =	sbarrier.arrive $0xFFFF  }
0x123: {  	_ =	shalt  }

// kernel: kernel.14.cloned.1.call-start
scs
__scs_entry_jumppad:
0x0: {  	(pc) =	sbr.rel $0x88, $3  }
0x1: {  	(tag) =	ssettag $0x0;
	lr =	simm.s32 $0x1  }
0x2: {  	[smem:$0x3F9A] =	sst lr;
	_ =	strace $0xD0000000  }
0x3: {  	_ = 	snop  }
0x4: {  	_ = 	snop  }
0x5: {  	_ = 	snop  }
0x6: {  	_ = 	snop  }
0x7: {  	_ = 	snop  }
__scs_overlays_trampoline_lowered:
0x8: {  	[smem:$0x3FA9] =	sst s0  }
0x9: {  	[smem:$0x3FAA] =	sst s1  }
0xa: {  	[smem:$0x3FAB] =	sst s2  }
0xb: {  	[smem:$0x3FAC] =	sst s3  }
0xc: {  	[smem:$0x3FAD] =	sst s4  }
0xd: {  	[smem:$0x3FAE] =	sst s5  }
0xe: {  	[smem:$0x3FAF] =	sst s6  }
0xf: {  	[smem:$0x3FB0] =	sst s7  }
0x10: {  	[smem:$0x3FB1] =	sst s8  }
0x11: {  	[smem:$0x3FB2] =	sst s9;
	s0 =	simm.s32 @!p0 $0x0  }
0x12: {  	s1 =	sld [smem:$0x3F98];
	s0 =	simm.s32 @p0 $0x1  }
0x13: {  	[smem:$0x3FB3] =	sst s0;
	s0 =	simm.s32 @!p1 $0x0  }
0x14: {  	s2 =	sld [smem:$0x3F97];
	s0 =	simm.s32 @p1 $0x1  }
0x15: {  	[smem:$0x3FB4] =	sst s0;
	s0 =	simm.s32 @!p2 $0x0  }
0x16: {  	s3 =	sld [smem:$0x3FDB];
	s0 =	simm.s32 @p2 $0x1  }
0x17: {  	s4 =	simm.s32 $0x1BF5;
	[smem:$0x3FB6] =	sst s0  }
0x18: {  	s0 =	sld [smem:$0x3F99];
	_ =	swait.ge [sflag:s4], $0x0  }
0x19: {  	s7 =	sld [smem:$0x3F9A]  }
0x1a: {  	s8 =	sadd.s32 $0xFFFFE003, lr  }
0x1b: {  	s9 =	sadd.s32 $0xFFFFFEF7, lr;
	s5 =	simm.s32 $0xFFFFFFFF;
	p2 =	slt.u32 s8, $0xFFFFF086  }
0x1c: {  	p1 =	slt.u32 s9, $0xF7A;
	s5 =	simm.s32 @!p2 $0x0  }
0x1d: {  	s5 =	simm.s32 @p1 $0x1;
	p0 =	seq.s32 s7, s2  }
0x1e: {  	s7 =	smul.u32 @!p0 $0xF7A, s2;
	p2 =	seq.s32 @!p0 s5, $0x0  }
0x1f: {  	s9 =	smul.u32 $0xF7A, s1;
	s8 =	simm.s32 @!p0 $0x1BF5;
	p2 =	por !p2, p0  }
0x20: {  	[sflag:s8] =	ssyncset.s32 @!p0 $0xFFFFF086;
	s6 =	sadd.s32 @!p0 s3, s7;
	s7 =	simm.s32 @!p0 $0x108  }
0x21: {  	s3 =	sadd.s32 s3, s9;
	s6 =	sadd.s32 @!p0 $0x88, s6;
	s7 =	simm.s32 @p2 $0x1082  }
0x22: {  	[simem:s7], [sflag:s8] =	dma.local @!p0 [hbm:s6], $0xF7A  }
0x23: {  	s9 =	sor.u32 $0xD0000000, s2;
	s6 =	simm.s32 $0x108;
	_ =	swait.ge @!p0 [sflag:s8], $0x0  }
0x24: {  	s3 =	sadd.s32 $0x88, s3;
	s6 =	simm.s32 @!p1 $0x1082;
	[sflag:s4] =	ssyncset.s32 $0xFFFFF086  }
0x25: {  	[simem:s6], [sflag:s4] =	dma.local [hbm:s3], $0xF7A  }
0x26: {  	[smem:$0x3F9A] =	sst s1;
	(tag) =	ssettag s2;
	_ =	strace s9  }
0x27: {  	s1 =	sld [smem:$0x3FAA]  }
0x28: {  	s2 =	sld [smem:$0x3FAB]  }
0x29: {  	s4 =	sld [smem:$0x3FAD]  }
0x2a: {  	p0 =	seq.s32 s5, $0x0;
	s5 =	sld [smem:$0x3FAE]  }
0x2b: {  	s6 =	sld [smem:$0x3FAF]  }
0x2c: {  	s7 =	sld [smem:$0x3FB0]  }
0x2d: {  	s3 =	simm.s32 $0x108;
	s8 =	sld [smem:$0x3FB1]  }
0x2e: {  	s3 =	simm.s32 @!p0 $0x1082;
	s9 =	sld [smem:$0x3FB2]  }
0x2f: {  	lr =	sadd.s32 s0, s3;
	s0 =	sld [smem:$0x3FA9]  }
0x30: {  	s3 =	sld [smem:$0x3FAC]  }
0x31: {  	[smem:$0x3FB5] =	sst s10  }
0x32: {  	s10 =	sld [smem:$0x3FB3];
	_ =	sdelay $0x3  }
0x33: {  	p0 =	seq.s32 s10, $0x1;
	s10 =	sld [smem:$0x3FB5];
	_ =	sdelay $0x3  }
0x34: {  	[smem:$0x3FB5] =	sst s10  }
0x35: {  	s10 =	sld [smem:$0x3FB4];
	_ =	sdelay $0x3  }
0x36: {  	p1 =	seq.s32 s10, $0x1;
	s10 =	sld [smem:$0x3FB5];
	_ =	sdelay $0x3  }
0x37: {  	[smem:$0x3FB5] =	sst s10  }
0x38: {  	s10 =	sld [smem:$0x3FB6]  }
0x39: {  	_ = 	snop;
	(pc) =	sbr.ind lr, $3  }
0x3a: {  	_ = 	snop  }
0x3b: {  	_ = 	snop  }
0x3c: {  	p2 =	seq.s32 s10, $0x1;
	s10 =	sld [smem:$0x3FB5]  }
0x3d: {  	_ =	shalt  }
0x3e: {  	_ =	shalt  }
0x3f: {  	_ =	shalt  }
0x40: {  	_ =	shalt  }
0x41: {  	_ =	shalt  }
0x42: {  	_ =	shalt  }
0x43: {  	_ =	shalt  }
0x44: {  	_ =	shalt  }
0x45: {  	_ =	shalt  }
0x46: {  	_ =	shalt  }
0x47: {  	_ =	shalt  }
0x48: {  	_ =	shalt  }
0x49: {  	_ =	shalt  }
0x4a: {  	_ =	shalt  }
0x4b: {  	_ =	shalt  }
0x4c: {  	_ =	shalt  }
0x4d: {  	_ =	shalt  }
0x4e: {  	_ =	shalt  }
0x4f: {  	_ =	shalt  }
0x50: {  	_ =	shalt  }
0x51: {  	_ =	shalt  }
0x52: {  	_ =	shalt  }
0x53: {  	_ =	shalt  }
0x54: {  	_ =	shalt  }
0x55: {  	_ =	shalt  }
0x56: {  	_ =	shalt  }
0x57: {  	_ =	shalt  }
0x58: {  	_ =	shalt  }
0x59: {  	_ =	shalt  }
0x5a: {  	_ =	shalt  }
0x5b: {  	_ =	shalt  }
0x5c: {  	_ =	shalt  }
0x5d: {  	_ =	shalt  }
0x5e: {  	_ =	shalt  }
0x5f: {  	_ =	shalt  }
0x60: {  	_ =	shalt  }
0x61: {  	_ =	shalt  }
0x62: {  	_ =	shalt  }
0x63: {  	_ =	shalt  }
0x64: {  	_ =	shalt  }
0x65: {  	_ =	shalt  }
0x66: {  	_ =	shalt  }
0x67: {  	_ =	shalt  }
0x68: {  	_ =	shalt  }
0x69: {  	_ =	shalt  }
0x6a: {  	_ =	shalt  }
0x6b: {  	_ =	shalt  }
0x6c: {  	_ =	shalt  }
0x6d: {  	_ =	shalt  }
0x6e: {  	_ =	shalt  }
0x6f: {  	_ =	shalt  }
0x70: {  	_ =	shalt  }
0x71: {  	_ =	shalt  }
0x72: {  	_ =	shalt  }
0x73: {  	_ =	shalt  }
0x74: {  	_ =	shalt  }
0x75: {  	_ =	shalt  }
0x76: {  	_ =	shalt  }
0x77: {  	_ =	shalt  }
0x78: {  	_ =	shalt  }
0x79: {  	_ =	shalt  }
0x7a: {  	_ =	shalt  }
0x7b: {  	_ =	shalt  }
0x7c: {  	_ =	shalt  }
0x7d: {  	_ =	shalt  }
0x7e: {  	_ =	shalt  }
0x7f: {  	_ =	shalt  }
0x80: {  	_ =	shalt  }
0x81: {  	_ =	shalt  }
0x82: {  	_ =	shalt  }
0x83: {  	_ =	shalt  }
0x84: {  	_ =	shalt  }
0x85: {  	_ =	shalt  }
0x86: {  	_ =	shalt  }
0x87: {  	_ =	shalt  }
.Lfunc_end0:
.L_simem_size_0:
called_computation.1_lowered:
.L_overlay_start_0:
0x88: {  	s2 =	sld [smem:$0x3FD9]  }
0x89: {  	s3 =	sld [smem:$0x3FFE];
	_ =	sdelay $0x1  }
0x8a: {  	s1 =	srdreg.scid  }
0x8b: {  	s0 =	sand.u32 $0x1, s1  }
0x8c: {  	s17 =	sshll.u32 s0, $0xA;
	s2 =	sadd.s32 s3, s2  }
0x8d: {  	s2 =	sadd.s32 s2, s17  }
0x8e: {  	[smem:$0x3FC1] =	sst s2  }
0x8f: {  	_ = 	snop  }
0x90: {  	s2 =	sld [smem:$0x3FD0];
	(tm) =	ssettm $0x1  }
0x91: {  	s18 =	sld [smem:$0x3FFB];
	_ =	sdelay $0x3  }
0x92: {  	_ =	strace s18  }
0x93: {  	s3 =	sld [smem:$0x3FFC];
	_ =	sdelay $0x3  }
0x94: {  	_ =	strace s3  }
0x95: {  	s3 =	sld [smem:$0x3FFD];
	_ =	sdelay $0x3  }
0x96: {  	_ =	strace s3  }
0x97: {  	_ =	strace $0x8FFFFFFF  }
0x98: {  	s19 =	sld [smem:$0x3FDB];
	_ =	sdelay $0x1  }
0x99: {  	s4 =	simm.s32 $_scs_section_size  }
0x9a: {  	s5 =	simm.s32 $_size__tile_overlayer_lowered;
	s6 =	simm.s32 $_tile_overlayer_lowered  }
0x9b: {  	s22 =	simm.s32 $0x1BFF;
	s21 =	sshll.u32 s6, $0x1;
	s3 =	sadd.s32 s4, s19  }
0x9c: {  	s7 =	simm.s32 $0x0;
	s20 =	sshll.u32 s5, $0x1;
	s5 =	sadd.s32 s21, s3  }
0x9d: {  	[timem:s7], [sflag:s22] =	dma.local [hbm:s5], s20  }
0x9e: {  	_ =	swait.ge [sflag:s22], s20  }
0x9f: {  	s4 =	ssub.s32 $0x0, s20;
	[sflag:s22] =	ssyncset.done $0x0  }
0xa0: {  	[sflag:s22] =	ssyncadd.s32 s4;
	_ =	sdelay $0x1  }
0xa1: {  	s23 =	simm.s32 $0x1B8B  }
0xa2: {  	_ =	swait.ge [sflag:s23], $0x1  }
0xa3: {  	[sflag:s23] =	ssyncset.done $0x0  }
0xa4: {  	s25 =	simm.s32 $0x1B8E;
	s24 =	sld [smem:$0x3FFE];
	[sflag:s23] =	ssyncadd.s32 $0xFFFFFFFF  }
0xa5: {  	s26 =	simm.s32 $execute0_lowered;
	[smem:$0x3FD2] =	sst s25  }
0xa6: {  	s5 =	sshll.u32 s26, $0x1;
	_ =	strace $0x80000049;
	[dreg:$0x1] =	wrdreg $0xFFFFFFFF  }
0xa7: {  	s28 =	simm.s32 $_size_execute0_lowered;
	s3 =	sadd.s32 s3, s5;
	[dreg:$0x0] =	wrdreg $0x0  }
0xa8: {  	s5 =	sshll.u32 s28, $0x1;
	[dreg:$0x2] =	wrdreg s3  }
0xa9: {  	[dreg:$0x3] =	wrdreg s5  }
0xaa: {  	[dreg:$0x4] =	wrdreg $0xC0  }
0xab: {  	_ =	task [dreg:s7], $0x5FFFF  }
0xac: {  	[dreg:$0x1] =	wrdreg $0xFFFFFFFF  }
0xad: {  	[dreg:$0x0] =	wrdreg $0x60  }
0xae: {  	[dreg:$0x2] =	wrdreg s24  }
0xaf: {  	[dreg:$0x3] =	wrdreg s2  }
0xb0: {  	[dreg:$0x4] =	wrdreg $0xA0000  }
0xb1: {  	[dreg:$0x5] =	wrdreg $0x9  }
0xb2: {  	_ =	task.clear_ibuf [dreg:s7], $0x6FFFF;
	_ =	strace $0x90000049  }
0xb3: {  	s29 =	simm.s32 $0x9;
	_ =	strace $0x8000004B  }
0xb4: {  	_ =	swait.ge [sflag:s29], $0x1  }
0xb5: {  	[sflag:s29] =	ssyncadd.s32 $0xFFFFFFFF  }
0xb6: {  	_ =	strace $0x9000004B  }
0xb7: {  	_ =	sfence  }
0xb8: {  	s30 =	sld [smem:$0x0];
	_ =	sdelay $0x2  }
0xb9: {  	s31 =	sshll.u32 s1, $0xD;
	s1 =	sshrl.u32 s1, $0x2  }
0xba: {  	s3 =	sand.u32 $0x4000, s31;
	s1 =	sadd.s32 s1, s30  }
0xbb: {  	s0 =	sor.u32 s3, s0;
	s1 =	sshll.u32 s1, $0x11  }
0xbc: {  	s0 =	sor.u32 s1, s0  }
0xbd: {  	s0 =	sadd.s32 $0x8F2B, s0  }
0xbe: {  	[sflag:s0] =	ssyncadd.remote.s32 $0x1  }
0xbf: {  	_ =	sfence.sel $0xFFFF  }
0xc0: {  	[dreg:$0x0] =	wrdreg $0xFFFFFFFF;
	(pc) =	sbr.abs _section_cstart, $3  }
0xc1: {  	[dreg:$0x1] =	wrdreg $0xFFFFFFFF  }
0xc2: {  	_ =	task.clear_ibuf [dreg:s7], $0x2FFFF;
	_ =	strace $0x9FFFFFFF  }
0xc3: {  	(tm) =	ssettm $0x7FFFFFFF  }
tec
execute0_lowered:
.L_overlay_start_1:
0x0: {  	(tag) =	ssettag $0x1  }
0x1: {  	s0 =	rddreg [dreg:$0x0]  }
0x2: {  	s3 =	rddreg [dreg:$0x1]  }
0x3: {  	s1 =	srdreg.scid;
	s2 =	rddreg [dreg:$0x2]  }
0x4: {  	s8 =	stileid.u32;
	s5 =	simm.s32 $0x0;
	s14 =	simm.s32 $0x11  }
0x5: {  	s16 =	simm.s32 $0x80;
	s17 =	simm.s32 $0x10000;
	s28 =	simm.s32 $0x15000  }
0x6: {  	s30 =	simm.s32 $0x16000;
	s31 =	simm.s32 $0xF000;
	s15 =	simm.s32 $0x2  }
0x7: {  	s29 =	simm.s32 $0x8;
	s9 =	simm.s32 $0xE;
	s10 =	simm.s32 $0xF  }
0x8: {  	s11 =	simm.s32 $0x10;
	s12 =	simm.s32 $0x0;
	s1 =	sand.u32 $0x1, s1  }
0x9: {  	[smem:$0x7FF] =	sst s5;
	s6 =	smul.u32 $0x14000, s8;
	s4 =	sshll.u32 s1, $0x4  }
0xa: {  	_ =	strace $0x8000004A;
	s19 =	ssub.s32 $0x2, s1;
	s1 =	smul.u32 $0xA000, s1  }
0xb: {  	s4 =	sor.u32 s8, s4;
	s7 =	sshrl.u32 s19, $0x1;
	s8 =	smul.u32 $0xA00, s8  }
0xc: {  	s6 =	sshrl.u32 s6, $0x2;
	s18 =	smul.u32 $0xA00, s4;
	s4 =	sadd.s32 $0x2A200, s0  }
0xd: {  	s5 =	ssub.s32 s19, s7;
	s6 =	sadd.s32 s6, s2;
	s19 =	simm.s32 $0x11000  }
0xe: {  	s7 =	simm.s32 $0xC;
	s21 =	sadd.s32 $0x1000, s6;
	[dreg:$0x4] =	wrdreg s6  }
0xf: {  	s22 =	sadd.s32 $0x2000, s6;
	s23 =	sadd.s32 $0x3000, s6;
	[dreg:$0x7] =	wrdreg s21  }
0x10: {  	s24 =	sadd.s32 s8, s1;
	s25 =	sadd.s32 $0x4000, s6;
	[dreg:$0x8] =	wrdreg s22  }
0x11: {  	s26 =	smax.u32 s5, $0x1;
	s1 =	simm.s32 $0x9;
	[dreg:$0x9] =	wrdreg s23  }
0x12: {  	s6 =	simm.s32 $0xB;
	s8 =	simm.s32 $0xD;
	[dreg:$0xa] =	wrdreg s25  }
0x13: {  	s0 =	sadd.s32 s18, s0;
	[dreg:$0xc] =	wrdreg s26;
	s21 =	simm.s32 $0x12000  }
0x14: {  	s23 =	simm.s32 $0x13000;
	s25 =	simm.s32 $0x14000;
	s20 =	sadd.s32 $0x2200, s0  }
0x15: {  	s18 =	simm.s32 $0x3;
	s0 =	sadd.s32 $0x16200, s0;
	[dreg:$0x5] =	wrdreg s20  }
0x16: {  	s22 =	simm.s32 $0x5;
	s26 =	simm.s32 $0x7;
	[dreg:$0x6] =	wrdreg s0  }
0x17: {  	s0 =	sadd.s32 s3, s24;
	s20 =	simm.s32 $0x4;
	s24 =	simm.s32 $0x6  }
0x18: {  	v0 =	vimm.bf16 $0.0e+00;
	s3 =	simm.s32 $0xA;
	[dreg:$0xb] =	wrdreg s0;
	s0 =	simm.s32 $0x1  }
.LBB2_1:
0x19: {  	[dreg:$0xd] =	wrdreg s12  }
0x1a: {  	s5 =	simm.s32 $0x0;
	s13 =	rddreg [dreg:$0x5]  }
0x1b: {  	[tilespmem:s5], [sflag:$0x11] =	stream.linear.gather [hbm4b:s13+s5], $0x5000, $0x38;
	[tilespmem:$0x17000] =	vst v63  }
0x1c: {  	_ =	swait.ge [sflag:s14], $0x5000  }
0x1d: {  	[sflag:s14] =	ssyncset.done $0x0  }
0x1e: {  	s13 =	simm.s32 $0x5000;
	s12 =	rddreg [dreg:$0x6];
	[sflag:s14] =	ssyncadd.s32 $0xFFFFB000  }
0x1f: {  	[tilespmem:s13], [sflag:$0x11] =	stream.linear.gather [hbm4b:s12+s5], $0x5000, $0x38;
	[tilespmem:$0x17000] =	vst v63  }
0x20: {  	_ =	swait.ge [sflag:s14], $0x5000  }
0x21: {  	[sflag:s14] =	ssyncset.done $0x0  }
0x22: {  	[sflag:s14] =	ssyncadd.s32 $0xFFFFB000  }
0x23: {  	[tilespmem:s17], [sflag:$0x2] =	stream.indirect.gather [hbm4b:s4+s16], $0x20, s16, s16, $0xb8;
	[tilespmem:$0x17000] =	vst v63  }
0x24: {  	s12 =	simm.s32 $0x100  }
0x25: {  	[tilespmem:s19], [sflag:$0x3] =	stream.indirect.gather [hbm4b:s4+s16], $0x20, s12, s16, $0xb8;
	[tilespmem:$0x17000] =	vst v63  }
0x26: {  	s13 =	simm.s32 $0x180  }
0x27: {  	[tilespmem:s21], [sflag:$0x4] =	stream.indirect.gather [hbm4b:s4+s16], $0x20, s13, s16, $0xb8;
	[tilespmem:$0x17000] =	vst v63  }
0x28: {  	s12 =	simm.s32 $0x200  }
0x29: {  	[tilespmem:s23], [sflag:$0x5] =	stream.indirect.gather [hbm4b:s4+s16], $0x20, s12, s16, $0xb8;
	[tilespmem:$0x17000] =	vst v63  }
0x2a: {  	s13 =	simm.s32 $0x280  }
0x2b: {  	[tilespmem:s25], [sflag:$0x6] =	stream.indirect.gather [hbm4b:s4+s16], $0x20, s13, s16, $0xb8;
	[tilespmem:$0x17000] =	vst v63  }
0x2c: {  	s12 =	simm.s32 $0x300  }
0x2d: {  	[tilespmem:s28], [sflag:$0x7] =	stream.indirect.gather [hbm4b:s4+s16], $0x20, s12, s16, $0xb8;
	[tilespmem:$0x17000] =	vst v63  }
0x2e: {  	s13 =	simm.s32 $0x380  }
0x2f: {  	[tilespmem:s30], [sflag:$0x8] =	stream.indirect.gather [hbm4b:s4+s16], $0x20, s13, s16, $0xb8;
	[tilespmem:$0x17000] =	vst v63  }
0x30: {  	s5 =	simm.s32 $0x80;
	s13 =	simm.s32 $0x0  }
.LBB2_2:
0x31: {  	p0 =	sne.s32 s5, $0x3F80;
	[tilespmem:s13+$0xF000] =	vst v0;
	s12 =	smov.u32 s5;
	s5 =	sadd.s32 $0x80, s5  }
.Ltmp0:
0x32: {  	[tilespmem:s13+$0xF010] =	vst v0;
	(pc) =	sbr.rel @p0 .LBB2_2-.Ltmp0, $2  }
0x33: {  	_ =	sdelay $0x2  }
0x34: {  	s13 =	sshra.s32 s12, $0x2  }
0x35: {  	[tilespmem:s13+$0xF000] =	vst v0  }
0x36: {  	[tilespmem:s13+$0xF010] =	vst v0;
	s5 =	rddreg [dreg:$0x4]  }
0x37: {  	[spmem:s5] =	stream.linear.scatter [tilespmem:s31], [sflag:$0x11], $0x1000, $0x38;
	[tilespmem:$0x17000] =	vst v63  }
0x38: {  	_ =	swait.ge [sflag:s14], $0x1000  }
0x39: {  	[sflag:s14] =	ssyncset.done $0x0  }
0x3a: {  	s12 =	rddreg [dreg:$0x7];
	[sflag:s14] =	ssyncadd.s32 $0xFFFFF000  }
0x3b: {  	[spmem:s12] =	stream.linear.scatter [tilespmem:s31], [sflag:$0x11], $0x1000, $0x38;
	[tilespmem:$0x17000] =	vst v63  }
0x3c: {  	_ =	swait.ge [sflag:s14], $0x1000  }
0x3d: {  	[sflag:s14] =	ssyncset.done $0x0  }
0x3e: {  	s13 =	rddreg [dreg:$0x8];
	[sflag:s14] =	ssyncadd.s32 $0xFFFFF000  }
0x3f: {  	[spmem:s13] =	stream.linear.scatter [tilespmem:s31], [sflag:$0x11], $0x1000, $0x38;
	[tilespmem:$0x17000] =	vst v63  }
0x40: {  	_ =	swait.ge [sflag:s14], $0x1000  }
0x41: {  	[sflag:s14] =	ssyncset.done $0x0  }
0x42: {  	s12 =	rddreg [dreg:$0x9];
	[sflag:s14] =	ssyncadd.s32 $0xFFFFF000  }
0x43: {  	[spmem:s12] =	stream.linear.scatter [tilespmem:s31], [sflag:$0x11], $0x1000, $0x38;
	[tilespmem:$0x17000] =	vst v63  }
0x44: {  	_ =	swait.ge [sflag:s14], $0x1000  }
0x45: {  	[sflag:s14] =	ssyncset.done $0x0  }
0x46: {  	s13 =	rddreg [dreg:$0xa];
	[sflag:s14] =	ssyncadd.s32 $0xFFFFF000  }
0x47: {  	[spmem:s13] =	stream.linear.scatter [tilespmem:s31], [sflag:$0x11], $0x1000, $0x38;
	[tilespmem:$0x17000] =	vst v63  }
0x48: {  	_ =	swait.ge [sflag:s14], $0x1000  }
0x49: {  	[sflag:s14] =	ssyncset.done $0x0  }
0x4a: {  	s12 =	simm.s32 $0x0;
	[sflag:s14] =	ssyncadd.s32 $0xFFFFF000  }
0x4b: {  	[tilespmem:s31], [sflag:$0x1] =	stream.indirect.gather [hbm4b:s4+s16], $0x20, s12, s16, $0xb8;
	[tilespmem:$0x17000] =	vst v63  }
0x4c: {  	[bflag:$0x0] =	sbarrier.arrive $0xFFFF  }
0x4d: {  	_ =	swait.ge [sflag:s0], $0x1000  }
0x4e: {  	[sflag:s0] =	ssyncset.done $0x0  }
0x4f: {  	s13 =	simm.s32 $0x5000;
	[sflag:s0] =	ssyncadd.s32 $0xFFFFF000  }
0x50: {  	[spmem:s2] =	stream.indirect.scatter.add.bf16 [tilespmem:s31], [sflag:$0x9], $0x20, s13, s16, $0xb8;
	[tilespmem:$0x17000] =	vst v63  }
0x51: {  	_ =	swait.ge [sflag:s15], $0x1000  }
0x52: {  	[sflag:s15] =	ssyncset.done $0x0  }
0x53: {  	s12 =	simm.s32 $0x5080;
	[sflag:s15] =	ssyncadd.s32 $0xFFFFF000  }
0x54: {  	[spmem:s2] =	stream.indirect.scatter.add.bf16 [tilespmem:s17], [sflag:$0xA], $0x20, s12, s16, $0xb8;
	[tilespmem:$0x17000] =	vst v63  }
0x55: {  	_ =	swait.ge [sflag:s18], $0x1000  }
0x56: {  	[sflag:s18] =	ssyncset.done $0x0  }
0x57: {  	s13 =	simm.s32 $0x5100;
	[sflag:s18] =	ssyncadd.s32 $0xFFFFF000  }
0x58: {  	[spmem:s2] =	stream.indirect.scatter.add.bf16 [tilespmem:s19], [sflag:$0xB], $0x20, s13, s16, $0xb8;
	[tilespmem:$0x17000] =	vst v63  }
0x59: {  	_ =	swait.ge [sflag:s20], $0x1000  }
0x5a: {  	[sflag:s20] =	ssyncset.done $0x0  }
0x5b: {  	s12 =	simm.s32 $0x5180;
	[sflag:s20] =	ssyncadd.s32 $0xFFFFF000  }
0x5c: {  	[spmem:s2] =	stream.indirect.scatter.add.bf16 [tilespmem:s21], [sflag:$0xC], $0x20, s12, s16, $0xb8;
	[tilespmem:$0x17000] =	vst v63  }
0x5d: {  	_ =	swait.ge [sflag:s22], $0x1000  }
0x5e: {  	[sflag:s22] =	ssyncset.done $0x0  }
0x5f: {  	s13 =	simm.s32 $0x5200;
	[sflag:s22] =	ssyncadd.s32 $0xFFFFF000  }
0x60: {  	[spmem:s2] =	stream.indirect.scatter.add.bf16 [tilespmem:s23], [sflag:$0xD], $0x20, s13, s16, $0xb8;
	[tilespmem:$0x17000] =	vst v63  }
0x61: {  	_ =	swait.ge [sflag:s24], $0x1000  }
0x62: {  	[sflag:s24] =	ssyncset.done $0x0  }
0x63: {  	s12 =	simm.s32 $0x5280;
	[sflag:s24] =	ssyncadd.s32 $0xFFFFF000  }
0x64: {  	[spmem:s2] =	stream.indirect.scatter.add.bf16 [tilespmem:s25], [sflag:$0xE], $0x20, s12, s16, $0xb8;
	[tilespmem:$0x17000] =	vst v63  }
0x65: {  	_ =	swait.ge [sflag:s26], $0x1000  }
0x66: {  	[sflag:s26] =	ssyncset.done $0x0  }
0x67: {  	s13 =	simm.s32 $0x5300;
	[sflag:s26] =	ssyncadd.s32 $0xFFFFF000  }
0x68: {  	[spmem:s2] =	stream.indirect.scatter.add.bf16 [tilespmem:s28], [sflag:$0xF], $0x20, s13, s16, $0xb8;
	[tilespmem:$0x17000] =	vst v63  }
0x69: {  	_ =	swait.ge [sflag:s29], $0x1000  }
0x6a: {  	[sflag:s29] =	ssyncset.done $0x0  }
0x6b: {  	s12 =	simm.s32 $0x5380;
	[sflag:s29] =	ssyncadd.s32 $0xFFFFF000  }
0x6c: {  	[spmem:s2] =	stream.indirect.scatter.add.bf16 [tilespmem:s30], [sflag:$0x10], $0x20, s12, s16, $0xb8;
	[tilespmem:$0x17000] =	vst v63  }
0x6d: {  	_ =	swait.ge [sflag:s1], $0x1000  }
0x6e: {  	[sflag:s1] =	ssyncset.done $0x0  }
0x6f: {  	s13 =	simm.s32 $0x400;
	[sflag:s1] =	ssyncadd.s32 $0xFFFFF000  }
0x70: {  	[tilespmem:s31], [sflag:$0x1] =	stream.indirect.gather [hbm4b:s4+s16], $0x20, s13, s16, $0xb8;
	[tilespmem:$0x17000] =	vst v63  }
0x71: {  	_ =	swait.ge [sflag:s3], $0x1000  }
0x72: {  	[sflag:s3] =	ssyncset.done $0x0  }
0x73: {  	s12 =	simm.s32 $0x480;
	[sflag:s3] =	ssyncadd.s32 $0xFFFFF000  }
0x74: {  	[tilespmem:s17], [sflag:$0x2] =	stream.indirect.gather [hbm4b:s4+s16], $0x20, s12, s16, $0xb8;
	[tilespmem:$0x17000] =	vst v63  }
0x75: {  	_ =	swait.ge [sflag:s6], $0x1000  }
0x76: {  	[sflag:s6] =	ssyncset.done $0x0  }
0x77: {  	s13 =	simm.s32 $0x500;
	[sflag:s6] =	ssyncadd.s32 $0xFFFFF000  }
0x78: {  	[tilespmem:s19], [sflag:$0x3] =	stream.indirect.gather [hbm4b:s4+s16], $0x20, s13, s16, $0xb8;
	[tilespmem:$0x17000] =	vst v63  }
0x79: {  	_ =	swait.ge [sflag:s7], $0x1000  }
0x7a: {  	[sflag:s7] =	ssyncset.done $0x0  }
0x7b: {  	s12 =	simm.s32 $0x580;
	[sflag:s7] =	ssyncadd.s32 $0xFFFFF000  }
0x7c: {  	[tilespmem:s21], [sflag:$0x4] =	stream.indirect.gather [hbm4b:s4+s16], $0x20, s12, s16, $0xb8;
	[tilespmem:$0x17000] =	vst v63  }
0x7d: {  	_ =	swait.ge [sflag:s8], $0x1000  }
0x7e: {  	[sflag:s8] =	ssyncset.done $0x0  }
0x7f: {  	s13 =	simm.s32 $0x600;
	[sflag:s8] =	ssyncadd.s32 $0xFFFFF000  }
0x80: {  	[tilespmem:s23], [sflag:$0x5] =	stream.indirect.gather [hbm4b:s4+s16], $0x20, s13, s16, $0xb8;
	[tilespmem:$0x17000] =	vst v63  }
0x81: {  	_ =	swait.ge [sflag:s9], $0x1000  }
0x82: {  	[sflag:s9] =	ssyncset.done $0x0  }
0x83: {  	s12 =	simm.s32 $0x680;
	[sflag:s9] =	ssyncadd.s32 $0xFFFFF000  }
0x84: {  	[tilespmem:s25], [sflag:$0x6] =	stream.indirect.gather [hbm4b:s4+s16], $0x20, s12, s16, $0xb8;
	[tilespmem:$0x17000] =	vst v63  }
0x85: {  	_ =	swait.ge [sflag:s10], $0x1000  }
0x86: {  	[sflag:s10] =	ssyncset.done $0x0  }
0x87: {  	s13 =	simm.s32 $0x700;
	[sflag:s10] =	ssyncadd.s32 $0xFFFFF000  }
0x88: {  	[tilespmem:s28], [sflag:$0x7] =	stream.indirect.gather [hbm4b:s4+s16], $0x20, s13, s16, $0xb8;
	[tilespmem:$0x17000] =	vst v63  }
0x89: {  	_ =	swait.ge [sflag:s11], $0x1000  }
0x8a: {  	[sflag:s11] =	ssyncset.done $0x0  }
0x8b: {  	s5 =	simm.s32 $0x780;
	s13 =	simm.s32 $0x1000;
	[sflag:s11] =	ssyncadd.s32 $0xFFFFF000  }
.LBB2_4:
0x8c: {  	[tilespmem:s30], [sflag:$0x8] =	stream.indirect.gather [hbm4b:s4+s16], $0x20, s5, s16, $0xb8;
	[tilespmem:$0x17000] =	vst v63  }
0x8d: {  	s5 =	smov.u32 s13  }
0x8e: {  	p0 =	sne.s32 s13, $0x12000;
	s13 =	sadd.s32 $0x1000, s13;
	_ =	swait.ge [sflag:s0], $0x1000  }
0x8f: {  	s5 =	sshra.s32 s5, $0x2;
	[sflag:s0] =	ssyncset.done $0x0  }
0x90: {  	s12 =	sadd.s32 $0x5000, s5;
	[sflag:s0] =	ssyncadd.s32 $0xFFFFF000  }
0x91: {  	[spmem:s2] =	stream.indirect.scatter.add.bf16 [tilespmem:s31], [sflag:$0x9], $0x20, s12, s16, $0xb8;
	[tilespmem:$0x17000] =	vst v63  }
0x92: {  	_ =	swait.ge [sflag:s15], $0x1000  }
0x93: {  	[sflag:s15] =	ssyncset.done $0x0  }
0x94: {  	s12 =	sadd.s32 $0x5080, s5;
	[sflag:s15] =	ssyncadd.s32 $0xFFFFF000  }
0x95: {  	[spmem:s2] =	stream.indirect.scatter.add.bf16 [tilespmem:s17], [sflag:$0xA], $0x20, s12, s16, $0xb8;
	[tilespmem:$0x17000] =	vst v63  }
0x96: {  	_ =	swait.ge [sflag:s18], $0x1000  }
0x97: {  	[sflag:s18] =	ssyncset.done $0x0  }
0x98: {  	s12 =	sadd.s32 $0x5100, s5;
	[sflag:s18] =	ssyncadd.s32 $0xFFFFF000  }
0x99: {  	[spmem:s2] =	stream.indirect.scatter.add.bf16 [tilespmem:s19], [sflag:$0xB], $0x20, s12, s16, $0xb8;
	[tilespmem:$0x17000] =	vst v63  }
0x9a: {  	_ =	swait.ge [sflag:s20], $0x1000  }
0x9b: {  	[sflag:s20] =	ssyncset.done $0x0  }
0x9c: {  	s12 =	sadd.s32 $0x5180, s5;
	[sflag:s20] =	ssyncadd.s32 $0xFFFFF000  }
0x9d: {  	[spmem:s2] =	stream.indirect.scatter.add.bf16 [tilespmem:s21], [sflag:$0xC], $0x20, s12, s16, $0xb8;
	[tilespmem:$0x17000] =	vst v63  }
0x9e: {  	_ =	swait.ge [sflag:s22], $0x1000  }
0x9f: {  	[sflag:s22] =	ssyncset.done $0x0  }
0xa0: {  	s12 =	sadd.s32 $0x5200, s5;
	[sflag:s22] =	ssyncadd.s32 $0xFFFFF000  }
0xa1: {  	[spmem:s2] =	stream.indirect.scatter.add.bf16 [tilespmem:s23], [sflag:$0xD], $0x20, s12, s16, $0xb8;
	[tilespmem:$0x17000] =	vst v63  }
0xa2: {  	_ =	swait.ge [sflag:s24], $0x1000  }
0xa3: {  	[sflag:s24] =	ssyncset.done $0x0  }
0xa4: {  	s12 =	sadd.s32 $0x5280, s5;
	[sflag:s24] =	ssyncadd.s32 $0xFFFFF000  }
0xa5: {  	[spmem:s2] =	stream.indirect.scatter.add.bf16 [tilespmem:s25], [sflag:$0xE], $0x20, s12, s16, $0xb8;
	[tilespmem:$0x17000] =	vst v63  }
0xa6: {  	_ =	swait.ge [sflag:s26], $0x1000  }
0xa7: {  	[sflag:s26] =	ssyncset.done $0x0  }
0xa8: {  	s12 =	sadd.s32 $0x5300, s5;
	[sflag:s26] =	ssyncadd.s32 $0xFFFFF000  }
0xa9: {  	[spmem:s2] =	stream.indirect.scatter.add.bf16 [tilespmem:s28], [sflag:$0xF], $0x20, s12, s16, $0xb8;
	[tilespmem:$0x17000] =	vst v63  }
0xaa: {  	_ =	swait.ge [sflag:s29], $0x1000  }
0xab: {  	[sflag:s29] =	ssyncset.done $0x0  }
0xac: {  	s12 =	sadd.s32 $0x5380, s5;
	[sflag:s29] =	ssyncadd.s32 $0xFFFFF000  }
0xad: {  	[spmem:s2] =	stream.indirect.scatter.add.bf16 [tilespmem:s30], [sflag:$0x10], $0x20, s12, s16, $0xb8;
	[tilespmem:$0x17000] =	vst v63  }
0xae: {  	_ =	swait.ge [sflag:s1], $0x1000  }
0xaf: {  	[sflag:s1] =	ssyncset.done $0x0  }
0xb0: {  	s12 =	sadd.s32 $0x400, s5;
	[sflag:s1] =	ssyncadd.s32 $0xFFFFF000  }
0xb1: {  	[tilespmem:s31], [sflag:$0x1] =	stream.indirect.gather [hbm4b:s4+s16], $0x20, s12, s16, $0xb8;
	[tilespmem:$0x17000] =	vst v63  }
0xb2: {  	_ =	swait.ge [sflag:s3], $0x1000  }
0xb3: {  	[sflag:s3] =	ssyncset.done $0x0  }
0xb4: {  	s12 =	sadd.s32 $0x480, s5;
	[sflag:s3] =	ssyncadd.s32 $0xFFFFF000  }
0xb5: {  	[tilespmem:s17], [sflag:$0x2] =	stream.indirect.gather [hbm4b:s4+s16], $0x20, s12, s16, $0xb8;
	[tilespmem:$0x17000] =	vst v63  }
0xb6: {  	_ =	swait.ge [sflag:s6], $0x1000  }
0xb7: {  	[sflag:s6] =	ssyncset.done $0x0  }
0xb8: {  	s12 =	sadd.s32 $0x500, s5;
	[sflag:s6] =	ssyncadd.s32 $0xFFFFF000  }
0xb9: {  	[tilespmem:s19], [sflag:$0x3] =	stream.indirect.gather [hbm4b:s4+s16], $0x20, s12, s16, $0xb8;
	[tilespmem:$0x17000] =	vst v63  }
0xba: {  	_ =	swait.ge [sflag:s7], $0x1000  }
0xbb: {  	[sflag:s7] =	ssyncset.done $0x0  }
0xbc: {  	s12 =	sadd.s32 $0x580, s5;
	[sflag:s7] =	ssyncadd.s32 $0xFFFFF000  }
0xbd: {  	[tilespmem:s21], [sflag:$0x4] =	stream.indirect.gather [hbm4b:s4+s16], $0x20, s12, s16, $0xb8;
	[tilespmem:$0x17000] =	vst v63  }
0xbe: {  	_ =	swait.ge [sflag:s8], $0x1000  }
0xbf: {  	[sflag:s8] =	ssyncset.done $0x0  }
0xc0: {  	s12 =	sadd.s32 $0x600, s5;
	[sflag:s8] =	ssyncadd.s32 $0xFFFFF000  }
0xc1: {  	[tilespmem:s23], [sflag:$0x5] =	stream.indirect.gather [hbm4b:s4+s16], $0x20, s12, s16, $0xb8;
	[tilespmem:$0x17000] =	vst v63  }
0xc2: {  	_ =	swait.ge [sflag:s9], $0x1000  }
0xc3: {  	[sflag:s9] =	ssyncset.done $0x0  }
0xc4: {  	s12 =	sadd.s32 $0x680, s5;
	[sflag:s9] =	ssyncadd.s32 $0xFFFFF000  }
0xc5: {  	[tilespmem:s25], [sflag:$0x6] =	stream.indirect.gather [hbm4b:s4+s16], $0x20, s12, s16, $0xb8;
	[tilespmem:$0x17000] =	vst v63  }
0xc6: {  	_ =	swait.ge [sflag:s10], $0x1000  }
0xc7: {  	[sflag:s10] =	ssyncset.done $0x0  }
.Ltmp1:
0xc8: {  	s12 =	sadd.s32 $0x700, s5;
	[sflag:s10] =	ssyncadd.s32 $0xFFFFF000;
	(pc) =	sbr.rel @p0 .LBB2_4-.Ltmp1, $4  }
0xc9: {  	[tilespmem:s28], [sflag:$0x7] =	stream.indirect.gather [hbm4b:s4+s16], $0x20, s12, s16, $0xb8;
	[tilespmem:$0x17000] =	vst v63  }
0xca: {  	_ =	swait.ge [sflag:s11], $0x1000  }
0xcb: {  	[sflag:s11] =	ssyncset.done $0x0  }
0xcc: {  	s5 =	sadd.s32 $0x780, s5;
	[sflag:s11] =	ssyncadd.s32 $0xFFFFF000  }
0xcd: {  	[tilespmem:s30], [sflag:$0x8] =	stream.indirect.gather [hbm4b:s4+s16], $0x20, s5, s16, $0xb8;
	[tilespmem:$0x17000] =	vst v63  }
0xce: {  	_ =	swait.ge [sflag:s0], $0x1000  }
0xcf: {  	[sflag:s0] =	ssyncset.done $0x0  }
0xd0: {  	s13 =	simm.s32 $0x9C00;
	[sflag:s0] =	ssyncadd.s32 $0xFFFFF000  }
0xd1: {  	[spmem:s2] =	stream.indirect.scatter.add.bf16 [tilespmem:s31], [sflag:$0x9], $0x20, s13, s16, $0xb8;
	[tilespmem:$0x17000] =	vst v63  }
0xd2: {  	_ =	swait.ge [sflag:s15], $0x1000  }
0xd3: {  	[sflag:s15] =	ssyncset.done $0x0  }
0xd4: {  	s12 =	simm.s32 $0x9C80;
	[sflag:s15] =	ssyncadd.s32 $0xFFFFF000  }
0xd5: {  	[spmem:s2] =	stream.indirect.scatter.add.bf16 [tilespmem:s17], [sflag:$0xA], $0x20, s12, s16, $0xb8;
	[tilespmem:$0x17000] =	vst v63  }
0xd6: {  	_ =	swait.ge [sflag:s18], $0x1000  }
0xd7: {  	[sflag:s18] =	ssyncset.done $0x0  }
0xd8: {  	s13 =	simm.s32 $0x9D00;
	[sflag:s18] =	ssyncadd.s32 $0xFFFFF000  }
0xd9: {  	[spmem:s2] =	stream.indirect.scatter.add.bf16 [tilespmem:s19], [sflag:$0xB], $0x20, s13, s16, $0xb8;
	[tilespmem:$0x17000] =	vst v63  }
0xda: {  	_ =	swait.ge [sflag:s20], $0x1000  }
0xdb: {  	[sflag:s20] =	ssyncset.done $0x0  }
0xdc: {  	s12 =	simm.s32 $0x9D80;
	[sflag:s20] =	ssyncadd.s32 $0xFFFFF000  }
0xdd: {  	[spmem:s2] =	stream.indirect.scatter.add.bf16 [tilespmem:s21], [sflag:$0xC], $0x20, s12, s16, $0xb8;
	[tilespmem:$0x17000] =	vst v63  }
0xde: {  	_ =	swait.ge [sflag:s22], $0x1000  }
0xdf: {  	[sflag:s22] =	ssyncset.done $0x0  }
0xe0: {  	s13 =	simm.s32 $0x9E00;
	[sflag:s22] =	ssyncadd.s32 $0xFFFFF000  }
0xe1: {  	[spmem:s2] =	stream.indirect.scatter.add.bf16 [tilespmem:s23], [sflag:$0xD], $0x20, s13, s16, $0xb8;
	[tilespmem:$0x17000] =	vst v63  }
0xe2: {  	_ =	swait.ge [sflag:s24], $0x1000  }
0xe3: {  	[sflag:s24] =	ssyncset.done $0x0  }
0xe4: {  	s12 =	simm.s32 $0x9E80;
	[sflag:s24] =	ssyncadd.s32 $0xFFFFF000  }
0xe5: {  	[spmem:s2] =	stream.indirect.scatter.add.bf16 [tilespmem:s25], [sflag:$0xE], $0x20, s12, s16, $0xb8;
	[tilespmem:$0x17000] =	vst v63  }
0xe6: {  	_ =	swait.ge [sflag:s26], $0x1000  }
0xe7: {  	[sflag:s26] =	ssyncset.done $0x0  }
0xe8: {  	s13 =	simm.s32 $0x9F00;
	[sflag:s26] =	ssyncadd.s32 $0xFFFFF000  }
0xe9: {  	[spmem:s2] =	stream.indirect.scatter.add.bf16 [tilespmem:s28], [sflag:$0xF], $0x20, s13, s16, $0xb8;
	[tilespmem:$0x17000] =	vst v63  }
0xea: {  	_ =	swait.ge [sflag:s29], $0x1000  }
0xeb: {  	[sflag:s29] =	ssyncset.done $0x0  }
0xec: {  	s12 =	simm.s32 $0x9F80;
	[sflag:s29] =	ssyncadd.s32 $0xFFFFF000  }
0xed: {  	[spmem:s2] =	stream.indirect.scatter.add.bf16 [tilespmem:s30], [sflag:$0x10], $0x20, s12, s16, $0xb8;
	[tilespmem:$0x17000] =	vst v63  }
0xee: {  	_ =	swait.ge [sflag:s1], $0x1000  }
0xef: {  	[sflag:s1] =	ssyncset.done $0x0  }
0xf0: {  	[sflag:s1] =	ssyncadd.s32 $0xFFFFF000  }
0xf1: {  	_ =	swait.ge [sflag:s3], $0x1000  }
0xf2: {  	[sflag:s3] =	ssyncset.done $0x0  }
0xf3: {  	[sflag:s3] =	ssyncadd.s32 $0xFFFFF000  }
0xf4: {  	_ =	swait.ge [sflag:s6], $0x1000  }
0xf5: {  	[sflag:s6] =	ssyncset.done $0x0  }
0xf6: {  	[sflag:s6] =	ssyncadd.s32 $0xFFFFF000  }
0xf7: {  	_ =	swait.ge [sflag:s7], $0x1000  }
0xf8: {  	[sflag:s7] =	ssyncset.done $0x0  }
0xf9: {  	[sflag:s7] =	ssyncadd.s32 $0xFFFFF000  }
0xfa: {  	_ =	swait.ge [sflag:s8], $0x1000  }
0xfb: {  	[sflag:s8] =	ssyncset.done $0x0  }
0xfc: {  	[sflag:s8] =	ssyncadd.s32 $0xFFFFF000  }
0xfd: {  	_ =	swait.ge [sflag:s9], $0x1000  }
0xfe: {  	[sflag:s9] =	ssyncset.done $0x0  }
0xff: {  	[sflag:s9] =	ssyncadd.s32 $0xFFFFF000  }
0x100: {  	_ =	swait.ge [sflag:s10], $0x1000  }
0x101: {  	[sflag:s10] =	ssyncset.done $0x0  }
0x102: {  	[sflag:s10] =	ssyncadd.s32 $0xFFFFF000  }
0x103: {  	_ =	swait.ge [sflag:s11], $0x1000  }
0x104: {  	[sflag:s11] =	ssyncset.done $0x0  }
0x105: {  	[sflag:s11] =	ssyncadd.s32 $0xFFFFF000  }
0x106: {  	s13 =	stileid.u32;
	[bflag:$0x0] =	sbarrier.arrive $0xFFFF  }
0x107: {  	s5 =	sshll.u32 s13, $0x6;
	s12 =	rddreg [dreg:$0x4]  }
0x108: {  	s5 =	sor.u32 $0x1C11, s5;
	s13 =	rddreg [dreg:$0xb];
	s12 =	sshrl.u32 s12, $0x3  }
0x109: {  	[hbm:s13], [sflag:s5] =	dma.local [spmem:s12], $0xA00  }
0x10a: {  	_ =	swait.ge [sflag:s14], $0xA00  }
0x10b: {  	s5 =	rddreg [dreg:$0xd]  }
0x10c: {  	s13 =	rddreg [dreg:$0xc];
	s12 =	sadd.s32 $0x1, s5  }
0x10d: {  	p0 =	sne.s32 s12, s13  }
.Ltmp2:
0x10e: {  	_ = 	snop;
	(pc) =	sbr.rel @p0 .LBB2_1-.Ltmp2, $3  }
0x10f: {  	_ =	sdelay $0x1  }
0x110: {  	[sflag:s14] =	ssyncset.done $0x0  }
0x111: {  	[sflag:s14] =	ssyncadd.s32 $0xFFFFF600  }
0x112: {  	_ =	sfence.sel $0x180000  }
0x113: {  	[bflag:$0x0] =	sbarrier.arrive $0xFFFF  }
0x114: {  	_ =	strace $0x9000004A  }
0x115: {  	s0 =	stileid.u32;
	[bflag:$0x2] =	sbarrier.arrive $0xFFFF  }
0x116: {  	p0 =	sne.s32 s0, $0x0;
	s0 =	rddreg [dreg:$0x3]  }
0x117: {  	s0 =	sadd.s32 @!p0 $0x100000, s0  }
0x118: {  	[sflag:s0] =	ssyncadd.tile.s32 @!p0 $0x1;
	_ =	shalt  }
.Lfunc_end2:
_tile_overlayer_lowered:
.L_overlay_start_2:
0x119: {  	(tag) =	ssettag $0x2  }
0x11a: {  	s0 =	rddreg [dreg:$0x0];
	s2 =	stileid.u32  }
0x11b: {  	s1 =	rddreg [dreg:$0x1];
	p0 =	sne.s32 s2, $0x0  }
0x11c: {  	s3 =	rddreg [dreg:$0x2];
	[bflag:$0x3] =	sbarrier.arrive $0xFFFF;
	s2 =	simm.s32 @!p0 $0x1C11  }
0x11d: {  	[timem:s3], [sflag:s2] =	dma.local @!p0 [hbm:s0], s1  }
0x11e: {  	s0 =	simm.s32 @!p0 $0x11  }
0x11f: {  	_ =	swait.ge @!p0 [sflag:s0], s1  }
0x120: {  	s1 =	ssub.s32 @!p0 $0x0, s1;
	[sflag:s0] =	ssyncset.done @!p0 $0x0  }
0x121: {  	[sflag:s0] =	ssyncadd.s32 @!p0 s1  }
0x122: {  	[bflag:$0x3] =	sbarrier.arrive $0xFFFF  }
0x123: {  	_ =	shalt  }

// kernel: kernel.17.cloned.1.call-start
scs
__scs_entry_jumppad:
0x0: {  	(pc) =	sbr.rel $0x88, $3  }
0x1: {  	(tag) =	ssettag $0x0;
	lr =	simm.s32 $0x1  }
0x2: {  	[smem:$0x3F9A] =	sst lr;
	_ =	strace $0xD0000000  }
0x3: {  	_ = 	snop  }
0x4: {  	_ = 	snop  }
0x5: {  	_ = 	snop  }
0x6: {  	_ = 	snop  }
0x7: {  	_ = 	snop  }
__scs_overlays_trampoline_lowered:
0x8: {  	[smem:$0x3FA9] =	sst s0  }
0x9: {  	[smem:$0x3FAA] =	sst s1  }
0xa: {  	[smem:$0x3FAB] =	sst s2  }
0xb: {  	[smem:$0x3FAC] =	sst s3  }
0xc: {  	[smem:$0x3FAD] =	sst s4  }
0xd: {  	[smem:$0x3FAE] =	sst s5  }
0xe: {  	[smem:$0x3FAF] =	sst s6  }
0xf: {  	[smem:$0x3FB0] =	sst s7  }
0x10: {  	[smem:$0x3FB1] =	sst s8  }
0x11: {  	[smem:$0x3FB2] =	sst s9;
	s0 =	simm.s32 @!p0 $0x0  }
0x12: {  	s1 =	sld [smem:$0x3F98];
	s0 =	simm.s32 @p0 $0x1  }
0x13: {  	[smem:$0x3FB3] =	sst s0;
	s0 =	simm.s32 @!p1 $0x0  }
0x14: {  	s2 =	sld [smem:$0x3F97];
	s0 =	simm.s32 @p1 $0x1  }
0x15: {  	[smem:$0x3FB4] =	sst s0;
	s0 =	simm.s32 @!p2 $0x0  }
0x16: {  	s3 =	sld [smem:$0x3FDB];
	s0 =	simm.s32 @p2 $0x1  }
0x17: {  	s4 =	simm.s32 $0x1BF5;
	[smem:$0x3FB6] =	sst s0  }
0x18: {  	s0 =	sld [smem:$0x3F99];
	_ =	swait.ge [sflag:s4], $0x0  }
0x19: {  	s7 =	sld [smem:$0x3F9A]  }
0x1a: {  	s8 =	sadd.s32 $0xFFFFE003, lr  }
0x1b: {  	s9 =	sadd.s32 $0xFFFFFEF7, lr;
	s5 =	simm.s32 $0xFFFFFFFF;
	p2 =	slt.u32 s8, $0xFFFFF086  }
0x1c: {  	p1 =	slt.u32 s9, $0xF7A;
	s5 =	simm.s32 @!p2 $0x0  }
0x1d: {  	s5 =	simm.s32 @p1 $0x1;
	p0 =	seq.s32 s7, s2  }
0x1e: {  	s7 =	smul.u32 @!p0 $0xF7A, s2;
	p2 =	seq.s32 @!p0 s5, $0x0  }
0x1f: {  	s9 =	smul.u32 $0xF7A, s1;
	s8 =	simm.s32 @!p0 $0x1BF5;
	p2 =	por !p2, p0  }
0x20: {  	[sflag:s8] =	ssyncset.s32 @!p0 $0xFFFFF086;
	s6 =	sadd.s32 @!p0 s3, s7;
	s7 =	simm.s32 @!p0 $0x108  }
0x21: {  	s3 =	sadd.s32 s3, s9;
	s6 =	sadd.s32 @!p0 $0x88, s6;
	s7 =	simm.s32 @p2 $0x1082  }
0x22: {  	[simem:s7], [sflag:s8] =	dma.local @!p0 [hbm:s6], $0xF7A  }
0x23: {  	s9 =	sor.u32 $0xD0000000, s2;
	s6 =	simm.s32 $0x108;
	_ =	swait.ge @!p0 [sflag:s8], $0x0  }
0x24: {  	s3 =	sadd.s32 $0x88, s3;
	s6 =	simm.s32 @!p1 $0x1082;
	[sflag:s4] =	ssyncset.s32 $0xFFFFF086  }
0x25: {  	[simem:s6], [sflag:s4] =	dma.local [hbm:s3], $0xF7A  }
0x26: {  	[smem:$0x3F9A] =	sst s1;
	(tag) =	ssettag s2;
	_ =	strace s9  }
0x27: {  	s1 =	sld [smem:$0x3FAA]  }
0x28: {  	s2 =	sld [smem:$0x3FAB]  }
0x29: {  	s4 =	sld [smem:$0x3FAD]  }
0x2a: {  	p0 =	seq.s32 s5, $0x0;
	s5 =	sld [smem:$0x3FAE]  }
0x2b: {  	s6 =	sld [smem:$0x3FAF]  }
0x2c: {  	s7 =	sld [smem:$0x3FB0]  }
0x2d: {  	s3 =	simm.s32 $0x108;
	s8 =	sld [smem:$0x3FB1]  }
0x2e: {  	s3 =	simm.s32 @!p0 $0x1082;
	s9 =	sld [smem:$0x3FB2]  }
0x2f: {  	lr =	sadd.s32 s0, s3;
	s0 =	sld [smem:$0x3FA9]  }
0x30: {  	s3 =	sld [smem:$0x3FAC]  }
0x31: {  	[smem:$0x3FB5] =	sst s10  }
0x32: {  	s10 =	sld [smem:$0x3FB3];
	_ =	sdelay $0x3  }
0x33: {  	p0 =	seq.s32 s10, $0x1;
	s10 =	sld [smem:$0x3FB5];
	_ =	sdelay $0x3  }
0x34: {  	[smem:$0x3FB5] =	sst s10  }
0x35: {  	s10 =	sld [smem:$0x3FB4];
	_ =	sdelay $0x3  }
0x36: {  	p1 =	seq.s32 s10, $0x1;
	s10 =	sld [smem:$0x3FB5];
	_ =	sdelay $0x3  }
0x37: {  	[smem:$0x3FB5] =	sst s10  }
0x38: {  	s10 =	sld [smem:$0x3FB6]  }
0x39: {  	_ = 	snop;
	(pc) =	sbr.ind lr, $3  }
0x3a: {  	_ = 	snop  }
0x3b: {  	_ = 	snop  }
0x3c: {  	p2 =	seq.s32 s10, $0x1;
	s10 =	sld [smem:$0x3FB5]  }
0x3d: {  	_ =	shalt  }
0x3e: {  	_ =	shalt  }
0x3f: {  	_ =	shalt  }
0x40: {  	_ =	shalt  }
0x41: {  	_ =	shalt  }
0x42: {  	_ =	shalt  }
0x43: {  	_ =	shalt  }
0x44: {  	_ =	shalt  }
0x45: {  	_ =	shalt  }
0x46: {  	_ =	shalt  }
0x47: {  	_ =	shalt  }
0x48: {  	_ =	shalt  }
0x49: {  	_ =	shalt  }
0x4a: {  	_ =	shalt  }
0x4b: {  	_ =	shalt  }
0x4c: {  	_ =	shalt  }
0x4d: {  	_ =	shalt  }
0x4e: {  	_ =	shalt  }
0x4f: {  	_ =	shalt  }
0x50: {  	_ =	shalt  }
0x51: {  	_ =	shalt  }
0x52: {  	_ =	shalt  }
0x53: {  	_ =	shalt  }
0x54: {  	_ =	shalt  }
0x55: {  	_ =	shalt  }
0x56: {  	_ =	shalt  }
0x57: {  	_ =	shalt  }
0x58: {  	_ =	shalt  }
0x59: {  	_ =	shalt  }
0x5a: {  	_ =	shalt  }
0x5b: {  	_ =	shalt  }
0x5c: {  	_ =	shalt  }
0x5d: {  	_ =	shalt  }
0x5e: {  	_ =	shalt  }
0x5f: {  	_ =	shalt  }
0x60: {  	_ =	shalt  }
0x61: {  	_ =	shalt  }
0x62: {  	_ =	shalt  }
0x63: {  	_ =	shalt  }
0x64: {  	_ =	shalt  }
0x65: {  	_ =	shalt  }
0x66: {  	_ =	shalt  }
0x67: {  	_ =	shalt  }
0x68: {  	_ =	shalt  }
0x69: {  	_ =	shalt  }
0x6a: {  	_ =	shalt  }
0x6b: {  	_ =	shalt  }
0x6c: {  	_ =	shalt  }
0x6d: {  	_ =	shalt  }
0x6e: {  	_ =	shalt  }
0x6f: {  	_ =	shalt  }
0x70: {  	_ =	shalt  }
0x71: {  	_ =	shalt  }
0x72: {  	_ =	shalt  }
0x73: {  	_ =	shalt  }
0x74: {  	_ =	shalt  }
0x75: {  	_ =	shalt  }
0x76: {  	_ =	shalt  }
0x77: {  	_ =	shalt  }
0x78: {  	_ =	shalt  }
0x79: {  	_ =	shalt  }
0x7a: {  	_ =	shalt  }
0x7b: {  	_ =	shalt  }
0x7c: {  	_ =	shalt  }
0x7d: {  	_ =	shalt  }
0x7e: {  	_ =	shalt  }
0x7f: {  	_ =	shalt  }
0x80: {  	_ =	shalt  }
0x81: {  	_ =	shalt  }
0x82: {  	_ =	shalt  }
0x83: {  	_ =	shalt  }
0x84: {  	_ =	shalt  }
0x85: {  	_ =	shalt  }
0x86: {  	_ =	shalt  }
0x87: {  	_ =	shalt  }
.Lfunc_end0:
.L_simem_size_0:
called_computation.2_lowered:
.L_overlay_start_0:
0x88: {  	s2 =	sld [smem:$0x3FD9]  }
0x89: {  	s3 =	sld [smem:$0x3FFE];
	_ =	sdelay $0x1  }
0x8a: {  	s1 =	srdreg.scid  }
0x8b: {  	s0 =	sand.u32 $0x1, s1  }
0x8c: {  	s17 =	sshll.u32 s0, $0xA;
	s2 =	sadd.s32 s3, s2  }
0x8d: {  	s2 =	sadd.s32 s2, s17  }
0x8e: {  	[smem:$0x3FC1] =	sst s2  }
0x8f: {  	_ = 	snop  }
0x90: {  	s2 =	sld [smem:$0x3FD0];
	(tm) =	ssettm $0x1  }
0x91: {  	s18 =	sld [smem:$0x3FFB];
	_ =	sdelay $0x3  }
0x92: {  	_ =	strace s18  }
0x93: {  	s3 =	sld [smem:$0x3FFC];
	_ =	sdelay $0x3  }
0x94: {  	_ =	strace s3  }
0x95: {  	s3 =	sld [smem:$0x3FFD];
	_ =	sdelay $0x3  }
0x96: {  	_ =	strace s3  }
0x97: {  	_ =	strace $0x8FFFFFFF  }
0x98: {  	s19 =	sld [smem:$0x3FDB];
	_ =	sdelay $0x1  }
0x99: {  	s4 =	simm.s32 $_scs_section_size  }
0x9a: {  	s5 =	simm.s32 $_size__tile_overlayer_lowered;
	s6 =	simm.s32 $_tile_overlayer_lowered  }
0x9b: {  	s22 =	simm.s32 $0x1BFF;
	s21 =	sshll.u32 s6, $0x1;
	s3 =	sadd.s32 s4, s19  }
0x9c: {  	s7 =	simm.s32 $0x0;
	s20 =	sshll.u32 s5, $0x1;
	s5 =	sadd.s32 s21, s3  }
0x9d: {  	[timem:s7], [sflag:s22] =	dma.local [hbm:s5], s20  }
0x9e: {  	_ =	swait.ge [sflag:s22], s20  }
0x9f: {  	s4 =	ssub.s32 $0x0, s20;
	[sflag:s22] =	ssyncset.done $0x0  }
0xa0: {  	[sflag:s22] =	ssyncadd.s32 s4;
	_ =	sdelay $0x1  }
0xa1: {  	s23 =	simm.s32 $0x1B8B  }
0xa2: {  	_ =	swait.ge [sflag:s23], $0x1  }
0xa3: {  	[sflag:s23] =	ssyncset.done $0x0  }
0xa4: {  	s25 =	simm.s32 $0x1B8E;
	s24 =	sld [smem:$0x3FFE];
	[sflag:s23] =	ssyncadd.s32 $0xFFFFFFFF  }
0xa5: {  	s26 =	simm.s32 $execute0_lowered;
	[smem:$0x3FD2] =	sst s25  }
0xa6: {  	s5 =	sshll.u32 s26, $0x1;
	_ =	strace $0x8000004C;
	[dreg:$0x1] =	wrdreg $0xFFFFFFFF  }
0xa7: {  	s28 =	simm.s32 $_size_execute0_lowered;
	s3 =	sadd.s32 s3, s5;
	[dreg:$0x0] =	wrdreg $0x0  }
0xa8: {  	s5 =	sshll.u32 s28, $0x1;
	[dreg:$0x2] =	wrdreg s3  }
0xa9: {  	[dreg:$0x3] =	wrdreg s5  }
0xaa: {  	[dreg:$0x4] =	wrdreg $0xC0  }
0xab: {  	_ =	task [dreg:s7], $0x5FFFF  }
0xac: {  	[dreg:$0x1] =	wrdreg $0xFFFFFFFF  }
0xad: {  	[dreg:$0x0] =	wrdreg $0x60  }
0xae: {  	[dreg:$0x2] =	wrdreg s24  }
0xaf: {  	[dreg:$0x3] =	wrdreg s2  }
0xb0: {  	[dreg:$0x4] =	wrdreg $0x50000  }
0xb1: {  	[dreg:$0x5] =	wrdreg $0x9  }
0xb2: {  	_ =	task.clear_ibuf [dreg:s7], $0x6FFFF;
	_ =	strace $0x9000004C  }
0xb3: {  	s29 =	simm.s32 $0x9;
	_ =	strace $0x8000004E  }
0xb4: {  	_ =	swait.ge [sflag:s29], $0x1  }
0xb5: {  	[sflag:s29] =	ssyncadd.s32 $0xFFFFFFFF  }
0xb6: {  	_ =	strace $0x9000004E  }
0xb7: {  	_ =	sfence  }
0xb8: {  	s30 =	sld [smem:$0x0];
	_ =	sdelay $0x2  }
0xb9: {  	s31 =	sshll.u32 s1, $0xD;
	s1 =	sshrl.u32 s1, $0x2  }
0xba: {  	s3 =	sand.u32 $0x4000, s31;
	s1 =	sadd.s32 s1, s30  }
0xbb: {  	s0 =	sor.u32 s3, s0;
	s1 =	sshll.u32 s1, $0x11  }
0xbc: {  	s0 =	sor.u32 s1, s0  }
0xbd: {  	s0 =	sadd.s32 $0x8F2B, s0  }
0xbe: {  	[sflag:s0] =	ssyncadd.remote.s32 $0x1  }
0xbf: {  	_ =	sfence.sel $0xFFFF  }
0xc0: {  	[dreg:$0x0] =	wrdreg $0xFFFFFFFF;
	(pc) =	sbr.abs _section_cstart, $3  }
0xc1: {  	[dreg:$0x1] =	wrdreg $0xFFFFFFFF  }
0xc2: {  	_ =	task.clear_ibuf [dreg:s7], $0x2FFFF;
	_ =	strace $0x9FFFFFFF  }
0xc3: {  	(tm) =	ssettm $0x7FFFFFFF  }
tec
execute0_lowered:
.L_overlay_start_1:
0x0: {  	(tag) =	ssettag $0x1  }
0x1: {  	s0 =	rddreg [dreg:$0x0]  }
0x2: {  	s3 =	rddreg [dreg:$0x1]  }
0x3: {  	s1 =	srdreg.scid;
	s2 =	rddreg [dreg:$0x2]  }
0x4: {  	s8 =	stileid.u32;
	s5 =	simm.s32 $0x0;
	s14 =	simm.s32 $0x11  }
0x5: {  	s16 =	simm.s32 $0x80;
	s17 =	simm.s32 $0xB000;
	s28 =	simm.s32 $0x10000  }
0x6: {  	s30 =	simm.s32 $0x11000;
	s31 =	simm.s32 $0xA000;
	s15 =	simm.s32 $0x2  }
0x7: {  	s29 =	simm.s32 $0x8;
	s9 =	simm.s32 $0xE;
	s10 =	simm.s32 $0xF  }
0x8: {  	s11 =	simm.s32 $0x10;
	s12 =	simm.s32 $0x0;
	s1 =	sand.u32 $0x1, s1  }
0x9: {  	[smem:$0x7FF] =	sst s5;
	s6 =	smul.u32 $0x14000, s8;
	s4 =	sshll.u32 s1, $0x4  }
0xa: {  	_ =	strace $0x8000004D;
	s19 =	ssub.s32 $0x2, s1;
	s1 =	smul.u32 $0xA000, s1  }
0xb: {  	s4 =	sor.u32 s8, s4;
	s7 =	sshrl.u32 s19, $0x1;
	s8 =	smul.u32 $0xA00, s8  }
0xc: {  	s6 =	sshrl.u32 s6, $0x2;
	s18 =	smul.u32 $0x500, s4;
	s4 =	sadd.s32 $0x2200, s0  }
0xd: {  	s5 =	ssub.s32 s19, s7;
	s6 =	sadd.s32 s6, s2;
	s19 =	simm.s32 $0xC000  }
0xe: {  	s7 =	simm.s32 $0xC;
	s21 =	sadd.s32 $0x1000, s6;
	[dreg:$0x4] =	wrdreg s6  }
0xf: {  	s22 =	sadd.s32 $0x2000, s6;
	s23 =	sadd.s32 $0x3000, s6;
	[dreg:$0x7] =	wrdreg s21  }
0x10: {  	s24 =	sadd.s32 s8, s1;
	s25 =	sadd.s32 $0x4000, s6;
	[dreg:$0x8] =	wrdreg s22  }
0x11: {  	s26 =	smax.u32 s5, $0x1;
	s1 =	simm.s32 $0x9;
	[dreg:$0x9] =	wrdreg s23  }
0x12: {  	s6 =	simm.s32 $0xB;
	s8 =	simm.s32 $0xD;
	[dreg:$0xa] =	wrdreg s25  }
0x13: {  	s0 =	sadd.s32 s18, s0;
	[dreg:$0xc] =	wrdreg s26;
	s21 =	simm.s32 $0xD000  }
0x14: {  	s23 =	simm.s32 $0xE000;
	s25 =	simm.s32 $0xF000;
	s20 =	sadd.s32 $0x3DC00, s0  }
0x15: {  	s18 =	simm.s32 $0x3;
	s0 =	sadd.s32 $0x47C00, s0;
	[dreg:$0x5] =	wrdreg s20  }
0x16: {  	s22 =	simm.s32 $0x5;
	s26 =	simm.s32 $0x7;
	[dreg:$0x6] =	wrdreg s0  }
0x17: {  	s0 =	sadd.s32 s3, s24;
	s20 =	simm.s32 $0x4;
	s24 =	simm.s32 $0x6  }
0x18: {  	v0 =	vimm.bf16 $0.0e+00;
	s3 =	simm.s32 $0xA;
	[dreg:$0xb] =	wrdreg s0;
	s0 =	simm.s32 $0x1  }
.LBB2_1:
0x19: {  	[dreg:$0xd] =	wrdreg s12  }
0x1a: {  	s5 =	simm.s32 $0x0;
	s13 =	rddreg [dreg:$0x5]  }
0x1b: {  	[tilespmem:s5], [sflag:$0x11] =	stream.linear.gather [hbm4b:s13+s5], $0x2800, $0x38;
	[tilespmem:$0x12000] =	vst v63  }
0x1c: {  	_ =	swait.ge [sflag:s14], $0x2800  }
0x1d: {  	[sflag:s14] =	ssyncset.done $0x0  }
0x1e: {  	s13 =	simm.s32 $0x2800;
	s12 =	rddreg [dreg:$0x6];
	[sflag:s14] =	ssyncadd.s32 $0xFFFFD800  }
0x1f: {  	[tilespmem:s13], [sflag:$0x11] =	stream.linear.gather [hbm4b:s12+s5], $0x2800, $0x38;
	[tilespmem:$0x12000] =	vst v63  }
0x20: {  	_ =	swait.ge [sflag:s14], $0x2800  }
0x21: {  	[sflag:s14] =	ssyncset.done $0x0  }
0x22: {  	[sflag:s14] =	ssyncadd.s32 $0xFFFFD800  }
0x23: {  	[tilespmem:s17], [sflag:$0x2] =	stream.indirect.gather [hbm4b:s4+s16], $0x20, s16, s16, $0xb8;
	[tilespmem:$0x12000] =	vst v63  }
0x24: {  	s12 =	simm.s32 $0x100  }
0x25: {  	[tilespmem:s19], [sflag:$0x3] =	stream.indirect.gather [hbm4b:s4+s16], $0x20, s12, s16, $0xb8;
	[tilespmem:$0x12000] =	vst v63  }
0x26: {  	s13 =	simm.s32 $0x180  }
0x27: {  	[tilespmem:s21], [sflag:$0x4] =	stream.indirect.gather [hbm4b:s4+s16], $0x20, s13, s16, $0xb8;
	[tilespmem:$0x12000] =	vst v63  }
0x28: {  	s12 =	simm.s32 $0x200  }
0x29: {  	[tilespmem:s23], [sflag:$0x5] =	stream.indirect.gather [hbm4b:s4+s16], $0x20, s12, s16, $0xb8;
	[tilespmem:$0x12000] =	vst v63  }
0x2a: {  	s13 =	simm.s32 $0x280  }
0x2b: {  	[tilespmem:s25], [sflag:$0x6] =	stream.indirect.gather [hbm4b:s4+s16], $0x20, s13, s16, $0xb8;
	[tilespmem:$0x12000] =	vst v63  }
0x2c: {  	s12 =	simm.s32 $0x300  }
0x2d: {  	[tilespmem:s28], [sflag:$0x7] =	stream.indirect.gather [hbm4b:s4+s16], $0x20, s12, s16, $0xb8;
	[tilespmem:$0x12000] =	vst v63  }
0x2e: {  	s13 =	simm.s32 $0x380  }
0x2f: {  	[tilespmem:s30], [sflag:$0x8] =	stream.indirect.gather [hbm4b:s4+s16], $0x20, s13, s16, $0xb8;
	[tilespmem:$0x12000] =	vst v63  }
0x30: {  	s5 =	simm.s32 $0x80;
	s13 =	simm.s32 $0x0  }
.LBB2_2:
0x31: {  	p0 =	sne.s32 s5, $0x3F80;
	[tilespmem:s13+$0xA000] =	vst v0;
	s12 =	smov.u32 s5;
	s5 =	sadd.s32 $0x80, s5  }
.Ltmp0:
0x32: {  	[tilespmem:s13+$0xA010] =	vst v0;
	(pc) =	sbr.rel @p0 .LBB2_2-.Ltmp0, $2  }
0x33: {  	_ =	sdelay $0x2  }
0x34: {  	s13 =	sshra.s32 s12, $0x2  }
0x35: {  	[tilespmem:s13+$0xA000] =	vst v0  }
0x36: {  	[tilespmem:s13+$0xA010] =	vst v0;
	s5 =	rddreg [dreg:$0x4]  }
0x37: {  	[spmem:s5] =	stream.linear.scatter [tilespmem:s31], [sflag:$0x11], $0x1000, $0x38;
	[tilespmem:$0x12000] =	vst v63  }
0x38: {  	_ =	swait.ge [sflag:s14], $0x1000  }
0x39: {  	[sflag:s14] =	ssyncset.done $0x0  }
0x3a: {  	s12 =	rddreg [dreg:$0x7];
	[sflag:s14] =	ssyncadd.s32 $0xFFFFF000  }
0x3b: {  	[spmem:s12] =	stream.linear.scatter [tilespmem:s31], [sflag:$0x11], $0x1000, $0x38;
	[tilespmem:$0x12000] =	vst v63  }
0x3c: {  	_ =	swait.ge [sflag:s14], $0x1000  }
0x3d: {  	[sflag:s14] =	ssyncset.done $0x0  }
0x3e: {  	s13 =	rddreg [dreg:$0x8];
	[sflag:s14] =	ssyncadd.s32 $0xFFFFF000  }
0x3f: {  	[spmem:s13] =	stream.linear.scatter [tilespmem:s31], [sflag:$0x11], $0x1000, $0x38;
	[tilespmem:$0x12000] =	vst v63  }
0x40: {  	_ =	swait.ge [sflag:s14], $0x1000  }
0x41: {  	[sflag:s14] =	ssyncset.done $0x0  }
0x42: {  	s12 =	rddreg [dreg:$0x9];
	[sflag:s14] =	ssyncadd.s32 $0xFFFFF000  }
0x43: {  	[spmem:s12] =	stream.linear.scatter [tilespmem:s31], [sflag:$0x11], $0x1000, $0x38;
	[tilespmem:$0x12000] =	vst v63  }
0x44: {  	_ =	swait.ge [sflag:s14], $0x1000  }
0x45: {  	[sflag:s14] =	ssyncset.done $0x0  }
0x46: {  	s13 =	rddreg [dreg:$0xa];
	[sflag:s14] =	ssyncadd.s32 $0xFFFFF000  }
0x47: {  	[spmem:s13] =	stream.linear.scatter [tilespmem:s31], [sflag:$0x11], $0x1000, $0x38;
	[tilespmem:$0x12000] =	vst v63  }
0x48: {  	_ =	swait.ge [sflag:s14], $0x1000  }
0x49: {  	[sflag:s14] =	ssyncset.done $0x0  }
0x4a: {  	s12 =	simm.s32 $0x0;
	[sflag:s14] =	ssyncadd.s32 $0xFFFFF000  }
0x4b: {  	[tilespmem:s31], [sflag:$0x1] =	stream.indirect.gather [hbm4b:s4+s16], $0x20, s12, s16, $0xb8;
	[tilespmem:$0x12000] =	vst v63  }
0x4c: {  	[bflag:$0x0] =	sbarrier.arrive $0xFFFF  }
0x4d: {  	_ =	swait.ge [sflag:s0], $0x1000  }
0x4e: {  	[sflag:s0] =	ssyncset.done $0x0  }
0x4f: {  	s13 =	simm.s32 $0x2800;
	[sflag:s0] =	ssyncadd.s32 $0xFFFFF000  }
0x50: {  	[spmem:s2] =	stream.indirect.scatter.add.bf16 [tilespmem:s31], [sflag:$0x9], $0x20, s13, s16, $0xb8;
	[tilespmem:$0x12000] =	vst v63  }
0x51: {  	_ =	swait.ge [sflag:s15], $0x1000  }
0x52: {  	[sflag:s15] =	ssyncset.done $0x0  }
0x53: {  	s12 =	simm.s32 $0x2880;
	[sflag:s15] =	ssyncadd.s32 $0xFFFFF000  }
0x54: {  	[spmem:s2] =	stream.indirect.scatter.add.bf16 [tilespmem:s17], [sflag:$0xA], $0x20, s12, s16, $0xb8;
	[tilespmem:$0x12000] =	vst v63  }
0x55: {  	_ =	swait.ge [sflag:s18], $0x1000  }
0x56: {  	[sflag:s18] =	ssyncset.done $0x0  }
0x57: {  	s13 =	simm.s32 $0x2900;
	[sflag:s18] =	ssyncadd.s32 $0xFFFFF000  }
0x58: {  	[spmem:s2] =	stream.indirect.scatter.add.bf16 [tilespmem:s19], [sflag:$0xB], $0x20, s13, s16, $0xb8;
	[tilespmem:$0x12000] =	vst v63  }
0x59: {  	_ =	swait.ge [sflag:s20], $0x1000  }
0x5a: {  	[sflag:s20] =	ssyncset.done $0x0  }
0x5b: {  	s12 =	simm.s32 $0x2980;
	[sflag:s20] =	ssyncadd.s32 $0xFFFFF000  }
0x5c: {  	[spmem:s2] =	stream.indirect.scatter.add.bf16 [tilespmem:s21], [sflag:$0xC], $0x20, s12, s16, $0xb8;
	[tilespmem:$0x12000] =	vst v63  }
0x5d: {  	_ =	swait.ge [sflag:s22], $0x1000  }
0x5e: {  	[sflag:s22] =	ssyncset.done $0x0  }
0x5f: {  	s13 =	simm.s32 $0x2A00;
	[sflag:s22] =	ssyncadd.s32 $0xFFFFF000  }
0x60: {  	[spmem:s2] =	stream.indirect.scatter.add.bf16 [tilespmem:s23], [sflag:$0xD], $0x20, s13, s16, $0xb8;
	[tilespmem:$0x12000] =	vst v63  }
0x61: {  	_ =	swait.ge [sflag:s24], $0x1000  }
0x62: {  	[sflag:s24] =	ssyncset.done $0x0  }
0x63: {  	s12 =	simm.s32 $0x2A80;
	[sflag:s24] =	ssyncadd.s32 $0xFFFFF000  }
0x64: {  	[spmem:s2] =	stream.indirect.scatter.add.bf16 [tilespmem:s25], [sflag:$0xE], $0x20, s12, s16, $0xb8;
	[tilespmem:$0x12000] =	vst v63  }
0x65: {  	_ =	swait.ge [sflag:s26], $0x1000  }
0x66: {  	[sflag:s26] =	ssyncset.done $0x0  }
0x67: {  	s13 =	simm.s32 $0x2B00;
	[sflag:s26] =	ssyncadd.s32 $0xFFFFF000  }
0x68: {  	[spmem:s2] =	stream.indirect.scatter.add.bf16 [tilespmem:s28], [sflag:$0xF], $0x20, s13, s16, $0xb8;
	[tilespmem:$0x12000] =	vst v63  }
0x69: {  	_ =	swait.ge [sflag:s29], $0x1000  }
0x6a: {  	[sflag:s29] =	ssyncset.done $0x0  }
0x6b: {  	s12 =	simm.s32 $0x2B80;
	[sflag:s29] =	ssyncadd.s32 $0xFFFFF000  }
0x6c: {  	[spmem:s2] =	stream.indirect.scatter.add.bf16 [tilespmem:s30], [sflag:$0x10], $0x20, s12, s16, $0xb8;
	[tilespmem:$0x12000] =	vst v63  }
0x6d: {  	_ =	swait.ge [sflag:s1], $0x1000  }
0x6e: {  	[sflag:s1] =	ssyncset.done $0x0  }
0x6f: {  	s13 =	simm.s32 $0x400;
	[sflag:s1] =	ssyncadd.s32 $0xFFFFF000  }
0x70: {  	[tilespmem:s31], [sflag:$0x1] =	stream.indirect.gather [hbm4b:s4+s16], $0x20, s13, s16, $0xb8;
	[tilespmem:$0x12000] =	vst v63  }
0x71: {  	_ =	swait.ge [sflag:s3], $0x1000  }
0x72: {  	[sflag:s3] =	ssyncset.done $0x0  }
0x73: {  	s12 =	simm.s32 $0x480;
	[sflag:s3] =	ssyncadd.s32 $0xFFFFF000  }
0x74: {  	[tilespmem:s17], [sflag:$0x2] =	stream.indirect.gather [hbm4b:s4+s16], $0x20, s12, s16, $0xb8;
	[tilespmem:$0x12000] =	vst v63  }
0x75: {  	_ =	swait.ge [sflag:s6], $0x1000  }
0x76: {  	[sflag:s6] =	ssyncset.done $0x0  }
0x77: {  	s13 =	simm.s32 $0x500;
	[sflag:s6] =	ssyncadd.s32 $0xFFFFF000  }
0x78: {  	[tilespmem:s19], [sflag:$0x3] =	stream.indirect.gather [hbm4b:s4+s16], $0x20, s13, s16, $0xb8;
	[tilespmem:$0x12000] =	vst v63  }
0x79: {  	_ =	swait.ge [sflag:s7], $0x1000  }
0x7a: {  	[sflag:s7] =	ssyncset.done $0x0  }
0x7b: {  	s12 =	simm.s32 $0x580;
	[sflag:s7] =	ssyncadd.s32 $0xFFFFF000  }
0x7c: {  	[tilespmem:s21], [sflag:$0x4] =	stream.indirect.gather [hbm4b:s4+s16], $0x20, s12, s16, $0xb8;
	[tilespmem:$0x12000] =	vst v63  }
0x7d: {  	_ =	swait.ge [sflag:s8], $0x1000  }
0x7e: {  	[sflag:s8] =	ssyncset.done $0x0  }
0x7f: {  	s13 =	simm.s32 $0x600;
	[sflag:s8] =	ssyncadd.s32 $0xFFFFF000  }
0x80: {  	[tilespmem:s23], [sflag:$0x5] =	stream.indirect.gather [hbm4b:s4+s16], $0x20, s13, s16, $0xb8;
	[tilespmem:$0x12000] =	vst v63  }
0x81: {  	_ =	swait.ge [sflag:s9], $0x1000  }
0x82: {  	[sflag:s9] =	ssyncset.done $0x0  }
0x83: {  	s12 =	simm.s32 $0x680;
	[sflag:s9] =	ssyncadd.s32 $0xFFFFF000  }
0x84: {  	[tilespmem:s25], [sflag:$0x6] =	stream.indirect.gather [hbm4b:s4+s16], $0x20, s12, s16, $0xb8;
	[tilespmem:$0x12000] =	vst v63  }
0x85: {  	_ =	swait.ge [sflag:s10], $0x1000  }
0x86: {  	[sflag:s10] =	ssyncset.done $0x0  }
0x87: {  	s13 =	simm.s32 $0x700;
	[sflag:s10] =	ssyncadd.s32 $0xFFFFF000  }
0x88: {  	[tilespmem:s28], [sflag:$0x7] =	stream.indirect.gather [hbm4b:s4+s16], $0x20, s13, s16, $0xb8;
	[tilespmem:$0x12000] =	vst v63  }
0x89: {  	_ =	swait.ge [sflag:s11], $0x1000  }
0x8a: {  	[sflag:s11] =	ssyncset.done $0x0  }
0x8b: {  	s5 =	simm.s32 $0x780;
	s13 =	simm.s32 $0x1000;
	[sflag:s11] =	ssyncadd.s32 $0xFFFFF000  }
.LBB2_4:
0x8c: {  	[tilespmem:s30], [sflag:$0x8] =	stream.indirect.gather [hbm4b:s4+s16], $0x20, s5, s16, $0xb8;
	[tilespmem:$0x12000] =	vst v63  }
0x8d: {  	s5 =	smov.u32 s13  }
0x8e: {  	p0 =	sne.s32 s13, $0x8000;
	s13 =	sadd.s32 $0x1000, s13;
	_ =	swait.ge [sflag:s0], $0x1000  }
0x8f: {  	s5 =	sshra.s32 s5, $0x2;
	[sflag:s0] =	ssyncset.done $0x0  }
0x90: {  	s12 =	sadd.s32 $0x2800, s5;
	[sflag:s0] =	ssyncadd.s32 $0xFFFFF000  }
0x91: {  	[spmem:s2] =	stream.indirect.scatter.add.bf16 [tilespmem:s31], [sflag:$0x9], $0x20, s12, s16, $0xb8;
	[tilespmem:$0x12000] =	vst v63  }
0x92: {  	_ =	swait.ge [sflag:s15], $0x1000  }
0x93: {  	[sflag:s15] =	ssyncset.done $0x0  }
0x94: {  	s12 =	sadd.s32 $0x2880, s5;
	[sflag:s15] =	ssyncadd.s32 $0xFFFFF000  }
0x95: {  	[spmem:s2] =	stream.indirect.scatter.add.bf16 [tilespmem:s17], [sflag:$0xA], $0x20, s12, s16, $0xb8;
	[tilespmem:$0x12000] =	vst v63  }
0x96: {  	_ =	swait.ge [sflag:s18], $0x1000  }
0x97: {  	[sflag:s18] =	ssyncset.done $0x0  }
0x98: {  	s12 =	sadd.s32 $0x2900, s5;
	[sflag:s18] =	ssyncadd.s32 $0xFFFFF000  }
0x99: {  	[spmem:s2] =	stream.indirect.scatter.add.bf16 [tilespmem:s19], [sflag:$0xB], $0x20, s12, s16, $0xb8;
	[tilespmem:$0x12000] =	vst v63  }
0x9a: {  	_ =	swait.ge [sflag:s20], $0x1000  }
0x9b: {  	[sflag:s20] =	ssyncset.done $0x0  }
0x9c: {  	s12 =	sadd.s32 $0x2980, s5;
	[sflag:s20] =	ssyncadd.s32 $0xFFFFF000  }
0x9d: {  	[spmem:s2] =	stream.indirect.scatter.add.bf16 [tilespmem:s21], [sflag:$0xC], $0x20, s12, s16, $0xb8;
	[tilespmem:$0x12000] =	vst v63  }
0x9e: {  	_ =	swait.ge [sflag:s22], $0x1000  }
0x9f: {  	[sflag:s22] =	ssyncset.done $0x0  }
0xa0: {  	s12 =	sadd.s32 $0x2A00, s5;
	[sflag:s22] =	ssyncadd.s32 $0xFFFFF000  }
0xa1: {  	[spmem:s2] =	stream.indirect.scatter.add.bf16 [tilespmem:s23], [sflag:$0xD], $0x20, s12, s16, $0xb8;
	[tilespmem:$0x12000] =	vst v63  }
0xa2: {  	_ =	swait.ge [sflag:s24], $0x1000  }
0xa3: {  	[sflag:s24] =	ssyncset.done $0x0  }
0xa4: {  	s12 =	sadd.s32 $0x2A80, s5;
	[sflag:s24] =	ssyncadd.s32 $0xFFFFF000  }
0xa5: {  	[spmem:s2] =	stream.indirect.scatter.add.bf16 [tilespmem:s25], [sflag:$0xE], $0x20, s12, s16, $0xb8;
	[tilespmem:$0x12000] =	vst v63  }
0xa6: {  	_ =	swait.ge [sflag:s26], $0x1000  }
0xa7: {  	[sflag:s26] =	ssyncset.done $0x0  }
0xa8: {  	s12 =	sadd.s32 $0x2B00, s5;
	[sflag:s26] =	ssyncadd.s32 $0xFFFFF000  }
0xa9: {  	[spmem:s2] =	stream.indirect.scatter.add.bf16 [tilespmem:s28], [sflag:$0xF], $0x20, s12, s16, $0xb8;
	[tilespmem:$0x12000] =	vst v63  }
0xaa: {  	_ =	swait.ge [sflag:s29], $0x1000  }
0xab: {  	[sflag:s29] =	ssyncset.done $0x0  }
0xac: {  	s12 =	sadd.s32 $0x2B80, s5;
	[sflag:s29] =	ssyncadd.s32 $0xFFFFF000  }
0xad: {  	[spmem:s2] =	stream.indirect.scatter.add.bf16 [tilespmem:s30], [sflag:$0x10], $0x20, s12, s16, $0xb8;
	[tilespmem:$0x12000] =	vst v63  }
0xae: {  	_ =	swait.ge [sflag:s1], $0x1000  }
0xaf: {  	[sflag:s1] =	ssyncset.done $0x0  }
0xb0: {  	s12 =	sadd.s32 $0x400, s5;
	[sflag:s1] =	ssyncadd.s32 $0xFFFFF000  }
0xb1: {  	[tilespmem:s31], [sflag:$0x1] =	stream.indirect.gather [hbm4b:s4+s16], $0x20, s12, s16, $0xb8;
	[tilespmem:$0x12000] =	vst v63  }
0xb2: {  	_ =	swait.ge [sflag:s3], $0x1000  }
0xb3: {  	[sflag:s3] =	ssyncset.done $0x0  }
0xb4: {  	s12 =	sadd.s32 $0x480, s5;
	[sflag:s3] =	ssyncadd.s32 $0xFFFFF000  }
0xb5: {  	[tilespmem:s17], [sflag:$0x2] =	stream.indirect.gather [hbm4b:s4+s16], $0x20, s12, s16, $0xb8;
	[tilespmem:$0x12000] =	vst v63  }
0xb6: {  	_ =	swait.ge [sflag:s6], $0x1000  }
0xb7: {  	[sflag:s6] =	ssyncset.done $0x0  }
0xb8: {  	s12 =	sadd.s32 $0x500, s5;
	[sflag:s6] =	ssyncadd.s32 $0xFFFFF000  }
0xb9: {  	[tilespmem:s19], [sflag:$0x3] =	stream.indirect.gather [hbm4b:s4+s16], $0x20, s12, s16, $0xb8;
	[tilespmem:$0x12000] =	vst v63  }
0xba: {  	_ =	swait.ge [sflag:s7], $0x1000  }
0xbb: {  	[sflag:s7] =	ssyncset.done $0x0  }
0xbc: {  	s12 =	sadd.s32 $0x580, s5;
	[sflag:s7] =	ssyncadd.s32 $0xFFFFF000  }
0xbd: {  	[tilespmem:s21], [sflag:$0x4] =	stream.indirect.gather [hbm4b:s4+s16], $0x20, s12, s16, $0xb8;
	[tilespmem:$0x12000] =	vst v63  }
0xbe: {  	_ =	swait.ge [sflag:s8], $0x1000  }
0xbf: {  	[sflag:s8] =	ssyncset.done $0x0  }
0xc0: {  	s12 =	sadd.s32 $0x600, s5;
	[sflag:s8] =	ssyncadd.s32 $0xFFFFF000  }
0xc1: {  	[tilespmem:s23], [sflag:$0x5] =	stream.indirect.gather [hbm4b:s4+s16], $0x20, s12, s16, $0xb8;
	[tilespmem:$0x12000] =	vst v63  }
0xc2: {  	_ =	swait.ge [sflag:s9], $0x1000  }
0xc3: {  	[sflag:s9] =	ssyncset.done $0x0  }
0xc4: {  	s12 =	sadd.s32 $0x680, s5;
	[sflag:s9] =	ssyncadd.s32 $0xFFFFF000  }
0xc5: {  	[tilespmem:s25], [sflag:$0x6] =	stream.indirect.gather [hbm4b:s4+s16], $0x20, s12, s16, $0xb8;
	[tilespmem:$0x12000] =	vst v63  }
0xc6: {  	_ =	swait.ge [sflag:s10], $0x1000  }
0xc7: {  	[sflag:s10] =	ssyncset.done $0x0  }
.Ltmp1:
0xc8: {  	s12 =	sadd.s32 $0x700, s5;
	[sflag:s10] =	ssyncadd.s32 $0xFFFFF000;
	(pc) =	sbr.rel @p0 .LBB2_4-.Ltmp1, $4  }
0xc9: {  	[tilespmem:s28], [sflag:$0x7] =	stream.indirect.gather [hbm4b:s4+s16], $0x20, s12, s16, $0xb8;
	[tilespmem:$0x12000] =	vst v63  }
0xca: {  	_ =	swait.ge [sflag:s11], $0x1000  }
0xcb: {  	[sflag:s11] =	ssyncset.done $0x0  }
0xcc: {  	s5 =	sadd.s32 $0x780, s5;
	[sflag:s11] =	ssyncadd.s32 $0xFFFFF000  }
0xcd: {  	[tilespmem:s30], [sflag:$0x8] =	stream.indirect.gather [hbm4b:s4+s16], $0x20, s5, s16, $0xb8;
	[tilespmem:$0x12000] =	vst v63  }
0xce: {  	_ =	swait.ge [sflag:s0], $0x1000  }
0xcf: {  	[sflag:s0] =	ssyncset.done $0x0  }
0xd0: {  	s13 =	simm.s32 $0x4C00;
	[sflag:s0] =	ssyncadd.s32 $0xFFFFF000  }
0xd1: {  	[spmem:s2] =	stream.indirect.scatter.add.bf16 [tilespmem:s31], [sflag:$0x9], $0x20, s13, s16, $0xb8;
	[tilespmem:$0x12000] =	vst v63  }
0xd2: {  	_ =	swait.ge [sflag:s15], $0x1000  }
0xd3: {  	[sflag:s15] =	ssyncset.done $0x0  }
0xd4: {  	s12 =	simm.s32 $0x4C80;
	[sflag:s15] =	ssyncadd.s32 $0xFFFFF000  }
0xd5: {  	[spmem:s2] =	stream.indirect.scatter.add.bf16 [tilespmem:s17], [sflag:$0xA], $0x20, s12, s16, $0xb8;
	[tilespmem:$0x12000] =	vst v63  }
0xd6: {  	_ =	swait.ge [sflag:s18], $0x1000  }
0xd7: {  	[sflag:s18] =	ssyncset.done $0x0  }
0xd8: {  	s13 =	simm.s32 $0x4D00;
	[sflag:s18] =	ssyncadd.s32 $0xFFFFF000  }
0xd9: {  	[spmem:s2] =	stream.indirect.scatter.add.bf16 [tilespmem:s19], [sflag:$0xB], $0x20, s13, s16, $0xb8;
	[tilespmem:$0x12000] =	vst v63  }
0xda: {  	_ =	swait.ge [sflag:s20], $0x1000  }
0xdb: {  	[sflag:s20] =	ssyncset.done $0x0  }
0xdc: {  	s12 =	simm.s32 $0x4D80;
	[sflag:s20] =	ssyncadd.s32 $0xFFFFF000  }
0xdd: {  	[spmem:s2] =	stream.indirect.scatter.add.bf16 [tilespmem:s21], [sflag:$0xC], $0x20, s12, s16, $0xb8;
	[tilespmem:$0x12000] =	vst v63  }
0xde: {  	_ =	swait.ge [sflag:s22], $0x1000  }
0xdf: {  	[sflag:s22] =	ssyncset.done $0x0  }
0xe0: {  	s13 =	simm.s32 $0x4E00;
	[sflag:s22] =	ssyncadd.s32 $0xFFFFF000  }
0xe1: {  	[spmem:s2] =	stream.indirect.scatter.add.bf16 [tilespmem:s23], [sflag:$0xD], $0x20, s13, s16, $0xb8;
	[tilespmem:$0x12000] =	vst v63  }
0xe2: {  	_ =	swait.ge [sflag:s24], $0x1000  }
0xe3: {  	[sflag:s24] =	ssyncset.done $0x0  }
0xe4: {  	s12 =	simm.s32 $0x4E80;
	[sflag:s24] =	ssyncadd.s32 $0xFFFFF000  }
0xe5: {  	[spmem:s2] =	stream.indirect.scatter.add.bf16 [tilespmem:s25], [sflag:$0xE], $0x20, s12, s16, $0xb8;
	[tilespmem:$0x12000] =	vst v63  }
0xe6: {  	_ =	swait.ge [sflag:s26], $0x1000  }
0xe7: {  	[sflag:s26] =	ssyncset.done $0x0  }
0xe8: {  	s13 =	simm.s32 $0x4F00;
	[sflag:s26] =	ssyncadd.s32 $0xFFFFF000  }
0xe9: {  	[spmem:s2] =	stream.indirect.scatter.add.bf16 [tilespmem:s28], [sflag:$0xF], $0x20, s13, s16, $0xb8;
	[tilespmem:$0x12000] =	vst v63  }
0xea: {  	_ =	swait.ge [sflag:s29], $0x1000  }
0xeb: {  	[sflag:s29] =	ssyncset.done $0x0  }
0xec: {  	s12 =	simm.s32 $0x4F80;
	[sflag:s29] =	ssyncadd.s32 $0xFFFFF000  }
0xed: {  	[spmem:s2] =	stream.indirect.scatter.add.bf16 [tilespmem:s30], [sflag:$0x10], $0x20, s12, s16, $0xb8;
	[tilespmem:$0x12000] =	vst v63  }
0xee: {  	_ =	swait.ge [sflag:s1], $0x1000  }
0xef: {  	[sflag:s1] =	ssyncset.done $0x0  }
0xf0: {  	[sflag:s1] =	ssyncadd.s32 $0xFFFFF000  }
0xf1: {  	_ =	swait.ge [sflag:s3], $0x1000  }
0xf2: {  	[sflag:s3] =	ssyncset.done $0x0  }
0xf3: {  	[sflag:s3] =	ssyncadd.s32 $0xFFFFF000  }
0xf4: {  	_ =	swait.ge [sflag:s6], $0x1000  }
0xf5: {  	[sflag:s6] =	ssyncset.done $0x0  }
0xf6: {  	[sflag:s6] =	ssyncadd.s32 $0xFFFFF000  }
0xf7: {  	_ =	swait.ge [sflag:s7], $0x1000  }
0xf8: {  	[sflag:s7] =	ssyncset.done $0x0  }
0xf9: {  	[sflag:s7] =	ssyncadd.s32 $0xFFFFF000  }
0xfa: {  	_ =	swait.ge [sflag:s8], $0x1000  }
0xfb: {  	[sflag:s8] =	ssyncset.done $0x0  }
0xfc: {  	[sflag:s8] =	ssyncadd.s32 $0xFFFFF000  }
0xfd: {  	_ =	swait.ge [sflag:s9], $0x1000  }
0xfe: {  	[sflag:s9] =	ssyncset.done $0x0  }
0xff: {  	[sflag:s9] =	ssyncadd.s32 $0xFFFFF000  }
0x100: {  	_ =	swait.ge [sflag:s10], $0x1000  }
0x101: {  	[sflag:s10] =	ssyncset.done $0x0  }
0x102: {  	[sflag:s10] =	ssyncadd.s32 $0xFFFFF000  }
0x103: {  	_ =	swait.ge [sflag:s11], $0x1000  }
0x104: {  	[sflag:s11] =	ssyncset.done $0x0  }
0x105: {  	[sflag:s11] =	ssyncadd.s32 $0xFFFFF000  }
0x106: {  	s13 =	stileid.u32;
	[bflag:$0x0] =	sbarrier.arrive $0xFFFF  }
0x107: {  	s5 =	sshll.u32 s13, $0x6;
	s12 =	rddreg [dreg:$0x4]  }
0x108: {  	s5 =	sor.u32 $0x1C11, s5;
	s13 =	rddreg [dreg:$0xb];
	s12 =	sshrl.u32 s12, $0x3  }
0x109: {  	[hbm:s13], [sflag:s5] =	dma.local [spmem:s12], $0xA00  }
0x10a: {  	_ =	swait.ge [sflag:s14], $0xA00  }
0x10b: {  	s5 =	rddreg [dreg:$0xd]  }
0x10c: {  	s13 =	rddreg [dreg:$0xc];
	s12 =	sadd.s32 $0x1, s5  }
0x10d: {  	p0 =	sne.s32 s12, s13  }
.Ltmp2:
0x10e: {  	_ = 	snop;
	(pc) =	sbr.rel @p0 .LBB2_1-.Ltmp2, $3  }
0x10f: {  	_ =	sdelay $0x1  }
0x110: {  	[sflag:s14] =	ssyncset.done $0x0  }
0x111: {  	[sflag:s14] =	ssyncadd.s32 $0xFFFFF600  }
0x112: {  	_ =	sfence.sel $0x180000  }
0x113: {  	[bflag:$0x0] =	sbarrier.arrive $0xFFFF  }
0x114: {  	_ =	strace $0x9000004D  }
0x115: {  	s0 =	stileid.u32;
	[bflag:$0x2] =	sbarrier.arrive $0xFFFF  }
0x116: {  	p0 =	sne.s32 s0, $0x0;
	s0 =	rddreg [dreg:$0x3]  }
0x117: {  	s0 =	sadd.s32 @!p0 $0x100000, s0  }
0x118: {  	[sflag:s0] =	ssyncadd.tile.s32 @!p0 $0x1;
	_ =	shalt  }
.Lfunc_end2:
_tile_overlayer_lowered:
.L_overlay_start_2:
0x119: {  	(tag) =	ssettag $0x2  }
0x11a: {  	s0 =	rddreg [dreg:$0x0];
	s2 =	stileid.u32  }
0x11b: {  	s1 =	rddreg [dreg:$0x1];
	p0 =	sne.s32 s2, $0x0  }
0x11c: {  	s3 =	rddreg [dreg:$0x2];
	[bflag:$0x3] =	sbarrier.arrive $0xFFFF;
	s2 =	simm.s32 @!p0 $0x1C11  }
0x11d: {  	[timem:s3], [sflag:s2] =	dma.local @!p0 [hbm:s0], s1  }
0x11e: {  	s0 =	simm.s32 @!p0 $0x11  }
0x11f: {  	_ =	swait.ge @!p0 [sflag:s0], s1  }
0x120: {  	s1 =	ssub.s32 @!p0 $0x0, s1;
	[sflag:s0] =	ssyncset.done @!p0 $0x0  }
0x121: {  	[sflag:s0] =	ssyncadd.s32 @!p0 s1  }
0x122: {  	[bflag:$0x3] =	sbarrier.arrive $0xFFFF  }
0x123: {  	_ =	shalt  }

// kernel: kernel.20.cloned.1.call-start
scs
__scs_entry_jumppad:
0x0: {  	(pc) =	sbr.rel $0x88, $3  }
0x1: {  	(tag) =	ssettag $0x0;
	lr =	simm.s32 $0x1  }
0x2: {  	[smem:$0x3F9A] =	sst lr;
	_ =	strace $0xD0000000  }
0x3: {  	_ = 	snop  }
0x4: {  	_ = 	snop  }
0x5: {  	_ = 	snop  }
0x6: {  	_ = 	snop  }
0x7: {  	_ = 	snop  }
__scs_overlays_trampoline_lowered:
0x8: {  	[smem:$0x3FA9] =	sst s0  }
0x9: {  	[smem:$0x3FAA] =	sst s1  }
0xa: {  	[smem:$0x3FAB] =	sst s2  }
0xb: {  	[smem:$0x3FAC] =	sst s3  }
0xc: {  	[smem:$0x3FAD] =	sst s4  }
0xd: {  	[smem:$0x3FAE] =	sst s5  }
0xe: {  	[smem:$0x3FAF] =	sst s6  }
0xf: {  	[smem:$0x3FB0] =	sst s7  }
0x10: {  	[smem:$0x3FB1] =	sst s8  }
0x11: {  	[smem:$0x3FB2] =	sst s9;
	s0 =	simm.s32 @!p0 $0x0  }
0x12: {  	s1 =	sld [smem:$0x3F98];
	s0 =	simm.s32 @p0 $0x1  }
0x13: {  	[smem:$0x3FB3] =	sst s0;
	s0 =	simm.s32 @!p1 $0x0  }
0x14: {  	s2 =	sld [smem:$0x3F97];
	s0 =	simm.s32 @p1 $0x1  }
0x15: {  	[smem:$0x3FB4] =	sst s0;
	s0 =	simm.s32 @!p2 $0x0  }
0x16: {  	s3 =	sld [smem:$0x3FDB];
	s0 =	simm.s32 @p2 $0x1  }
0x17: {  	s4 =	simm.s32 $0x1BF5;
	[smem:$0x3FB6] =	sst s0  }
0x18: {  	s0 =	sld [smem:$0x3F99];
	_ =	swait.ge [sflag:s4], $0x0  }
0x19: {  	s7 =	sld [smem:$0x3F9A]  }
0x1a: {  	s8 =	sadd.s32 $0xFFFFE003, lr  }
0x1b: {  	s9 =	sadd.s32 $0xFFFFFEF7, lr;
	s5 =	simm.s32 $0xFFFFFFFF;
	p2 =	slt.u32 s8, $0xFFFFF086  }
0x1c: {  	p1 =	slt.u32 s9, $0xF7A;
	s5 =	simm.s32 @!p2 $0x0  }
0x1d: {  	s5 =	simm.s32 @p1 $0x1;
	p0 =	seq.s32 s7, s2  }
0x1e: {  	s7 =	smul.u32 @!p0 $0xF7A, s2;
	p2 =	seq.s32 @!p0 s5, $0x0  }
0x1f: {  	s9 =	smul.u32 $0xF7A, s1;
	s8 =	simm.s32 @!p0 $0x1BF5;
	p2 =	por !p2, p0  }
0x20: {  	[sflag:s8] =	ssyncset.s32 @!p0 $0xFFFFF086;
	s6 =	sadd.s32 @!p0 s3, s7;
	s7 =	simm.s32 @!p0 $0x108  }
0x21: {  	s3 =	sadd.s32 s3, s9;
	s6 =	sadd.s32 @!p0 $0x88, s6;
	s7 =	simm.s32 @p2 $0x1082  }
0x22: {  	[simem:s7], [sflag:s8] =	dma.local @!p0 [hbm:s6], $0xF7A  }
0x23: {  	s9 =	sor.u32 $0xD0000000, s2;
	s6 =	simm.s32 $0x108;
	_ =	swait.ge @!p0 [sflag:s8], $0x0  }
0x24: {  	s3 =	sadd.s32 $0x88, s3;
	s6 =	simm.s32 @!p1 $0x1082;
	[sflag:s4] =	ssyncset.s32 $0xFFFFF086  }
0x25: {  	[simem:s6], [sflag:s4] =	dma.local [hbm:s3], $0xF7A  }
0x26: {  	[smem:$0x3F9A] =	sst s1;
	(tag) =	ssettag s2;
	_ =	strace s9  }
0x27: {  	s1 =	sld [smem:$0x3FAA]  }
0x28: {  	s2 =	sld [smem:$0x3FAB]  }
0x29: {  	s4 =	sld [smem:$0x3FAD]  }
0x2a: {  	p0 =	seq.s32 s5, $0x0;
	s5 =	sld [smem:$0x3FAE]  }
0x2b: {  	s6 =	sld [smem:$0x3FAF]  }
0x2c: {  	s7 =	sld [smem:$0x3FB0]  }
0x2d: {  	s3 =	simm.s32 $0x108;
	s8 =	sld [smem:$0x3FB1]  }
0x2e: {  	s3 =	simm.s32 @!p0 $0x1082;
	s9 =	sld [smem:$0x3FB2]  }
0x2f: {  	lr =	sadd.s32 s0, s3;
	s0 =	sld [smem:$0x3FA9]  }
0x30: {  	s3 =	sld [smem:$0x3FAC]  }
0x31: {  	[smem:$0x3FB5] =	sst s10  }
0x32: {  	s10 =	sld [smem:$0x3FB3];
	_ =	sdelay $0x3  }
0x33: {  	p0 =	seq.s32 s10, $0x1;
	s10 =	sld [smem:$0x3FB5];
	_ =	sdelay $0x3  }
0x34: {  	[smem:$0x3FB5] =	sst s10  }
0x35: {  	s10 =	sld [smem:$0x3FB4];
	_ =	sdelay $0x3  }
0x36: {  	p1 =	seq.s32 s10, $0x1;
	s10 =	sld [smem:$0x3FB5];
	_ =	sdelay $0x3  }
0x37: {  	[smem:$0x3FB5] =	sst s10  }
0x38: {  	s10 =	sld [smem:$0x3FB6]  }
0x39: {  	_ = 	snop;
	(pc) =	sbr.ind lr, $3  }
0x3a: {  	_ = 	snop  }
0x3b: {  	_ = 	snop  }
0x3c: {  	p2 =	seq.s32 s10, $0x1;
	s10 =	sld [smem:$0x3FB5]  }
0x3d: {  	_ =	shalt  }
0x3e: {  	_ =	shalt  }
0x3f: {  	_ =	shalt  }
0x40: {  	_ =	shalt  }
0x41: {  	_ =	shalt  }
0x42: {  	_ =	shalt  }
0x43: {  	_ =	shalt  }
0x44: {  	_ =	shalt  }
0x45: {  	_ =	shalt  }
0x46: {  	_ =	shalt  }
0x47: {  	_ =	shalt  }
0x48: {  	_ =	shalt  }
0x49: {  	_ =	shalt  }
0x4a: {  	_ =	shalt  }
0x4b: {  	_ =	shalt  }
0x4c: {  	_ =	shalt  }
0x4d: {  	_ =	shalt  }
0x4e: {  	_ =	shalt  }
0x4f: {  	_ =	shalt  }
0x50: {  	_ =	shalt  }
0x51: {  	_ =	shalt  }
0x52: {  	_ =	shalt  }
0x53: {  	_ =	shalt  }
0x54: {  	_ =	shalt  }
0x55: {  	_ =	shalt  }
0x56: {  	_ =	shalt  }
0x57: {  	_ =	shalt  }
0x58: {  	_ =	shalt  }
0x59: {  	_ =	shalt  }
0x5a: {  	_ =	shalt  }
0x5b: {  	_ =	shalt  }
0x5c: {  	_ =	shalt  }
0x5d: {  	_ =	shalt  }
0x5e: {  	_ =	shalt  }
0x5f: {  	_ =	shalt  }
0x60: {  	_ =	shalt  }
0x61: {  	_ =	shalt  }
0x62: {  	_ =	shalt  }
0x63: {  	_ =	shalt  }
0x64: {  	_ =	shalt  }
0x65: {  	_ =	shalt  }
0x66: {  	_ =	shalt  }
0x67: {  	_ =	shalt  }
0x68: {  	_ =	shalt  }
0x69: {  	_ =	shalt  }
0x6a: {  	_ =	shalt  }
0x6b: {  	_ =	shalt  }
0x6c: {  	_ =	shalt  }
0x6d: {  	_ =	shalt  }
0x6e: {  	_ =	shalt  }
0x6f: {  	_ =	shalt  }
0x70: {  	_ =	shalt  }
0x71: {  	_ =	shalt  }
0x72: {  	_ =	shalt  }
0x73: {  	_ =	shalt  }
0x74: {  	_ =	shalt  }
0x75: {  	_ =	shalt  }
0x76: {  	_ =	shalt  }
0x77: {  	_ =	shalt  }
0x78: {  	_ =	shalt  }
0x79: {  	_ =	shalt  }
0x7a: {  	_ =	shalt  }
0x7b: {  	_ =	shalt  }
0x7c: {  	_ =	shalt  }
0x7d: {  	_ =	shalt  }
0x7e: {  	_ =	shalt  }
0x7f: {  	_ =	shalt  }
0x80: {  	_ =	shalt  }
0x81: {  	_ =	shalt  }
0x82: {  	_ =	shalt  }
0x83: {  	_ =	shalt  }
0x84: {  	_ =	shalt  }
0x85: {  	_ =	shalt  }
0x86: {  	_ =	shalt  }
0x87: {  	_ =	shalt  }
.Lfunc_end0:
.L_simem_size_0:
called_computation.3_lowered:
.L_overlay_start_0:
0x88: {  	s2 =	sld [smem:$0x3FD9]  }
0x89: {  	s3 =	sld [smem:$0x3FFE];
	_ =	sdelay $0x1  }
0x8a: {  	s1 =	srdreg.scid  }
0x8b: {  	s0 =	sand.u32 $0x1, s1  }
0x8c: {  	s17 =	sshll.u32 s0, $0xA;
	s2 =	sadd.s32 s3, s2  }
0x8d: {  	s2 =	sadd.s32 s2, s17  }
0x8e: {  	[smem:$0x3FC1] =	sst s2  }
0x8f: {  	_ = 	snop  }
0x90: {  	s2 =	sld [smem:$0x3FD0];
	(tm) =	ssettm $0x1  }
0x91: {  	s18 =	sld [smem:$0x3FFB];
	_ =	sdelay $0x3  }
0x92: {  	_ =	strace s18  }
0x93: {  	s3 =	sld [smem:$0x3FFC];
	_ =	sdelay $0x3  }
0x94: {  	_ =	strace s3  }
0x95: {  	s3 =	sld [smem:$0x3FFD];
	_ =	sdelay $0x3  }
0x96: {  	_ =	strace s3  }
0x97: {  	_ =	strace $0x8FFFFFFF  }
0x98: {  	s19 =	sld [smem:$0x3FDB];
	_ =	sdelay $0x1  }
0x99: {  	s4 =	simm.s32 $_scs_section_size  }
0x9a: {  	s5 =	simm.s32 $_size__tile_overlayer_lowered;
	s6 =	simm.s32 $_tile_overlayer_lowered  }
0x9b: {  	s22 =	simm.s32 $0x1BFF;
	s21 =	sshll.u32 s6, $0x1;
	s3 =	sadd.s32 s4, s19  }
0x9c: {  	s7 =	simm.s32 $0x0;
	s20 =	sshll.u32 s5, $0x1;
	s5 =	sadd.s32 s21, s3  }
0x9d: {  	[timem:s7], [sflag:s22] =	dma.local [hbm:s5], s20  }
0x9e: {  	_ =	swait.ge [sflag:s22], s20  }
0x9f: {  	s4 =	ssub.s32 $0x0, s20;
	[sflag:s22] =	ssyncset.done $0x0  }
0xa0: {  	[sflag:s22] =	ssyncadd.s32 s4;
	_ =	sdelay $0x1  }
0xa1: {  	s23 =	simm.s32 $0x1B8B  }
0xa2: {  	_ =	swait.ge [sflag:s23], $0x1  }
0xa3: {  	[sflag:s23] =	ssyncset.done $0x0  }
0xa4: {  	s25 =	simm.s32 $0x1B8E;
	s24 =	sld [smem:$0x3FFE];
	[sflag:s23] =	ssyncadd.s32 $0xFFFFFFFF  }
0xa5: {  	s26 =	simm.s32 $execute0_lowered;
	[smem:$0x3FD2] =	sst s25  }
0xa6: {  	s5 =	sshll.u32 s26, $0x1;
	_ =	strace $0x8000004F;
	[dreg:$0x1] =	wrdreg $0xFFFFFFFF  }
0xa7: {  	s28 =	simm.s32 $_size_execute0_lowered;
	s3 =	sadd.s32 s3, s5;
	[dreg:$0x0] =	wrdreg $0x0  }
0xa8: {  	s5 =	sshll.u32 s28, $0x1;
	[dreg:$0x2] =	wrdreg s3  }
0xa9: {  	[dreg:$0x3] =	wrdreg s5  }
0xaa: {  	[dreg:$0x4] =	wrdreg $0xC0  }
0xab: {  	_ =	task [dreg:s7], $0x5FFFF  }
0xac: {  	[dreg:$0x1] =	wrdreg $0xFFFFFFFF  }
0xad: {  	[dreg:$0x0] =	wrdreg $0x60  }
0xae: {  	[dreg:$0x2] =	wrdreg s24  }
0xaf: {  	[dreg:$0x3] =	wrdreg s2  }
0xb0: {  	[dreg:$0x4] =	wrdreg $0x28000  }
0xb1: {  	[dreg:$0x5] =	wrdreg $0x9  }
0xb2: {  	_ =	task.clear_ibuf [dreg:s7], $0x6FFFF;
	_ =	strace $0x9000004F  }
0xb3: {  	s29 =	simm.s32 $0x9;
	_ =	strace $0x80000051  }
0xb4: {  	_ =	swait.ge [sflag:s29], $0x1  }
0xb5: {  	[sflag:s29] =	ssyncadd.s32 $0xFFFFFFFF  }
0xb6: {  	_ =	strace $0x90000051  }
0xb7: {  	_ =	sfence  }
0xb8: {  	s30 =	sld [smem:$0x0];
	_ =	sdelay $0x2  }
0xb9: {  	s31 =	sshll.u32 s1, $0xD;
	s1 =	sshrl.u32 s1, $0x2  }
0xba: {  	s3 =	sand.u32 $0x4000, s31;
	s1 =	sadd.s32 s1, s30  }
0xbb: {  	s0 =	sor.u32 s3, s0;
	s1 =	sshll.u32 s1, $0x11  }
0xbc: {  	s0 =	sor.u32 s1, s0  }
0xbd: {  	s0 =	sadd.s32 $0x8F2B, s0  }
0xbe: {  	[sflag:s0] =	ssyncadd.remote.s32 $0x1  }
0xbf: {  	_ =	sfence.sel $0xFFFF  }
0xc0: {  	[dreg:$0x0] =	wrdreg $0xFFFFFFFF;
	(pc) =	sbr.abs _section_cstart, $3  }
0xc1: {  	[dreg:$0x1] =	wrdreg $0xFFFFFFFF  }
0xc2: {  	_ =	task.clear_ibuf [dreg:s7], $0x2FFFF;
	_ =	strace $0x9FFFFFFF  }
0xc3: {  	(tm) =	ssettm $0x7FFFFFFF  }
tec
execute0_lowered:
.L_overlay_start_1:
0x0: {  	(tag) =	ssettag $0x1  }
0x1: {  	s0 =	rddreg [dreg:$0x0]  }
0x2: {  	s3 =	rddreg [dreg:$0x1]  }
0x3: {  	s1 =	srdreg.scid;
	s2 =	rddreg [dreg:$0x2]  }
0x4: {  	s8 =	stileid.u32;
	s5 =	simm.s32 $0x0;
	s14 =	simm.s32 $0x11  }
0x5: {  	s16 =	simm.s32 $0x80;
	s17 =	simm.s32 $0x8800;
	s28 =	simm.s32 $0xD800  }
0x6: {  	s30 =	simm.s32 $0xE800;
	s31 =	simm.s32 $0x7800;
	s15 =	simm.s32 $0x2  }
0x7: {  	s29 =	simm.s32 $0x8;
	s9 =	simm.s32 $0xE;
	s10 =	simm.s32 $0xF  }
0x8: {  	s11 =	simm.s32 $0x10;
	s12 =	simm.s32 $0x0;
	s1 =	sand.u32 $0x1, s1  }
0x9: {  	[smem:$0x7FF] =	sst s5;
	s6 =	smul.u32 $0x14000, s8;
	s4 =	sshll.u32 s1, $0x4  }
0xa: {  	_ =	strace $0x80000050;
	s19 =	ssub.s32 $0x2, s1;
	s1 =	smul.u32 $0xA000, s1  }
0xb: {  	s4 =	sor.u32 s8, s4;
	s7 =	sshrl.u32 s19, $0x1;
	s8 =	smul.u32 $0xA00, s8  }
0xc: {  	s6 =	sshrl.u32 s6, $0x2;
	s18 =	smul.u32 $0x280, s4;
	s4 =	sadd.s32 $0x2200, s0  }
0xd: {  	s5 =	ssub.s32 s19, s7;
	s6 =	sadd.s32 s6, s2;
	s19 =	simm.s32 $0x9800  }
0xe: {  	s7 =	simm.s32 $0xC;
	s21 =	sadd.s32 $0x1000, s6;
	[dreg:$0x4] =	wrdreg s6  }
0xf: {  	s22 =	sadd.s32 $0x2000, s6;
	s23 =	sadd.s32 $0x3000, s6;
	[dreg:$0x7] =	wrdreg s21  }
0x10: {  	s24 =	sadd.s32 s8, s1;
	s25 =	sadd.s32 $0x4000, s6;
	[dreg:$0x8] =	wrdreg s22  }
0x11: {  	s26 =	smax.u32 s5, $0x1;
	s1 =	simm.s32 $0x9;
	[dreg:$0x9] =	wrdreg s23  }
0x12: {  	s6 =	simm.s32 $0xB;
	s8 =	simm.s32 $0xD;
	[dreg:$0xa] =	wrdreg s25  }
0x13: {  	s0 =	sadd.s32 s18, s0;
	[dreg:$0xc] =	wrdreg s26;
	s21 =	simm.s32 $0xA800  }
0x14: {  	s23 =	simm.s32 $0xB800;
	s25 =	simm.s32 $0xC800;
	s20 =	sadd.s32 $0x16000, s0  }
0x15: {  	s18 =	simm.s32 $0x3;
	s0 =	sadd.s32 $0x1B000, s0;
	[dreg:$0x5] =	wrdreg s20  }
0x16: {  	s22 =	simm.s32 $0x5;
	s26 =	simm.s32 $0x7;
	[dreg:$0x6] =	wrdreg s0  }
0x17: {  	s0 =	sadd.s32 s3, s24;
	s20 =	simm.s32 $0x4;
	s24 =	simm.s32 $0x6  }
0x18: {  	v0 =	vimm.bf16 $0.0e+00;
	s3 =	simm.s32 $0xA;
	[dreg:$0xb] =	wrdreg s0;
	s0 =	simm.s32 $0x1  }
.LBB2_1:
0x19: {  	[dreg:$0xd] =	wrdreg s12  }
0x1a: {  	s5 =	simm.s32 $0x0;
	s13 =	rddreg [dreg:$0x5]  }
0x1b: {  	[tilespmem:s5], [sflag:$0x11] =	stream.linear.gather [hbm4b:s13+s5], $0x1400, $0x38;
	[tilespmem:$0xF800] =	vst v63  }
0x1c: {  	_ =	swait.ge [sflag:s14], $0x1400  }
0x1d: {  	[sflag:s14] =	ssyncset.done $0x0  }
0x1e: {  	s13 =	simm.s32 $0x1400;
	s12 =	rddreg [dreg:$0x6];
	[sflag:s14] =	ssyncadd.s32 $0xFFFFEC00  }
0x1f: {  	[tilespmem:s13], [sflag:$0x11] =	stream.linear.gather [hbm4b:s12+s5], $0x1400, $0x38;
	[tilespmem:$0xF800] =	vst v63  }
0x20: {  	_ =	swait.ge [sflag:s14], $0x1400  }
0x21: {  	[sflag:s14] =	ssyncset.done $0x0  }
0x22: {  	[sflag:s14] =	ssyncadd.s32 $0xFFFFEC00  }
0x23: {  	[tilespmem:s17], [sflag:$0x2] =	stream.indirect.gather [hbm4b:s4+s16], $0x20, s16, s16, $0xb8;
	[tilespmem:$0xF800] =	vst v63  }
0x24: {  	s12 =	simm.s32 $0x100  }
0x25: {  	[tilespmem:s19], [sflag:$0x3] =	stream.indirect.gather [hbm4b:s4+s16], $0x20, s12, s16, $0xb8;
	[tilespmem:$0xF800] =	vst v63  }
0x26: {  	s13 =	simm.s32 $0x180  }
0x27: {  	[tilespmem:s21], [sflag:$0x4] =	stream.indirect.gather [hbm4b:s4+s16], $0x20, s13, s16, $0xb8;
	[tilespmem:$0xF800] =	vst v63  }
0x28: {  	s12 =	simm.s32 $0x200  }
0x29: {  	[tilespmem:s23], [sflag:$0x5] =	stream.indirect.gather [hbm4b:s4+s16], $0x20, s12, s16, $0xb8;
	[tilespmem:$0xF800] =	vst v63  }
0x2a: {  	s13 =	simm.s32 $0x280  }
0x2b: {  	[tilespmem:s25], [sflag:$0x6] =	stream.indirect.gather [hbm4b:s4+s16], $0x20, s13, s16, $0xb8;
	[tilespmem:$0xF800] =	vst v63  }
0x2c: {  	s12 =	simm.s32 $0x300  }
0x2d: {  	[tilespmem:s28], [sflag:$0x7] =	stream.indirect.gather [hbm4b:s4+s16], $0x20, s12, s16, $0xb8;
	[tilespmem:$0xF800] =	vst v63  }
0x2e: {  	s13 =	simm.s32 $0x380  }
0x2f: {  	[tilespmem:s30], [sflag:$0x8] =	stream.indirect.gather [hbm4b:s4+s16], $0x20, s13, s16, $0xb8;
	[tilespmem:$0xF800] =	vst v63  }
0x30: {  	s5 =	simm.s32 $0x80;
	s13 =	simm.s32 $0x0  }
.LBB2_2:
0x31: {  	p0 =	sne.s32 s5, $0x3F80;
	[tilespmem:s13+$0x7800] =	vst v0;
	s12 =	smov.u32 s5;
	s5 =	sadd.s32 $0x80, s5  }
.Ltmp0:
0x32: {  	[tilespmem:s13+$0x7810] =	vst v0;
	(pc) =	sbr.rel @p0 .LBB2_2-.Ltmp0, $2  }
0x33: {  	_ =	sdelay $0x2  }
0x34: {  	s13 =	sshra.s32 s12, $0x2  }
0x35: {  	[tilespmem:s13+$0x7800] =	vst v0  }
0x36: {  	[tilespmem:s13+$0x7810] =	vst v0;
	s5 =	rddreg [dreg:$0x4]  }
0x37: {  	[spmem:s5] =	stream.linear.scatter [tilespmem:s31], [sflag:$0x11], $0x1000, $0x38;
	[tilespmem:$0xF800] =	vst v63  }
0x38: {  	_ =	swait.ge [sflag:s14], $0x1000  }
0x39: {  	[sflag:s14] =	ssyncset.done $0x0  }
0x3a: {  	s12 =	rddreg [dreg:$0x7];
	[sflag:s14] =	ssyncadd.s32 $0xFFFFF000  }
0x3b: {  	[spmem:s12] =	stream.linear.scatter [tilespmem:s31], [sflag:$0x11], $0x1000, $0x38;
	[tilespmem:$0xF800] =	vst v63  }
0x3c: {  	_ =	swait.ge [sflag:s14], $0x1000  }
0x3d: {  	[sflag:s14] =	ssyncset.done $0x0  }
0x3e: {  	s13 =	rddreg [dreg:$0x8];
	[sflag:s14] =	ssyncadd.s32 $0xFFFFF000  }
0x3f: {  	[spmem:s13] =	stream.linear.scatter [tilespmem:s31], [sflag:$0x11], $0x1000, $0x38;
	[tilespmem:$0xF800] =	vst v63  }
0x40: {  	_ =	swait.ge [sflag:s14], $0x1000  }
0x41: {  	[sflag:s14] =	ssyncset.done $0x0  }
0x42: {  	s12 =	rddreg [dreg:$0x9];
	[sflag:s14] =	ssyncadd.s32 $0xFFFFF000  }
0x43: {  	[spmem:s12] =	stream.linear.scatter [tilespmem:s31], [sflag:$0x11], $0x1000, $0x38;
	[tilespmem:$0xF800] =	vst v63  }
0x44: {  	_ =	swait.ge [sflag:s14], $0x1000  }
0x45: {  	[sflag:s14] =	ssyncset.done $0x0  }
0x46: {  	s13 =	rddreg [dreg:$0xa];
	[sflag:s14] =	ssyncadd.s32 $0xFFFFF000  }
0x47: {  	[spmem:s13] =	stream.linear.scatter [tilespmem:s31], [sflag:$0x11], $0x1000, $0x38;
	[tilespmem:$0xF800] =	vst v63  }
0x48: {  	_ =	swait.ge [sflag:s14], $0x1000  }
0x49: {  	[sflag:s14] =	ssyncset.done $0x0  }
0x4a: {  	s12 =	simm.s32 $0x0;
	[sflag:s14] =	ssyncadd.s32 $0xFFFFF000  }
0x4b: {  	[tilespmem:s31], [sflag:$0x1] =	stream.indirect.gather [hbm4b:s4+s16], $0x20, s12, s16, $0xb8;
	[tilespmem:$0xF800] =	vst v63  }
0x4c: {  	[bflag:$0x0] =	sbarrier.arrive $0xFFFF  }
0x4d: {  	_ =	swait.ge [sflag:s0], $0x1000  }
0x4e: {  	[sflag:s0] =	ssyncset.done $0x0  }
0x4f: {  	s13 =	simm.s32 $0x1400;
	[sflag:s0] =	ssyncadd.s32 $0xFFFFF000  }
0x50: {  	[spmem:s2] =	stream.indirect.scatter.add.bf16 [tilespmem:s31], [sflag:$0x9], $0x20, s13, s16, $0xb8;
	[tilespmem:$0xF800] =	vst v63  }
0x51: {  	_ =	swait.ge [sflag:s15], $0x1000  }
0x52: {  	[sflag:s15] =	ssyncset.done $0x0  }
0x53: {  	s12 =	simm.s32 $0x1480;
	[sflag:s15] =	ssyncadd.s32 $0xFFFFF000  }
0x54: {  	[spmem:s2] =	stream.indirect.scatter.add.bf16 [tilespmem:s17], [sflag:$0xA], $0x20, s12, s16, $0xb8;
	[tilespmem:$0xF800] =	vst v63  }
0x55: {  	_ =	swait.ge [sflag:s18], $0x1000  }
0x56: {  	[sflag:s18] =	ssyncset.done $0x0  }
0x57: {  	s13 =	simm.s32 $0x1500;
	[sflag:s18] =	ssyncadd.s32 $0xFFFFF000  }
0x58: {  	[spmem:s2] =	stream.indirect.scatter.add.bf16 [tilespmem:s19], [sflag:$0xB], $0x20, s13, s16, $0xb8;
	[tilespmem:$0xF800] =	vst v63  }
0x59: {  	_ =	swait.ge [sflag:s20], $0x1000  }
0x5a: {  	[sflag:s20] =	ssyncset.done $0x0  }
0x5b: {  	s12 =	simm.s32 $0x1580;
	[sflag:s20] =	ssyncadd.s32 $0xFFFFF000  }
0x5c: {  	[spmem:s2] =	stream.indirect.scatter.add.bf16 [tilespmem:s21], [sflag:$0xC], $0x20, s12, s16, $0xb8;
	[tilespmem:$0xF800] =	vst v63  }
0x5d: {  	_ =	swait.ge [sflag:s22], $0x1000  }
0x5e: {  	[sflag:s22] =	ssyncset.done $0x0  }
0x5f: {  	s13 =	simm.s32 $0x1600;
	[sflag:s22] =	ssyncadd.s32 $0xFFFFF000  }
0x60: {  	[spmem:s2] =	stream.indirect.scatter.add.bf16 [tilespmem:s23], [sflag:$0xD], $0x20, s13, s16, $0xb8;
	[tilespmem:$0xF800] =	vst v63  }
0x61: {  	_ =	swait.ge [sflag:s24], $0x1000  }
0x62: {  	[sflag:s24] =	ssyncset.done $0x0  }
0x63: {  	s12 =	simm.s32 $0x1680;
	[sflag:s24] =	ssyncadd.s32 $0xFFFFF000  }
0x64: {  	[spmem:s2] =	stream.indirect.scatter.add.bf16 [tilespmem:s25], [sflag:$0xE], $0x20, s12, s16, $0xb8;
	[tilespmem:$0xF800] =	vst v63  }
0x65: {  	_ =	swait.ge [sflag:s26], $0x1000  }
0x66: {  	[sflag:s26] =	ssyncset.done $0x0  }
0x67: {  	s13 =	simm.s32 $0x1700;
	[sflag:s26] =	ssyncadd.s32 $0xFFFFF000  }
0x68: {  	[spmem:s2] =	stream.indirect.scatter.add.bf16 [tilespmem:s28], [sflag:$0xF], $0x20, s13, s16, $0xb8;
	[tilespmem:$0xF800] =	vst v63  }
0x69: {  	_ =	swait.ge [sflag:s29], $0x1000  }
0x6a: {  	[sflag:s29] =	ssyncset.done $0x0  }
0x6b: {  	s12 =	simm.s32 $0x1780;
	[sflag:s29] =	ssyncadd.s32 $0xFFFFF000  }
0x6c: {  	[spmem:s2] =	stream.indirect.scatter.add.bf16 [tilespmem:s30], [sflag:$0x10], $0x20, s12, s16, $0xb8;
	[tilespmem:$0xF800] =	vst v63  }
0x6d: {  	_ =	swait.ge [sflag:s1], $0x1000  }
0x6e: {  	[sflag:s1] =	ssyncset.done $0x0  }
0x6f: {  	s13 =	simm.s32 $0x400;
	[sflag:s1] =	ssyncadd.s32 $0xFFFFF000  }
0x70: {  	[tilespmem:s31], [sflag:$0x1] =	stream.indirect.gather [hbm4b:s4+s16], $0x20, s13, s16, $0xb8;
	[tilespmem:$0xF800] =	vst v63  }
0x71: {  	_ =	swait.ge [sflag:s3], $0x1000  }
0x72: {  	[sflag:s3] =	ssyncset.done $0x0  }
0x73: {  	s12 =	simm.s32 $0x480;
	[sflag:s3] =	ssyncadd.s32 $0xFFFFF000  }
0x74: {  	[tilespmem:s17], [sflag:$0x2] =	stream.indirect.gather [hbm4b:s4+s16], $0x20, s12, s16, $0xb8;
	[tilespmem:$0xF800] =	vst v63  }
0x75: {  	_ =	swait.ge [sflag:s6], $0x1000  }
0x76: {  	[sflag:s6] =	ssyncset.done $0x0  }
0x77: {  	s13 =	simm.s32 $0x500;
	[sflag:s6] =	ssyncadd.s32 $0xFFFFF000  }
0x78: {  	[tilespmem:s19], [sflag:$0x3] =	stream.indirect.gather [hbm4b:s4+s16], $0x20, s13, s16, $0xb8;
	[tilespmem:$0xF800] =	vst v63  }
0x79: {  	_ =	swait.ge [sflag:s7], $0x1000  }
0x7a: {  	[sflag:s7] =	ssyncset.done $0x0  }
0x7b: {  	s12 =	simm.s32 $0x580;
	[sflag:s7] =	ssyncadd.s32 $0xFFFFF000  }
0x7c: {  	[tilespmem:s21], [sflag:$0x4] =	stream.indirect.gather [hbm4b:s4+s16], $0x20, s12, s16, $0xb8;
	[tilespmem:$0xF800] =	vst v63  }
0x7d: {  	_ =	swait.ge [sflag:s8], $0x1000  }
0x7e: {  	[sflag:s8] =	ssyncset.done $0x0  }
0x7f: {  	s13 =	simm.s32 $0x600;
	[sflag:s8] =	ssyncadd.s32 $0xFFFFF000  }
0x80: {  	[tilespmem:s23], [sflag:$0x5] =	stream.indirect.gather [hbm4b:s4+s16], $0x20, s13, s16, $0xb8;
	[tilespmem:$0xF800] =	vst v63  }
0x81: {  	_ =	swait.ge [sflag:s9], $0x1000  }
0x82: {  	[sflag:s9] =	ssyncset.done $0x0  }
0x83: {  	s12 =	simm.s32 $0x680;
	[sflag:s9] =	ssyncadd.s32 $0xFFFFF000  }
0x84: {  	[tilespmem:s25], [sflag:$0x6] =	stream.indirect.gather [hbm4b:s4+s16], $0x20, s12, s16, $0xb8;
	[tilespmem:$0xF800] =	vst v63  }
0x85: {  	_ =	swait.ge [sflag:s10], $0x1000  }
0x86: {  	[sflag:s10] =	ssyncset.done $0x0  }
0x87: {  	s13 =	simm.s32 $0x700;
	[sflag:s10] =	ssyncadd.s32 $0xFFFFF000  }
0x88: {  	[tilespmem:s28], [sflag:$0x7] =	stream.indirect.gather [hbm4b:s4+s16], $0x20, s13, s16, $0xb8;
	[tilespmem:$0xF800] =	vst v63  }
0x89: {  	_ =	swait.ge [sflag:s11], $0x1000  }
0x8a: {  	[sflag:s11] =	ssyncset.done $0x0  }
0x8b: {  	s5 =	simm.s32 $0x780;
	s13 =	simm.s32 $0x1000;
	[sflag:s11] =	ssyncadd.s32 $0xFFFFF000  }
.LBB2_4:
0x8c: {  	[tilespmem:s30], [sflag:$0x8] =	stream.indirect.gather [hbm4b:s4+s16], $0x20, s5, s16, $0xb8;
	[tilespmem:$0xF800] =	vst v63  }
0x8d: {  	s5 =	smov.u32 s13  }
0x8e: {  	p0 =	sne.s32 s13, $0x3000;
	s13 =	sadd.s32 $0x1000, s13;
	_ =	swait.ge [sflag:s0], $0x1000  }
0x8f: {  	s5 =	sshra.s32 s5, $0x2;
	[sflag:s0] =	ssyncset.done $0x0  }
0x90: {  	s12 =	sadd.s32 $0x1400, s5;
	[sflag:s0] =	ssyncadd.s32 $0xFFFFF000  }
0x91: {  	[spmem:s2] =	stream.indirect.scatter.add.bf16 [tilespmem:s31], [sflag:$0x9], $0x20, s12, s16, $0xb8;
	[tilespmem:$0xF800] =	vst v63  }
0x92: {  	_ =	swait.ge [sflag:s15], $0x1000  }
0x93: {  	[sflag:s15] =	ssyncset.done $0x0  }
0x94: {  	s12 =	sadd.s32 $0x1480, s5;
	[sflag:s15] =	ssyncadd.s32 $0xFFFFF000  }
0x95: {  	[spmem:s2] =	stream.indirect.scatter.add.bf16 [tilespmem:s17], [sflag:$0xA], $0x20, s12, s16, $0xb8;
	[tilespmem:$0xF800] =	vst v63  }
0x96: {  	_ =	swait.ge [sflag:s18], $0x1000  }
0x97: {  	[sflag:s18] =	ssyncset.done $0x0  }
0x98: {  	s12 =	sadd.s32 $0x1500, s5;
	[sflag:s18] =	ssyncadd.s32 $0xFFFFF000  }
0x99: {  	[spmem:s2] =	stream.indirect.scatter.add.bf16 [tilespmem:s19], [sflag:$0xB], $0x20, s12, s16, $0xb8;
	[tilespmem:$0xF800] =	vst v63  }
0x9a: {  	_ =	swait.ge [sflag:s20], $0x1000  }
0x9b: {  	[sflag:s20] =	ssyncset.done $0x0  }
0x9c: {  	s12 =	sadd.s32 $0x1580, s5;
	[sflag:s20] =	ssyncadd.s32 $0xFFFFF000  }
0x9d: {  	[spmem:s2] =	stream.indirect.scatter.add.bf16 [tilespmem:s21], [sflag:$0xC], $0x20, s12, s16, $0xb8;
	[tilespmem:$0xF800] =	vst v63  }
0x9e: {  	_ =	swait.ge [sflag:s22], $0x1000  }
0x9f: {  	[sflag:s22] =	ssyncset.done $0x0  }
0xa0: {  	s12 =	sadd.s32 $0x1600, s5;
	[sflag:s22] =	ssyncadd.s32 $0xFFFFF000  }
0xa1: {  	[spmem:s2] =	stream.indirect.scatter.add.bf16 [tilespmem:s23], [sflag:$0xD], $0x20, s12, s16, $0xb8;
	[tilespmem:$0xF800] =	vst v63  }
0xa2: {  	_ =	swait.ge [sflag:s24], $0x1000  }
0xa3: {  	[sflag:s24] =	ssyncset.done $0x0  }
0xa4: {  	s12 =	sadd.s32 $0x1680, s5;
	[sflag:s24] =	ssyncadd.s32 $0xFFFFF000  }
0xa5: {  	[spmem:s2] =	stream.indirect.scatter.add.bf16 [tilespmem:s25], [sflag:$0xE], $0x20, s12, s16, $0xb8;
	[tilespmem:$0xF800] =	vst v63  }
0xa6: {  	_ =	swait.ge [sflag:s26], $0x1000  }
0xa7: {  	[sflag:s26] =	ssyncset.done $0x0  }
0xa8: {  	s12 =	sadd.s32 $0x1700, s5;
	[sflag:s26] =	ssyncadd.s32 $0xFFFFF000  }
0xa9: {  	[spmem:s2] =	stream.indirect.scatter.add.bf16 [tilespmem:s28], [sflag:$0xF], $0x20, s12, s16, $0xb8;
	[tilespmem:$0xF800] =	vst v63  }
0xaa: {  	_ =	swait.ge [sflag:s29], $0x1000  }
0xab: {  	[sflag:s29] =	ssyncset.done $0x0  }
0xac: {  	s12 =	sadd.s32 $0x1780, s5;
	[sflag:s29] =	ssyncadd.s32 $0xFFFFF000  }
0xad: {  	[spmem:s2] =	stream.indirect.scatter.add.bf16 [tilespmem:s30], [sflag:$0x10], $0x20, s12, s16, $0xb8;
	[tilespmem:$0xF800] =	vst v63  }
0xae: {  	_ =	swait.ge [sflag:s1], $0x1000  }
0xaf: {  	[sflag:s1] =	ssyncset.done $0x0  }
0xb0: {  	s12 =	sadd.s32 $0x400, s5;
	[sflag:s1] =	ssyncadd.s32 $0xFFFFF000  }
0xb1: {  	[tilespmem:s31], [sflag:$0x1] =	stream.indirect.gather [hbm4b:s4+s16], $0x20, s12, s16, $0xb8;
	[tilespmem:$0xF800] =	vst v63  }
0xb2: {  	_ =	swait.ge [sflag:s3], $0x1000  }
0xb3: {  	[sflag:s3] =	ssyncset.done $0x0  }
0xb4: {  	s12 =	sadd.s32 $0x480, s5;
	[sflag:s3] =	ssyncadd.s32 $0xFFFFF000  }
0xb5: {  	[tilespmem:s17], [sflag:$0x2] =	stream.indirect.gather [hbm4b:s4+s16], $0x20, s12, s16, $0xb8;
	[tilespmem:$0xF800] =	vst v63  }
0xb6: {  	_ =	swait.ge [sflag:s6], $0x1000  }
0xb7: {  	[sflag:s6] =	ssyncset.done $0x0  }
0xb8: {  	s12 =	sadd.s32 $0x500, s5;
	[sflag:s6] =	ssyncadd.s32 $0xFFFFF000  }
0xb9: {  	[tilespmem:s19], [sflag:$0x3] =	stream.indirect.gather [hbm4b:s4+s16], $0x20, s12, s16, $0xb8;
	[tilespmem:$0xF800] =	vst v63  }
0xba: {  	_ =	swait.ge [sflag:s7], $0x1000  }
0xbb: {  	[sflag:s7] =	ssyncset.done $0x0  }
0xbc: {  	s12 =	sadd.s32 $0x580, s5;
	[sflag:s7] =	ssyncadd.s32 $0xFFFFF000  }
0xbd: {  	[tilespmem:s21], [sflag:$0x4] =	stream.indirect.gather [hbm4b:s4+s16], $0x20, s12, s16, $0xb8;
	[tilespmem:$0xF800] =	vst v63  }
0xbe: {  	_ =	swait.ge [sflag:s8], $0x1000  }
0xbf: {  	[sflag:s8] =	ssyncset.done $0x0  }
0xc0: {  	s12 =	sadd.s32 $0x600, s5;
	[sflag:s8] =	ssyncadd.s32 $0xFFFFF000  }
0xc1: {  	[tilespmem:s23], [sflag:$0x5] =	stream.indirect.gather [hbm4b:s4+s16], $0x20, s12, s16, $0xb8;
	[tilespmem:$0xF800] =	vst v63  }
0xc2: {  	_ =	swait.ge [sflag:s9], $0x1000  }
0xc3: {  	[sflag:s9] =	ssyncset.done $0x0  }
0xc4: {  	s12 =	sadd.s32 $0x680, s5;
	[sflag:s9] =	ssyncadd.s32 $0xFFFFF000  }
0xc5: {  	[tilespmem:s25], [sflag:$0x6] =	stream.indirect.gather [hbm4b:s4+s16], $0x20, s12, s16, $0xb8;
	[tilespmem:$0xF800] =	vst v63  }
0xc6: {  	_ =	swait.ge [sflag:s10], $0x1000  }
0xc7: {  	[sflag:s10] =	ssyncset.done $0x0  }
.Ltmp1:
0xc8: {  	s12 =	sadd.s32 $0x700, s5;
	[sflag:s10] =	ssyncadd.s32 $0xFFFFF000;
	(pc) =	sbr.rel @p0 .LBB2_4-.Ltmp1, $4  }
0xc9: {  	[tilespmem:s28], [sflag:$0x7] =	stream.indirect.gather [hbm4b:s4+s16], $0x20, s12, s16, $0xb8;
	[tilespmem:$0xF800] =	vst v63  }
0xca: {  	_ =	swait.ge [sflag:s11], $0x1000  }
0xcb: {  	[sflag:s11] =	ssyncset.done $0x0  }
0xcc: {  	s5 =	sadd.s32 $0x780, s5;
	[sflag:s11] =	ssyncadd.s32 $0xFFFFF000  }
0xcd: {  	[tilespmem:s30], [sflag:$0x8] =	stream.indirect.gather [hbm4b:s4+s16], $0x20, s5, s16, $0xb8;
	[tilespmem:$0xF800] =	vst v63  }
0xce: {  	_ =	swait.ge [sflag:s0], $0x1000  }
0xcf: {  	[sflag:s0] =	ssyncset.done $0x0  }
0xd0: {  	s13 =	simm.s32 $0x2400;
	[sflag:s0] =	ssyncadd.s32 $0xFFFFF000  }
0xd1: {  	[spmem:s2] =	stream.indirect.scatter.add.bf16 [tilespmem:s31], [sflag:$0x9], $0x20, s13, s16, $0xb8;
	[tilespmem:$0xF800] =	vst v63  }
0xd2: {  	_ =	swait.ge [sflag:s15], $0x1000  }
0xd3: {  	[sflag:s15] =	ssyncset.done $0x0  }
0xd4: {  	s12 =	simm.s32 $0x2480;
	[sflag:s15] =	ssyncadd.s32 $0xFFFFF000  }
0xd5: {  	[spmem:s2] =	stream.indirect.scatter.add.bf16 [tilespmem:s17], [sflag:$0xA], $0x20, s12, s16, $0xb8;
	[tilespmem:$0xF800] =	vst v63  }
0xd6: {  	_ =	swait.ge [sflag:s18], $0x1000  }
0xd7: {  	[sflag:s18] =	ssyncset.done $0x0  }
0xd8: {  	s13 =	simm.s32 $0x2500;
	[sflag:s18] =	ssyncadd.s32 $0xFFFFF000  }
0xd9: {  	[spmem:s2] =	stream.indirect.scatter.add.bf16 [tilespmem:s19], [sflag:$0xB], $0x20, s13, s16, $0xb8;
	[tilespmem:$0xF800] =	vst v63  }
0xda: {  	_ =	swait.ge [sflag:s20], $0x1000  }
0xdb: {  	[sflag:s20] =	ssyncset.done $0x0  }
0xdc: {  	s12 =	simm.s32 $0x2580;
	[sflag:s20] =	ssyncadd.s32 $0xFFFFF000  }
0xdd: {  	[spmem:s2] =	stream.indirect.scatter.add.bf16 [tilespmem:s21], [sflag:$0xC], $0x20, s12, s16, $0xb8;
	[tilespmem:$0xF800] =	vst v63  }
0xde: {  	_ =	swait.ge [sflag:s22], $0x1000  }
0xdf: {  	[sflag:s22] =	ssyncset.done $0x0  }
0xe0: {  	s13 =	simm.s32 $0x2600;
	[sflag:s22] =	ssyncadd.s32 $0xFFFFF000  }
0xe1: {  	[spmem:s2] =	stream.indirect.scatter.add.bf16 [tilespmem:s23], [sflag:$0xD], $0x20, s13, s16, $0xb8;
	[tilespmem:$0xF800] =	vst v63  }
0xe2: {  	_ =	swait.ge [sflag:s24], $0x1000  }
0xe3: {  	[sflag:s24] =	ssyncset.done $0x0  }
0xe4: {  	s12 =	simm.s32 $0x2680;
	[sflag:s24] =	ssyncadd.s32 $0xFFFFF000  }
0xe5: {  	[spmem:s2] =	stream.indirect.scatter.add.bf16 [tilespmem:s25], [sflag:$0xE], $0x20, s12, s16, $0xb8;
	[tilespmem:$0xF800] =	vst v63  }
0xe6: {  	_ =	swait.ge [sflag:s26], $0x1000  }
0xe7: {  	[sflag:s26] =	ssyncset.done $0x0  }
0xe8: {  	s13 =	simm.s32 $0x2700;
	[sflag:s26] =	ssyncadd.s32 $0xFFFFF000  }
0xe9: {  	[spmem:s2] =	stream.indirect.scatter.add.bf16 [tilespmem:s28], [sflag:$0xF], $0x20, s13, s16, $0xb8;
	[tilespmem:$0xF800] =	vst v63  }
0xea: {  	_ =	swait.ge [sflag:s29], $0x1000  }
0xeb: {  	[sflag:s29] =	ssyncset.done $0x0  }
0xec: {  	s12 =	simm.s32 $0x2780;
	[sflag:s29] =	ssyncadd.s32 $0xFFFFF000  }
0xed: {  	[spmem:s2] =	stream.indirect.scatter.add.bf16 [tilespmem:s30], [sflag:$0x10], $0x20, s12, s16, $0xb8;
	[tilespmem:$0xF800] =	vst v63  }
0xee: {  	_ =	swait.ge [sflag:s1], $0x1000  }
0xef: {  	[sflag:s1] =	ssyncset.done $0x0  }
0xf0: {  	[sflag:s1] =	ssyncadd.s32 $0xFFFFF000  }
0xf1: {  	_ =	swait.ge [sflag:s3], $0x1000  }
0xf2: {  	[sflag:s3] =	ssyncset.done $0x0  }
0xf3: {  	[sflag:s3] =	ssyncadd.s32 $0xFFFFF000  }
0xf4: {  	_ =	swait.ge [sflag:s6], $0x1000  }
0xf5: {  	[sflag:s6] =	ssyncset.done $0x0  }
0xf6: {  	[sflag:s6] =	ssyncadd.s32 $0xFFFFF000  }
0xf7: {  	_ =	swait.ge [sflag:s7], $0x1000  }
0xf8: {  	[sflag:s7] =	ssyncset.done $0x0  }
0xf9: {  	[sflag:s7] =	ssyncadd.s32 $0xFFFFF000  }
0xfa: {  	_ =	swait.ge [sflag:s8], $0x1000  }
0xfb: {  	[sflag:s8] =	ssyncset.done $0x0  }
0xfc: {  	[sflag:s8] =	ssyncadd.s32 $0xFFFFF000  }
0xfd: {  	_ =	swait.ge [sflag:s9], $0x1000  }
0xfe: {  	[sflag:s9] =	ssyncset.done $0x0  }
0xff: {  	[sflag:s9] =	ssyncadd.s32 $0xFFFFF000  }
0x100: {  	_ =	swait.ge [sflag:s10], $0x1000  }
0x101: {  	[sflag:s10] =	ssyncset.done $0x0  }
0x102: {  	[sflag:s10] =	ssyncadd.s32 $0xFFFFF000  }
0x103: {  	_ =	swait.ge [sflag:s11], $0x1000  }
0x104: {  	[sflag:s11] =	ssyncset.done $0x0  }
0x105: {  	[sflag:s11] =	ssyncadd.s32 $0xFFFFF000  }
0x106: {  	s13 =	stileid.u32;
	[bflag:$0x0] =	sbarrier.arrive $0xFFFF  }
0x107: {  	s5 =	sshll.u32 s13, $0x6;
	s12 =	rddreg [dreg:$0x4]  }
0x108: {  	s5 =	sor.u32 $0x1C11, s5;
	s13 =	rddreg [dreg:$0xb];
	s12 =	sshrl.u32 s12, $0x3  }
0x109: {  	[hbm:s13], [sflag:s5] =	dma.local [spmem:s12], $0xA00  }
0x10a: {  	_ =	swait.ge [sflag:s14], $0xA00  }
0x10b: {  	s5 =	rddreg [dreg:$0xd]  }
0x10c: {  	s13 =	rddreg [dreg:$0xc];
	s12 =	sadd.s32 $0x1, s5  }
0x10d: {  	p0 =	sne.s32 s12, s13  }
.Ltmp2:
0x10e: {  	_ = 	snop;
	(pc) =	sbr.rel @p0 .LBB2_1-.Ltmp2, $3  }
0x10f: {  	_ =	sdelay $0x1  }
0x110: {  	[sflag:s14] =	ssyncset.done $0x0  }
0x111: {  	[sflag:s14] =	ssyncadd.s32 $0xFFFFF600  }
0x112: {  	_ =	sfence.sel $0x180000  }
0x113: {  	[bflag:$0x0] =	sbarrier.arrive $0xFFFF  }
0x114: {  	_ =	strace $0x90000050  }
0x115: {  	s0 =	stileid.u32;
	[bflag:$0x2] =	sbarrier.arrive $0xFFFF  }
0x116: {  	p0 =	sne.s32 s0, $0x0;
	s0 =	rddreg [dreg:$0x3]  }
0x117: {  	s0 =	sadd.s32 @!p0 $0x100000, s0  }
0x118: {  	[sflag:s0] =	ssyncadd.tile.s32 @!p0 $0x1;
	_ =	shalt  }
.Lfunc_end2:
_tile_overlayer_lowered:
.L_overlay_start_2:
0x119: {  	(tag) =	ssettag $0x2  }
0x11a: {  	s0 =	rddreg [dreg:$0x0];
	s2 =	stileid.u32  }
0x11b: {  	s1 =	rddreg [dreg:$0x1];
	p0 =	sne.s32 s2, $0x0  }
0x11c: {  	s3 =	rddreg [dreg:$0x2];
	[bflag:$0x3] =	sbarrier.arrive $0xFFFF;
	s2 =	simm.s32 @!p0 $0x1C11  }
0x11d: {  	[timem:s3], [sflag:s2] =	dma.local @!p0 [hbm:s0], s1  }
0x11e: {  	s0 =	simm.s32 @!p0 $0x11  }
0x11f: {  	_ =	swait.ge @!p0 [sflag:s0], s1  }
0x120: {  	s1 =	ssub.s32 @!p0 $0x0, s1;
	[sflag:s0] =	ssyncset.done @!p0 $0x0  }
0x121: {  	[sflag:s0] =	ssyncadd.s32 @!p0 s1  }
0x122: {  	[bflag:$0x3] =	sbarrier.arrive $0xFFFF  }
0x123: {  	_ =	shalt  }

</sc_bundles>
